<compile_context>
chip_gen: v7x
topology: tpu7x:2x2x1
jax: 0.10.2.dev20260603
libtpu: 0.0.44.dev20260713+nightly
codegen_flags: <defaults>
</compile_context>

<pallas_src>
import functools

import jax
import jax.numpy as jnp
from jax import lax
from jax.experimental import pallas as pl
from jax.experimental.pallas import tpu as pltpu
from jax.experimental.pallas import tpu_sc as plsc

VOCAB = 1000000
DIM = 32
BATCH = 4096
HIST = 200

NUM_CORES = 2
NUM_SUBCORES = 16
NW = NUM_CORES * NUM_SUBCORES
BCOLS = BATCH // NW
RT = DIM // 8


KH = 5
NG = HIST // KH
GROWS = KH * BCOLS


def _make_gather():
  mesh = plsc.VectorSubcoreMesh(core_axis_name="c", subcore_axis_name="s")

  @functools.partial(
      pl.kernel,
      mesh=mesh,
      out_type=jax.ShapeDtypeStruct((HIST, RT, NW, 8, BCOLS), jnp.float32),
      scratch_types=[
          pltpu.VMEM((HIST * BCOLS,), jnp.int32),
          pltpu.VMEM((2, GROWS, DIM), jnp.float32),
          pltpu.VMEM((2, KH, DIM, BCOLS + 1), jnp.float32),
          pltpu.SemaphoreType.DMA,
          pltpu.SemaphoreType.DMA,
          pltpu.SemaphoreType.DMA,
          pltpu.SemaphoreType.DMA,
      ],
      compiler_params=pltpu.CompilerParams(
          use_tc_tiling_on_sc=False, needs_layout_passes=False
      ),
  )
  def gather_kernel(idx_hbm, table_hbm, out_hbm, idx_v, rows_v, blk_v,
                    gs0, gs1, ws0, ws1):
    gs = (gs0, gs1)
    ws = (ws0, ws1)
    wid = lax.axis_index("s") * NUM_CORES + lax.axis_index("c")
    pltpu.sync_copy(idx_hbm.at[wid], idx_v)

    def gather_start(g, b):
      pltpu.async_copy(
          table_hbm.at[idx_v.at[pl.ds(g * GROWS, GROWS)]],
          rows_v.at[b], gs[b],
      )

    def gather_wait(b):
      pltpu.make_async_copy(
          table_hbm.at[pl.ds(0, GROWS)], rows_v.at[b], gs[b]
      ).wait()

    def write_start(g, b):
      for rt in range(RT):
        pltpu.async_copy(
            blk_v.at[b, :, pl.ds(rt * 8, 8), pl.ds(0, BCOLS)],
            out_hbm.at[pl.ds(g * KH, KH), rt, wid],
            ws[b],
        )

    def write_wait(b):
      for rt in range(RT):
        pltpu.make_async_copy(
            blk_v.at[b, :, pl.ds(rt * 8, 8), pl.ds(0, BCOLS)],
            out_hbm.at[pl.ds(0, KH), rt, wid],
            ws[b],
        ).wait()

    dvec_lo = lax.iota(jnp.int32, 16)
    dvec_hi = dvec_lo + 16
    CUNROLL = 8

    def transpose(b):
      rows_b = rows_v.at[b]
      blk_b = blk_v.at[b]
      for k in range(KH):
        kvec = jnp.full((16,), k, jnp.int32)

        def cstep(ci, carry, k=k, kvec=kvec):
          for j in range(CUNROLL):
            c = ci * CUNROLL + j
            row = k * BCOLS + c
            lo = rows_b[row, pl.ds(0, 16)]
            hi = rows_b[row, pl.ds(16, 16)]
            cvec = jnp.full((16,), 0, jnp.int32) + c
            plsc.store_scatter(blk_b, [kvec, dvec_lo, cvec], lo)
            plsc.store_scatter(blk_b, [kvec, dvec_hi, cvec], hi)
          return carry

        lax.fori_loop(0, BCOLS // CUNROLL, cstep, 0)

    gather_start(0, 0)

    def step(i, carry):
      g0 = 2 * i
      gather_wait(0)
      gather_start(g0 + 1, 1)

      @pl.when(i > 0)
      def _():
        write_wait(0)

      transpose(0)
      write_start(g0, 0)
      gather_wait(1)

      @pl.when(i < NG // 2 - 1)
      def _():
        gather_start(g0 + 2, 0)

      @pl.when(i > 0)
      def _():
        write_wait(1)

      transpose(1)
      write_start(g0 + 1, 1)
      return carry

    lax.fori_loop(0, NG // 2, step, 0)
    write_wait(0)
    write_wait(1)

  return gather_kernel


_gather = _make_gather()


@jax.jit
def kernel(inputs, table):
  idx_t = inputs.T.astype(jnp.int32)
  idx_w = (
      idx_t.reshape(HIST, NW, BCOLS).transpose(1, 0, 2).reshape(NW, HIST * BCOLS)
  )
  out = _gather(idx_w, table)
  t = out.transpose(2, 4, 0, 1, 3)
  return t.reshape(BATCH, HIST, DIM)

# --- scband reference (transcript-rebuilt; emitter-appended) ---
"""Pipeline reference for scband-text-field-embedder-tokens-16131897163791 (READ-ONLY COPY).

The authoritative reference and input builder live on the scoring server;
editing this copy changes nothing except your own understanding.
"""

import jax, jax.numpy as jnp
import numpy as np

VOCAB = 1000000
DIM = 32
BATCH = 4096
HIST = 200

def setup_inputs(seed: int = 0) -> dict:
    key = jax.random.key(seed)
    k_idx, k_tab = jax.random.split(key)
    inputs = jax.random.randint(k_idx, (BATCH, HIST), 0, VOCAB, dtype=jnp.int64 if jax.config.jax_enable_x64 else jnp.int32)
    table = jax.random.normal(k_tab, (VOCAB, DIM), dtype=jnp.float32) * (1.0 / np.sqrt(DIM))
    return {"inputs": inputs, "table": table}

def reference(inputs, table):
    # TextFieldEmbedderTokens.forward: dropout(embed(inputs)).
    # Dropout with p=0.0 (inference) is identity; embedding is a row gather.
    out = jnp.take(table, inputs, axis=0)
    return out

if __name__ == "__main__":
    import jax
    _d = setup_inputs()
    print(jax.jit(kernel)(*tuple(_d.values())))

</pallas_src>

<mosaic_0001>
#map = affine_map<(d0, d1) -> (0, 0)>
#map1 = affine_map<(d0, d1) -> (0, 0, 0, 0, 0)>
module attributes {stable_mosaic.version = 14 : i64} {
  func.func @gather_kernel(%arg0: i32, %arg1: i32, %arg2: memref<32x25600xi32, #tpu.memory_space<hbm>>, %arg3: memref<1000000x32xf32, #tpu.memory_space<hbm>>, %arg4: memref<200x4x32x8x128xf32, #tpu.memory_space<hbm>>, %arg5: memref<25600xi32, #tpu.memory_space<vmem>>, %arg6: memref<2x640x32xf32, #tpu.memory_space<vmem>>, %arg7: memref<2x5x32x129xf32, #tpu.memory_space<vmem>>, %arg8: memref<!tpu.dma_semaphore, #tpu.memory_space<semaphore_mem>>, %arg9: memref<!tpu.dma_semaphore, #tpu.memory_space<semaphore_mem>>, %arg10: memref<!tpu.dma_semaphore, #tpu.memory_space<semaphore_mem>>, %arg11: memref<!tpu.dma_semaphore, #tpu.memory_space<semaphore_mem>>) attributes {dimension_semantics = [#tpu.dimension_semantics<core_parallel>, #tpu.dimension_semantics<subcore_parallel>], iteration_bounds = array<i64: 2, 16>, scalar_prefetch = 0 : i64, scratch_operands = 7 : i64, tpu.core_type = #tpu.core_type<sc_vector_subcore>, window_params = [{transform_indices = #map}, {transform_indices = #map}, {transform_indices = #map1}]} {
    %mul3A = arith.constant 2 : i32
    %mul3A_0 = arith.muli %arg1, %mul3A : i32
    %add3A = arith.addi %mul3A_0, %arg0 : i32
    "tpu.region"() ({
      %run_scoped3A = tpu.sem_alloc : memref<!tpu.dma_semaphore, #tpu.memory_space<semaphore_mem>>
      %dma_start3A_193 = arith.constant 0 : i32
      %dma_start3A_194 = tpu.memref_slice %arg2[%add3A, %dma_start3A_193] : memref<32x25600xi32, #tpu.memory_space<hbm>> -> memref<1x25600xi32, #tpu.memory_space<hbm>>
      %dma_start3A_195 = tpu.memref_squeeze %dma_start3A_194 : memref<1x25600xi32, #tpu.memory_space<hbm>> -> memref<25600xi32, #tpu.memory_space<hbm>>
      %dma_start3A_196 = arith.constant 0 : i32
      %dma_start3A_197 = tpu.memref_slice %arg2[%add3A, %dma_start3A_196] : memref<32x25600xi32, #tpu.memory_space<hbm>> -> memref<1x25600xi32, #tpu.memory_space<hbm>>
      %dma_start3A_198 = tpu.memref_squeeze %dma_start3A_197 : memref<1x25600xi32, #tpu.memory_space<hbm>> -> memref<25600xi32, #tpu.memory_space<hbm>>
      tpu.enqueue_dma source(%dma_start3A_198 : memref<25600xi32, #tpu.memory_space<hbm>>) target(%arg5 : memref<25600xi32, #tpu.memory_space<vmem>>) target_semaphore(%run_scoped3A : memref<!tpu.dma_semaphore, #tpu.memory_space<semaphore_mem>>)
      %dma_wait3A_199 = arith.constant 0 : i32
      %dma_wait3A_200 = tpu.memref_slice %arg2[%add3A, %dma_wait3A_199] : memref<32x25600xi32, #tpu.memory_space<hbm>> -> memref<1x25600xi32, #tpu.memory_space<hbm>>
      %dma_wait3A_201 = tpu.memref_squeeze %dma_wait3A_200 : memref<1x25600xi32, #tpu.memory_space<hbm>> -> memref<25600xi32, #tpu.memory_space<hbm>>
      %dma_wait3A_202 = arith.constant 0 : i32
      %dma_wait3A_203 = tpu.memref_slice %arg2[%add3A, %dma_wait3A_202] : memref<32x25600xi32, #tpu.memory_space<hbm>> -> memref<1x25600xi32, #tpu.memory_space<hbm>>
      %dma_wait3A_204 = tpu.memref_squeeze %dma_wait3A_203 : memref<1x25600xi32, #tpu.memory_space<hbm>> -> memref<25600xi32, #tpu.memory_space<hbm>>
      tpu.wait_dma2 semaphore(%run_scoped3A : memref<!tpu.dma_semaphore, #tpu.memory_space<semaphore_mem>>) src(%dma_wait3A_204 : memref<25600xi32, #tpu.memory_space<hbm>>) dst(%arg5 : memref<25600xi32, #tpu.memory_space<vmem>>)
      tpu.yield
    }) : () -> ()
    %iota3A = tpu.iota {dimensions = array<i32: 0>} : vector<16xi32>
    %add3A_1 = arith.constant 16 : i32
    %add3A_2 = vector.broadcast %add3A_1 : i32 to vector<16xi32>
    %add3A_3 = arith.addi %iota3A, %add3A_2 : vector<16xi32>
    %dma_start3A = arith.constant 0 : i32
    %dma_start3A_4 = arith.constant 0 : i32
    %dma_start3A_5 = arith.constant 0 : i32
    %dma_start3A_6 = tpu.memref_slice %arg6[%dma_start3A, %dma_start3A_4, %dma_start3A_5] : memref<2x640x32xf32, #tpu.memory_space<vmem>> -> memref<1x640x32xf32, #tpu.memory_space<vmem>>
    %dma_start3A_7 = tpu.memref_squeeze %dma_start3A_6 : memref<1x640x32xf32, #tpu.memory_space<vmem>> -> memref<640x32xf32, #tpu.memory_space<vmem>>
    %dma_start3A_8 = arith.constant 0 : i32
    %dma_start3A_9 = tpu.memref_slice %arg5[%dma_start3A_8] : memref<25600xi32, #tpu.memory_space<vmem>> -> memref<640xi32, #tpu.memory_space<vmem>>
    %dma_start3A_10 = arith.constant 0 : i32
    %dma_start3A_11 = arith.constant 0 : i32
    %dma_start3A_12 = tpu.memref_slice %arg3[%dma_start3A_10, %dma_start3A_11] : memref<1000000x32xf32, #tpu.memory_space<hbm>> -> memref<1000000x32xf32, #tpu.memory_space<hbm>>
    tpu.enqueue_indirect_dma source(%dma_start3A_12 : memref<1000000x32xf32, #tpu.memory_space<hbm>>) target(%dma_start3A_7 : memref<640x32xf32, #tpu.memory_space<vmem>>) offsets(%dma_start3A_9 : memref<640xi32, #tpu.memory_space<vmem>>) semaphore(%arg8 : memref<!tpu.dma_semaphore, #tpu.memory_space<semaphore_mem>>)
    %scan3A = arith.constant 0 : i32
    %scan3A_13 = arith.constant 0 : i32
    %scan3A_14 = arith.constant 20 : i32
    %scan3A_15 = arith.addi %scan3A_13, %scan3A_14 : i32
    %scan3A_16 = arith.constant 1 : i32
    scf.for %scan3A_193 = %scan3A_13 to %scan3A_15 step %scan3A_16  : i32 {
      %mul3A_194 = arith.constant 2 : i32
      %mul3A_195 = arith.muli %mul3A_194, %scan3A_193 : i32
      %dma_wait3A_196 = arith.constant 0 : i32
      %dma_wait3A_197 = arith.constant 0 : i32
      %dma_wait3A_198 = arith.constant 0 : i32
      %dma_wait3A_199 = tpu.memref_slice %arg6[%dma_wait3A_196, %dma_wait3A_197, %dma_wait3A_198] : memref<2x640x32xf32, #tpu.memory_space<vmem>> -> memref<1x640x32xf32, #tpu.memory_space<vmem>>
      %dma_wait3A_200 = tpu.memref_squeeze %dma_wait3A_199 : memref<1x640x32xf32, #tpu.memory_space<vmem>> -> memref<640x32xf32, #tpu.memory_space<vmem>>
      %dma_wait3A_201 = arith.constant 0 : i32
      %dma_wait3A_202 = arith.constant 0 : i32
      %dma_wait3A_203 = tpu.memref_slice %arg3[%dma_wait3A_201, %dma_wait3A_202] : memref<1000000x32xf32, #tpu.memory_space<hbm>> -> memref<640x32xf32, #tpu.memory_space<hbm>>
      %dma_wait3A_204 = arith.constant 0 : i32
      %dma_wait3A_205 = arith.constant 0 : i32
      %dma_wait3A_206 = tpu.memref_slice %arg6[%dma_wait3A_196, %dma_wait3A_204, %dma_wait3A_205] : memref<2x640x32xf32, #tpu.memory_space<vmem>> -> memref<1x640x32xf32, #tpu.memory_space<vmem>>
      %dma_wait3A_207 = tpu.memref_squeeze %dma_wait3A_206 : memref<1x640x32xf32, #tpu.memory_space<vmem>> -> memref<640x32xf32, #tpu.memory_space<vmem>>
      %dma_wait3A_208 = arith.constant 0 : i32
      %dma_wait3A_209 = arith.constant 0 : i32
      %dma_wait3A_210 = tpu.memref_slice %arg3[%dma_wait3A_208, %dma_wait3A_209] : memref<1000000x32xf32, #tpu.memory_space<hbm>> -> memref<640x32xf32, #tpu.memory_space<hbm>>
      tpu.wait_dma2 semaphore(%arg8 : memref<!tpu.dma_semaphore, #tpu.memory_space<semaphore_mem>>) src(%dma_wait3A_210 : memref<640x32xf32, #tpu.memory_space<hbm>>) dst(%dma_wait3A_207 : memref<640x32xf32, #tpu.memory_space<vmem>>)
      %add3A_211 = arith.constant 1 : i32
      %add3A_212 = arith.addi %mul3A_195, %add3A_211 : i32
      %mul3A_213 = arith.constant 640 : i32
      %mul3A_214 = arith.muli %add3A_212, %mul3A_213 : i32
      %dma_start3A_215 = arith.constant 1 : i32
      %dma_start3A_216 = arith.constant 0 : i32
      %dma_start3A_217 = arith.constant 0 : i32
      %dma_start3A_218 = tpu.memref_slice %arg6[%dma_start3A_215, %dma_start3A_216, %dma_start3A_217] : memref<2x640x32xf32, #tpu.memory_space<vmem>> -> memref<1x640x32xf32, #tpu.memory_space<vmem>>
      %dma_start3A_219 = tpu.memref_squeeze %dma_start3A_218 : memref<1x640x32xf32, #tpu.memory_space<vmem>> -> memref<640x32xf32, #tpu.memory_space<vmem>>
      %dma_start3A_220 = tpu.memref_slice %arg5[%mul3A_214] : memref<25600xi32, #tpu.memory_space<vmem>> -> memref<640xi32, #tpu.memory_space<vmem>>
      %dma_start3A_221 = arith.constant 0 : i32
      %dma_start3A_222 = arith.constant 0 : i32
      %dma_start3A_223 = tpu.memref_slice %arg3[%dma_start3A_221, %dma_start3A_222] : memref<1000000x32xf32, #tpu.memory_space<hbm>> -> memref<1000000x32xf32, #tpu.memory_space<hbm>>
      tpu.enqueue_indirect_dma source(%dma_start3A_223 : memref<1000000x32xf32, #tpu.memory_space<hbm>>) target(%dma_start3A_219 : memref<640x32xf32, #tpu.memory_space<vmem>>) offsets(%dma_start3A_220 : memref<640xi32, #tpu.memory_space<vmem>>) semaphore(%arg9 : memref<!tpu.dma_semaphore, #tpu.memory_space<semaphore_mem>>)
      %gt3A = arith.constant 0 : i32
      %gt3A_224 = arith.cmpi sgt, %scan3A_193, %gt3A : i32
      %convert_element_type3A = arith.extui %gt3A_224 : i1 to i32
      %cond3A = arith.constant 0 : i32
      %cond3A_225 = arith.cmpi ne, %convert_element_type3A, %cond3A : i32
      scf.if %cond3A_225 {
        %dma_wait3A_527 = arith.constant 0 : i32
        %dma_wait3A_528 = arith.constant 0 : i32
        %dma_wait3A_529 = arith.constant 0 : i32
        %dma_wait3A_530 = arith.constant 0 : i32
        %dma_wait3A_531 = arith.constant 0 : i32
        %dma_wait3A_532 = tpu.memref_slice %arg7[%dma_wait3A_527, %dma_wait3A_529, %dma_wait3A_530, %dma_wait3A_531] : memref<2x5x32x129xf32, #tpu.memory_space<vmem>> -> memref<1x5x8x128xf32, #tpu.memory_space<vmem>>
        %dma_wait3A_533 = tpu.memref_squeeze %dma_wait3A_532 : memref<1x5x8x128xf32, #tpu.memory_space<vmem>> -> memref<5x8x128xf32, #tpu.memory_space<vmem>>
        %dma_wait3A_534 = arith.constant 0 : i32
        %dma_wait3A_535 = arith.constant 0 : i32
        %dma_wait3A_536 = arith.constant 0 : i32
        %dma_wait3A_537 = tpu.memref_slice %arg4[%dma_wait3A_534, %dma_wait3A_528, %add3A, %dma_wait3A_535, %dma_wait3A_536] : memref<200x4x32x8x128xf32, #tpu.memory_space<hbm>> -> memref<5x1x1x8x128xf32, #tpu.memory_space<hbm>>
        %dma_wait3A_538 = tpu.memref_squeeze %dma_wait3A_537 : memref<5x1x1x8x128xf32, #tpu.memory_space<hbm>> -> memref<5x8x128xf32, #tpu.memory_space<hbm>>
        %dma_wait3A_539 = arith.constant 0 : i32
        %dma_wait3A_540 = arith.constant 0 : i32
        %dma_wait3A_541 = arith.constant 0 : i32
        %dma_wait3A_542 = tpu.memref_slice %arg4[%dma_wait3A_539, %dma_wait3A_528, %add3A, %dma_wait3A_540, %dma_wait3A_541] : memref<200x4x32x8x128xf32, #tpu.memory_space<hbm>> -> memref<5x1x1x8x128xf32, #tpu.memory_space<hbm>>
        %dma_wait3A_543 = tpu.memref_squeeze %dma_wait3A_542 : memref<5x1x1x8x128xf32, #tpu.memory_space<hbm>> -> memref<5x8x128xf32, #tpu.memory_space<hbm>>
        %dma_wait3A_544 = arith.constant 0 : i32
        %dma_wait3A_545 = arith.constant 0 : i32
        %dma_wait3A_546 = arith.constant 0 : i32
        %dma_wait3A_547 = tpu.memref_slice %arg7[%dma_wait3A_527, %dma_wait3A_544, %dma_wait3A_545, %dma_wait3A_546] : memref<2x5x32x129xf32, #tpu.memory_space<vmem>> -> memref<1x5x8x128xf32, #tpu.memory_space<vmem>>
        %dma_wait3A_548 = tpu.memref_squeeze %dma_wait3A_547 : memref<1x5x8x128xf32, #tpu.memory_space<vmem>> -> memref<5x8x128xf32, #tpu.memory_space<vmem>>
        tpu.wait_dma2 semaphore(%arg10 : memref<!tpu.dma_semaphore, #tpu.memory_space<semaphore_mem>>) src(%dma_wait3A_548 : memref<5x8x128xf32, #tpu.memory_space<vmem>>) dst(%dma_wait3A_543 : memref<5x8x128xf32, #tpu.memory_space<hbm>>)
        %dma_wait3A_549 = arith.constant 0 : i32
        %dma_wait3A_550 = arith.constant 1 : i32
        %dma_wait3A_551 = arith.constant 0 : i32
        %dma_wait3A_552 = arith.constant 8 : i32
        %dma_wait3A_553 = arith.constant 0 : i32
        %dma_wait3A_554 = tpu.memref_slice %arg7[%dma_wait3A_549, %dma_wait3A_551, %dma_wait3A_552, %dma_wait3A_553] : memref<2x5x32x129xf32, #tpu.memory_space<vmem>> -> memref<1x5x8x128xf32, #tpu.memory_space<vmem>>
        %dma_wait3A_555 = tpu.memref_squeeze %dma_wait3A_554 : memref<1x5x8x128xf32, #tpu.memory_space<vmem>> -> memref<5x8x128xf32, #tpu.memory_space<vmem>>
        %dma_wait3A_556 = arith.constant 0 : i32
        %dma_wait3A_557 = arith.constant 0 : i32
        %dma_wait3A_558 = arith.constant 0 : i32
        %dma_wait3A_559 = tpu.memref_slice %arg4[%dma_wait3A_556, %dma_wait3A_550, %add3A, %dma_wait3A_557, %dma_wait3A_558] : memref<200x4x32x8x128xf32, #tpu.memory_space<hbm>> -> memref<5x1x1x8x128xf32, #tpu.memory_space<hbm>>
        %dma_wait3A_560 = tpu.memref_squeeze %dma_wait3A_559 : memref<5x1x1x8x128xf32, #tpu.memory_space<hbm>> -> memref<5x8x128xf32, #tpu.memory_space<hbm>>
        %dma_wait3A_561 = arith.constant 0 : i32
        %dma_wait3A_562 = arith.constant 0 : i32
        %dma_wait3A_563 = arith.constant 0 : i32
        %dma_wait3A_564 = tpu.memref_slice %arg4[%dma_wait3A_561, %dma_wait3A_550, %add3A, %dma_wait3A_562, %dma_wait3A_563] : memref<200x4x32x8x128xf32, #tpu.memory_space<hbm>> -> memref<5x1x1x8x128xf32, #tpu.memory_space<hbm>>
        %dma_wait3A_565 = tpu.memref_squeeze %dma_wait3A_564 : memref<5x1x1x8x128xf32, #tpu.memory_space<hbm>> -> memref<5x8x128xf32, #tpu.memory_space<hbm>>
        %dma_wait3A_566 = arith.constant 0 : i32
        %dma_wait3A_567 = arith.constant 8 : i32
        %dma_wait3A_568 = arith.constant 0 : i32
        %dma_wait3A_569 = tpu.memref_slice %arg7[%dma_wait3A_549, %dma_wait3A_566, %dma_wait3A_567, %dma_wait3A_568] : memref<2x5x32x129xf32, #tpu.memory_space<vmem>> -> memref<1x5x8x128xf32, #tpu.memory_space<vmem>>
        %dma_wait3A_570 = tpu.memref_squeeze %dma_wait3A_569 : memref<1x5x8x128xf32, #tpu.memory_space<vmem>> -> memref<5x8x128xf32, #tpu.memory_space<vmem>>
        tpu.wait_dma2 semaphore(%arg10 : memref<!tpu.dma_semaphore, #tpu.memory_space<semaphore_mem>>) src(%dma_wait3A_570 : memref<5x8x128xf32, #tpu.memory_space<vmem>>) dst(%dma_wait3A_565 : memref<5x8x128xf32, #tpu.memory_space<hbm>>)
        %dma_wait3A_571 = arith.constant 0 : i32
        %dma_wait3A_572 = arith.constant 2 : i32
        %dma_wait3A_573 = arith.constant 0 : i32
        %dma_wait3A_574 = arith.constant 16 : i32
        %dma_wait3A_575 = arith.constant 0 : i32
        %dma_wait3A_576 = tpu.memref_slice %arg7[%dma_wait3A_571, %dma_wait3A_573, %dma_wait3A_574, %dma_wait3A_575] : memref<2x5x32x129xf32, #tpu.memory_space<vmem>> -> memref<1x5x8x128xf32, #tpu.memory_space<vmem>>
        %dma_wait3A_577 = tpu.memref_squeeze %dma_wait3A_576 : memref<1x5x8x128xf32, #tpu.memory_space<vmem>> -> memref<5x8x128xf32, #tpu.memory_space<vmem>>
        %dma_wait3A_578 = arith.constant 0 : i32
        %dma_wait3A_579 = arith.constant 0 : i32
        %dma_wait3A_580 = arith.constant 0 : i32
        %dma_wait3A_581 = tpu.memref_slice %arg4[%dma_wait3A_578, %dma_wait3A_572, %add3A, %dma_wait3A_579, %dma_wait3A_580] : memref<200x4x32x8x128xf32, #tpu.memory_space<hbm>> -> memref<5x1x1x8x128xf32, #tpu.memory_space<hbm>>
        %dma_wait3A_582 = tpu.memref_squeeze %dma_wait3A_581 : memref<5x1x1x8x128xf32, #tpu.memory_space<hbm>> -> memref<5x8x128xf32, #tpu.memory_space<hbm>>
        %dma_wait3A_583 = arith.constant 0 : i32
        %dma_wait3A_584 = arith.constant 0 : i32
        %dma_wait3A_585 = arith.constant 0 : i32
        %dma_wait3A_586 = tpu.memref_slice %arg4[%dma_wait3A_583, %dma_wait3A_572, %add3A, %dma_wait3A_584, %dma_wait3A_585] : memref<200x4x32x8x128xf32, #tpu.memory_space<hbm>> -> memref<5x1x1x8x128xf32, #tpu.memory_space<hbm>>
        %dma_wait3A_587 = tpu.memref_squeeze %dma_wait3A_586 : memref<5x1x1x8x128xf32, #tpu.memory_space<hbm>> -> memref<5x8x128xf32, #tpu.memory_space<hbm>>
        %dma_wait3A_588 = arith.constant 0 : i32
        %dma_wait3A_589 = arith.constant 16 : i32
        %dma_wait3A_590 = arith.constant 0 : i32
        %dma_wait3A_591 = tpu.memref_slice %arg7[%dma_wait3A_571, %dma_wait3A_588, %dma_wait3A_589, %dma_wait3A_590] : memref<2x5x32x129xf32, #tpu.memory_space<vmem>> -> memref<1x5x8x128xf32, #tpu.memory_space<vmem>>
        %dma_wait3A_592 = tpu.memref_squeeze %dma_wait3A_591 : memref<1x5x8x128xf32, #tpu.memory_space<vmem>> -> memref<5x8x128xf32, #tpu.memory_space<vmem>>
        tpu.wait_dma2 semaphore(%arg10 : memref<!tpu.dma_semaphore, #tpu.memory_space<semaphore_mem>>) src(%dma_wait3A_592 : memref<5x8x128xf32, #tpu.memory_space<vmem>>) dst(%dma_wait3A_587 : memref<5x8x128xf32, #tpu.memory_space<hbm>>)
        %dma_wait3A_593 = arith.constant 0 : i32
        %dma_wait3A_594 = arith.constant 3 : i32
        %dma_wait3A_595 = arith.constant 0 : i32
        %dma_wait3A_596 = arith.constant 24 : i32
        %dma_wait3A_597 = arith.constant 0 : i32
        %dma_wait3A_598 = tpu.memref_slice %arg7[%dma_wait3A_593, %dma_wait3A_595, %dma_wait3A_596, %dma_wait3A_597] : memref<2x5x32x129xf32, #tpu.memory_space<vmem>> -> memref<1x5x8x128xf32, #tpu.memory_space<vmem>>
        %dma_wait3A_599 = tpu.memref_squeeze %dma_wait3A_598 : memref<1x5x8x128xf32, #tpu.memory_space<vmem>> -> memref<5x8x128xf32, #tpu.memory_space<vmem>>
        %dma_wait3A_600 = arith.constant 0 : i32
        %dma_wait3A_601 = arith.constant 0 : i32
        %dma_wait3A_602 = arith.constant 0 : i32
        %dma_wait3A_603 = tpu.memref_slice %arg4[%dma_wait3A_600, %dma_wait3A_594, %add3A, %dma_wait3A_601, %dma_wait3A_602] : memref<200x4x32x8x128xf32, #tpu.memory_space<hbm>> -> memref<5x1x1x8x128xf32, #tpu.memory_space<hbm>>
        %dma_wait3A_604 = tpu.memref_squeeze %dma_wait3A_603 : memref<5x1x1x8x128xf32, #tpu.memory_space<hbm>> -> memref<5x8x128xf32, #tpu.memory_space<hbm>>
        %dma_wait3A_605 = arith.constant 0 : i32
        %dma_wait3A_606 = arith.constant 0 : i32
        %dma_wait3A_607 = arith.constant 0 : i32
        %dma_wait3A_608 = tpu.memref_slice %arg4[%dma_wait3A_605, %dma_wait3A_594, %add3A, %dma_wait3A_606, %dma_wait3A_607] : memref<200x4x32x8x128xf32, #tpu.memory_space<hbm>> -> memref<5x1x1x8x128xf32, #tpu.memory_space<hbm>>
        %dma_wait3A_609 = tpu.memref_squeeze %dma_wait3A_608 : memref<5x1x1x8x128xf32, #tpu.memory_space<hbm>> -> memref<5x8x128xf32, #tpu.memory_space<hbm>>
        %dma_wait3A_610 = arith.constant 0 : i32
        %dma_wait3A_611 = arith.constant 24 : i32
        %dma_wait3A_612 = arith.constant 0 : i32
        %dma_wait3A_613 = tpu.memref_slice %arg7[%dma_wait3A_593, %dma_wait3A_610, %dma_wait3A_611, %dma_wait3A_612] : memref<2x5x32x129xf32, #tpu.memory_space<vmem>> -> memref<1x5x8x128xf32, #tpu.memory_space<vmem>>
        %dma_wait3A_614 = tpu.memref_squeeze %dma_wait3A_613 : memref<1x5x8x128xf32, #tpu.memory_space<vmem>> -> memref<5x8x128xf32, #tpu.memory_space<vmem>>
        tpu.wait_dma2 semaphore(%arg10 : memref<!tpu.dma_semaphore, #tpu.memory_space<semaphore_mem>>) src(%dma_wait3A_614 : memref<5x8x128xf32, #tpu.memory_space<vmem>>) dst(%dma_wait3A_609 : memref<5x8x128xf32, #tpu.memory_space<hbm>>)
      } else {
      }
      %broadcast_in_dim3A = arith.constant 0 : i32
      %broadcast_in_dim3A_226 = vector.broadcast %broadcast_in_dim3A : i32 to vector<16xi32>
      %scan3A_227 = arith.constant 0 : i32
      %scan3A_228 = arith.constant 0 : i32
      %scan3A_229 = arith.constant 0 : i32
      %scan3A_230 = arith.constant 0 : i32
      %scan3A_231 = arith.constant 16 : i32
      %scan3A_232 = arith.addi %scan3A_230, %scan3A_231 : i32
      %scan3A_233 = arith.constant 1 : i32
      scf.for %scan3A_527 = %scan3A_230 to %scan3A_232 step %scan3A_233  : i32 {
        %mul3A_528 = arith.constant 8 : i32
        %mul3A_529 = arith.muli %scan3A_527, %mul3A_528 : i32
        %add3A_530 = arith.constant 0 : i32
        %add3A_531 = arith.addi %mul3A_529, %add3A_530 : i32
        %add3A_532 = arith.constant 0 : i32
        %add3A_533 = arith.addi %add3A_532, %add3A_531 : i32
        %get3A = arith.constant 0 : i32
        %get3A_534 = arith.constant 0 : i32
        %get3A_535 = tpu.memref_slice %arg6[%scan3A_228, %get3A, %get3A_534] : memref<2x640x32xf32, #tpu.memory_space<vmem>> -> memref<1x640x32xf32, #tpu.memory_space<vmem>>
        %get3A_536 = tpu.memref_squeeze %get3A_535 : memref<1x640x32xf32, #tpu.memory_space<vmem>> -> memref<640x32xf32, #tpu.memory_space<vmem>>
        %get3A_537 = arith.index_cast %add3A_533 : i32 to index
        %get3A_538 = arith.constant 0 : index
        %get3A_539 = tpu.vector_load %get3A_536[%get3A_537, %get3A_538] {strides = array<i32>} : memref<640x32xf32, #tpu.memory_space<vmem>>, vector<16xf32>,
        %get3A_540 = arith.constant 0 : i32
        %get3A_541 = arith.constant 0 : i32
        %get3A_542 = tpu.memref_slice %arg6[%scan3A_228, %get3A_540, %get3A_541] : memref<2x640x32xf32, #tpu.memory_space<vmem>> -> memref<1x640x32xf32, #tpu.memory_space<vmem>>
        %get3A_543 = tpu.memref_squeeze %get3A_542 : memref<1x640x32xf32, #tpu.memory_space<vmem>> -> memref<640x32xf32, #tpu.memory_space<vmem>>
        %get3A_544 = arith.index_cast %add3A_533 : i32 to index
        %get3A_545 = arith.constant 16 : index
        %get3A_546 = tpu.vector_load %get3A_543[%get3A_544, %get3A_545] {strides = array<i32>} : memref<640x32xf32, #tpu.memory_space<vmem>>, vector<16xf32>,
        %broadcast_in_dim3A_547 = arith.constant 0 : i32
        %broadcast_in_dim3A_548 = vector.broadcast %broadcast_in_dim3A_547 : i32 to vector<16xi32>
        %add3A_549 = vector.broadcast %add3A_531 : i32 to vector<16xi32>
        %add3A_550 = arith.addi %broadcast_in_dim3A_548, %add3A_549 : vector<16xi32>
        %scatter3A = arith.constant 0 : i32
        %scatter3A_551 = arith.constant 0 : i32
        %scatter3A_552 = arith.constant 0 : i32
        %scatter3A_553 = tpu.memref_slice %arg7[%scan3A_229, %scatter3A, %scatter3A_551, %scatter3A_552] : memref<2x5x32x129xf32, #tpu.memory_space<vmem>> -> memref<1x5x32x129xf32, #tpu.memory_space<vmem>>
        %scatter3A_554 = tpu.memref_squeeze %scatter3A_553 : memref<1x5x32x129xf32, #tpu.memory_space<vmem>> -> memref<5x32x129xf32, #tpu.memory_space<vmem>>
        tpu.vector_store_idx %scatter3A_554[%broadcast_in_dim3A_226, %iota3A, %add3A_550], %get3A_539 : memref<5x32x129xf32, #tpu.memory_space<vmem>>[vector<16xi32>, vector<16xi32>, vector<16xi32>], vector<16xf32>,
        %scatter3A_555 = arith.constant 0 : i32
        %scatter3A_556 = arith.constant 0 : i32
        %scatter3A_557 = arith.constant 0 : i32
        %scatter3A_558 = tpu.memref_slice %arg7[%scan3A_229, %scatter3A_555, %scatter3A_556, %scatter3A_557] : memref<2x5x32x129xf32, #tpu.memory_space<vmem>> -> memref<1x5x32x129xf32, #tpu.memory_space<vmem>>
        %scatter3A_559 = tpu.memref_squeeze %scatter3A_558 : memref<1x5x32x129xf32, #tpu.memory_space<vmem>> -> memref<5x32x129xf32, #tpu.memory_space<vmem>>
        tpu.vector_store_idx %scatter3A_559[%broadcast_in_dim3A_226, %add3A_3, %add3A_550], %get3A_546 : memref<5x32x129xf32, #tpu.memory_space<vmem>>[vector<16xi32>, vector<16xi32>, vector<16xi32>], vector<16xf32>,
        %mul3A_560 = arith.constant 8 : i32
        %mul3A_561 = arith.muli %scan3A_527, %mul3A_560 : i32
        %add3A_562 = arith.constant 1 : i32
        %add3A_563 = arith.addi %mul3A_561, %add3A_562 : i32
        %add3A_564 = arith.constant 0 : i32
        %add3A_565 = arith.addi %add3A_564, %add3A_563 : i32
        %get3A_566 = arith.constant 0 : i32
        %get3A_567 = arith.constant 0 : i32
        %get3A_568 = tpu.memref_slice %arg6[%scan3A_228, %get3A_566, %get3A_567] : memref<2x640x32xf32, #tpu.memory_space<vmem>> -> memref<1x640x32xf32, #tpu.memory_space<vmem>>
        %get3A_569 = tpu.memref_squeeze %get3A_568 : memref<1x640x32xf32, #tpu.memory_space<vmem>> -> memref<640x32xf32, #tpu.memory_space<vmem>>
        %get3A_570 = arith.index_cast %add3A_565 : i32 to index
        %get3A_571 = arith.constant 0 : index
        %get3A_572 = tpu.vector_load %get3A_569[%get3A_570, %get3A_571] {strides = array<i32>} : memref<640x32xf32, #tpu.memory_space<vmem>>, vector<16xf32>,
        %get3A_573 = arith.constant 0 : i32
        %get3A_574 = arith.constant 0 : i32
        %get3A_575 = tpu.memref_slice %arg6[%scan3A_228, %get3A_573, %get3A_574] : memref<2x640x32xf32, #tpu.memory_space<vmem>> -> memref<1x640x32xf32, #tpu.memory_space<vmem>>
        %get3A_576 = tpu.memref_squeeze %get3A_575 : memref<1x640x32xf32, #tpu.memory_space<vmem>> -> memref<640x32xf32, #tpu.memory_space<vmem>>
        %get3A_577 = arith.index_cast %add3A_565 : i32 to index
        %get3A_578 = arith.constant 16 : index
        %get3A_579 = tpu.vector_load %get3A_576[%get3A_577, %get3A_578] {strides = array<i32>} : memref<640x32xf32, #tpu.memory_space<vmem>>, vector<16xf32>,
        %broadcast_in_dim3A_580 = arith.constant 0 : i32
        %broadcast_in_dim3A_581 = vector.broadcast %broadcast_in_dim3A_580 : i32 to vector<16xi32>
        %add3A_582 = vector.broadcast %add3A_563 : i32 to vector<16xi32>
        %add3A_583 = arith.addi %broadcast_in_dim3A_581, %add3A_582 : vector<16xi32>
        %scatter3A_584 = arith.constant 0 : i32
        %scatter3A_585 = arith.constant 0 : i32
        %scatter3A_586 = arith.constant 0 : i32
        %scatter3A_587 = tpu.memref_slice %arg7[%scan3A_229, %scatter3A_584, %scatter3A_585, %scatter3A_586] : memref<2x5x32x129xf32, #tpu.memory_space<vmem>> -> memref<1x5x32x129xf32, #tpu.memory_space<vmem>>
        %scatter3A_588 = tpu.memref_squeeze %scatter3A_587 : memref<1x5x32x129xf32, #tpu.memory_space<vmem>> -> memref<5x32x129xf32, #tpu.memory_space<vmem>>
        tpu.vector_store_idx %scatter3A_588[%broadcast_in_dim3A_226, %iota3A, %add3A_583], %get3A_572 : memref<5x32x129xf32, #tpu.memory_space<vmem>>[vector<16xi32>, vector<16xi32>, vector<16xi32>], vector<16xf32>,
        %scatter3A_589 = arith.constant 0 : i32
        %scatter3A_590 = arith.constant 0 : i32
        %scatter3A_591 = arith.constant 0 : i32
        %scatter3A_592 = tpu.memref_slice %arg7[%scan3A_229, %scatter3A_589, %scatter3A_590, %scatter3A_591] : memref<2x5x32x129xf32, #tpu.memory_space<vmem>> -> memref<1x5x32x129xf32, #tpu.memory_space<vmem>>
        %scatter3A_593 = tpu.memref_squeeze %scatter3A_592 : memref<1x5x32x129xf32, #tpu.memory_space<vmem>> -> memref<5x32x129xf32, #tpu.memory_space<vmem>>
        tpu.vector_store_idx %scatter3A_593[%broadcast_in_dim3A_226, %add3A_3, %add3A_583], %get3A_579 : memref<5x32x129xf32, #tpu.memory_space<vmem>>[vector<16xi32>, vector<16xi32>, vector<16xi32>], vector<16xf32>,
        %mul3A_594 = arith.constant 8 : i32
        %mul3A_595 = arith.muli %scan3A_527, %mul3A_594 : i32
        %add3A_596 = arith.constant 2 : i32
        %add3A_597 = arith.addi %mul3A_595, %add3A_596 : i32
        %add3A_598 = arith.constant 0 : i32
        %add3A_599 = arith.addi %add3A_598, %add3A_597 : i32
        %get3A_600 = arith.constant 0 : i32
        %get3A_601 = arith.constant 0 : i32
        %get3A_602 = tpu.memref_slice %arg6[%scan3A_228, %get3A_600, %get3A_601] : memref<2x640x32xf32, #tpu.memory_space<vmem>> -> memref<1x640x32xf32, #tpu.memory_space<vmem>>
        %get3A_603 = tpu.memref_squeeze %get3A_602 : memref<1x640x32xf32, #tpu.memory_space<vmem>> -> memref<640x32xf32, #tpu.memory_space<vmem>>
        %get3A_604 = arith.index_cast %add3A_599 : i32 to index
        %get3A_605 = arith.constant 0 : index
        %get3A_606 = tpu.vector_load %get3A_603[%get3A_604, %get3A_605] {strides = array<i32>} : memref<640x32xf32, #tpu.memory_space<vmem>>, vector<16xf32>,
        %get3A_607 = arith.constant 0 : i32
        %get3A_608 = arith.constant 0 : i32
        %get3A_609 = tpu.memref_slice %arg6[%scan3A_228, %get3A_607, %get3A_608] : memref<2x640x32xf32, #tpu.memory_space<vmem>> -> memref<1x640x32xf32, #tpu.memory_space<vmem>>
        %get3A_610 = tpu.memref_squeeze %get3A_609 : memref<1x640x32xf32, #tpu.memory_space<vmem>> -> memref<640x32xf32, #tpu.memory_space<vmem>>
        %get3A_611 = arith.index_cast %add3A_599 : i32 to index
        %get3A_612 = arith.constant 16 : index
        %get3A_613 = tpu.vector_load %get3A_610[%get3A_611, %get3A_612] {strides = array<i32>} : memref<640x32xf32, #tpu.memory_space<vmem>>, vector<16xf32>,
        %broadcast_in_dim3A_614 = arith.constant 0 : i32
        %broadcast_in_dim3A_615 = vector.broadcast %broadcast_in_dim3A_614 : i32 to vector<16xi32>
        %add3A_616 = vector.broadcast %add3A_597 : i32 to vector<16xi32>
        %add3A_617 = arith.addi %broadcast_in_dim3A_615, %add3A_616 : vector<16xi32>
        %scatter3A_618 = arith.constant 0 : i32
        %scatter3A_619 = arith.constant 0 : i32
        %scatter3A_620 = arith.constant 0 : i32
        %scatter3A_621 = tpu.memref_slice %arg7[%scan3A_229, %scatter3A_618, %scatter3A_619, %scatter3A_620] : memref<2x5x32x129xf32, #tpu.memory_space<vmem>> -> memref<1x5x32x129xf32, #tpu.memory_space<vmem>>
        %scatter3A_622 = tpu.memref_squeeze %scatter3A_621 : memref<1x5x32x129xf32, #tpu.memory_space<vmem>> -> memref<5x32x129xf32, #tpu.memory_space<vmem>>
        tpu.vector_store_idx %scatter3A_622[%broadcast_in_dim3A_226, %iota3A, %add3A_617], %get3A_606 : memref<5x32x129xf32, #tpu.memory_space<vmem>>[vector<16xi32>, vector<16xi32>, vector<16xi32>], vector<16xf32>,
        %scatter3A_623 = arith.constant 0 : i32
        %scatter3A_624 = arith.constant 0 : i32
        %scatter3A_625 = arith.constant 0 : i32
        %scatter3A_626 = tpu.memref_slice %arg7[%scan3A_229, %scatter3A_623, %scatter3A_624, %scatter3A_625] : memref<2x5x32x129xf32, #tpu.memory_space<vmem>> -> memref<1x5x32x129xf32, #tpu.memory_space<vmem>>
        %scatter3A_627 = tpu.memref_squeeze %scatter3A_626 : memref<1x5x32x129xf32, #tpu.memory_space<vmem>> -> memref<5x32x129xf32, #tpu.memory_space<vmem>>
        tpu.vector_store_idx %scatter3A_627[%broadcast_in_dim3A_226, %add3A_3, %add3A_617], %get3A_613 : memref<5x32x129xf32, #tpu.memory_space<vmem>>[vector<16xi32>, vector<16xi32>, vector<16xi32>], vector<16xf32>,
        %mul3A_628 = arith.constant 8 : i32
        %mul3A_629 = arith.muli %scan3A_527, %mul3A_628 : i32
        %add3A_630 = arith.constant 3 : i32
        %add3A_631 = arith.addi %mul3A_629, %add3A_630 : i32
        %add3A_632 = arith.constant 0 : i32
        %add3A_633 = arith.addi %add3A_632, %add3A_631 : i32
        %get3A_634 = arith.constant 0 : i32
        %get3A_635 = arith.constant 0 : i32
        %get3A_636 = tpu.memref_slice %arg6[%scan3A_228, %get3A_634, %get3A_635] : memref<2x640x32xf32, #tpu.memory_space<vmem>> -> memref<1x640x32xf32, #tpu.memory_space<vmem>>
        %get3A_637 = tpu.memref_squeeze %get3A_636 : memref<1x640x32xf32, #tpu.memory_space<vmem>> -> memref<640x32xf32, #tpu.memory_space<vmem>>
        %get3A_638 = arith.index_cast %add3A_633 : i32 to index
        %get3A_639 = arith.constant 0 : index
        %get3A_640 = tpu.vector_load %get3A_637[%get3A_638, %get3A_639] {strides = array<i32>} : memref<640x32xf32, #tpu.memory_space<vmem>>, vector<16xf32>,
        %get3A_641 = arith.constant 0 : i32
        %get3A_642 = arith.constant 0 : i32
        %get3A_643 = tpu.memref_slice %arg6[%scan3A_228, %get3A_641, %get3A_642] : memref<2x640x32xf32, #tpu.memory_space<vmem>> -> memref<1x640x32xf32, #tpu.memory_space<vmem>>
        %get3A_644 = tpu.memref_squeeze %get3A_643 : memref<1x640x32xf32, #tpu.memory_space<vmem>> -> memref<640x32xf32, #tpu.memory_space<vmem>>
        %get3A_645 = arith.index_cast %add3A_633 : i32 to index
        %get3A_646 = arith.constant 16 : index
        %get3A_647 = tpu.vector_load %get3A_644[%get3A_645, %get3A_646] {strides = array<i32>} : memref<640x32xf32, #tpu.memory_space<vmem>>, vector<16xf32>,
        %broadcast_in_dim3A_648 = arith.constant 0 : i32
        %broadcast_in_dim3A_649 = vector.broadcast %broadcast_in_dim3A_648 : i32 to vector<16xi32>
        %add3A_650 = vector.broadcast %add3A_631 : i32 to vector<16xi32>
        %add3A_651 = arith.addi %broadcast_in_dim3A_649, %add3A_650 : vector<16xi32>
        %scatter3A_652 = arith.constant 0 : i32
        %scatter3A_653 = arith.constant 0 : i32
        %scatter3A_654 = arith.constant 0 : i32
        %scatter3A_655 = tpu.memref_slice %arg7[%scan3A_229, %scatter3A_652, %scatter3A_653, %scatter3A_654] : memref<2x5x32x129xf32, #tpu.memory_space<vmem>> -> memref<1x5x32x129xf32, #tpu.memory_space<vmem>>
        %scatter3A_656 = tpu.memref_squeeze %scatter3A_655 : memref<1x5x32x129xf32, #tpu.memory_space<vmem>> -> memref<5x32x129xf32, #tpu.memory_space<vmem>>
        tpu.vector_store_idx %scatter3A_656[%broadcast_in_dim3A_226, %iota3A, %add3A_651], %get3A_640 : memref<5x32x129xf32, #tpu.memory_space<vmem>>[vector<16xi32>, vector<16xi32>, vector<16xi32>], vector<16xf32>,
        %scatter3A_657 = arith.constant 0 : i32
        %scatter3A_658 = arith.constant 0 : i32
        %scatter3A_659 = arith.constant 0 : i32
        %scatter3A_660 = tpu.memref_slice %arg7[%scan3A_229, %scatter3A_657, %scatter3A_658, %scatter3A_659] : memref<2x5x32x129xf32, #tpu.memory_space<vmem>> -> memref<1x5x32x129xf32, #tpu.memory_space<vmem>>
        %scatter3A_661 = tpu.memref_squeeze %scatter3A_660 : memref<1x5x32x129xf32, #tpu.memory_space<vmem>> -> memref<5x32x129xf32, #tpu.memory_space<vmem>>
        tpu.vector_store_idx %scatter3A_661[%broadcast_in_dim3A_226, %add3A_3, %add3A_651], %get3A_647 : memref<5x32x129xf32, #tpu.memory_space<vmem>>[vector<16xi32>, vector<16xi32>, vector<16xi32>], vector<16xf32>,
        %mul3A_662 = arith.constant 8 : i32
        %mul3A_663 = arith.muli %scan3A_527, %mul3A_662 : i32
        %add3A_664 = arith.constant 4 : i32
        %add3A_665 = arith.addi %mul3A_663, %add3A_664 : i32
        %add3A_666 = arith.constant 0 : i32
        %add3A_667 = arith.addi %add3A_666, %add3A_665 : i32
        %get3A_668 = arith.constant 0 : i32
        %get3A_669 = arith.constant 0 : i32
        %get3A_670 = tpu.memref_slice %arg6[%scan3A_228, %get3A_668, %get3A_669] : memref<2x640x32xf32, #tpu.memory_space<vmem>> -> memref<1x640x32xf32, #tpu.memory_space<vmem>>
        %get3A_671 = tpu.memref_squeeze %get3A_670 : memref<1x640x32xf32, #tpu.memory_space<vmem>> -> memref<640x32xf32, #tpu.memory_space<vmem>>
        %get3A_672 = arith.index_cast %add3A_667 : i32 to index
        %get3A_673 = arith.constant 0 : index
        %get3A_674 = tpu.vector_load %get3A_671[%get3A_672, %get3A_673] {strides = array<i32>} : memref<640x32xf32, #tpu.memory_space<vmem>>, vector<16xf32>,
        %get3A_675 = arith.constant 0 : i32
        %get3A_676 = arith.constant 0 : i32
        %get3A_677 = tpu.memref_slice %arg6[%scan3A_228, %get3A_675, %get3A_676] : memref<2x640x32xf32, #tpu.memory_space<vmem>> -> memref<1x640x32xf32, #tpu.memory_space<vmem>>
        %get3A_678 = tpu.memref_squeeze %get3A_677 : memref<1x640x32xf32, #tpu.memory_space<vmem>> -> memref<640x32xf32, #tpu.memory_space<vmem>>
        %get3A_679 = arith.index_cast %add3A_667 : i32 to index
        %get3A_680 = arith.constant 16 : index
        %get3A_681 = tpu.vector_load %get3A_678[%get3A_679, %get3A_680] {strides = array<i32>} : memref<640x32xf32, #tpu.memory_space<vmem>>, vector<16xf32>,
        %broadcast_in_dim3A_682 = arith.constant 0 : i32
        %broadcast_in_dim3A_683 = vector.broadcast %broadcast_in_dim3A_682 : i32 to vector<16xi32>
        %add3A_684 = vector.broadcast %add3A_665 : i32 to vector<16xi32>
        %add3A_685 = arith.addi %broadcast_in_dim3A_683, %add3A_684 : vector<16xi32>
        %scatter3A_686 = arith.constant 0 : i32
        %scatter3A_687 = arith.constant 0 : i32
        %scatter3A_688 = arith.constant 0 : i32
        %scatter3A_689 = tpu.memref_slice %arg7[%scan3A_229, %scatter3A_686, %scatter3A_687, %scatter3A_688] : memref<2x5x32x129xf32, #tpu.memory_space<vmem>> -> memref<1x5x32x129xf32, #tpu.memory_space<vmem>>
        %scatter3A_690 = tpu.memref_squeeze %scatter3A_689 : memref<1x5x32x129xf32, #tpu.memory_space<vmem>> -> memref<5x32x129xf32, #tpu.memory_space<vmem>>
        tpu.vector_store_idx %scatter3A_690[%broadcast_in_dim3A_226, %iota3A, %add3A_685], %get3A_674 : memref<5x32x129xf32, #tpu.memory_space<vmem>>[vector<16xi32>, vector<16xi32>, vector<16xi32>], vector<16xf32>,
        %scatter3A_691 = arith.constant 0 : i32
        %scatter3A_692 = arith.constant 0 : i32
        %scatter3A_693 = arith.constant 0 : i32
        %scatter3A_694 = tpu.memref_slice %arg7[%scan3A_229, %scatter3A_691, %scatter3A_692, %scatter3A_693] : memref<2x5x32x129xf32, #tpu.memory_space<vmem>> -> memref<1x5x32x129xf32, #tpu.memory_space<vmem>>
        %scatter3A_695 = tpu.memref_squeeze %scatter3A_694 : memref<1x5x32x129xf32, #tpu.memory_space<vmem>> -> memref<5x32x129xf32, #tpu.memory_space<vmem>>
        tpu.vector_store_idx %scatter3A_695[%broadcast_in_dim3A_226, %add3A_3, %add3A_685], %get3A_681 : memref<5x32x129xf32, #tpu.memory_space<vmem>>[vector<16xi32>, vector<16xi32>, vector<16xi32>], vector<16xf32>,
        %mul3A_696 = arith.constant 8 : i32
        %mul3A_697 = arith.muli %scan3A_527, %mul3A_696 : i32
        %add3A_698 = arith.constant 5 : i32
        %add3A_699 = arith.addi %mul3A_697, %add3A_698 : i32
        %add3A_700 = arith.constant 0 : i32
        %add3A_701 = arith.addi %add3A_700, %add3A_699 : i32
        %get3A_702 = arith.constant 0 : i32
        %get3A_703 = arith.constant 0 : i32
        %get3A_704 = tpu.memref_slice %arg6[%scan3A_228, %get3A_702, %get3A_703] : memref<2x640x32xf32, #tpu.memory_space<vmem>> -> memref<1x640x32xf32, #tpu.memory_space<vmem>>
        %get3A_705 = tpu.memref_squeeze %get3A_704 : memref<1x640x32xf32, #tpu.memory_space<vmem>> -> memref<640x32xf32, #tpu.memory_space<vmem>>
        %get3A_706 = arith.index_cast %add3A_701 : i32 to index
        %get3A_707 = arith.constant 0 : index
        %get3A_708 = tpu.vector_load %get3A_705[%get3A_706, %get3A_707] {strides = array<i32>} : memref<640x32xf32, #tpu.memory_space<vmem>>, vector<16xf32>,
        %get3A_709 = arith.constant 0 : i32
        %get3A_710 = arith.constant 0 : i32
        %get3A_711 = tpu.memref_slice %arg6[%scan3A_228, %get3A_709, %get3A_710] : memref<2x640x32xf32, #tpu.memory_space<vmem>> -> memref<1x640x32xf32, #tpu.memory_space<vmem>>
        %get3A_712 = tpu.memref_squeeze %get3A_711 : memref<1x640x32xf32, #tpu.memory_space<vmem>> -> memref<640x32xf32, #tpu.memory_space<vmem>>
        %get3A_713 = arith.index_cast %add3A_701 : i32 to index
        %get3A_714 = arith.constant 16 : index
        %get3A_715 = tpu.vector_load %get3A_712[%get3A_713, %get3A_714] {strides = array<i32>} : memref<640x32xf32, #tpu.memory_space<vmem>>, vector<16xf32>,
        %broadcast_in_dim3A_716 = arith.constant 0 : i32
        %broadcast_in_dim3A_717 = vector.broadcast %broadcast_in_dim3A_716 : i32 to vector<16xi32>
        %add3A_718 = vector.broadcast %add3A_699 : i32 to vector<16xi32>
        %add3A_719 = arith.addi %broadcast_in_dim3A_717, %add3A_718 : vector<16xi32>
        %scatter3A_720 = arith.constant 0 : i32
        %scatter3A_721 = arith.constant 0 : i32
        %scatter3A_722 = arith.constant 0 : i32
        %scatter3A_723 = tpu.memref_slice %arg7[%scan3A_229, %scatter3A_720, %scatter3A_721, %scatter3A_722] : memref<2x5x32x129xf32, #tpu.memory_space<vmem>> -> memref<1x5x32x129xf32, #tpu.memory_space<vmem>>
        %scatter3A_724 = tpu.memref_squeeze %scatter3A_723 : memref<1x5x32x129xf32, #tpu.memory_space<vmem>> -> memref<5x32x129xf32, #tpu.memory_space<vmem>>
        tpu.vector_store_idx %scatter3A_724[%broadcast_in_dim3A_226, %iota3A, %add3A_719], %get3A_708 : memref<5x32x129xf32, #tpu.memory_space<vmem>>[vector<16xi32>, vector<16xi32>, vector<16xi32>], vector<16xf32>,
        %scatter3A_725 = arith.constant 0 : i32
        %scatter3A_726 = arith.constant 0 : i32
        %scatter3A_727 = arith.constant 0 : i32
        %scatter3A_728 = tpu.memref_slice %arg7[%scan3A_229, %scatter3A_725, %scatter3A_726, %scatter3A_727] : memref<2x5x32x129xf32, #tpu.memory_space<vmem>> -> memref<1x5x32x129xf32, #tpu.memory_space<vmem>>
        %scatter3A_729 = tpu.memref_squeeze %scatter3A_728 : memref<1x5x32x129xf32, #tpu.memory_space<vmem>> -> memref<5x32x129xf32, #tpu.memory_space<vmem>>
        tpu.vector_store_idx %scatter3A_729[%broadcast_in_dim3A_226, %add3A_3, %add3A_719], %get3A_715 : memref<5x32x129xf32, #tpu.memory_space<vmem>>[vector<16xi32>, vector<16xi32>, vector<16xi32>], vector<16xf32>,
        %mul3A_730 = arith.constant 8 : i32
        %mul3A_731 = arith.muli %scan3A_527, %mul3A_730 : i32
        %add3A_732 = arith.constant 6 : i32
        %add3A_733 = arith.addi %mul3A_731, %add3A_732 : i32
        %add3A_734 = arith.constant 0 : i32
        %add3A_735 = arith.addi %add3A_734, %add3A_733 : i32
        %get3A_736 = arith.constant 0 : i32
        %get3A_737 = arith.constant 0 : i32
        %get3A_738 = tpu.memref_slice %arg6[%scan3A_228, %get3A_736, %get3A_737] : memref<2x640x32xf32, #tpu.memory_space<vmem>> -> memref<1x640x32xf32, #tpu.memory_space<vmem>>
        %get3A_739 = tpu.memref_squeeze %get3A_738 : memref<1x640x32xf32, #tpu.memory_space<vmem>> -> memref<640x32xf32, #tpu.memory_space<vmem>>
        %get3A_740 = arith.index_cast %add3A_735 : i32 to index
        %get3A_741 = arith.constant 0 : index
        %get3A_742 = tpu.vector_load %get3A_739[%get3A_740, %get3A_741] {strides = array<i32>} : memref<640x32xf32, #tpu.memory_space<vmem>>, vector<16xf32>,
        %get3A_743 = arith.constant 0 : i32
        %get3A_744 = arith.constant 0 : i32
        %get3A_745 = tpu.memref_slice %arg6[%scan3A_228, %get3A_743, %get3A_744] : memref<2x640x32xf32, #tpu.memory_space<vmem>> -> memref<1x640x32xf32, #tpu.memory_space<vmem>>
        %get3A_746 = tpu.memref_squeeze %get3A_745 : memref<1x640x32xf32, #tpu.memory_space<vmem>> -> memref<640x32xf32, #tpu.memory_space<vmem>>
        %get3A_747 = arith.index_cast %add3A_735 : i32 to index
        %get3A_748 = arith.constant 16 : index
        %get3A_749 = tpu.vector_load %get3A_746[%get3A_747, %get3A_748] {strides = array<i32>} : memref<640x32xf32, #tpu.memory_space<vmem>>, vector<16xf32>,
        %broadcast_in_dim3A_750 = arith.constant 0 : i32
        %broadcast_in_dim3A_751 = vector.broadcast %broadcast_in_dim3A_750 : i32 to vector<16xi32>
        %add3A_752 = vector.broadcast %add3A_733 : i32 to vector<16xi32>
        %add3A_753 = arith.addi %broadcast_in_dim3A_751, %add3A_752 : vector<16xi32>
        %scatter3A_754 = arith.constant 0 : i32
        %scatter3A_755 = arith.constant 0 : i32
        %scatter3A_756 = arith.constant 0 : i32
        %scatter3A_757 = tpu.memref_slice %arg7[%scan3A_229, %scatter3A_754, %scatter3A_755, %scatter3A_756] : memref<2x5x32x129xf32, #tpu.memory_space<vmem>> -> memref<1x5x32x129xf32, #tpu.memory_space<vmem>>
        %scatter3A_758 = tpu.memref_squeeze %scatter3A_757 : memref<1x5x32x129xf32, #tpu.memory_space<vmem>> -> memref<5x32x129xf32, #tpu.memory_space<vmem>>
        tpu.vector_store_idx %scatter3A_758[%broadcast_in_dim3A_226, %iota3A, %add3A_753], %get3A_742 : memref<5x32x129xf32, #tpu.memory_space<vmem>>[vector<16xi32>, vector<16xi32>, vector<16xi32>], vector<16xf32>,
        %scatter3A_759 = arith.constant 0 : i32
        %scatter3A_760 = arith.constant 0 : i32
        %scatter3A_761 = arith.constant 0 : i32
        %scatter3A_762 = tpu.memref_slice %arg7[%scan3A_229, %scatter3A_759, %scatter3A_760, %scatter3A_761] : memref<2x5x32x129xf32, #tpu.memory_space<vmem>> -> memref<1x5x32x129xf32, #tpu.memory_space<vmem>>
        %scatter3A_763 = tpu.memref_squeeze %scatter3A_762 : memref<1x5x32x129xf32, #tpu.memory_space<vmem>> -> memref<5x32x129xf32, #tpu.memory_space<vmem>>
        tpu.vector_store_idx %scatter3A_763[%broadcast_in_dim3A_226, %add3A_3, %add3A_753], %get3A_749 : memref<5x32x129xf32, #tpu.memory_space<vmem>>[vector<16xi32>, vector<16xi32>, vector<16xi32>], vector<16xf32>,
        %mul3A_764 = arith.constant 8 : i32
        %mul3A_765 = arith.muli %scan3A_527, %mul3A_764 : i32
        %add3A_766 = arith.constant 7 : i32
        %add3A_767 = arith.addi %mul3A_765, %add3A_766 : i32
        %add3A_768 = arith.constant 0 : i32
        %add3A_769 = arith.addi %add3A_768, %add3A_767 : i32
        %get3A_770 = arith.constant 0 : i32
        %get3A_771 = arith.constant 0 : i32
        %get3A_772 = tpu.memref_slice %arg6[%scan3A_228, %get3A_770, %get3A_771] : memref<2x640x32xf32, #tpu.memory_space<vmem>> -> memref<1x640x32xf32, #tpu.memory_space<vmem>>
        %get3A_773 = tpu.memref_squeeze %get3A_772 : memref<1x640x32xf32, #tpu.memory_space<vmem>> -> memref<640x32xf32, #tpu.memory_space<vmem>>
        %get3A_774 = arith.index_cast %add3A_769 : i32 to index
        %get3A_775 = arith.constant 0 : index
        %get3A_776 = tpu.vector_load %get3A_773[%get3A_774, %get3A_775] {strides = array<i32>} : memref<640x32xf32, #tpu.memory_space<vmem>>, vector<16xf32>,
        %get3A_777 = arith.constant 0 : i32
        %get3A_778 = arith.constant 0 : i32
        %get3A_779 = tpu.memref_slice %arg6[%scan3A_228, %get3A_777, %get3A_778] : memref<2x640x32xf32, #tpu.memory_space<vmem>> -> memref<1x640x32xf32, #tpu.memory_space<vmem>>
        %get3A_780 = tpu.memref_squeeze %get3A_779 : memref<1x640x32xf32, #tpu.memory_space<vmem>> -> memref<640x32xf32, #tpu.memory_space<vmem>>
        %get3A_781 = arith.index_cast %add3A_769 : i32 to index
        %get3A_782 = arith.constant 16 : index
        %get3A_783 = tpu.vector_load %get3A_780[%get3A_781, %get3A_782] {strides = array<i32>} : memref<640x32xf32, #tpu.memory_space<vmem>>, vector<16xf32>,
        %broadcast_in_dim3A_784 = arith.constant 0 : i32
        %broadcast_in_dim3A_785 = vector.broadcast %broadcast_in_dim3A_784 : i32 to vector<16xi32>
        %add3A_786 = vector.broadcast %add3A_767 : i32 to vector<16xi32>
        %add3A_787 = arith.addi %broadcast_in_dim3A_785, %add3A_786 : vector<16xi32>
        %scatter3A_788 = arith.constant 0 : i32
        %scatter3A_789 = arith.constant 0 : i32
        %scatter3A_790 = arith.constant 0 : i32
        %scatter3A_791 = tpu.memref_slice %arg7[%scan3A_229, %scatter3A_788, %scatter3A_789, %scatter3A_790] : memref<2x5x32x129xf32, #tpu.memory_space<vmem>> -> memref<1x5x32x129xf32, #tpu.memory_space<vmem>>
        %scatter3A_792 = tpu.memref_squeeze %scatter3A_791 : memref<1x5x32x129xf32, #tpu.memory_space<vmem>> -> memref<5x32x129xf32, #tpu.memory_space<vmem>>
        tpu.vector_store_idx %scatter3A_792[%broadcast_in_dim3A_226, %iota3A, %add3A_787], %get3A_776 : memref<5x32x129xf32, #tpu.memory_space<vmem>>[vector<16xi32>, vector<16xi32>, vector<16xi32>], vector<16xf32>,
        %scatter3A_793 = arith.constant 0 : i32
        %scatter3A_794 = arith.constant 0 : i32
        %scatter3A_795 = arith.constant 0 : i32
        %scatter3A_796 = tpu.memref_slice %arg7[%scan3A_229, %scatter3A_793, %scatter3A_794, %scatter3A_795] : memref<2x5x32x129xf32, #tpu.memory_space<vmem>> -> memref<1x5x32x129xf32, #tpu.memory_space<vmem>>
        %scatter3A_797 = tpu.memref_squeeze %scatter3A_796 : memref<1x5x32x129xf32, #tpu.memory_space<vmem>> -> memref<5x32x129xf32, #tpu.memory_space<vmem>>
        tpu.vector_store_idx %scatter3A_797[%broadcast_in_dim3A_226, %add3A_3, %add3A_787], %get3A_783 : memref<5x32x129xf32, #tpu.memory_space<vmem>>[vector<16xi32>, vector<16xi32>, vector<16xi32>], vector<16xf32>,
      }
      %scan3A_234 = arith.constant 16 : i32
      %broadcast_in_dim3A_235 = arith.constant 1 : i32
      %broadcast_in_dim3A_236 = vector.broadcast %broadcast_in_dim3A_235 : i32 to vector<16xi32>
      %scan3A_237 = arith.constant 0 : i32
      %scan3A_238 = arith.constant 0 : i32
      %scan3A_239 = arith.constant 0 : i32
      %scan3A_240 = arith.constant 0 : i32
      %scan3A_241 = arith.constant 16 : i32
      %scan3A_242 = arith.addi %scan3A_240, %scan3A_241 : i32
      %scan3A_243 = arith.constant 1 : i32
      scf.for %scan3A_527 = %scan3A_240 to %scan3A_242 step %scan3A_243  : i32 {
        %mul3A_528 = arith.constant 8 : i32
        %mul3A_529 = arith.muli %scan3A_527, %mul3A_528 : i32
        %add3A_530 = arith.constant 0 : i32
        %add3A_531 = arith.addi %mul3A_529, %add3A_530 : i32
        %add3A_532 = arith.constant 128 : i32
        %add3A_533 = arith.addi %add3A_532, %add3A_531 : i32
        %get3A = arith.constant 0 : i32
        %get3A_534 = arith.constant 0 : i32
        %get3A_535 = tpu.memref_slice %arg6[%scan3A_238, %get3A, %get3A_534] : memref<2x640x32xf32, #tpu.memory_space<vmem>> -> memref<1x640x32xf32, #tpu.memory_space<vmem>>
        %get3A_536 = tpu.memref_squeeze %get3A_535 : memref<1x640x32xf32, #tpu.memory_space<vmem>> -> memref<640x32xf32, #tpu.memory_space<vmem>>
        %get3A_537 = arith.index_cast %add3A_533 : i32 to index
        %get3A_538 = arith.constant 0 : index
        %get3A_539 = tpu.vector_load %get3A_536[%get3A_537, %get3A_538] {strides = array<i32>} : memref<640x32xf32, #tpu.memory_space<vmem>>, vector<16xf32>,
        %get3A_540 = arith.constant 0 : i32
        %get3A_541 = arith.constant 0 : i32
        %get3A_542 = tpu.memref_slice %arg6[%scan3A_238, %get3A_540, %get3A_541] : memref<2x640x32xf32, #tpu.memory_space<vmem>> -> memref<1x640x32xf32, #tpu.memory_space<vmem>>
        %get3A_543 = tpu.memref_squeeze %get3A_542 : memref<1x640x32xf32, #tpu.memory_space<vmem>> -> memref<640x32xf32, #tpu.memory_space<vmem>>
        %get3A_544 = arith.index_cast %add3A_533 : i32 to index
        %get3A_545 = arith.constant 16 : index
        %get3A_546 = tpu.vector_load %get3A_543[%get3A_544, %get3A_545] {strides = array<i32>} : memref<640x32xf32, #tpu.memory_space<vmem>>, vector<16xf32>,
        %broadcast_in_dim3A_547 = arith.constant 0 : i32
        %broadcast_in_dim3A_548 = vector.broadcast %broadcast_in_dim3A_547 : i32 to vector<16xi32>
        %add3A_549 = vector.broadcast %add3A_531 : i32 to vector<16xi32>
        %add3A_550 = arith.addi %broadcast_in_dim3A_548, %add3A_549 : vector<16xi32>
        %scatter3A = arith.constant 0 : i32
        %scatter3A_551 = arith.constant 0 : i32
        %scatter3A_552 = arith.constant 0 : i32
        %scatter3A_553 = tpu.memref_slice %arg7[%scan3A_239, %scatter3A, %scatter3A_551, %scatter3A_552] : memref<2x5x32x129xf32, #tpu.memory_space<vmem>> -> memref<1x5x32x129xf32, #tpu.memory_space<vmem>>
        %scatter3A_554 = tpu.memref_squeeze %scatter3A_553 : memref<1x5x32x129xf32, #tpu.memory_space<vmem>> -> memref<5x32x129xf32, #tpu.memory_space<vmem>>
        tpu.vector_store_idx %scatter3A_554[%broadcast_in_dim3A_236, %iota3A, %add3A_550], %get3A_539 : memref<5x32x129xf32, #tpu.memory_space<vmem>>[vector<16xi32>, vector<16xi32>, vector<16xi32>], vector<16xf32>,
        %scatter3A_555 = arith.constant 0 : i32
        %scatter3A_556 = arith.constant 0 : i32
        %scatter3A_557 = arith.constant 0 : i32
        %scatter3A_558 = tpu.memref_slice %arg7[%scan3A_239, %scatter3A_555, %scatter3A_556, %scatter3A_557] : memref<2x5x32x129xf32, #tpu.memory_space<vmem>> -> memref<1x5x32x129xf32, #tpu.memory_space<vmem>>
        %scatter3A_559 = tpu.memref_squeeze %scatter3A_558 : memref<1x5x32x129xf32, #tpu.memory_space<vmem>> -> memref<5x32x129xf32, #tpu.memory_space<vmem>>
        tpu.vector_store_idx %scatter3A_559[%broadcast_in_dim3A_236, %add3A_3, %add3A_550], %get3A_546 : memref<5x32x129xf32, #tpu.memory_space<vmem>>[vector<16xi32>, vector<16xi32>, vector<16xi32>], vector<16xf32>,
        %mul3A_560 = arith.constant 8 : i32
        %mul3A_561 = arith.muli %scan3A_527, %mul3A_560 : i32
        %add3A_562 = arith.constant 1 : i32
        %add3A_563 = arith.addi %mul3A_561, %add3A_562 : i32
        %add3A_564 = arith.constant 128 : i32
        %add3A_565 = arith.addi %add3A_564, %add3A_563 : i32
        %get3A_566 = arith.constant 0 : i32
        %get3A_567 = arith.constant 0 : i32
        %get3A_568 = tpu.memref_slice %arg6[%scan3A_238, %get3A_566, %get3A_567] : memref<2x640x32xf32, #tpu.memory_space<vmem>> -> memref<1x640x32xf32, #tpu.memory_space<vmem>>
        %get3A_569 = tpu.memref_squeeze %get3A_568 : memref<1x640x32xf32, #tpu.memory_space<vmem>> -> memref<640x32xf32, #tpu.memory_space<vmem>>
        %get3A_570 = arith.index_cast %add3A_565 : i32 to index
        %get3A_571 = arith.constant 0 : index
        %get3A_572 = tpu.vector_load %get3A_569[%get3A_570, %get3A_571] {strides = array<i32>} : memref<640x32xf32, #tpu.memory_space<vmem>>, vector<16xf32>,
        %get3A_573 = arith.constant 0 : i32
        %get3A_574 = arith.constant 0 : i32
        %get3A_575 = tpu.memref_slice %arg6[%scan3A_238, %get3A_573, %get3A_574] : memref<2x640x32xf32, #tpu.memory_space<vmem>> -> memref<1x640x32xf32, #tpu.memory_space<vmem>>
        %get3A_576 = tpu.memref_squeeze %get3A_575 : memref<1x640x32xf32, #tpu.memory_space<vmem>> -> memref<640x32xf32, #tpu.memory_space<vmem>>
        %get3A_577 = arith.index_cast %add3A_565 : i32 to index
        %get3A_578 = arith.constant 16 : index
        %get3A_579 = tpu.vector_load %get3A_576[%get3A_577, %get3A_578] {strides = array<i32>} : memref<640x32xf32, #tpu.memory_space<vmem>>, vector<16xf32>,
        %broadcast_in_dim3A_580 = arith.constant 0 : i32
        %broadcast_in_dim3A_581 = vector.broadcast %broadcast_in_dim3A_580 : i32 to vector<16xi32>
        %add3A_582 = vector.broadcast %add3A_563 : i32 to vector<16xi32>
        %add3A_583 = arith.addi %broadcast_in_dim3A_581, %add3A_582 : vector<16xi32>
        %scatter3A_584 = arith.constant 0 : i32
        %scatter3A_585 = arith.constant 0 : i32
        %scatter3A_586 = arith.constant 0 : i32
        %scatter3A_587 = tpu.memref_slice %arg7[%scan3A_239, %scatter3A_584, %scatter3A_585, %scatter3A_586] : memref<2x5x32x129xf32, #tpu.memory_space<vmem>> -> memref<1x5x32x129xf32, #tpu.memory_space<vmem>>
        %scatter3A_588 = tpu.memref_squeeze %scatter3A_587 : memref<1x5x32x129xf32, #tpu.memory_space<vmem>> -> memref<5x32x129xf32, #tpu.memory_space<vmem>>
        tpu.vector_store_idx %scatter3A_588[%broadcast_in_dim3A_236, %iota3A, %add3A_583], %get3A_572 : memref<5x32x129xf32, #tpu.memory_space<vmem>>[vector<16xi32>, vector<16xi32>, vector<16xi32>], vector<16xf32>,
        %scatter3A_589 = arith.constant 0 : i32
        %scatter3A_590 = arith.constant 0 : i32
        %scatter3A_591 = arith.constant 0 : i32
        %scatter3A_592 = tpu.memref_slice %arg7[%scan3A_239, %scatter3A_589, %scatter3A_590, %scatter3A_591] : memref<2x5x32x129xf32, #tpu.memory_space<vmem>> -> memref<1x5x32x129xf32, #tpu.memory_space<vmem>>
        %scatter3A_593 = tpu.memref_squeeze %scatter3A_592 : memref<1x5x32x129xf32, #tpu.memory_space<vmem>> -> memref<5x32x129xf32, #tpu.memory_space<vmem>>
        tpu.vector_store_idx %scatter3A_593[%broadcast_in_dim3A_236, %add3A_3, %add3A_583], %get3A_579 : memref<5x32x129xf32, #tpu.memory_space<vmem>>[vector<16xi32>, vector<16xi32>, vector<16xi32>], vector<16xf32>,
        %mul3A_594 = arith.constant 8 : i32
        %mul3A_595 = arith.muli %scan3A_527, %mul3A_594 : i32
        %add3A_596 = arith.constant 2 : i32
        %add3A_597 = arith.addi %mul3A_595, %add3A_596 : i32
        %add3A_598 = arith.constant 128 : i32
        %add3A_599 = arith.addi %add3A_598, %add3A_597 : i32
        %get3A_600 = arith.constant 0 : i32
        %get3A_601 = arith.constant 0 : i32
        %get3A_602 = tpu.memref_slice %arg6[%scan3A_238, %get3A_600, %get3A_601] : memref<2x640x32xf32, #tpu.memory_space<vmem>> -> memref<1x640x32xf32, #tpu.memory_space<vmem>>
        %get3A_603 = tpu.memref_squeeze %get3A_602 : memref<1x640x32xf32, #tpu.memory_space<vmem>> -> memref<640x32xf32, #tpu.memory_space<vmem>>
        %get3A_604 = arith.index_cast %add3A_599 : i32 to index
        %get3A_605 = arith.constant 0 : index
        %get3A_606 = tpu.vector_load %get3A_603[%get3A_604, %get3A_605] {strides = array<i32>} : memref<640x32xf32, #tpu.memory_space<vmem>>, vector<16xf32>,
        %get3A_607 = arith.constant 0 : i32
        %get3A_608 = arith.constant 0 : i32
        %get3A_609 = tpu.memref_slice %arg6[%scan3A_238, %get3A_607, %get3A_608] : memref<2x640x32xf32, #tpu.memory_space<vmem>> -> memref<1x640x32xf32, #tpu.memory_space<vmem>>
        %get3A_610 = tpu.memref_squeeze %get3A_609 : memref<1x640x32xf32, #tpu.memory_space<vmem>> -> memref<640x32xf32, #tpu.memory_space<vmem>>
        %get3A_611 = arith.index_cast %add3A_599 : i32 to index
        %get3A_612 = arith.constant 16 : index
        %get3A_613 = tpu.vector_load %get3A_610[%get3A_611, %get3A_612] {strides = array<i32>} : memref<640x32xf32, #tpu.memory_space<vmem>>, vector<16xf32>,
        %broadcast_in_dim3A_614 = arith.constant 0 : i32
        %broadcast_in_dim3A_615 = vector.broadcast %broadcast_in_dim3A_614 : i32 to vector<16xi32>
        %add3A_616 = vector.broadcast %add3A_597 : i32 to vector<16xi32>
        %add3A_617 = arith.addi %broadcast_in_dim3A_615, %add3A_616 : vector<16xi32>
        %scatter3A_618 = arith.constant 0 : i32
        %scatter3A_619 = arith.constant 0 : i32
        %scatter3A_620 = arith.constant 0 : i32
        %scatter3A_621 = tpu.memref_slice %arg7[%scan3A_239, %scatter3A_618, %scatter3A_619, %scatter3A_620] : memref<2x5x32x129xf32, #tpu.memory_space<vmem>> -> memref<1x5x32x129xf32, #tpu.memory_space<vmem>>
        %scatter3A_622 = tpu.memref_squeeze %scatter3A_621 : memref<1x5x32x129xf32, #tpu.memory_space<vmem>> -> memref<5x32x129xf32, #tpu.memory_space<vmem>>
        tpu.vector_store_idx %scatter3A_622[%broadcast_in_dim3A_236, %iota3A, %add3A_617], %get3A_606 : memref<5x32x129xf32, #tpu.memory_space<vmem>>[vector<16xi32>, vector<16xi32>, vector<16xi32>], vector<16xf32>,
        %scatter3A_623 = arith.constant 0 : i32
        %scatter3A_624 = arith.constant 0 : i32
        %scatter3A_625 = arith.constant 0 : i32
        %scatter3A_626 = tpu.memref_slice %arg7[%scan3A_239, %scatter3A_623, %scatter3A_624, %scatter3A_625] : memref<2x5x32x129xf32, #tpu.memory_space<vmem>> -> memref<1x5x32x129xf32, #tpu.memory_space<vmem>>
        %scatter3A_627 = tpu.memref_squeeze %scatter3A_626 : memref<1x5x32x129xf32, #tpu.memory_space<vmem>> -> memref<5x32x129xf32, #tpu.memory_space<vmem>>
        tpu.vector_store_idx %scatter3A_627[%broadcast_in_dim3A_236, %add3A_3, %add3A_617], %get3A_613 : memref<5x32x129xf32, #tpu.memory_space<vmem>>[vector<16xi32>, vector<16xi32>, vector<16xi32>], vector<16xf32>,
        %mul3A_628 = arith.constant 8 : i32
        %mul3A_629 = arith.muli %scan3A_527, %mul3A_628 : i32
        %add3A_630 = arith.constant 3 : i32
        %add3A_631 = arith.addi %mul3A_629, %add3A_630 : i32
        %add3A_632 = arith.constant 128 : i32
        %add3A_633 = arith.addi %add3A_632, %add3A_631 : i32
        %get3A_634 = arith.constant 0 : i32
        %get3A_635 = arith.constant 0 : i32
        %get3A_636 = tpu.memref_slice %arg6[%scan3A_238, %get3A_634, %get3A_635] : memref<2x640x32xf32, #tpu.memory_space<vmem>> -> memref<1x640x32xf32, #tpu.memory_space<vmem>>
        %get3A_637 = tpu.memref_squeeze %get3A_636 : memref<1x640x32xf32, #tpu.memory_space<vmem>> -> memref<640x32xf32, #tpu.memory_space<vmem>>
        %get3A_638 = arith.index_cast %add3A_633 : i32 to index
        %get3A_639 = arith.constant 0 : index
        %get3A_640 = tpu.vector_load %get3A_637[%get3A_638, %get3A_639] {strides = array<i32>} : memref<640x32xf32, #tpu.memory_space<vmem>>, vector<16xf32>,
        %get3A_641 = arith.constant 0 : i32
        %get3A_642 = arith.constant 0 : i32
        %get3A_643 = tpu.memref_slice %arg6[%scan3A_238, %get3A_641, %get3A_642] : memref<2x640x32xf32, #tpu.memory_space<vmem>> -> memref<1x640x32xf32, #tpu.memory_space<vmem>>
        %get3A_644 = tpu.memref_squeeze %get3A_643 : memref<1x640x32xf32, #tpu.memory_space<vmem>> -> memref<640x32xf32, #tpu.memory_space<vmem>>
        %get3A_645 = arith.index_cast %add3A_633 : i32 to index
        %get3A_646 = arith.constant 16 : index
        %get3A_647 = tpu.vector_load %get3A_644[%get3A_645, %get3A_646] {strides = array<i32>} : memref<640x32xf32, #tpu.memory_space<vmem>>, vector<16xf32>,
        %broadcast_in_dim3A_648 = arith.constant 0 : i32
        %broadcast_in_dim3A_649 = vector.broadcast %broadcast_in_dim3A_648 : i32 to vector<16xi32>
        %add3A_650 = vector.broadcast %add3A_631 : i32 to vector<16xi32>
        %add3A_651 = arith.addi %broadcast_in_dim3A_649, %add3A_650 : vector<16xi32>
        %scatter3A_652 = arith.constant 0 : i32
        %scatter3A_653 = arith.constant 0 : i32
        %scatter3A_654 = arith.constant 0 : i32
        %scatter3A_655 = tpu.memref_slice %arg7[%scan3A_239, %scatter3A_652, %scatter3A_653, %scatter3A_654] : memref<2x5x32x129xf32, #tpu.memory_space<vmem>> -> memref<1x5x32x129xf32, #tpu.memory_space<vmem>>
        %scatter3A_656 = tpu.memref_squeeze %scatter3A_655 : memref<1x5x32x129xf32, #tpu.memory_space<vmem>> -> memref<5x32x129xf32, #tpu.memory_space<vmem>>
        tpu.vector_store_idx %scatter3A_656[%broadcast_in_dim3A_236, %iota3A, %add3A_651], %get3A_640 : memref<5x32x129xf32, #tpu.memory_space<vmem>>[vector<16xi32>, vector<16xi32>, vector<16xi32>], vector<16xf32>,
        %scatter3A_657 = arith.constant 0 : i32
        %scatter3A_658 = arith.constant 0 : i32
        %scatter3A_659 = arith.constant 0 : i32
        %scatter3A_660 = tpu.memref_slice %arg7[%scan3A_239, %scatter3A_657, %scatter3A_658, %scatter3A_659] : memref<2x5x32x129xf32, #tpu.memory_space<vmem>> -> memref<1x5x32x129xf32, #tpu.memory_space<vmem>>
        %scatter3A_661 = tpu.memref_squeeze %scatter3A_660 : memref<1x5x32x129xf32, #tpu.memory_space<vmem>> -> memref<5x32x129xf32, #tpu.memory_space<vmem>>
        tpu.vector_store_idx %scatter3A_661[%broadcast_in_dim3A_236, %add3A_3, %add3A_651], %get3A_647 : memref<5x32x129xf32, #tpu.memory_space<vmem>>[vector<16xi32>, vector<16xi32>, vector<16xi32>], vector<16xf32>,
        %mul3A_662 = arith.constant 8 : i32
        %mul3A_663 = arith.muli %scan3A_527, %mul3A_662 : i32
        %add3A_664 = arith.constant 4 : i32
        %add3A_665 = arith.addi %mul3A_663, %add3A_664 : i32
        %add3A_666 = arith.constant 128 : i32
        %add3A_667 = arith.addi %add3A_666, %add3A_665 : i32
        %get3A_668 = arith.constant 0 : i32
        %get3A_669 = arith.constant 0 : i32
        %get3A_670 = tpu.memref_slice %arg6[%scan3A_238, %get3A_668, %get3A_669] : memref<2x640x32xf32, #tpu.memory_space<vmem>> -> memref<1x640x32xf32, #tpu.memory_space<vmem>>
        %get3A_671 = tpu.memref_squeeze %get3A_670 : memref<1x640x32xf32, #tpu.memory_space<vmem>> -> memref<640x32xf32, #tpu.memory_space<vmem>>
        %get3A_672 = arith.index_cast %add3A_667 : i32 to index
        %get3A_673 = arith.constant 0 : index
        %get3A_674 = tpu.vector_load %get3A_671[%get3A_672, %get3A_673] {strides = array<i32>} : memref<640x32xf32, #tpu.memory_space<vmem>>, vector<16xf32>,
        %get3A_675 = arith.constant 0 : i32
        %get3A_676 = arith.constant 0 : i32
        %get3A_677 = tpu.memref_slice %arg6[%scan3A_238, %get3A_675, %get3A_676] : memref<2x640x32xf32, #tpu.memory_space<vmem>> -> memref<1x640x32xf32, #tpu.memory_space<vmem>>
        %get3A_678 = tpu.memref_squeeze %get3A_677 : memref<1x640x32xf32, #tpu.memory_space<vmem>> -> memref<640x32xf32, #tpu.memory_space<vmem>>
        %get3A_679 = arith.index_cast %add3A_667 : i32 to index
        %get3A_680 = arith.constant 16 : index
        %get3A_681 = tpu.vector_load %get3A_678[%get3A_679, %get3A_680] {strides = array<i32>} : memref<640x32xf32, #tpu.memory_space<vmem>>, vector<16xf32>,
        %broadcast_in_dim3A_682 = arith.constant 0 : i32
        %broadcast_in_dim3A_683 = vector.broadcast %broadcast_in_dim3A_682 : i32 to vector<16xi32>
        %add3A_684 = vector.broadcast %add3A_665 : i32 to vector<16xi32>
        %add3A_685 = arith.addi %broadcast_in_dim3A_683, %add3A_684 : vector<16xi32>
        %scatter3A_686 = arith.constant 0 : i32
        %scatter3A_687 = arith.constant 0 : i32
        %scatter3A_688 = arith.constant 0 : i32
        %scatter3A_689 = tpu.memref_slice %arg7[%scan3A_239, %scatter3A_686, %scatter3A_687, %scatter3A_688] : memref<2x5x32x129xf32, #tpu.memory_space<vmem>> -> memref<1x5x32x129xf32, #tpu.memory_space<vmem>>
        %scatter3A_690 = tpu.memref_squeeze %scatter3A_689 : memref<1x5x32x129xf32, #tpu.memory_space<vmem>> -> memref<5x32x129xf32, #tpu.memory_space<vmem>>
        tpu.vector_store_idx %scatter3A_690[%broadcast_in_dim3A_236, %iota3A, %add3A_685], %get3A_674 : memref<5x32x129xf32, #tpu.memory_space<vmem>>[vector<16xi32>, vector<16xi32>, vector<16xi32>], vector<16xf32>,
        %scatter3A_691 = arith.constant 0 : i32
        %scatter3A_692 = arith.constant 0 : i32
        %scatter3A_693 = arith.constant 0 : i32
        %scatter3A_694 = tpu.memref_slice %arg7[%scan3A_239, %scatter3A_691, %scatter3A_692, %scatter3A_693] : memref<2x5x32x129xf32, #tpu.memory_space<vmem>> -> memref<1x5x32x129xf32, #tpu.memory_space<vmem>>
        %scatter3A_695 = tpu.memref_squeeze %scatter3A_694 : memref<1x5x32x129xf32, #tpu.memory_space<vmem>> -> memref<5x32x129xf32, #tpu.memory_space<vmem>>
        tpu.vector_store_idx %scatter3A_695[%broadcast_in_dim3A_236, %add3A_3, %add3A_685], %get3A_681 : memref<5x32x129xf32, #tpu.memory_space<vmem>>[vector<16xi32>, vector<16xi32>, vector<16xi32>], vector<16xf32>,
        %mul3A_696 = arith.constant 8 : i32
        %mul3A_697 = arith.muli %scan3A_527, %mul3A_696 : i32
        %add3A_698 = arith.constant 5 : i32
        %add3A_699 = arith.addi %mul3A_697, %add3A_698 : i32
        %add3A_700 = arith.constant 128 : i32
        %add3A_701 = arith.addi %add3A_700, %add3A_699 : i32
        %get3A_702 = arith.constant 0 : i32
        %get3A_703 = arith.constant 0 : i32
        %get3A_704 = tpu.memref_slice %arg6[%scan3A_238, %get3A_702, %get3A_703] : memref<2x640x32xf32, #tpu.memory_space<vmem>> -> memref<1x640x32xf32, #tpu.memory_space<vmem>>
        %get3A_705 = tpu.memref_squeeze %get3A_704 : memref<1x640x32xf32, #tpu.memory_space<vmem>> -> memref<640x32xf32, #tpu.memory_space<vmem>>
        %get3A_706 = arith.index_cast %add3A_701 : i32 to index
        %get3A_707 = arith.constant 0 : index
        %get3A_708 = tpu.vector_load %get3A_705[%get3A_706, %get3A_707] {strides = array<i32>} : memref<640x32xf32, #tpu.memory_space<vmem>>, vector<16xf32>,
        %get3A_709 = arith.constant 0 : i32
        %get3A_710 = arith.constant 0 : i32
        %get3A_711 = tpu.memref_slice %arg6[%scan3A_238, %get3A_709, %get3A_710] : memref<2x640x32xf32, #tpu.memory_space<vmem>> -> memref<1x640x32xf32, #tpu.memory_space<vmem>>
        %get3A_712 = tpu.memref_squeeze %get3A_711 : memref<1x640x32xf32, #tpu.memory_space<vmem>> -> memref<640x32xf32, #tpu.memory_space<vmem>>
        %get3A_713 = arith.index_cast %add3A_701 : i32 to index
        %get3A_714 = arith.constant 16 : index
        %get3A_715 = tpu.vector_load %get3A_712[%get3A_713, %get3A_714] {strides = array<i32>} : memref<640x32xf32, #tpu.memory_space<vmem>>, vector<16xf32>,
        %broadcast_in_dim3A_716 = arith.constant 0 : i32
        %broadcast_in_dim3A_717 = vector.broadcast %broadcast_in_dim3A_716 : i32 to vector<16xi32>
        %add3A_718 = vector.broadcast %add3A_699 : i32 to vector<16xi32>
        %add3A_719 = arith.addi %broadcast_in_dim3A_717, %add3A_718 : vector<16xi32>
        %scatter3A_720 = arith.constant 0 : i32
        %scatter3A_721 = arith.constant 0 : i32
        %scatter3A_722 = arith.constant 0 : i32
        %scatter3A_723 = tpu.memref_slice %arg7[%scan3A_239, %scatter3A_720, %scatter3A_721, %scatter3A_722] : memref<2x5x32x129xf32, #tpu.memory_space<vmem>> -> memref<1x5x32x129xf32, #tpu.memory_space<vmem>>
        %scatter3A_724 = tpu.memref_squeeze %scatter3A_723 : memref<1x5x32x129xf32, #tpu.memory_space<vmem>> -> memref<5x32x129xf32, #tpu.memory_space<vmem>>
        tpu.vector_store_idx %scatter3A_724[%broadcast_in_dim3A_236, %iota3A, %add3A_719], %get3A_708 : memref<5x32x129xf32, #tpu.memory_space<vmem>>[vector<16xi32>, vector<16xi32>, vector<16xi32>], vector<16xf32>,
        %scatter3A_725 = arith.constant 0 : i32
        %scatter3A_726 = arith.constant 0 : i32
        %scatter3A_727 = arith.constant 0 : i32
        %scatter3A_728 = tpu.memref_slice %arg7[%scan3A_239, %scatter3A_725, %scatter3A_726, %scatter3A_727] : memref<2x5x32x129xf32, #tpu.memory_space<vmem>> -> memref<1x5x32x129xf32, #tpu.memory_space<vmem>>
        %scatter3A_729 = tpu.memref_squeeze %scatter3A_728 : memref<1x5x32x129xf32, #tpu.memory_space<vmem>> -> memref<5x32x129xf32, #tpu.memory_space<vmem>>
        tpu.vector_store_idx %scatter3A_729[%broadcast_in_dim3A_236, %add3A_3, %add3A_719], %get3A_715 : memref<5x32x129xf32, #tpu.memory_space<vmem>>[vector<16xi32>, vector<16xi32>, vector<16xi32>], vector<16xf32>,
        %mul3A_730 = arith.constant 8 : i32
        %mul3A_731 = arith.muli %scan3A_527, %mul3A_730 : i32
        %add3A_732 = arith.constant 6 : i32
        %add3A_733 = arith.addi %mul3A_731, %add3A_732 : i32
        %add3A_734 = arith.constant 128 : i32
        %add3A_735 = arith.addi %add3A_734, %add3A_733 : i32
        %get3A_736 = arith.constant 0 : i32
        %get3A_737 = arith.constant 0 : i32
        %get3A_738 = tpu.memref_slice %arg6[%scan3A_238, %get3A_736, %get3A_737] : memref<2x640x32xf32, #tpu.memory_space<vmem>> -> memref<1x640x32xf32, #tpu.memory_space<vmem>>
        %get3A_739 = tpu.memref_squeeze %get3A_738 : memref<1x640x32xf32, #tpu.memory_space<vmem>> -> memref<640x32xf32, #tpu.memory_space<vmem>>
        %get3A_740 = arith.index_cast %add3A_735 : i32 to index
        %get3A_741 = arith.constant 0 : index
        %get3A_742 = tpu.vector_load %get3A_739[%get3A_740, %get3A_741] {strides = array<i32>} : memref<640x32xf32, #tpu.memory_space<vmem>>, vector<16xf32>,
        %get3A_743 = arith.constant 0 : i32
        %get3A_744 = arith.constant 0 : i32
        %get3A_745 = tpu.memref_slice %arg6[%scan3A_238, %get3A_743, %get3A_744] : memref<2x640x32xf32, #tpu.memory_space<vmem>> -> memref<1x640x32xf32, #tpu.memory_space<vmem>>
        %get3A_746 = tpu.memref_squeeze %get3A_745 : memref<1x640x32xf32, #tpu.memory_space<vmem>> -> memref<640x32xf32, #tpu.memory_space<vmem>>
        %get3A_747 = arith.index_cast %add3A_735 : i32 to index
        %get3A_748 = arith.constant 16 : index
        %get3A_749 = tpu.vector_load %get3A_746[%get3A_747, %get3A_748] {strides = array<i32>} : memref<640x32xf32, #tpu.memory_space<vmem>>, vector<16xf32>,
        %broadcast_in_dim3A_750 = arith.constant 0 : i32
        %broadcast_in_dim3A_751 = vector.broadcast %broadcast_in_dim3A_750 : i32 to vector<16xi32>
        %add3A_752 = vector.broadcast %add3A_733 : i32 to vector<16xi32>
        %add3A_753 = arith.addi %broadcast_in_dim3A_751, %add3A_752 : vector<16xi32>
        %scatter3A_754 = arith.constant 0 : i32
        %scatter3A_755 = arith.constant 0 : i32
        %scatter3A_756 = arith.constant 0 : i32
        %scatter3A_757 = tpu.memref_slice %arg7[%scan3A_239, %scatter3A_754, %scatter3A_755, %scatter3A_756] : memref<2x5x32x129xf32, #tpu.memory_space<vmem>> -> memref<1x5x32x129xf32, #tpu.memory_space<vmem>>
        %scatter3A_758 = tpu.memref_squeeze %scatter3A_757 : memref<1x5x32x129xf32, #tpu.memory_space<vmem>> -> memref<5x32x129xf32, #tpu.memory_space<vmem>>
        tpu.vector_store_idx %scatter3A_758[%broadcast_in_dim3A_236, %iota3A, %add3A_753], %get3A_742 : memref<5x32x129xf32, #tpu.memory_space<vmem>>[vector<16xi32>, vector<16xi32>, vector<16xi32>], vector<16xf32>,
        %scatter3A_759 = arith.constant 0 : i32
        %scatter3A_760 = arith.constant 0 : i32
        %scatter3A_761 = arith.constant 0 : i32
        %scatter3A_762 = tpu.memref_slice %arg7[%scan3A_239, %scatter3A_759, %scatter3A_760, %scatter3A_761] : memref<2x5x32x129xf32, #tpu.memory_space<vmem>> -> memref<1x5x32x129xf32, #tpu.memory_space<vmem>>
        %scatter3A_763 = tpu.memref_squeeze %scatter3A_762 : memref<1x5x32x129xf32, #tpu.memory_space<vmem>> -> memref<5x32x129xf32, #tpu.memory_space<vmem>>
        tpu.vector_store_idx %scatter3A_763[%broadcast_in_dim3A_236, %add3A_3, %add3A_753], %get3A_749 : memref<5x32x129xf32, #tpu.memory_space<vmem>>[vector<16xi32>, vector<16xi32>, vector<16xi32>], vector<16xf32>,
        %mul3A_764 = arith.constant 8 : i32
        %mul3A_765 = arith.muli %scan3A_527, %mul3A_764 : i32
        %add3A_766 = arith.constant 7 : i32
        %add3A_767 = arith.addi %mul3A_765, %add3A_766 : i32
        %add3A_768 = arith.constant 128 : i32
        %add3A_769 = arith.addi %add3A_768, %add3A_767 : i32
        %get3A_770 = arith.constant 0 : i32
        %get3A_771 = arith.constant 0 : i32
        %get3A_772 = tpu.memref_slice %arg6[%scan3A_238, %get3A_770, %get3A_771] : memref<2x640x32xf32, #tpu.memory_space<vmem>> -> memref<1x640x32xf32, #tpu.memory_space<vmem>>
        %get3A_773 = tpu.memref_squeeze %get3A_772 : memref<1x640x32xf32, #tpu.memory_space<vmem>> -> memref<640x32xf32, #tpu.memory_space<vmem>>
        %get3A_774 = arith.index_cast %add3A_769 : i32 to index
        %get3A_775 = arith.constant 0 : index
        %get3A_776 = tpu.vector_load %get3A_773[%get3A_774, %get3A_775] {strides = array<i32>} : memref<640x32xf32, #tpu.memory_space<vmem>>, vector<16xf32>,
        %get3A_777 = arith.constant 0 : i32
        %get3A_778 = arith.constant 0 : i32
        %get3A_779 = tpu.memref_slice %arg6[%scan3A_238, %get3A_777, %get3A_778] : memref<2x640x32xf32, #tpu.memory_space<vmem>> -> memref<1x640x32xf32, #tpu.memory_space<vmem>>
        %get3A_780 = tpu.memref_squeeze %get3A_779 : memref<1x640x32xf32, #tpu.memory_space<vmem>> -> memref<640x32xf32, #tpu.memory_space<vmem>>
        %get3A_781 = arith.index_cast %add3A_769 : i32 to index
        %get3A_782 = arith.constant 16 : index
        %get3A_783 = tpu.vector_load %get3A_780[%get3A_781, %get3A_782] {strides = array<i32>} : memref<640x32xf32, #tpu.memory_space<vmem>>, vector<16xf32>,
        %broadcast_in_dim3A_784 = arith.constant 0 : i32
        %broadcast_in_dim3A_785 = vector.broadcast %broadcast_in_dim3A_784 : i32 to vector<16xi32>
        %add3A_786 = vector.broadcast %add3A_767 : i32 to vector<16xi32>
        %add3A_787 = arith.addi %broadcast_in_dim3A_785, %add3A_786 : vector<16xi32>
        %scatter3A_788 = arith.constant 0 : i32
        %scatter3A_789 = arith.constant 0 : i32
        %scatter3A_790 = arith.constant 0 : i32
        %scatter3A_791 = tpu.memref_slice %arg7[%scan3A_239, %scatter3A_788, %scatter3A_789, %scatter3A_790] : memref<2x5x32x129xf32, #tpu.memory_space<vmem>> -> memref<1x5x32x129xf32, #tpu.memory_space<vmem>>
        %scatter3A_792 = tpu.memref_squeeze %scatter3A_791 : memref<1x5x32x129xf32, #tpu.memory_space<vmem>> -> memref<5x32x129xf32, #tpu.memory_space<vmem>>
        tpu.vector_store_idx %scatter3A_792[%broadcast_in_dim3A_236, %iota3A, %add3A_787], %get3A_776 : memref<5x32x129xf32, #tpu.memory_space<vmem>>[vector<16xi32>, vector<16xi32>, vector<16xi32>], vector<16xf32>,
        %scatter3A_793 = arith.constant 0 : i32
        %scatter3A_794 = arith.constant 0 : i32
        %scatter3A_795 = arith.constant 0 : i32
        %scatter3A_796 = tpu.memref_slice %arg7[%scan3A_239, %scatter3A_793, %scatter3A_794, %scatter3A_795] : memref<2x5x32x129xf32, #tpu.memory_space<vmem>> -> memref<1x5x32x129xf32, #tpu.memory_space<vmem>>
        %scatter3A_797 = tpu.memref_squeeze %scatter3A_796 : memref<1x5x32x129xf32, #tpu.memory_space<vmem>> -> memref<5x32x129xf32, #tpu.memory_space<vmem>>
        tpu.vector_store_idx %scatter3A_797[%broadcast_in_dim3A_236, %add3A_3, %add3A_787], %get3A_783 : memref<5x32x129xf32, #tpu.memory_space<vmem>>[vector<16xi32>, vector<16xi32>, vector<16xi32>], vector<16xf32>,
      }
      %scan3A_244 = arith.constant 16 : i32
      %broadcast_in_dim3A_245 = arith.constant 2 : i32
      %broadcast_in_dim3A_246 = vector.broadcast %broadcast_in_dim3A_245 : i32 to vector<16xi32>
      %scan3A_247 = arith.constant 0 : i32
      %scan3A_248 = arith.constant 0 : i32
      %scan3A_249 = arith.constant 0 : i32
      %scan3A_250 = arith.constant 0 : i32
      %scan3A_251 = arith.constant 16 : i32
      %scan3A_252 = arith.addi %scan3A_250, %scan3A_251 : i32
      %scan3A_253 = arith.constant 1 : i32
      scf.for %scan3A_527 = %scan3A_250 to %scan3A_252 step %scan3A_253  : i32 {
        %mul3A_528 = arith.constant 8 : i32
        %mul3A_529 = arith.muli %scan3A_527, %mul3A_528 : i32
        %add3A_530 = arith.constant 0 : i32
        %add3A_531 = arith.addi %mul3A_529, %add3A_530 : i32
        %add3A_532 = arith.constant 256 : i32
        %add3A_533 = arith.addi %add3A_532, %add3A_531 : i32
        %get3A = arith.constant 0 : i32
        %get3A_534 = arith.constant 0 : i32
        %get3A_535 = tpu.memref_slice %arg6[%scan3A_248, %get3A, %get3A_534] : memref<2x640x32xf32, #tpu.memory_space<vmem>> -> memref<1x640x32xf32, #tpu.memory_space<vmem>>
        %get3A_536 = tpu.memref_squeeze %get3A_535 : memref<1x640x32xf32, #tpu.memory_space<vmem>> -> memref<640x32xf32, #tpu.memory_space<vmem>>
        %get3A_537 = arith.index_cast %add3A_533 : i32 to index
        %get3A_538 = arith.constant 0 : index
        %get3A_539 = tpu.vector_load %get3A_536[%get3A_537, %get3A_538] {strides = array<i32>} : memref<640x32xf32, #tpu.memory_space<vmem>>, vector<16xf32>,
        %get3A_540 = arith.constant 0 : i32
        %get3A_541 = arith.constant 0 : i32
        %get3A_542 = tpu.memref_slice %arg6[%scan3A_248, %get3A_540, %get3A_541] : memref<2x640x32xf32, #tpu.memory_space<vmem>> -> memref<1x640x32xf32, #tpu.memory_space<vmem>>
        %get3A_543 = tpu.memref_squeeze %get3A_542 : memref<1x640x32xf32, #tpu.memory_space<vmem>> -> memref<640x32xf32, #tpu.memory_space<vmem>>
        %get3A_544 = arith.index_cast %add3A_533 : i32 to index
        %get3A_545 = arith.constant 16 : index
        %get3A_546 = tpu.vector_load %get3A_543[%get3A_544, %get3A_545] {strides = array<i32>} : memref<640x32xf32, #tpu.memory_space<vmem>>, vector<16xf32>,
        %broadcast_in_dim3A_547 = arith.constant 0 : i32
        %broadcast_in_dim3A_548 = vector.broadcast %broadcast_in_dim3A_547 : i32 to vector<16xi32>
        %add3A_549 = vector.broadcast %add3A_531 : i32 to vector<16xi32>
        %add3A_550 = arith.addi %broadcast_in_dim3A_548, %add3A_549 : vector<16xi32>
        %scatter3A = arith.constant 0 : i32
        %scatter3A_551 = arith.constant 0 : i32
        %scatter3A_552 = arith.constant 0 : i32
        %scatter3A_553 = tpu.memref_slice %arg7[%scan3A_249, %scatter3A, %scatter3A_551, %scatter3A_552] : memref<2x5x32x129xf32, #tpu.memory_space<vmem>> -> memref<1x5x32x129xf32, #tpu.memory_space<vmem>>
        %scatter3A_554 = tpu.memref_squeeze %scatter3A_553 : memref<1x5x32x129xf32, #tpu.memory_space<vmem>> -> memref<5x32x129xf32, #tpu.memory_space<vmem>>
        tpu.vector_store_idx %scatter3A_554[%broadcast_in_dim3A_246, %iota3A, %add3A_550], %get3A_539 : memref<5x32x129xf32, #tpu.memory_space<vmem>>[vector<16xi32>, vector<16xi32>, vector<16xi32>], vector<16xf32>,
        %scatter3A_555 = arith.constant 0 : i32
        %scatter3A_556 = arith.constant 0 : i32
        %scatter3A_557 = arith.constant 0 : i32
        %scatter3A_558 = tpu.memref_slice %arg7[%scan3A_249, %scatter3A_555, %scatter3A_556, %scatter3A_557] : memref<2x5x32x129xf32, #tpu.memory_space<vmem>> -> memref<1x5x32x129xf32, #tpu.memory_space<vmem>>
        %scatter3A_559 = tpu.memref_squeeze %scatter3A_558 : memref<1x5x32x129xf32, #tpu.memory_space<vmem>> -> memref<5x32x129xf32, #tpu.memory_space<vmem>>
        tpu.vector_store_idx %scatter3A_559[%broadcast_in_dim3A_246, %add3A_3, %add3A_550], %get3A_546 : memref<5x32x129xf32, #tpu.memory_space<vmem>>[vector<16xi32>, vector<16xi32>, vector<16xi32>], vector<16xf32>,
        %mul3A_560 = arith.constant 8 : i32
        %mul3A_561 = arith.muli %scan3A_527, %mul3A_560 : i32
        %add3A_562 = arith.constant 1 : i32
        %add3A_563 = arith.addi %mul3A_561, %add3A_562 : i32
        %add3A_564 = arith.constant 256 : i32
        %add3A_565 = arith.addi %add3A_564, %add3A_563 : i32
        %get3A_566 = arith.constant 0 : i32
        %get3A_567 = arith.constant 0 : i32
        %get3A_568 = tpu.memref_slice %arg6[%scan3A_248, %get3A_566, %get3A_567] : memref<2x640x32xf32, #tpu.memory_space<vmem>> -> memref<1x640x32xf32, #tpu.memory_space<vmem>>
        %get3A_569 = tpu.memref_squeeze %get3A_568 : memref<1x640x32xf32, #tpu.memory_space<vmem>> -> memref<640x32xf32, #tpu.memory_space<vmem>>
        %get3A_570 = arith.index_cast %add3A_565 : i32 to index
        %get3A_571 = arith.constant 0 : index
        %get3A_572 = tpu.vector_load %get3A_569[%get3A_570, %get3A_571] {strides = array<i32>} : memref<640x32xf32, #tpu.memory_space<vmem>>, vector<16xf32>,
        %get3A_573 = arith.constant 0 : i32
        %get3A_574 = arith.constant 0 : i32
        %get3A_575 = tpu.memref_slice %arg6[%scan3A_248, %get3A_573, %get3A_574] : memref<2x640x32xf32, #tpu.memory_space<vmem>> -> memref<1x640x32xf32, #tpu.memory_space<vmem>>
        %get3A_576 = tpu.memref_squeeze %get3A_575 : memref<1x640x32xf32, #tpu.memory_space<vmem>> -> memref<640x32xf32, #tpu.memory_space<vmem>>
        %get3A_577 = arith.index_cast %add3A_565 : i32 to index
        %get3A_578 = arith.constant 16 : index
        %get3A_579 = tpu.vector_load %get3A_576[%get3A_577, %get3A_578] {strides = array<i32>} : memref<640x32xf32, #tpu.memory_space<vmem>>, vector<16xf32>,
        %broadcast_in_dim3A_580 = arith.constant 0 : i32
        %broadcast_in_dim3A_581 = vector.broadcast %broadcast_in_dim3A_580 : i32 to vector<16xi32>
        %add3A_582 = vector.broadcast %add3A_563 : i32 to vector<16xi32>
        %add3A_583 = arith.addi %broadcast_in_dim3A_581, %add3A_582 : vector<16xi32>
        %scatter3A_584 = arith.constant 0 : i32
        %scatter3A_585 = arith.constant 0 : i32
        %scatter3A_586 = arith.constant 0 : i32
        %scatter3A_587 = tpu.memref_slice %arg7[%scan3A_249, %scatter3A_584, %scatter3A_585, %scatter3A_586] : memref<2x5x32x129xf32, #tpu.memory_space<vmem>> -> memref<1x5x32x129xf32, #tpu.memory_space<vmem>>
        %scatter3A_588 = tpu.memref_squeeze %scatter3A_587 : memref<1x5x32x129xf32, #tpu.memory_space<vmem>> -> memref<5x32x129xf32, #tpu.memory_space<vmem>>
        tpu.vector_store_idx %scatter3A_588[%broadcast_in_dim3A_246, %iota3A, %add3A_583], %get3A_572 : memref<5x32x129xf32, #tpu.memory_space<vmem>>[vector<16xi32>, vector<16xi32>, vector<16xi32>], vector<16xf32>,
        %scatter3A_589 = arith.constant 0 : i32
        %scatter3A_590 = arith.constant 0 : i32
        %scatter3A_591 = arith.constant 0 : i32
        %scatter3A_592 = tpu.memref_slice %arg7[%scan3A_249, %scatter3A_589, %scatter3A_590, %scatter3A_591] : memref<2x5x32x129xf32, #tpu.memory_space<vmem>> -> memref<1x5x32x129xf32, #tpu.memory_space<vmem>>
        %scatter3A_593 = tpu.memref_squeeze %scatter3A_592 : memref<1x5x32x129xf32, #tpu.memory_space<vmem>> -> memref<5x32x129xf32, #tpu.memory_space<vmem>>
        tpu.vector_store_idx %scatter3A_593[%broadcast_in_dim3A_246, %add3A_3, %add3A_583], %get3A_579 : memref<5x32x129xf32, #tpu.memory_space<vmem>>[vector<16xi32>, vector<16xi32>, vector<16xi32>], vector<16xf32>,
        %mul3A_594 = arith.constant 8 : i32
        %mul3A_595 = arith.muli %scan3A_527, %mul3A_594 : i32
        %add3A_596 = arith.constant 2 : i32
        %add3A_597 = arith.addi %mul3A_595, %add3A_596 : i32
        %add3A_598 = arith.constant 256 : i32
        %add3A_599 = arith.addi %add3A_598, %add3A_597 : i32
        %get3A_600 = arith.constant 0 : i32
        %get3A_601 = arith.constant 0 : i32
        %get3A_602 = tpu.memref_slice %arg6[%scan3A_248, %get3A_600, %get3A_601] : memref<2x640x32xf32, #tpu.memory_space<vmem>> -> memref<1x640x32xf32, #tpu.memory_space<vmem>>
        %get3A_603 = tpu.memref_squeeze %get3A_602 : memref<1x640x32xf32, #tpu.memory_space<vmem>> -> memref<640x32xf32, #tpu.memory_space<vmem>>
        %get3A_604 = arith.index_cast %add3A_599 : i32 to index
        %get3A_605 = arith.constant 0 : index
        %get3A_606 = tpu.vector_load %get3A_603[%get3A_604, %get3A_605] {strides = array<i32>} : memref<640x32xf32, #tpu.memory_space<vmem>>, vector<16xf32>,
        %get3A_607 = arith.constant 0 : i32
        %get3A_608 = arith.constant 0 : i32
        %get3A_609 = tpu.memref_slice %arg6[%scan3A_248, %get3A_607, %get3A_608] : memref<2x640x32xf32, #tpu.memory_space<vmem>> -> memref<1x640x32xf32, #tpu.memory_space<vmem>>
        %get3A_610 = tpu.memref_squeeze %get3A_609 : memref<1x640x32xf32, #tpu.memory_space<vmem>> -> memref<640x32xf32, #tpu.memory_space<vmem>>
        %get3A_611 = arith.index_cast %add3A_599 : i32 to index
        %get3A_612 = arith.constant 16 : index
        %get3A_613 = tpu.vector_load %get3A_610[%get3A_611, %get3A_612] {strides = array<i32>} : memref<640x32xf32, #tpu.memory_space<vmem>>, vector<16xf32>,
        %broadcast_in_dim3A_614 = arith.constant 0 : i32
        %broadcast_in_dim3A_615 = vector.broadcast %broadcast_in_dim3A_614 : i32 to vector<16xi32>
        %add3A_616 = vector.broadcast %add3A_597 : i32 to vector<16xi32>
        %add3A_617 = arith.addi %broadcast_in_dim3A_615, %add3A_616 : vector<16xi32>
        %scatter3A_618 = arith.constant 0 : i32
        %scatter3A_619 = arith.constant 0 : i32
        %scatter3A_620 = arith.constant 0 : i32
        %scatter3A_621 = tpu.memref_slice %arg7[%scan3A_249, %scatter3A_618, %scatter3A_619, %scatter3A_620] : memref<2x5x32x129xf32, #tpu.memory_space<vmem>> -> memref<1x5x32x129xf32, #tpu.memory_space<vmem>>
        %scatter3A_622 = tpu.memref_squeeze %scatter3A_621 : memref<1x5x32x129xf32, #tpu.memory_space<vmem>> -> memref<5x32x129xf32, #tpu.memory_space<vmem>>
        tpu.vector_store_idx %scatter3A_622[%broadcast_in_dim3A_246, %iota3A, %add3A_617], %get3A_606 : memref<5x32x129xf32, #tpu.memory_space<vmem>>[vector<16xi32>, vector<16xi32>, vector<16xi32>], vector<16xf32>,
        %scatter3A_623 = arith.constant 0 : i32
        %scatter3A_624 = arith.constant 0 : i32
        %scatter3A_625 = arith.constant 0 : i32
        %scatter3A_626 = tpu.memref_slice %arg7[%scan3A_249, %scatter3A_623, %scatter3A_624, %scatter3A_625] : memref<2x5x32x129xf32, #tpu.memory_space<vmem>> -> memref<1x5x32x129xf32, #tpu.memory_space<vmem>>
        %scatter3A_627 = tpu.memref_squeeze %scatter3A_626 : memref<1x5x32x129xf32, #tpu.memory_space<vmem>> -> memref<5x32x129xf32, #tpu.memory_space<vmem>>
        tpu.vector_store_idx %scatter3A_627[%broadcast_in_dim3A_246, %add3A_3, %add3A_617], %get3A_613 : memref<5x32x129xf32, #tpu.memory_space<vmem>>[vector<16xi32>, vector<16xi32>, vector<16xi32>], vector<16xf32>,
        %mul3A_628 = arith.constant 8 : i32
        %mul3A_629 = arith.muli %scan3A_527, %mul3A_628 : i32
        %add3A_630 = arith.constant 3 : i32
        %add3A_631 = arith.addi %mul3A_629, %add3A_630 : i32
        %add3A_632 = arith.constant 256 : i32
        %add3A_633 = arith.addi %add3A_632, %add3A_631 : i32
        %get3A_634 = arith.constant 0 : i32
        %get3A_635 = arith.constant 0 : i32
        %get3A_636 = tpu.memref_slice %arg6[%scan3A_248, %get3A_634, %get3A_635] : memref<2x640x32xf32, #tpu.memory_space<vmem>> -> memref<1x640x32xf32, #tpu.memory_space<vmem>>
        %get3A_637 = tpu.memref_squeeze %get3A_636 : memref<1x640x32xf32, #tpu.memory_space<vmem>> -> memref<640x32xf32, #tpu.memory_space<vmem>>
        %get3A_638 = arith.index_cast %add3A_633 : i32 to index
        %get3A_639 = arith.constant 0 : index
        %get3A_640 = tpu.vector_load %get3A_637[%get3A_638, %get3A_639] {strides = array<i32>} : memref<640x32xf32, #tpu.memory_space<vmem>>, vector<16xf32>,
        %get3A_641 = arith.constant 0 : i32
        %get3A_642 = arith.constant 0 : i32
        %get3A_643 = tpu.memref_slice %arg6[%scan3A_248, %get3A_641, %get3A_642] : memref<2x640x32xf32, #tpu.memory_space<vmem>> -> memref<1x640x32xf32, #tpu.memory_space<vmem>>
        %get3A_644 = tpu.memref_squeeze %get3A_643 : memref<1x640x32xf32, #tpu.memory_space<vmem>> -> memref<640x32xf32, #tpu.memory_space<vmem>>
        %get3A_645 = arith.index_cast %add3A_633 : i32 to index
        %get3A_646 = arith.constant 16 : index
        %get3A_647 = tpu.vector_load %get3A_644[%get3A_645, %get3A_646] {strides = array<i32>} : memref<640x32xf32, #tpu.memory_space<vmem>>, vector<16xf32>,
        %broadcast_in_dim3A_648 = arith.constant 0 : i32
        %broadcast_in_dim3A_649 = vector.broadcast %broadcast_in_dim3A_648 : i32 to vector<16xi32>
        %add3A_650 = vector.broadcast %add3A_631 : i32 to vector<16xi32>
        %add3A_651 = arith.addi %broadcast_in_dim3A_649, %add3A_650 : vector<16xi32>
        %scatter3A_652 = arith.constant 0 : i32
        %scatter3A_653 = arith.constant 0 : i32
        %scatter3A_654 = arith.constant 0 : i32
        %scatter3A_655 = tpu.memref_slice %arg7[%scan3A_249, %scatter3A_652, %scatter3A_653, %scatter3A_654] : memref<2x5x32x129xf32, #tpu.memory_space<vmem>> -> memref<1x5x32x129xf32, #tpu.memory_space<vmem>>
        %scatter3A_656 = tpu.memref_squeeze %scatter3A_655 : memref<1x5x32x129xf32, #tpu.memory_space<vmem>> -> memref<5x32x129xf32, #tpu.memory_space<vmem>>
        tpu.vector_store_idx %scatter3A_656[%broadcast_in_dim3A_246, %iota3A, %add3A_651], %get3A_640 : memref<5x32x129xf32, #tpu.memory_space<vmem>>[vector<16xi32>, vector<16xi32>, vector<16xi32>], vector<16xf32>,
        %scatter3A_657 = arith.constant 0 : i32
        %scatter3A_658 = arith.constant 0 : i32
        %scatter3A_659 = arith.constant 0 : i32
        %scatter3A_660 = tpu.memref_slice %arg7[%scan3A_249, %scatter3A_657, %scatter3A_658, %scatter3A_659] : memref<2x5x32x129xf32, #tpu.memory_space<vmem>> -> memref<1x5x32x129xf32, #tpu.memory_space<vmem>>
        %scatter3A_661 = tpu.memref_squeeze %scatter3A_660 : memref<1x5x32x129xf32, #tpu.memory_space<vmem>> -> memref<5x32x129xf32, #tpu.memory_space<vmem>>
        tpu.vector_store_idx %scatter3A_661[%broadcast_in_dim3A_246, %add3A_3, %add3A_651], %get3A_647 : memref<5x32x129xf32, #tpu.memory_space<vmem>>[vector<16xi32>, vector<16xi32>, vector<16xi32>], vector<16xf32>,
        %mul3A_662 = arith.constant 8 : i32
        %mul3A_663 = arith.muli %scan3A_527, %mul3A_662 : i32
        %add3A_664 = arith.constant 4 : i32
        %add3A_665 = arith.addi %mul3A_663, %add3A_664 : i32
        %add3A_666 = arith.constant 256 : i32
        %add3A_667 = arith.addi %add3A_666, %add3A_665 : i32
        %get3A_668 = arith.constant 0 : i32
        %get3A_669 = arith.constant 0 : i32
        %get3A_670 = tpu.memref_slice %arg6[%scan3A_248, %get3A_668, %get3A_669] : memref<2x640x32xf32, #tpu.memory_space<vmem>> -> memref<1x640x32xf32, #tpu.memory_space<vmem>>
        %get3A_671 = tpu.memref_squeeze %get3A_670 : memref<1x640x32xf32, #tpu.memory_space<vmem>> -> memref<640x32xf32, #tpu.memory_space<vmem>>
        %get3A_672 = arith.index_cast %add3A_667 : i32 to index
        %get3A_673 = arith.constant 0 : index
        %get3A_674 = tpu.vector_load %get3A_671[%get3A_672, %get3A_673] {strides = array<i32>} : memref<640x32xf32, #tpu.memory_space<vmem>>, vector<16xf32>,
        %get3A_675 = arith.constant 0 : i32
        %get3A_676 = arith.constant 0 : i32
        %get3A_677 = tpu.memref_slice %arg6[%scan3A_248, %get3A_675, %get3A_676] : memref<2x640x32xf32, #tpu.memory_space<vmem>> -> memref<1x640x32xf32, #tpu.memory_space<vmem>>
        %get3A_678 = tpu.memref_squeeze %get3A_677 : memref<1x640x32xf32, #tpu.memory_space<vmem>> -> memref<640x32xf32, #tpu.memory_space<vmem>>
        %get3A_679 = arith.index_cast %add3A_667 : i32 to index
        %get3A_680 = arith.constant 16 : index
        %get3A_681 = tpu.vector_load %get3A_678[%get3A_679, %get3A_680] {strides = array<i32>} : memref<640x32xf32, #tpu.memory_space<vmem>>, vector<16xf32>,
        %broadcast_in_dim3A_682 = arith.constant 0 : i32
        %broadcast_in_dim3A_683 = vector.broadcast %broadcast_in_dim3A_682 : i32 to vector<16xi32>
        %add3A_684 = vector.broadcast %add3A_665 : i32 to vector<16xi32>
        %add3A_685 = arith.addi %broadcast_in_dim3A_683, %add3A_684 : vector<16xi32>
        %scatter3A_686 = arith.constant 0 : i32
        %scatter3A_687 = arith.constant 0 : i32
        %scatter3A_688 = arith.constant 0 : i32
        %scatter3A_689 = tpu.memref_slice %arg7[%scan3A_249, %scatter3A_686, %scatter3A_687, %scatter3A_688] : memref<2x5x32x129xf32, #tpu.memory_space<vmem>> -> memref<1x5x32x129xf32, #tpu.memory_space<vmem>>
        %scatter3A_690 = tpu.memref_squeeze %scatter3A_689 : memref<1x5x32x129xf32, #tpu.memory_space<vmem>> -> memref<5x32x129xf32, #tpu.memory_space<vmem>>
        tpu.vector_store_idx %scatter3A_690[%broadcast_in_dim3A_246, %iota3A, %add3A_685], %get3A_674 : memref<5x32x129xf32, #tpu.memory_space<vmem>>[vector<16xi32>, vector<16xi32>, vector<16xi32>], vector<16xf32>,
        %scatter3A_691 = arith.constant 0 : i32
        %scatter3A_692 = arith.constant 0 : i32
        %scatter3A_693 = arith.constant 0 : i32
        %scatter3A_694 = tpu.memref_slice %arg7[%scan3A_249, %scatter3A_691, %scatter3A_692, %scatter3A_693] : memref<2x5x32x129xf32, #tpu.memory_space<vmem>> -> memref<1x5x32x129xf32, #tpu.memory_space<vmem>>
        %scatter3A_695 = tpu.memref_squeeze %scatter3A_694 : memref<1x5x32x129xf32, #tpu.memory_space<vmem>> -> memref<5x32x129xf32, #tpu.memory_space<vmem>>
        tpu.vector_store_idx %scatter3A_695[%broadcast_in_dim3A_246, %add3A_3, %add3A_685], %get3A_681 : memref<5x32x129xf32, #tpu.memory_space<vmem>>[vector<16xi32>, vector<16xi32>, vector<16xi32>], vector<16xf32>,
        %mul3A_696 = arith.constant 8 : i32
        %mul3A_697 = arith.muli %scan3A_527, %mul3A_696 : i32
        %add3A_698 = arith.constant 5 : i32
        %add3A_699 = arith.addi %mul3A_697, %add3A_698 : i32
        %add3A_700 = arith.constant 256 : i32
        %add3A_701 = arith.addi %add3A_700, %add3A_699 : i32
        %get3A_702 = arith.constant 0 : i32
        %get3A_703 = arith.constant 0 : i32
        %get3A_704 = tpu.memref_slice %arg6[%scan3A_248, %get3A_702, %get3A_703] : memref<2x640x32xf32, #tpu.memory_space<vmem>> -> memref<1x640x32xf32, #tpu.memory_space<vmem>>
        %get3A_705 = tpu.memref_squeeze %get3A_704 : memref<1x640x32xf32, #tpu.memory_space<vmem>> -> memref<640x32xf32, #tpu.memory_space<vmem>>
        %get3A_706 = arith.index_cast %add3A_701 : i32 to index
        %get3A_707 = arith.constant 0 : index
        %get3A_708 = tpu.vector_load %get3A_705[%get3A_706, %get3A_707] {strides = array<i32>} : memref<640x32xf32, #tpu.memory_space<vmem>>, vector<16xf32>,
        %get3A_709 = arith.constant 0 : i32
        %get3A_710 = arith.constant 0 : i32
        %get3A_711 = tpu.memref_slice %arg6[%scan3A_248, %get3A_709, %get3A_710] : memref<2x640x32xf32, #tpu.memory_space<vmem>> -> memref<1x640x32xf32, #tpu.memory_space<vmem>>
        %get3A_712 = tpu.memref_squeeze %get3A_711 : memref<1x640x32xf32, #tpu.memory_space<vmem>> -> memref<640x32xf32, #tpu.memory_space<vmem>>
        %get3A_713 = arith.index_cast %add3A_701 : i32 to index
        %get3A_714 = arith.constant 16 : index
        %get3A_715 = tpu.vector_load %get3A_712[%get3A_713, %get3A_714] {strides = array<i32>} : memref<640x32xf32, #tpu.memory_space<vmem>>, vector<16xf32>,
        %broadcast_in_dim3A_716 = arith.constant 0 : i32
        %broadcast_in_dim3A_717 = vector.broadcast %broadcast_in_dim3A_716 : i32 to vector<16xi32>
        %add3A_718 = vector.broadcast %add3A_699 : i32 to vector<16xi32>
        %add3A_719 = arith.addi %broadcast_in_dim3A_717, %add3A_718 : vector<16xi32>
        %scatter3A_720 = arith.constant 0 : i32
        %scatter3A_721 = arith.constant 0 : i32
        %scatter3A_722 = arith.constant 0 : i32
        %scatter3A_723 = tpu.memref_slice %arg7[%scan3A_249, %scatter3A_720, %scatter3A_721, %scatter3A_722] : memref<2x5x32x129xf32, #tpu.memory_space<vmem>> -> memref<1x5x32x129xf32, #tpu.memory_space<vmem>>
        %scatter3A_724 = tpu.memref_squeeze %scatter3A_723 : memref<1x5x32x129xf32, #tpu.memory_space<vmem>> -> memref<5x32x129xf32, #tpu.memory_space<vmem>>
        tpu.vector_store_idx %scatter3A_724[%broadcast_in_dim3A_246, %iota3A, %add3A_719], %get3A_708 : memref<5x32x129xf32, #tpu.memory_space<vmem>>[vector<16xi32>, vector<16xi32>, vector<16xi32>], vector<16xf32>,
        %scatter3A_725 = arith.constant 0 : i32
        %scatter3A_726 = arith.constant 0 : i32
        %scatter3A_727 = arith.constant 0 : i32
        %scatter3A_728 = tpu.memref_slice %arg7[%scan3A_249, %scatter3A_725, %scatter3A_726, %scatter3A_727] : memref<2x5x32x129xf32, #tpu.memory_space<vmem>> -> memref<1x5x32x129xf32, #tpu.memory_space<vmem>>
        %scatter3A_729 = tpu.memref_squeeze %scatter3A_728 : memref<1x5x32x129xf32, #tpu.memory_space<vmem>> -> memref<5x32x129xf32, #tpu.memory_space<vmem>>
        tpu.vector_store_idx %scatter3A_729[%broadcast_in_dim3A_246, %add3A_3, %add3A_719], %get3A_715 : memref<5x32x129xf32, #tpu.memory_space<vmem>>[vector<16xi32>, vector<16xi32>, vector<16xi32>], vector<16xf32>,
        %mul3A_730 = arith.constant 8 : i32
        %mul3A_731 = arith.muli %scan3A_527, %mul3A_730 : i32
        %add3A_732 = arith.constant 6 : i32
        %add3A_733 = arith.addi %mul3A_731, %add3A_732 : i32
        %add3A_734 = arith.constant 256 : i32
        %add3A_735 = arith.addi %add3A_734, %add3A_733 : i32
        %get3A_736 = arith.constant 0 : i32
        %get3A_737 = arith.constant 0 : i32
        %get3A_738 = tpu.memref_slice %arg6[%scan3A_248, %get3A_736, %get3A_737] : memref<2x640x32xf32, #tpu.memory_space<vmem>> -> memref<1x640x32xf32, #tpu.memory_space<vmem>>
        %get3A_739 = tpu.memref_squeeze %get3A_738 : memref<1x640x32xf32, #tpu.memory_space<vmem>> -> memref<640x32xf32, #tpu.memory_space<vmem>>
        %get3A_740 = arith.index_cast %add3A_735 : i32 to index
        %get3A_741 = arith.constant 0 : index
        %get3A_742 = tpu.vector_load %get3A_739[%get3A_740, %get3A_741] {strides = array<i32>} : memref<640x32xf32, #tpu.memory_space<vmem>>, vector<16xf32>,
        %get3A_743 = arith.constant 0 : i32
        %get3A_744 = arith.constant 0 : i32
        %get3A_745 = tpu.memref_slice %arg6[%scan3A_248, %get3A_743, %get3A_744] : memref<2x640x32xf32, #tpu.memory_space<vmem>> -> memref<1x640x32xf32, #tpu.memory_space<vmem>>
        %get3A_746 = tpu.memref_squeeze %get3A_745 : memref<1x640x32xf32, #tpu.memory_space<vmem>> -> memref<640x32xf32, #tpu.memory_space<vmem>>
        %get3A_747 = arith.index_cast %add3A_735 : i32 to index
        %get3A_748 = arith.constant 16 : index
        %get3A_749 = tpu.vector_load %get3A_746[%get3A_747, %get3A_748] {strides = array<i32>} : memref<640x32xf32, #tpu.memory_space<vmem>>, vector<16xf32>,
        %broadcast_in_dim3A_750 = arith.constant 0 : i32
        %broadcast_in_dim3A_751 = vector.broadcast %broadcast_in_dim3A_750 : i32 to vector<16xi32>
        %add3A_752 = vector.broadcast %add3A_733 : i32 to vector<16xi32>
        %add3A_753 = arith.addi %broadcast_in_dim3A_751, %add3A_752 : vector<16xi32>
        %scatter3A_754 = arith.constant 0 : i32
        %scatter3A_755 = arith.constant 0 : i32
        %scatter3A_756 = arith.constant 0 : i32
        %scatter3A_757 = tpu.memref_slice %arg7[%scan3A_249, %scatter3A_754, %scatter3A_755, %scatter3A_756] : memref<2x5x32x129xf32, #tpu.memory_space<vmem>> -> memref<1x5x32x129xf32, #tpu.memory_space<vmem>>
        %scatter3A_758 = tpu.memref_squeeze %scatter3A_757 : memref<1x5x32x129xf32, #tpu.memory_space<vmem>> -> memref<5x32x129xf32, #tpu.memory_space<vmem>>
        tpu.vector_store_idx %scatter3A_758[%broadcast_in_dim3A_246, %iota3A, %add3A_753], %get3A_742 : memref<5x32x129xf32, #tpu.memory_space<vmem>>[vector<16xi32>, vector<16xi32>, vector<16xi32>], vector<16xf32>,
        %scatter3A_759 = arith.constant 0 : i32
        %scatter3A_760 = arith.constant 0 : i32
        %scatter3A_761 = arith.constant 0 : i32
        %scatter3A_762 = tpu.memref_slice %arg7[%scan3A_249, %scatter3A_759, %scatter3A_760, %scatter3A_761] : memref<2x5x32x129xf32, #tpu.memory_space<vmem>> -> memref<1x5x32x129xf32, #tpu.memory_space<vmem>>
        %scatter3A_763 = tpu.memref_squeeze %scatter3A_762 : memref<1x5x32x129xf32, #tpu.memory_space<vmem>> -> memref<5x32x129xf32, #tpu.memory_space<vmem>>
        tpu.vector_store_idx %scatter3A_763[%broadcast_in_dim3A_246, %add3A_3, %add3A_753], %get3A_749 : memref<5x32x129xf32, #tpu.memory_space<vmem>>[vector<16xi32>, vector<16xi32>, vector<16xi32>], vector<16xf32>,
        %mul3A_764 = arith.constant 8 : i32
        %mul3A_765 = arith.muli %scan3A_527, %mul3A_764 : i32
        %add3A_766 = arith.constant 7 : i32
        %add3A_767 = arith.addi %mul3A_765, %add3A_766 : i32
        %add3A_768 = arith.constant 256 : i32
        %add3A_769 = arith.addi %add3A_768, %add3A_767 : i32
        %get3A_770 = arith.constant 0 : i32
        %get3A_771 = arith.constant 0 : i32
        %get3A_772 = tpu.memref_slice %arg6[%scan3A_248, %get3A_770, %get3A_771] : memref<2x640x32xf32, #tpu.memory_space<vmem>> -> memref<1x640x32xf32, #tpu.memory_space<vmem>>
        %get3A_773 = tpu.memref_squeeze %get3A_772 : memref<1x640x32xf32, #tpu.memory_space<vmem>> -> memref<640x32xf32, #tpu.memory_space<vmem>>
        %get3A_774 = arith.index_cast %add3A_769 : i32 to index
        %get3A_775 = arith.constant 0 : index
        %get3A_776 = tpu.vector_load %get3A_773[%get3A_774, %get3A_775] {strides = array<i32>} : memref<640x32xf32, #tpu.memory_space<vmem>>, vector<16xf32>,
        %get3A_777 = arith.constant 0 : i32
        %get3A_778 = arith.constant 0 : i32
        %get3A_779 = tpu.memref_slice %arg6[%scan3A_248, %get3A_777, %get3A_778] : memref<2x640x32xf32, #tpu.memory_space<vmem>> -> memref<1x640x32xf32, #tpu.memory_space<vmem>>
        %get3A_780 = tpu.memref_squeeze %get3A_779 : memref<1x640x32xf32, #tpu.memory_space<vmem>> -> memref<640x32xf32, #tpu.memory_space<vmem>>
        %get3A_781 = arith.index_cast %add3A_769 : i32 to index
        %get3A_782 = arith.constant 16 : index
        %get3A_783 = tpu.vector_load %get3A_780[%get3A_781, %get3A_782] {strides = array<i32>} : memref<640x32xf32, #tpu.memory_space<vmem>>, vector<16xf32>,
        %broadcast_in_dim3A_784 = arith.constant 0 : i32
        %broadcast_in_dim3A_785 = vector.broadcast %broadcast_in_dim3A_784 : i32 to vector<16xi32>
        %add3A_786 = vector.broadcast %add3A_767 : i32 to vector<16xi32>
        %add3A_787 = arith.addi %broadcast_in_dim3A_785, %add3A_786 : vector<16xi32>
        %scatter3A_788 = arith.constant 0 : i32
        %scatter3A_789 = arith.constant 0 : i32
        %scatter3A_790 = arith.constant 0 : i32
        %scatter3A_791 = tpu.memref_slice %arg7[%scan3A_249, %scatter3A_788, %scatter3A_789, %scatter3A_790] : memref<2x5x32x129xf32, #tpu.memory_space<vmem>> -> memref<1x5x32x129xf32, #tpu.memory_space<vmem>>
        %scatter3A_792 = tpu.memref_squeeze %scatter3A_791 : memref<1x5x32x129xf32, #tpu.memory_space<vmem>> -> memref<5x32x129xf32, #tpu.memory_space<vmem>>
        tpu.vector_store_idx %scatter3A_792[%broadcast_in_dim3A_246, %iota3A, %add3A_787], %get3A_776 : memref<5x32x129xf32, #tpu.memory_space<vmem>>[vector<16xi32>, vector<16xi32>, vector<16xi32>], vector<16xf32>,
        %scatter3A_793 = arith.constant 0 : i32
        %scatter3A_794 = arith.constant 0 : i32
        %scatter3A_795 = arith.constant 0 : i32
        %scatter3A_796 = tpu.memref_slice %arg7[%scan3A_249, %scatter3A_793, %scatter3A_794, %scatter3A_795] : memref<2x5x32x129xf32, #tpu.memory_space<vmem>> -> memref<1x5x32x129xf32, #tpu.memory_space<vmem>>
        %scatter3A_797 = tpu.memref_squeeze %scatter3A_796 : memref<1x5x32x129xf32, #tpu.memory_space<vmem>> -> memref<5x32x129xf32, #tpu.memory_space<vmem>>
        tpu.vector_store_idx %scatter3A_797[%broadcast_in_dim3A_246, %add3A_3, %add3A_787], %get3A_783 : memref<5x32x129xf32, #tpu.memory_space<vmem>>[vector<16xi32>, vector<16xi32>, vector<16xi32>], vector<16xf32>,
      }
      %scan3A_254 = arith.constant 16 : i32
      %broadcast_in_dim3A_255 = arith.constant 3 : i32
      %broadcast_in_dim3A_256 = vector.broadcast %broadcast_in_dim3A_255 : i32 to vector<16xi32>
      %scan3A_257 = arith.constant 0 : i32
      %scan3A_258 = arith.constant 0 : i32
      %scan3A_259 = arith.constant 0 : i32
      %scan3A_260 = arith.constant 0 : i32
      %scan3A_261 = arith.constant 16 : i32
      %scan3A_262 = arith.addi %scan3A_260, %scan3A_261 : i32
      %scan3A_263 = arith.constant 1 : i32
      scf.for %scan3A_527 = %scan3A_260 to %scan3A_262 step %scan3A_263  : i32 {
        %mul3A_528 = arith.constant 8 : i32
        %mul3A_529 = arith.muli %scan3A_527, %mul3A_528 : i32
        %add3A_530 = arith.constant 0 : i32
        %add3A_531 = arith.addi %mul3A_529, %add3A_530 : i32
        %add3A_532 = arith.constant 384 : i32
        %add3A_533 = arith.addi %add3A_532, %add3A_531 : i32
        %get3A = arith.constant 0 : i32
        %get3A_534 = arith.constant 0 : i32
        %get3A_535 = tpu.memref_slice %arg6[%scan3A_258, %get3A, %get3A_534] : memref<2x640x32xf32, #tpu.memory_space<vmem>> -> memref<1x640x32xf32, #tpu.memory_space<vmem>>
        %get3A_536 = tpu.memref_squeeze %get3A_535 : memref<1x640x32xf32, #tpu.memory_space<vmem>> -> memref<640x32xf32, #tpu.memory_space<vmem>>
        %get3A_537 = arith.index_cast %add3A_533 : i32 to index
        %get3A_538 = arith.constant 0 : index
        %get3A_539 = tpu.vector_load %get3A_536[%get3A_537, %get3A_538] {strides = array<i32>} : memref<640x32xf32, #tpu.memory_space<vmem>>, vector<16xf32>,
        %get3A_540 = arith.constant 0 : i32
        %get3A_541 = arith.constant 0 : i32
        %get3A_542 = tpu.memref_slice %arg6[%scan3A_258, %get3A_540, %get3A_541] : memref<2x640x32xf32, #tpu.memory_space<vmem>> -> memref<1x640x32xf32, #tpu.memory_space<vmem>>
        %get3A_543 = tpu.memref_squeeze %get3A_542 : memref<1x640x32xf32, #tpu.memory_space<vmem>> -> memref<640x32xf32, #tpu.memory_space<vmem>>
        %get3A_544 = arith.index_cast %add3A_533 : i32 to index
        %get3A_545 = arith.constant 16 : index
        %get3A_546 = tpu.vector_load %get3A_543[%get3A_544, %get3A_545] {strides = array<i32>} : memref<640x32xf32, #tpu.memory_space<vmem>>, vector<16xf32>,
        %broadcast_in_dim3A_547 = arith.constant 0 : i32
        %broadcast_in_dim3A_548 = vector.broadcast %broadcast_in_dim3A_547 : i32 to vector<16xi32>
        %add3A_549 = vector.broadcast %add3A_531 : i32 to vector<16xi32>
        %add3A_550 = arith.addi %broadcast_in_dim3A_548, %add3A_549 : vector<16xi32>
        %scatter3A = arith.constant 0 : i32
        %scatter3A_551 = arith.constant 0 : i32
        %scatter3A_552 = arith.constant 0 : i32
        %scatter3A_553 = tpu.memref_slice %arg7[%scan3A_259, %scatter3A, %scatter3A_551, %scatter3A_552] : memref<2x5x32x129xf32, #tpu.memory_space<vmem>> -> memref<1x5x32x129xf32, #tpu.memory_space<vmem>>
        %scatter3A_554 = tpu.memref_squeeze %scatter3A_553 : memref<1x5x32x129xf32, #tpu.memory_space<vmem>> -> memref<5x32x129xf32, #tpu.memory_space<vmem>>
        tpu.vector_store_idx %scatter3A_554[%broadcast_in_dim3A_256, %iota3A, %add3A_550], %get3A_539 : memref<5x32x129xf32, #tpu.memory_space<vmem>>[vector<16xi32>, vector<16xi32>, vector<16xi32>], vector<16xf32>,
        %scatter3A_555 = arith.constant 0 : i32
        %scatter3A_556 = arith.constant 0 : i32
        %scatter3A_557 = arith.constant 0 : i32
        %scatter3A_558 = tpu.memref_slice %arg7[%scan3A_259, %scatter3A_555, %scatter3A_556, %scatter3A_557] : memref<2x5x32x129xf32, #tpu.memory_space<vmem>> -> memref<1x5x32x129xf32, #tpu.memory_space<vmem>>
        %scatter3A_559 = tpu.memref_squeeze %scatter3A_558 : memref<1x5x32x129xf32, #tpu.memory_space<vmem>> -> memref<5x32x129xf32, #tpu.memory_space<vmem>>
        tpu.vector_store_idx %scatter3A_559[%broadcast_in_dim3A_256, %add3A_3, %add3A_550], %get3A_546 : memref<5x32x129xf32, #tpu.memory_space<vmem>>[vector<16xi32>, vector<16xi32>, vector<16xi32>], vector<16xf32>,
        %mul3A_560 = arith.constant 8 : i32
        %mul3A_561 = arith.muli %scan3A_527, %mul3A_560 : i32
        %add3A_562 = arith.constant 1 : i32
        %add3A_563 = arith.addi %mul3A_561, %add3A_562 : i32
        %add3A_564 = arith.constant 384 : i32
        %add3A_565 = arith.addi %add3A_564, %add3A_563 : i32
        %get3A_566 = arith.constant 0 : i32
        %get3A_567 = arith.constant 0 : i32
        %get3A_568 = tpu.memref_slice %arg6[%scan3A_258, %get3A_566, %get3A_567] : memref<2x640x32xf32, #tpu.memory_space<vmem>> -> memref<1x640x32xf32, #tpu.memory_space<vmem>>
        %get3A_569 = tpu.memref_squeeze %get3A_568 : memref<1x640x32xf32, #tpu.memory_space<vmem>> -> memref<640x32xf32, #tpu.memory_space<vmem>>
        %get3A_570 = arith.index_cast %add3A_565 : i32 to index
        %get3A_571 = arith.constant 0 : index
        %get3A_572 = tpu.vector_load %get3A_569[%get3A_570, %get3A_571] {strides = array<i32>} : memref<640x32xf32, #tpu.memory_space<vmem>>, vector<16xf32>,
        %get3A_573 = arith.constant 0 : i32
        %get3A_574 = arith.constant 0 : i32
        %get3A_575 = tpu.memref_slice %arg6[%scan3A_258, %get3A_573, %get3A_574] : memref<2x640x32xf32, #tpu.memory_space<vmem>> -> memref<1x640x32xf32, #tpu.memory_space<vmem>>
        %get3A_576 = tpu.memref_squeeze %get3A_575 : memref<1x640x32xf32, #tpu.memory_space<vmem>> -> memref<640x32xf32, #tpu.memory_space<vmem>>
        %get3A_577 = arith.index_cast %add3A_565 : i32 to index
        %get3A_578 = arith.constant 16 : index
        %get3A_579 = tpu.vector_load %get3A_576[%get3A_577, %get3A_578] {strides = array<i32>} : memref<640x32xf32, #tpu.memory_space<vmem>>, vector<16xf32>,
        %broadcast_in_dim3A_580 = arith.constant 0 : i32
        %broadcast_in_dim3A_581 = vector.broadcast %broadcast_in_dim3A_580 : i32 to vector<16xi32>
        %add3A_582 = vector.broadcast %add3A_563 : i32 to vector<16xi32>
        %add3A_583 = arith.addi %broadcast_in_dim3A_581, %add3A_582 : vector<16xi32>
        %scatter3A_584 = arith.constant 0 : i32
        %scatter3A_585 = arith.constant 0 : i32
        %scatter3A_586 = arith.constant 0 : i32
        %scatter3A_587 = tpu.memref_slice %arg7[%scan3A_259, %scatter3A_584, %scatter3A_585, %scatter3A_586] : memref<2x5x32x129xf32, #tpu.memory_space<vmem>> -> memref<1x5x32x129xf32, #tpu.memory_space<vmem>>
        %scatter3A_588 = tpu.memref_squeeze %scatter3A_587 : memref<1x5x32x129xf32, #tpu.memory_space<vmem>> -> memref<5x32x129xf32, #tpu.memory_space<vmem>>
        tpu.vector_store_idx %scatter3A_588[%broadcast_in_dim3A_256, %iota3A, %add3A_583], %get3A_572 : memref<5x32x129xf32, #tpu.memory_space<vmem>>[vector<16xi32>, vector<16xi32>, vector<16xi32>], vector<16xf32>,
        %scatter3A_589 = arith.constant 0 : i32
        %scatter3A_590 = arith.constant 0 : i32
        %scatter3A_591 = arith.constant 0 : i32
        %scatter3A_592 = tpu.memref_slice %arg7[%scan3A_259, %scatter3A_589, %scatter3A_590, %scatter3A_591] : memref<2x5x32x129xf32, #tpu.memory_space<vmem>> -> memref<1x5x32x129xf32, #tpu.memory_space<vmem>>
        %scatter3A_593 = tpu.memref_squeeze %scatter3A_592 : memref<1x5x32x129xf32, #tpu.memory_space<vmem>> -> memref<5x32x129xf32, #tpu.memory_space<vmem>>
        tpu.vector_store_idx %scatter3A_593[%broadcast_in_dim3A_256, %add3A_3, %add3A_583], %get3A_579 : memref<5x32x129xf32, #tpu.memory_space<vmem>>[vector<16xi32>, vector<16xi32>, vector<16xi32>], vector<16xf32>,
        %mul3A_594 = arith.constant 8 : i32
        %mul3A_595 = arith.muli %scan3A_527, %mul3A_594 : i32
        %add3A_596 = arith.constant 2 : i32
        %add3A_597 = arith.addi %mul3A_595, %add3A_596 : i32
        %add3A_598 = arith.constant 384 : i32
        %add3A_599 = arith.addi %add3A_598, %add3A_597 : i32
        %get3A_600 = arith.constant 0 : i32
        %get3A_601 = arith.constant 0 : i32
        %get3A_602 = tpu.memref_slice %arg6[%scan3A_258, %get3A_600, %get3A_601] : memref<2x640x32xf32, #tpu.memory_space<vmem>> -> memref<1x640x32xf32, #tpu.memory_space<vmem>>
        %get3A_603 = tpu.memref_squeeze %get3A_602 : memref<1x640x32xf32, #tpu.memory_space<vmem>> -> memref<640x32xf32, #tpu.memory_space<vmem>>
        %get3A_604 = arith.index_cast %add3A_599 : i32 to index
        %get3A_605 = arith.constant 0 : index
        %get3A_606 = tpu.vector_load %get3A_603[%get3A_604, %get3A_605] {strides = array<i32>} : memref<640x32xf32, #tpu.memory_space<vmem>>, vector<16xf32>,
        %get3A_607 = arith.constant 0 : i32
        %get3A_608 = arith.constant 0 : i32
        %get3A_609 = tpu.memref_slice %arg6[%scan3A_258, %get3A_607, %get3A_608] : memref<2x640x32xf32, #tpu.memory_space<vmem>> -> memref<1x640x32xf32, #tpu.memory_space<vmem>>
        %get3A_610 = tpu.memref_squeeze %get3A_609 : memref<1x640x32xf32, #tpu.memory_space<vmem>> -> memref<640x32xf32, #tpu.memory_space<vmem>>
        %get3A_611 = arith.index_cast %add3A_599 : i32 to index
        %get3A_612 = arith.constant 16 : index
        %get3A_613 = tpu.vector_load %get3A_610[%get3A_611, %get3A_612] {strides = array<i32>} : memref<640x32xf32, #tpu.memory_space<vmem>>, vector<16xf32>,
        %broadcast_in_dim3A_614 = arith.constant 0 : i32
        %broadcast_in_dim3A_615 = vector.broadcast %broadcast_in_dim3A_614 : i32 to vector<16xi32>
        %add3A_616 = vector.broadcast %add3A_597 : i32 to vector<16xi32>
        %add3A_617 = arith.addi %broadcast_in_dim3A_615, %add3A_616 : vector<16xi32>
        %scatter3A_618 = arith.constant 0 : i32
        %scatter3A_619 = arith.constant 0 : i32
        %scatter3A_620 = arith.constant 0 : i32
        %scatter3A_621 = tpu.memref_slice %arg7[%scan3A_259, %scatter3A_618, %scatter3A_619, %scatter3A_620] : memref<2x5x32x129xf32, #tpu.memory_space<vmem>> -> memref<1x5x32x129xf32, #tpu.memory_space<vmem>>
        %scatter3A_622 = tpu.memref_squeeze %scatter3A_621 : memref<1x5x32x129xf32, #tpu.memory_space<vmem>> -> memref<5x32x129xf32, #tpu.memory_space<vmem>>
        tpu.vector_store_idx %scatter3A_622[%broadcast_in_dim3A_256, %iota3A, %add3A_617], %get3A_606 : memref<5x32x129xf32, #tpu.memory_space<vmem>>[vector<16xi32>, vector<16xi32>, vector<16xi32>], vector<16xf32>,
        %scatter3A_623 = arith.constant 0 : i32
        %scatter3A_624 = arith.constant 0 : i32
        %scatter3A_625 = arith.constant 0 : i32
        %scatter3A_626 = tpu.memref_slice %arg7[%scan3A_259, %scatter3A_623, %scatter3A_624, %scatter3A_625] : memref<2x5x32x129xf32, #tpu.memory_space<vmem>> -> memref<1x5x32x129xf32, #tpu.memory_space<vmem>>
        %scatter3A_627 = tpu.memref_squeeze %scatter3A_626 : memref<1x5x32x129xf32, #tpu.memory_space<vmem>> -> memref<5x32x129xf32, #tpu.memory_space<vmem>>
        tpu.vector_store_idx %scatter3A_627[%broadcast_in_dim3A_256, %add3A_3, %add3A_617], %get3A_613 : memref<5x32x129xf32, #tpu.memory_space<vmem>>[vector<16xi32>, vector<16xi32>, vector<16xi32>], vector<16xf32>,
        %mul3A_628 = arith.constant 8 : i32
        %mul3A_629 = arith.muli %scan3A_527, %mul3A_628 : i32
        %add3A_630 = arith.constant 3 : i32
        %add3A_631 = arith.addi %mul3A_629, %add3A_630 : i32
        %add3A_632 = arith.constant 384 : i32
        %add3A_633 = arith.addi %add3A_632, %add3A_631 : i32
        %get3A_634 = arith.constant 0 : i32
        %get3A_635 = arith.constant 0 : i32
        %get3A_636 = tpu.memref_slice %arg6[%scan3A_258, %get3A_634, %get3A_635] : memref<2x640x32xf32, #tpu.memory_space<vmem>> -> memref<1x640x32xf32, #tpu.memory_space<vmem>>
        %get3A_637 = tpu.memref_squeeze %get3A_636 : memref<1x640x32xf32, #tpu.memory_space<vmem>> -> memref<640x32xf32, #tpu.memory_space<vmem>>
        %get3A_638 = arith.index_cast %add3A_633 : i32 to index
        %get3A_639 = arith.constant 0 : index
        %get3A_640 = tpu.vector_load %get3A_637[%get3A_638, %get3A_639] {strides = array<i32>} : memref<640x32xf32, #tpu.memory_space<vmem>>, vector<16xf32>,
        %get3A_641 = arith.constant 0 : i32
        %get3A_642 = arith.constant 0 : i32
        %get3A_643 = tpu.memref_slice %arg6[%scan3A_258, %get3A_641, %get3A_642] : memref<2x640x32xf32, #tpu.memory_space<vmem>> -> memref<1x640x32xf32, #tpu.memory_space<vmem>>
        %get3A_644 = tpu.memref_squeeze %get3A_643 : memref<1x640x32xf32, #tpu.memory_space<vmem>> -> memref<640x32xf32, #tpu.memory_space<vmem>>
        %get3A_645 = arith.index_cast %add3A_633 : i32 to index
        %get3A_646 = arith.constant 16 : index
        %get3A_647 = tpu.vector_load %get3A_644[%get3A_645, %get3A_646] {strides = array<i32>} : memref<640x32xf32, #tpu.memory_space<vmem>>, vector<16xf32>,
        %broadcast_in_dim3A_648 = arith.constant 0 : i32
        %broadcast_in_dim3A_649 = vector.broadcast %broadcast_in_dim3A_648 : i32 to vector<16xi32>
        %add3A_650 = vector.broadcast %add3A_631 : i32 to vector<16xi32>
        %add3A_651 = arith.addi %broadcast_in_dim3A_649, %add3A_650 : vector<16xi32>
        %scatter3A_652 = arith.constant 0 : i32
        %scatter3A_653 = arith.constant 0 : i32
        %scatter3A_654 = arith.constant 0 : i32
        %scatter3A_655 = tpu.memref_slice %arg7[%scan3A_259, %scatter3A_652, %scatter3A_653, %scatter3A_654] : memref<2x5x32x129xf32, #tpu.memory_space<vmem>> -> memref<1x5x32x129xf32, #tpu.memory_space<vmem>>
        %scatter3A_656 = tpu.memref_squeeze %scatter3A_655 : memref<1x5x32x129xf32, #tpu.memory_space<vmem>> -> memref<5x32x129xf32, #tpu.memory_space<vmem>>
        tpu.vector_store_idx %scatter3A_656[%broadcast_in_dim3A_256, %iota3A, %add3A_651], %get3A_640 : memref<5x32x129xf32, #tpu.memory_space<vmem>>[vector<16xi32>, vector<16xi32>, vector<16xi32>], vector<16xf32>,
        %scatter3A_657 = arith.constant 0 : i32
        %scatter3A_658 = arith.constant 0 : i32
        %scatter3A_659 = arith.constant 0 : i32
        %scatter3A_660 = tpu.memref_slice %arg7[%scan3A_259, %scatter3A_657, %scatter3A_658, %scatter3A_659] : memref<2x5x32x129xf32, #tpu.memory_space<vmem>> -> memref<1x5x32x129xf32, #tpu.memory_space<vmem>>
        %scatter3A_661 = tpu.memref_squeeze %scatter3A_660 : memref<1x5x32x129xf32, #tpu.memory_space<vmem>> -> memref<5x32x129xf32, #tpu.memory_space<vmem>>
        tpu.vector_store_idx %scatter3A_661[%broadcast_in_dim3A_256, %add3A_3, %add3A_651], %get3A_647 : memref<5x32x129xf32, #tpu.memory_space<vmem>>[vector<16xi32>, vector<16xi32>, vector<16xi32>], vector<16xf32>,
        %mul3A_662 = arith.constant 8 : i32
        %mul3A_663 = arith.muli %scan3A_527, %mul3A_662 : i32
        %add3A_664 = arith.constant 4 : i32
        %add3A_665 = arith.addi %mul3A_663, %add3A_664 : i32
        %add3A_666 = arith.constant 384 : i32
        %add3A_667 = arith.addi %add3A_666, %add3A_665 : i32
        %get3A_668 = arith.constant 0 : i32
        %get3A_669 = arith.constant 0 : i32
        %get3A_670 = tpu.memref_slice %arg6[%scan3A_258, %get3A_668, %get3A_669] : memref<2x640x32xf32, #tpu.memory_space<vmem>> -> memref<1x640x32xf32, #tpu.memory_space<vmem>>
        %get3A_671 = tpu.memref_squeeze %get3A_670 : memref<1x640x32xf32, #tpu.memory_space<vmem>> -> memref<640x32xf32, #tpu.memory_space<vmem>>
        %get3A_672 = arith.index_cast %add3A_667 : i32 to index
        %get3A_673 = arith.constant 0 : index
        %get3A_674 = tpu.vector_load %get3A_671[%get3A_672, %get3A_673] {strides = array<i32>} : memref<640x32xf32, #tpu.memory_space<vmem>>, vector<16xf32>,
        %get3A_675 = arith.constant 0 : i32
        %get3A_676 = arith.constant 0 : i32
        %get3A_677 = tpu.memref_slice %arg6[%scan3A_258, %get3A_675, %get3A_676] : memref<2x640x32xf32, #tpu.memory_space<vmem>> -> memref<1x640x32xf32, #tpu.memory_space<vmem>>
        %get3A_678 = tpu.memref_squeeze %get3A_677 : memref<1x640x32xf32, #tpu.memory_space<vmem>> -> memref<640x32xf32, #tpu.memory_space<vmem>>
        %get3A_679 = arith.index_cast %add3A_667 : i32 to index
        %get3A_680 = arith.constant 16 : index
        %get3A_681 = tpu.vector_load %get3A_678[%get3A_679, %get3A_680] {strides = array<i32>} : memref<640x32xf32, #tpu.memory_space<vmem>>, vector<16xf32>,
        %broadcast_in_dim3A_682 = arith.constant 0 : i32
        %broadcast_in_dim3A_683 = vector.broadcast %broadcast_in_dim3A_682 : i32 to vector<16xi32>
        %add3A_684 = vector.broadcast %add3A_665 : i32 to vector<16xi32>
        %add3A_685 = arith.addi %broadcast_in_dim3A_683, %add3A_684 : vector<16xi32>
        %scatter3A_686 = arith.constant 0 : i32
        %scatter3A_687 = arith.constant 0 : i32
        %scatter3A_688 = arith.constant 0 : i32
        %scatter3A_689 = tpu.memref_slice %arg7[%scan3A_259, %scatter3A_686, %scatter3A_687, %scatter3A_688] : memref<2x5x32x129xf32, #tpu.memory_space<vmem>> -> memref<1x5x32x129xf32, #tpu.memory_space<vmem>>
        %scatter3A_690 = tpu.memref_squeeze %scatter3A_689 : memref<1x5x32x129xf32, #tpu.memory_space<vmem>> -> memref<5x32x129xf32, #tpu.memory_space<vmem>>
        tpu.vector_store_idx %scatter3A_690[%broadcast_in_dim3A_256, %iota3A, %add3A_685], %get3A_674 : memref<5x32x129xf32, #tpu.memory_space<vmem>>[vector<16xi32>, vector<16xi32>, vector<16xi32>], vector<16xf32>,
        %scatter3A_691 = arith.constant 0 : i32
        %scatter3A_692 = arith.constant 0 : i32
        %scatter3A_693 = arith.constant 0 : i32
        %scatter3A_694 = tpu.memref_slice %arg7[%scan3A_259, %scatter3A_691, %scatter3A_692, %scatter3A_693] : memref<2x5x32x129xf32, #tpu.memory_space<vmem>> -> memref<1x5x32x129xf32, #tpu.memory_space<vmem>>
        %scatter3A_695 = tpu.memref_squeeze %scatter3A_694 : memref<1x5x32x129xf32, #tpu.memory_space<vmem>> -> memref<5x32x129xf32, #tpu.memory_space<vmem>>
        tpu.vector_store_idx %scatter3A_695[%broadcast_in_dim3A_256, %add3A_3, %add3A_685], %get3A_681 : memref<5x32x129xf32, #tpu.memory_space<vmem>>[vector<16xi32>, vector<16xi32>, vector<16xi32>], vector<16xf32>,
        %mul3A_696 = arith.constant 8 : i32
        %mul3A_697 = arith.muli %scan3A_527, %mul3A_696 : i32
        %add3A_698 = arith.constant 5 : i32
        %add3A_699 = arith.addi %mul3A_697, %add3A_698 : i32
        %add3A_700 = arith.constant 384 : i32
        %add3A_701 = arith.addi %add3A_700, %add3A_699 : i32
        %get3A_702 = arith.constant 0 : i32
        %get3A_703 = arith.constant 0 : i32
        %get3A_704 = tpu.memref_slice %arg6[%scan3A_258, %get3A_702, %get3A_703] : memref<2x640x32xf32, #tpu.memory_space<vmem>> -> memref<1x640x32xf32, #tpu.memory_space<vmem>>
        %get3A_705 = tpu.memref_squeeze %get3A_704 : memref<1x640x32xf32, #tpu.memory_space<vmem>> -> memref<640x32xf32, #tpu.memory_space<vmem>>
        %get3A_706 = arith.index_cast %add3A_701 : i32 to index
        %get3A_707 = arith.constant 0 : index
        %get3A_708 = tpu.vector_load %get3A_705[%get3A_706, %get3A_707] {strides = array<i32>} : memref<640x32xf32, #tpu.memory_space<vmem>>, vector<16xf32>,
        %get3A_709 = arith.constant 0 : i32
        %get3A_710 = arith.constant 0 : i32
        %get3A_711 = tpu.memref_slice %arg6[%scan3A_258, %get3A_709, %get3A_710] : memref<2x640x32xf32, #tpu.memory_space<vmem>> -> memref<1x640x32xf32, #tpu.memory_space<vmem>>
        %get3A_712 = tpu.memref_squeeze %get3A_711 : memref<1x640x32xf32, #tpu.memory_space<vmem>> -> memref<640x32xf32, #tpu.memory_space<vmem>>
        %get3A_713 = arith.index_cast %add3A_701 : i32 to index
        %get3A_714 = arith.constant 16 : index
        %get3A_715 = tpu.vector_load %get3A_712[%get3A_713, %get3A_714] {strides = array<i32>} : memref<640x32xf32, #tpu.memory_space<vmem>>, vector<16xf32>,
        %broadcast_in_dim3A_716 = arith.constant 0 : i32
        %broadcast_in_dim3A_717 = vector.broadcast %broadcast_in_dim3A_716 : i32 to vector<16xi32>
        %add3A_718 = vector.broadcast %add3A_699 : i32 to vector<16xi32>
        %add3A_719 = arith.addi %broadcast_in_dim3A_717, %add3A_718 : vector<16xi32>
        %scatter3A_720 = arith.constant 0 : i32
        %scatter3A_721 = arith.constant 0 : i32
        %scatter3A_722 = arith.constant 0 : i32
        %scatter3A_723 = tpu.memref_slice %arg7[%scan3A_259, %scatter3A_720, %scatter3A_721, %scatter3A_722] : memref<2x5x32x129xf32, #tpu.memory_space<vmem>> -> memref<1x5x32x129xf32, #tpu.memory_space<vmem>>
        %scatter3A_724 = tpu.memref_squeeze %scatter3A_723 : memref<1x5x32x129xf32, #tpu.memory_space<vmem>> -> memref<5x32x129xf32, #tpu.memory_space<vmem>>
        tpu.vector_store_idx %scatter3A_724[%broadcast_in_dim3A_256, %iota3A, %add3A_719], %get3A_708 : memref<5x32x129xf32, #tpu.memory_space<vmem>>[vector<16xi32>, vector<16xi32>, vector<16xi32>], vector<16xf32>,
        %scatter3A_725 = arith.constant 0 : i32
        %scatter3A_726 = arith.constant 0 : i32
        %scatter3A_727 = arith.constant 0 : i32
        %scatter3A_728 = tpu.memref_slice %arg7[%scan3A_259, %scatter3A_725, %scatter3A_726, %scatter3A_727] : memref<2x5x32x129xf32, #tpu.memory_space<vmem>> -> memref<1x5x32x129xf32, #tpu.memory_space<vmem>>
        %scatter3A_729 = tpu.memref_squeeze %scatter3A_728 : memref<1x5x32x129xf32, #tpu.memory_space<vmem>> -> memref<5x32x129xf32, #tpu.memory_space<vmem>>
        tpu.vector_store_idx %scatter3A_729[%broadcast_in_dim3A_256, %add3A_3, %add3A_719], %get3A_715 : memref<5x32x129xf32, #tpu.memory_space<vmem>>[vector<16xi32>, vector<16xi32>, vector<16xi32>], vector<16xf32>,
        %mul3A_730 = arith.constant 8 : i32
        %mul3A_731 = arith.muli %scan3A_527, %mul3A_730 : i32
        %add3A_732 = arith.constant 6 : i32
        %add3A_733 = arith.addi %mul3A_731, %add3A_732 : i32
        %add3A_734 = arith.constant 384 : i32
        %add3A_735 = arith.addi %add3A_734, %add3A_733 : i32
        %get3A_736 = arith.constant 0 : i32
        %get3A_737 = arith.constant 0 : i32
        %get3A_738 = tpu.memref_slice %arg6[%scan3A_258, %get3A_736, %get3A_737] : memref<2x640x32xf32, #tpu.memory_space<vmem>> -> memref<1x640x32xf32, #tpu.memory_space<vmem>>
        %get3A_739 = tpu.memref_squeeze %get3A_738 : memref<1x640x32xf32, #tpu.memory_space<vmem>> -> memref<640x32xf32, #tpu.memory_space<vmem>>
        %get3A_740 = arith.index_cast %add3A_735 : i32 to index
        %get3A_741 = arith.constant 0 : index
        %get3A_742 = tpu.vector_load %get3A_739[%get3A_740, %get3A_741] {strides = array<i32>} : memref<640x32xf32, #tpu.memory_space<vmem>>, vector<16xf32>,
        %get3A_743 = arith.constant 0 : i32
        %get3A_744 = arith.constant 0 : i32
        %get3A_745 = tpu.memref_slice %arg6[%scan3A_258, %get3A_743, %get3A_744] : memref<2x640x32xf32, #tpu.memory_space<vmem>> -> memref<1x640x32xf32, #tpu.memory_space<vmem>>
        %get3A_746 = tpu.memref_squeeze %get3A_745 : memref<1x640x32xf32, #tpu.memory_space<vmem>> -> memref<640x32xf32, #tpu.memory_space<vmem>>
        %get3A_747 = arith.index_cast %add3A_735 : i32 to index
        %get3A_748 = arith.constant 16 : index
        %get3A_749 = tpu.vector_load %get3A_746[%get3A_747, %get3A_748] {strides = array<i32>} : memref<640x32xf32, #tpu.memory_space<vmem>>, vector<16xf32>,
        %broadcast_in_dim3A_750 = arith.constant 0 : i32
        %broadcast_in_dim3A_751 = vector.broadcast %broadcast_in_dim3A_750 : i32 to vector<16xi32>
        %add3A_752 = vector.broadcast %add3A_733 : i32 to vector<16xi32>
        %add3A_753 = arith.addi %broadcast_in_dim3A_751, %add3A_752 : vector<16xi32>
        %scatter3A_754 = arith.constant 0 : i32
        %scatter3A_755 = arith.constant 0 : i32
        %scatter3A_756 = arith.constant 0 : i32
        %scatter3A_757 = tpu.memref_slice %arg7[%scan3A_259, %scatter3A_754, %scatter3A_755, %scatter3A_756] : memref<2x5x32x129xf32, #tpu.memory_space<vmem>> -> memref<1x5x32x129xf32, #tpu.memory_space<vmem>>
        %scatter3A_758 = tpu.memref_squeeze %scatter3A_757 : memref<1x5x32x129xf32, #tpu.memory_space<vmem>> -> memref<5x32x129xf32, #tpu.memory_space<vmem>>
        tpu.vector_store_idx %scatter3A_758[%broadcast_in_dim3A_256, %iota3A, %add3A_753], %get3A_742 : memref<5x32x129xf32, #tpu.memory_space<vmem>>[vector<16xi32>, vector<16xi32>, vector<16xi32>], vector<16xf32>,
        %scatter3A_759 = arith.constant 0 : i32
        %scatter3A_760 = arith.constant 0 : i32
        %scatter3A_761 = arith.constant 0 : i32
        %scatter3A_762 = tpu.memref_slice %arg7[%scan3A_259, %scatter3A_759, %scatter3A_760, %scatter3A_761] : memref<2x5x32x129xf32, #tpu.memory_space<vmem>> -> memref<1x5x32x129xf32, #tpu.memory_space<vmem>>
        %scatter3A_763 = tpu.memref_squeeze %scatter3A_762 : memref<1x5x32x129xf32, #tpu.memory_space<vmem>> -> memref<5x32x129xf32, #tpu.memory_space<vmem>>
        tpu.vector_store_idx %scatter3A_763[%broadcast_in_dim3A_256, %add3A_3, %add3A_753], %get3A_749 : memref<5x32x129xf32, #tpu.memory_space<vmem>>[vector<16xi32>, vector<16xi32>, vector<16xi32>], vector<16xf32>,
        %mul3A_764 = arith.constant 8 : i32
        %mul3A_765 = arith.muli %scan3A_527, %mul3A_764 : i32
        %add3A_766 = arith.constant 7 : i32
        %add3A_767 = arith.addi %mul3A_765, %add3A_766 : i32
        %add3A_768 = arith.constant 384 : i32
        %add3A_769 = arith.addi %add3A_768, %add3A_767 : i32
        %get3A_770 = arith.constant 0 : i32
        %get3A_771 = arith.constant 0 : i32
        %get3A_772 = tpu.memref_slice %arg6[%scan3A_258, %get3A_770, %get3A_771] : memref<2x640x32xf32, #tpu.memory_space<vmem>> -> memref<1x640x32xf32, #tpu.memory_space<vmem>>
        %get3A_773 = tpu.memref_squeeze %get3A_772 : memref<1x640x32xf32, #tpu.memory_space<vmem>> -> memref<640x32xf32, #tpu.memory_space<vmem>>
        %get3A_774 = arith.index_cast %add3A_769 : i32 to index
        %get3A_775 = arith.constant 0 : index
        %get3A_776 = tpu.vector_load %get3A_773[%get3A_774, %get3A_775] {strides = array<i32>} : memref<640x32xf32, #tpu.memory_space<vmem>>, vector<16xf32>,
        %get3A_777 = arith.constant 0 : i32
        %get3A_778 = arith.constant 0 : i32
        %get3A_779 = tpu.memref_slice %arg6[%scan3A_258, %get3A_777, %get3A_778] : memref<2x640x32xf32, #tpu.memory_space<vmem>> -> memref<1x640x32xf32, #tpu.memory_space<vmem>>
        %get3A_780 = tpu.memref_squeeze %get3A_779 : memref<1x640x32xf32, #tpu.memory_space<vmem>> -> memref<640x32xf32, #tpu.memory_space<vmem>>
        %get3A_781 = arith.index_cast %add3A_769 : i32 to index
        %get3A_782 = arith.constant 16 : index
        %get3A_783 = tpu.vector_load %get3A_780[%get3A_781, %get3A_782] {strides = array<i32>} : memref<640x32xf32, #tpu.memory_space<vmem>>, vector<16xf32>,
        %broadcast_in_dim3A_784 = arith.constant 0 : i32
        %broadcast_in_dim3A_785 = vector.broadcast %broadcast_in_dim3A_784 : i32 to vector<16xi32>
        %add3A_786 = vector.broadcast %add3A_767 : i32 to vector<16xi32>
        %add3A_787 = arith.addi %broadcast_in_dim3A_785, %add3A_786 : vector<16xi32>
        %scatter3A_788 = arith.constant 0 : i32
        %scatter3A_789 = arith.constant 0 : i32
        %scatter3A_790 = arith.constant 0 : i32
        %scatter3A_791 = tpu.memref_slice %arg7[%scan3A_259, %scatter3A_788, %scatter3A_789, %scatter3A_790] : memref<2x5x32x129xf32, #tpu.memory_space<vmem>> -> memref<1x5x32x129xf32, #tpu.memory_space<vmem>>
        %scatter3A_792 = tpu.memref_squeeze %scatter3A_791 : memref<1x5x32x129xf32, #tpu.memory_space<vmem>> -> memref<5x32x129xf32, #tpu.memory_space<vmem>>
        tpu.vector_store_idx %scatter3A_792[%broadcast_in_dim3A_256, %iota3A, %add3A_787], %get3A_776 : memref<5x32x129xf32, #tpu.memory_space<vmem>>[vector<16xi32>, vector<16xi32>, vector<16xi32>], vector<16xf32>,
        %scatter3A_793 = arith.constant 0 : i32
        %scatter3A_794 = arith.constant 0 : i32
        %scatter3A_795 = arith.constant 0 : i32
        %scatter3A_796 = tpu.memref_slice %arg7[%scan3A_259, %scatter3A_793, %scatter3A_794, %scatter3A_795] : memref<2x5x32x129xf32, #tpu.memory_space<vmem>> -> memref<1x5x32x129xf32, #tpu.memory_space<vmem>>
        %scatter3A_797 = tpu.memref_squeeze %scatter3A_796 : memref<1x5x32x129xf32, #tpu.memory_space<vmem>> -> memref<5x32x129xf32, #tpu.memory_space<vmem>>
        tpu.vector_store_idx %scatter3A_797[%broadcast_in_dim3A_256, %add3A_3, %add3A_787], %get3A_783 : memref<5x32x129xf32, #tpu.memory_space<vmem>>[vector<16xi32>, vector<16xi32>, vector<16xi32>], vector<16xf32>,
      }
      %scan3A_264 = arith.constant 16 : i32
      %broadcast_in_dim3A_265 = arith.constant 4 : i32
      %broadcast_in_dim3A_266 = vector.broadcast %broadcast_in_dim3A_265 : i32 to vector<16xi32>
      %scan3A_267 = arith.constant 0 : i32
      %scan3A_268 = arith.constant 0 : i32
      %scan3A_269 = arith.constant 0 : i32
      %scan3A_270 = arith.constant 0 : i32
      %scan3A_271 = arith.constant 16 : i32
      %scan3A_272 = arith.addi %scan3A_270, %scan3A_271 : i32
      %scan3A_273 = arith.constant 1 : i32
      scf.for %scan3A_527 = %scan3A_270 to %scan3A_272 step %scan3A_273  : i32 {
        %mul3A_528 = arith.constant 8 : i32
        %mul3A_529 = arith.muli %scan3A_527, %mul3A_528 : i32
        %add3A_530 = arith.constant 0 : i32
        %add3A_531 = arith.addi %mul3A_529, %add3A_530 : i32
        %add3A_532 = arith.constant 512 : i32
        %add3A_533 = arith.addi %add3A_532, %add3A_531 : i32
        %get3A = arith.constant 0 : i32
        %get3A_534 = arith.constant 0 : i32
        %get3A_535 = tpu.memref_slice %arg6[%scan3A_268, %get3A, %get3A_534] : memref<2x640x32xf32, #tpu.memory_space<vmem>> -> memref<1x640x32xf32, #tpu.memory_space<vmem>>
        %get3A_536 = tpu.memref_squeeze %get3A_535 : memref<1x640x32xf32, #tpu.memory_space<vmem>> -> memref<640x32xf32, #tpu.memory_space<vmem>>
        %get3A_537 = arith.index_cast %add3A_533 : i32 to index
        %get3A_538 = arith.constant 0 : index
        %get3A_539 = tpu.vector_load %get3A_536[%get3A_537, %get3A_538] {strides = array<i32>} : memref<640x32xf32, #tpu.memory_space<vmem>>, vector<16xf32>,
        %get3A_540 = arith.constant 0 : i32
        %get3A_541 = arith.constant 0 : i32
        %get3A_542 = tpu.memref_slice %arg6[%scan3A_268, %get3A_540, %get3A_541] : memref<2x640x32xf32, #tpu.memory_space<vmem>> -> memref<1x640x32xf32, #tpu.memory_space<vmem>>
        %get3A_543 = tpu.memref_squeeze %get3A_542 : memref<1x640x32xf32, #tpu.memory_space<vmem>> -> memref<640x32xf32, #tpu.memory_space<vmem>>
        %get3A_544 = arith.index_cast %add3A_533 : i32 to index
        %get3A_545 = arith.constant 16 : index
        %get3A_546 = tpu.vector_load %get3A_543[%get3A_544, %get3A_545] {strides = array<i32>} : memref<640x32xf32, #tpu.memory_space<vmem>>, vector<16xf32>,
        %broadcast_in_dim3A_547 = arith.constant 0 : i32
        %broadcast_in_dim3A_548 = vector.broadcast %broadcast_in_dim3A_547 : i32 to vector<16xi32>
        %add3A_549 = vector.broadcast %add3A_531 : i32 to vector<16xi32>
        %add3A_550 = arith.addi %broadcast_in_dim3A_548, %add3A_549 : vector<16xi32>
        %scatter3A = arith.constant 0 : i32
        %scatter3A_551 = arith.constant 0 : i32
        %scatter3A_552 = arith.constant 0 : i32
        %scatter3A_553 = tpu.memref_slice %arg7[%scan3A_269, %scatter3A, %scatter3A_551, %scatter3A_552] : memref<2x5x32x129xf32, #tpu.memory_space<vmem>> -> memref<1x5x32x129xf32, #tpu.memory_space<vmem>>
        %scatter3A_554 = tpu.memref_squeeze %scatter3A_553 : memref<1x5x32x129xf32, #tpu.memory_space<vmem>> -> memref<5x32x129xf32, #tpu.memory_space<vmem>>
        tpu.vector_store_idx %scatter3A_554[%broadcast_in_dim3A_266, %iota3A, %add3A_550], %get3A_539 : memref<5x32x129xf32, #tpu.memory_space<vmem>>[vector<16xi32>, vector<16xi32>, vector<16xi32>], vector<16xf32>,
        %scatter3A_555 = arith.constant 0 : i32
        %scatter3A_556 = arith.constant 0 : i32
        %scatter3A_557 = arith.constant 0 : i32
        %scatter3A_558 = tpu.memref_slice %arg7[%scan3A_269, %scatter3A_555, %scatter3A_556, %scatter3A_557] : memref<2x5x32x129xf32, #tpu.memory_space<vmem>> -> memref<1x5x32x129xf32, #tpu.memory_space<vmem>>
        %scatter3A_559 = tpu.memref_squeeze %scatter3A_558 : memref<1x5x32x129xf32, #tpu.memory_space<vmem>> -> memref<5x32x129xf32, #tpu.memory_space<vmem>>
        tpu.vector_store_idx %scatter3A_559[%broadcast_in_dim3A_266, %add3A_3, %add3A_550], %get3A_546 : memref<5x32x129xf32, #tpu.memory_space<vmem>>[vector<16xi32>, vector<16xi32>, vector<16xi32>], vector<16xf32>,
        %mul3A_560 = arith.constant 8 : i32
        %mul3A_561 = arith.muli %scan3A_527, %mul3A_560 : i32
        %add3A_562 = arith.constant 1 : i32
        %add3A_563 = arith.addi %mul3A_561, %add3A_562 : i32
        %add3A_564 = arith.constant 512 : i32
        %add3A_565 = arith.addi %add3A_564, %add3A_563 : i32
        %get3A_566 = arith.constant 0 : i32
        %get3A_567 = arith.constant 0 : i32
        %get3A_568 = tpu.memref_slice %arg6[%scan3A_268, %get3A_566, %get3A_567] : memref<2x640x32xf32, #tpu.memory_space<vmem>> -> memref<1x640x32xf32, #tpu.memory_space<vmem>>
        %get3A_569 = tpu.memref_squeeze %get3A_568 : memref<1x640x32xf32, #tpu.memory_space<vmem>> -> memref<640x32xf32, #tpu.memory_space<vmem>>
        %get3A_570 = arith.index_cast %add3A_565 : i32 to index
        %get3A_571 = arith.constant 0 : index
        %get3A_572 = tpu.vector_load %get3A_569[%get3A_570, %get3A_571] {strides = array<i32>} : memref<640x32xf32, #tpu.memory_space<vmem>>, vector<16xf32>,
        %get3A_573 = arith.constant 0 : i32
        %get3A_574 = arith.constant 0 : i32
        %get3A_575 = tpu.memref_slice %arg6[%scan3A_268, %get3A_573, %get3A_574] : memref<2x640x32xf32, #tpu.memory_space<vmem>> -> memref<1x640x32xf32, #tpu.memory_space<vmem>>
        %get3A_576 = tpu.memref_squeeze %get3A_575 : memref<1x640x32xf32, #tpu.memory_space<vmem>> -> memref<640x32xf32, #tpu.memory_space<vmem>>
        %get3A_577 = arith.index_cast %add3A_565 : i32 to index
        %get3A_578 = arith.constant 16 : index
        %get3A_579 = tpu.vector_load %get3A_576[%get3A_577, %get3A_578] {strides = array<i32>} : memref<640x32xf32, #tpu.memory_space<vmem>>, vector<16xf32>,
        %broadcast_in_dim3A_580 = arith.constant 0 : i32
        %broadcast_in_dim3A_581 = vector.broadcast %broadcast_in_dim3A_580 : i32 to vector<16xi32>
        %add3A_582 = vector.broadcast %add3A_563 : i32 to vector<16xi32>
        %add3A_583 = arith.addi %broadcast_in_dim3A_581, %add3A_582 : vector<16xi32>
        %scatter3A_584 = arith.constant 0 : i32
        %scatter3A_585 = arith.constant 0 : i32
        %scatter3A_586 = arith.constant 0 : i32
        %scatter3A_587 = tpu.memref_slice %arg7[%scan3A_269, %scatter3A_584, %scatter3A_585, %scatter3A_586] : memref<2x5x32x129xf32, #tpu.memory_space<vmem>> -> memref<1x5x32x129xf32, #tpu.memory_space<vmem>>
        %scatter3A_588 = tpu.memref_squeeze %scatter3A_587 : memref<1x5x32x129xf32, #tpu.memory_space<vmem>> -> memref<5x32x129xf32, #tpu.memory_space<vmem>>
        tpu.vector_store_idx %scatter3A_588[%broadcast_in_dim3A_266, %iota3A, %add3A_583], %get3A_572 : memref<5x32x129xf32, #tpu.memory_space<vmem>>[vector<16xi32>, vector<16xi32>, vector<16xi32>], vector<16xf32>,
        %scatter3A_589 = arith.constant 0 : i32
        %scatter3A_590 = arith.constant 0 : i32
        %scatter3A_591 = arith.constant 0 : i32
        %scatter3A_592 = tpu.memref_slice %arg7[%scan3A_269, %scatter3A_589, %scatter3A_590, %scatter3A_591] : memref<2x5x32x129xf32, #tpu.memory_space<vmem>> -> memref<1x5x32x129xf32, #tpu.memory_space<vmem>>
        %scatter3A_593 = tpu.memref_squeeze %scatter3A_592 : memref<1x5x32x129xf32, #tpu.memory_space<vmem>> -> memref<5x32x129xf32, #tpu.memory_space<vmem>>
        tpu.vector_store_idx %scatter3A_593[%broadcast_in_dim3A_266, %add3A_3, %add3A_583], %get3A_579 : memref<5x32x129xf32, #tpu.memory_space<vmem>>[vector<16xi32>, vector<16xi32>, vector<16xi32>], vector<16xf32>,
        %mul3A_594 = arith.constant 8 : i32
        %mul3A_595 = arith.muli %scan3A_527, %mul3A_594 : i32
        %add3A_596 = arith.constant 2 : i32
        %add3A_597 = arith.addi %mul3A_595, %add3A_596 : i32
        %add3A_598 = arith.constant 512 : i32
        %add3A_599 = arith.addi %add3A_598, %add3A_597 : i32
        %get3A_600 = arith.constant 0 : i32
        %get3A_601 = arith.constant 0 : i32
        %get3A_602 = tpu.memref_slice %arg6[%scan3A_268, %get3A_600, %get3A_601] : memref<2x640x32xf32, #tpu.memory_space<vmem>> -> memref<1x640x32xf32, #tpu.memory_space<vmem>>
        %get3A_603 = tpu.memref_squeeze %get3A_602 : memref<1x640x32xf32, #tpu.memory_space<vmem>> -> memref<640x32xf32, #tpu.memory_space<vmem>>
        %get3A_604 = arith.index_cast %add3A_599 : i32 to index
        %get3A_605 = arith.constant 0 : index
        %get3A_606 = tpu.vector_load %get3A_603[%get3A_604, %get3A_605] {strides = array<i32>} : memref<640x32xf32, #tpu.memory_space<vmem>>, vector<16xf32>,
        %get3A_607 = arith.constant 0 : i32
        %get3A_608 = arith.constant 0 : i32
        %get3A_609 = tpu.memref_slice %arg6[%scan3A_268, %get3A_607, %get3A_608] : memref<2x640x32xf32, #tpu.memory_space<vmem>> -> memref<1x640x32xf32, #tpu.memory_space<vmem>>
        %get3A_610 = tpu.memref_squeeze %get3A_609 : memref<1x640x32xf32, #tpu.memory_space<vmem>> -> memref<640x32xf32, #tpu.memory_space<vmem>>
        %get3A_611 = arith.index_cast %add3A_599 : i32 to index
        %get3A_612 = arith.constant 16 : index
        %get3A_613 = tpu.vector_load %get3A_610[%get3A_611, %get3A_612] {strides = array<i32>} : memref<640x32xf32, #tpu.memory_space<vmem>>, vector<16xf32>,
        %broadcast_in_dim3A_614 = arith.constant 0 : i32
        %broadcast_in_dim3A_615 = vector.broadcast %broadcast_in_dim3A_614 : i32 to vector<16xi32>
        %add3A_616 = vector.broadcast %add3A_597 : i32 to vector<16xi32>
        %add3A_617 = arith.addi %broadcast_in_dim3A_615, %add3A_616 : vector<16xi32>
        %scatter3A_618 = arith.constant 0 : i32
        %scatter3A_619 = arith.constant 0 : i32
        %scatter3A_620 = arith.constant 0 : i32
        %scatter3A_621 = tpu.memref_slice %arg7[%scan3A_269, %scatter3A_618, %scatter3A_619, %scatter3A_620] : memref<2x5x32x129xf32, #tpu.memory_space<vmem>> -> memref<1x5x32x129xf32, #tpu.memory_space<vmem>>
        %scatter3A_622 = tpu.memref_squeeze %scatter3A_621 : memref<1x5x32x129xf32, #tpu.memory_space<vmem>> -> memref<5x32x129xf32, #tpu.memory_space<vmem>>
        tpu.vector_store_idx %scatter3A_622[%broadcast_in_dim3A_266, %iota3A, %add3A_617], %get3A_606 : memref<5x32x129xf32, #tpu.memory_space<vmem>>[vector<16xi32>, vector<16xi32>, vector<16xi32>], vector<16xf32>,
        %scatter3A_623 = arith.constant 0 : i32
        %scatter3A_624 = arith.constant 0 : i32
        %scatter3A_625 = arith.constant 0 : i32
        %scatter3A_626 = tpu.memref_slice %arg7[%scan3A_269, %scatter3A_623, %scatter3A_624, %scatter3A_625] : memref<2x5x32x129xf32, #tpu.memory_space<vmem>> -> memref<1x5x32x129xf32, #tpu.memory_space<vmem>>
        %scatter3A_627 = tpu.memref_squeeze %scatter3A_626 : memref<1x5x32x129xf32, #tpu.memory_space<vmem>> -> memref<5x32x129xf32, #tpu.memory_space<vmem>>
        tpu.vector_store_idx %scatter3A_627[%broadcast_in_dim3A_266, %add3A_3, %add3A_617], %get3A_613 : memref<5x32x129xf32, #tpu.memory_space<vmem>>[vector<16xi32>, vector<16xi32>, vector<16xi32>], vector<16xf32>,
        %mul3A_628 = arith.constant 8 : i32
        %mul3A_629 = arith.muli %scan3A_527, %mul3A_628 : i32
        %add3A_630 = arith.constant 3 : i32
        %add3A_631 = arith.addi %mul3A_629, %add3A_630 : i32
        %add3A_632 = arith.constant 512 : i32
        %add3A_633 = arith.addi %add3A_632, %add3A_631 : i32
        %get3A_634 = arith.constant 0 : i32
        %get3A_635 = arith.constant 0 : i32
        %get3A_636 = tpu.memref_slice %arg6[%scan3A_268, %get3A_634, %get3A_635] : memref<2x640x32xf32, #tpu.memory_space<vmem>> -> memref<1x640x32xf32, #tpu.memory_space<vmem>>
        %get3A_637 = tpu.memref_squeeze %get3A_636 : memref<1x640x32xf32, #tpu.memory_space<vmem>> -> memref<640x32xf32, #tpu.memory_space<vmem>>
        %get3A_638 = arith.index_cast %add3A_633 : i32 to index
        %get3A_639 = arith.constant 0 : index
        %get3A_640 = tpu.vector_load %get3A_637[%get3A_638, %get3A_639] {strides = array<i32>} : memref<640x32xf32, #tpu.memory_space<vmem>>, vector<16xf32>,
        %get3A_641 = arith.constant 0 : i32
        %get3A_642 = arith.constant 0 : i32
        %get3A_643 = tpu.memref_slice %arg6[%scan3A_268, %get3A_641, %get3A_642] : memref<2x640x32xf32, #tpu.memory_space<vmem>> -> memref<1x640x32xf32, #tpu.memory_space<vmem>>
        %get3A_644 = tpu.memref_squeeze %get3A_643 : memref<1x640x32xf32, #tpu.memory_space<vmem>> -> memref<640x32xf32, #tpu.memory_space<vmem>>
        %get3A_645 = arith.index_cast %add3A_633 : i32 to index
        %get3A_646 = arith.constant 16 : index
        %get3A_647 = tpu.vector_load %get3A_644[%get3A_645, %get3A_646] {strides = array<i32>} : memref<640x32xf32, #tpu.memory_space<vmem>>, vector<16xf32>,
        %broadcast_in_dim3A_648 = arith.constant 0 : i32
        %broadcast_in_dim3A_649 = vector.broadcast %broadcast_in_dim3A_648 : i32 to vector<16xi32>
        %add3A_650 = vector.broadcast %add3A_631 : i32 to vector<16xi32>
        %add3A_651 = arith.addi %broadcast_in_dim3A_649, %add3A_650 : vector<16xi32>
        %scatter3A_652 = arith.constant 0 : i32
        %scatter3A_653 = arith.constant 0 : i32
        %scatter3A_654 = arith.constant 0 : i32
        %scatter3A_655 = tpu.memref_slice %arg7[%scan3A_269, %scatter3A_652, %scatter3A_653, %scatter3A_654] : memref<2x5x32x129xf32, #tpu.memory_space<vmem>> -> memref<1x5x32x129xf32, #tpu.memory_space<vmem>>
        %scatter3A_656 = tpu.memref_squeeze %scatter3A_655 : memref<1x5x32x129xf32, #tpu.memory_space<vmem>> -> memref<5x32x129xf32, #tpu.memory_space<vmem>>
        tpu.vector_store_idx %scatter3A_656[%broadcast_in_dim3A_266, %iota3A, %add3A_651], %get3A_640 : memref<5x32x129xf32, #tpu.memory_space<vmem>>[vector<16xi32>, vector<16xi32>, vector<16xi32>], vector<16xf32>,
        %scatter3A_657 = arith.constant 0 : i32
        %scatter3A_658 = arith.constant 0 : i32
        %scatter3A_659 = arith.constant 0 : i32
        %scatter3A_660 = tpu.memref_slice %arg7[%scan3A_269, %scatter3A_657, %scatter3A_658, %scatter3A_659] : memref<2x5x32x129xf32, #tpu.memory_space<vmem>> -> memref<1x5x32x129xf32, #tpu.memory_space<vmem>>
        %scatter3A_661 = tpu.memref_squeeze %scatter3A_660 : memref<1x5x32x129xf32, #tpu.memory_space<vmem>> -> memref<5x32x129xf32, #tpu.memory_space<vmem>>
        tpu.vector_store_idx %scatter3A_661[%broadcast_in_dim3A_266, %add3A_3, %add3A_651], %get3A_647 : memref<5x32x129xf32, #tpu.memory_space<vmem>>[vector<16xi32>, vector<16xi32>, vector<16xi32>], vector<16xf32>,
        %mul3A_662 = arith.constant 8 : i32
        %mul3A_663 = arith.muli %scan3A_527, %mul3A_662 : i32
        %add3A_664 = arith.constant 4 : i32
        %add3A_665 = arith.addi %mul3A_663, %add3A_664 : i32
        %add3A_666 = arith.constant 512 : i32
        %add3A_667 = arith.addi %add3A_666, %add3A_665 : i32
        %get3A_668 = arith.constant 0 : i32
        %get3A_669 = arith.constant 0 : i32
        %get3A_670 = tpu.memref_slice %arg6[%scan3A_268, %get3A_668, %get3A_669] : memref<2x640x32xf32, #tpu.memory_space<vmem>> -> memref<1x640x32xf32, #tpu.memory_space<vmem>>
        %get3A_671 = tpu.memref_squeeze %get3A_670 : memref<1x640x32xf32, #tpu.memory_space<vmem>> -> memref<640x32xf32, #tpu.memory_space<vmem>>
        %get3A_672 = arith.index_cast %add3A_667 : i32 to index
        %get3A_673 = arith.constant 0 : index
        %get3A_674 = tpu.vector_load %get3A_671[%get3A_672, %get3A_673] {strides = array<i32>} : memref<640x32xf32, #tpu.memory_space<vmem>>, vector<16xf32>,
        %get3A_675 = arith.constant 0 : i32
        %get3A_676 = arith.constant 0 : i32
        %get3A_677 = tpu.memref_slice %arg6[%scan3A_268, %get3A_675, %get3A_676] : memref<2x640x32xf32, #tpu.memory_space<vmem>> -> memref<1x640x32xf32, #tpu.memory_space<vmem>>
        %get3A_678 = tpu.memref_squeeze %get3A_677 : memref<1x640x32xf32, #tpu.memory_space<vmem>> -> memref<640x32xf32, #tpu.memory_space<vmem>>
        %get3A_679 = arith.index_cast %add3A_667 : i32 to index
        %get3A_680 = arith.constant 16 : index
        %get3A_681 = tpu.vector_load %get3A_678[%get3A_679, %get3A_680] {strides = array<i32>} : memref<640x32xf32, #tpu.memory_space<vmem>>, vector<16xf32>,
        %broadcast_in_dim3A_682 = arith.constant 0 : i32
        %broadcast_in_dim3A_683 = vector.broadcast %broadcast_in_dim3A_682 : i32 to vector<16xi32>
        %add3A_684 = vector.broadcast %add3A_665 : i32 to vector<16xi32>
        %add3A_685 = arith.addi %broadcast_in_dim3A_683, %add3A_684 : vector<16xi32>
        %scatter3A_686 = arith.constant 0 : i32
        %scatter3A_687 = arith.constant 0 : i32
        %scatter3A_688 = arith.constant 0 : i32
        %scatter3A_689 = tpu.memref_slice %arg7[%scan3A_269, %scatter3A_686, %scatter3A_687, %scatter3A_688] : memref<2x5x32x129xf32, #tpu.memory_space<vmem>> -> memref<1x5x32x129xf32, #tpu.memory_space<vmem>>
        %scatter3A_690 = tpu.memref_squeeze %scatter3A_689 : memref<1x5x32x129xf32, #tpu.memory_space<vmem>> -> memref<5x32x129xf32, #tpu.memory_space<vmem>>
        tpu.vector_store_idx %scatter3A_690[%broadcast_in_dim3A_266, %iota3A, %add3A_685], %get3A_674 : memref<5x32x129xf32, #tpu.memory_space<vmem>>[vector<16xi32>, vector<16xi32>, vector<16xi32>], vector<16xf32>,
        %scatter3A_691 = arith.constant 0 : i32
        %scatter3A_692 = arith.constant 0 : i32
        %scatter3A_693 = arith.constant 0 : i32
        %scatter3A_694 = tpu.memref_slice %arg7[%scan3A_269, %scatter3A_691, %scatter3A_692, %scatter3A_693] : memref<2x5x32x129xf32, #tpu.memory_space<vmem>> -> memref<1x5x32x129xf32, #tpu.memory_space<vmem>>
        %scatter3A_695 = tpu.memref_squeeze %scatter3A_694 : memref<1x5x32x129xf32, #tpu.memory_space<vmem>> -> memref<5x32x129xf32, #tpu.memory_space<vmem>>
        tpu.vector_store_idx %scatter3A_695[%broadcast_in_dim3A_266, %add3A_3, %add3A_685], %get3A_681 : memref<5x32x129xf32, #tpu.memory_space<vmem>>[vector<16xi32>, vector<16xi32>, vector<16xi32>], vector<16xf32>,
        %mul3A_696 = arith.constant 8 : i32
        %mul3A_697 = arith.muli %scan3A_527, %mul3A_696 : i32
        %add3A_698 = arith.constant 5 : i32
        %add3A_699 = arith.addi %mul3A_697, %add3A_698 : i32
        %add3A_700 = arith.constant 512 : i32
        %add3A_701 = arith.addi %add3A_700, %add3A_699 : i32
        %get3A_702 = arith.constant 0 : i32
        %get3A_703 = arith.constant 0 : i32
        %get3A_704 = tpu.memref_slice %arg6[%scan3A_268, %get3A_702, %get3A_703] : memref<2x640x32xf32, #tpu.memory_space<vmem>> -> memref<1x640x32xf32, #tpu.memory_space<vmem>>
        %get3A_705 = tpu.memref_squeeze %get3A_704 : memref<1x640x32xf32, #tpu.memory_space<vmem>> -> memref<640x32xf32, #tpu.memory_space<vmem>>
        %get3A_706 = arith.index_cast %add3A_701 : i32 to index
        %get3A_707 = arith.constant 0 : index
        %get3A_708 = tpu.vector_load %get3A_705[%get3A_706, %get3A_707] {strides = array<i32>} : memref<640x32xf32, #tpu.memory_space<vmem>>, vector<16xf32>,
        %get3A_709 = arith.constant 0 : i32
        %get3A_710 = arith.constant 0 : i32
        %get3A_711 = tpu.memref_slice %arg6[%scan3A_268, %get3A_709, %get3A_710] : memref<2x640x32xf32, #tpu.memory_space<vmem>> -> memref<1x640x32xf32, #tpu.memory_space<vmem>>
        %get3A_712 = tpu.memref_squeeze %get3A_711 : memref<1x640x32xf32, #tpu.memory_space<vmem>> -> memref<640x32xf32, #tpu.memory_space<vmem>>
        %get3A_713 = arith.index_cast %add3A_701 : i32 to index
        %get3A_714 = arith.constant 16 : index
        %get3A_715 = tpu.vector_load %get3A_712[%get3A_713, %get3A_714] {strides = array<i32>} : memref<640x32xf32, #tpu.memory_space<vmem>>, vector<16xf32>,
        %broadcast_in_dim3A_716 = arith.constant 0 : i32
        %broadcast_in_dim3A_717 = vector.broadcast %broadcast_in_dim3A_716 : i32 to vector<16xi32>
        %add3A_718 = vector.broadcast %add3A_699 : i32 to vector<16xi32>
        %add3A_719 = arith.addi %broadcast_in_dim3A_717, %add3A_718 : vector<16xi32>
        %scatter3A_720 = arith.constant 0 : i32
        %scatter3A_721 = arith.constant 0 : i32
        %scatter3A_722 = arith.constant 0 : i32
        %scatter3A_723 = tpu.memref_slice %arg7[%scan3A_269, %scatter3A_720, %scatter3A_721, %scatter3A_722] : memref<2x5x32x129xf32, #tpu.memory_space<vmem>> -> memref<1x5x32x129xf32, #tpu.memory_space<vmem>>
        %scatter3A_724 = tpu.memref_squeeze %scatter3A_723 : memref<1x5x32x129xf32, #tpu.memory_space<vmem>> -> memref<5x32x129xf32, #tpu.memory_space<vmem>>
        tpu.vector_store_idx %scatter3A_724[%broadcast_in_dim3A_266, %iota3A, %add3A_719], %get3A_708 : memref<5x32x129xf32, #tpu.memory_space<vmem>>[vector<16xi32>, vector<16xi32>, vector<16xi32>], vector<16xf32>,
        %scatter3A_725 = arith.constant 0 : i32
        %scatter3A_726 = arith.constant 0 : i32
        %scatter3A_727 = arith.constant 0 : i32
        %scatter3A_728 = tpu.memref_slice %arg7[%scan3A_269, %scatter3A_725, %scatter3A_726, %scatter3A_727] : memref<2x5x32x129xf32, #tpu.memory_space<vmem>> -> memref<1x5x32x129xf32, #tpu.memory_space<vmem>>
        %scatter3A_729 = tpu.memref_squeeze %scatter3A_728 : memref<1x5x32x129xf32, #tpu.memory_space<vmem>> -> memref<5x32x129xf32, #tpu.memory_space<vmem>>
        tpu.vector_store_idx %scatter3A_729[%broadcast_in_dim3A_266, %add3A_3, %add3A_719], %get3A_715 : memref<5x32x129xf32, #tpu.memory_space<vmem>>[vector<16xi32>, vector<16xi32>, vector<16xi32>], vector<16xf32>,
        %mul3A_730 = arith.constant 8 : i32
        %mul3A_731 = arith.muli %scan3A_527, %mul3A_730 : i32
        %add3A_732 = arith.constant 6 : i32
        %add3A_733 = arith.addi %mul3A_731, %add3A_732 : i32
        %add3A_734 = arith.constant 512 : i32
        %add3A_735 = arith.addi %add3A_734, %add3A_733 : i32
        %get3A_736 = arith.constant 0 : i32
        %get3A_737 = arith.constant 0 : i32
        %get3A_738 = tpu.memref_slice %arg6[%scan3A_268, %get3A_736, %get3A_737] : memref<2x640x32xf32, #tpu.memory_space<vmem>> -> memref<1x640x32xf32, #tpu.memory_space<vmem>>
        %get3A_739 = tpu.memref_squeeze %get3A_738 : memref<1x640x32xf32, #tpu.memory_space<vmem>> -> memref<640x32xf32, #tpu.memory_space<vmem>>
        %get3A_740 = arith.index_cast %add3A_735 : i32 to index
        %get3A_741 = arith.constant 0 : index
        %get3A_742 = tpu.vector_load %get3A_739[%get3A_740, %get3A_741] {strides = array<i32>} : memref<640x32xf32, #tpu.memory_space<vmem>>, vector<16xf32>,
        %get3A_743 = arith.constant 0 : i32
        %get3A_744 = arith.constant 0 : i32
        %get3A_745 = tpu.memref_slice %arg6[%scan3A_268, %get3A_743, %get3A_744] : memref<2x640x32xf32, #tpu.memory_space<vmem>> -> memref<1x640x32xf32, #tpu.memory_space<vmem>>
        %get3A_746 = tpu.memref_squeeze %get3A_745 : memref<1x640x32xf32, #tpu.memory_space<vmem>> -> memref<640x32xf32, #tpu.memory_space<vmem>>
        %get3A_747 = arith.index_cast %add3A_735 : i32 to index
        %get3A_748 = arith.constant 16 : index
        %get3A_749 = tpu.vector_load %get3A_746[%get3A_747, %get3A_748] {strides = array<i32>} : memref<640x32xf32, #tpu.memory_space<vmem>>, vector<16xf32>,
        %broadcast_in_dim3A_750 = arith.constant 0 : i32
        %broadcast_in_dim3A_751 = vector.broadcast %broadcast_in_dim3A_750 : i32 to vector<16xi32>
        %add3A_752 = vector.broadcast %add3A_733 : i32 to vector<16xi32>
        %add3A_753 = arith.addi %broadcast_in_dim3A_751, %add3A_752 : vector<16xi32>
        %scatter3A_754 = arith.constant 0 : i32
        %scatter3A_755 = arith.constant 0 : i32
        %scatter3A_756 = arith.constant 0 : i32
        %scatter3A_757 = tpu.memref_slice %arg7[%scan3A_269, %scatter3A_754, %scatter3A_755, %scatter3A_756] : memref<2x5x32x129xf32, #tpu.memory_space<vmem>> -> memref<1x5x32x129xf32, #tpu.memory_space<vmem>>
        %scatter3A_758 = tpu.memref_squeeze %scatter3A_757 : memref<1x5x32x129xf32, #tpu.memory_space<vmem>> -> memref<5x32x129xf32, #tpu.memory_space<vmem>>
        tpu.vector_store_idx %scatter3A_758[%broadcast_in_dim3A_266, %iota3A, %add3A_753], %get3A_742 : memref<5x32x129xf32, #tpu.memory_space<vmem>>[vector<16xi32>, vector<16xi32>, vector<16xi32>], vector<16xf32>,
        %scatter3A_759 = arith.constant 0 : i32
        %scatter3A_760 = arith.constant 0 : i32
        %scatter3A_761 = arith.constant 0 : i32
        %scatter3A_762 = tpu.memref_slice %arg7[%scan3A_269, %scatter3A_759, %scatter3A_760, %scatter3A_761] : memref<2x5x32x129xf32, #tpu.memory_space<vmem>> -> memref<1x5x32x129xf32, #tpu.memory_space<vmem>>
        %scatter3A_763 = tpu.memref_squeeze %scatter3A_762 : memref<1x5x32x129xf32, #tpu.memory_space<vmem>> -> memref<5x32x129xf32, #tpu.memory_space<vmem>>
        tpu.vector_store_idx %scatter3A_763[%broadcast_in_dim3A_266, %add3A_3, %add3A_753], %get3A_749 : memref<5x32x129xf32, #tpu.memory_space<vmem>>[vector<16xi32>, vector<16xi32>, vector<16xi32>], vector<16xf32>,
        %mul3A_764 = arith.constant 8 : i32
        %mul3A_765 = arith.muli %scan3A_527, %mul3A_764 : i32
        %add3A_766 = arith.constant 7 : i32
        %add3A_767 = arith.addi %mul3A_765, %add3A_766 : i32
        %add3A_768 = arith.constant 512 : i32
        %add3A_769 = arith.addi %add3A_768, %add3A_767 : i32
        %get3A_770 = arith.constant 0 : i32
        %get3A_771 = arith.constant 0 : i32
        %get3A_772 = tpu.memref_slice %arg6[%scan3A_268, %get3A_770, %get3A_771] : memref<2x640x32xf32, #tpu.memory_space<vmem>> -> memref<1x640x32xf32, #tpu.memory_space<vmem>>
        %get3A_773 = tpu.memref_squeeze %get3A_772 : memref<1x640x32xf32, #tpu.memory_space<vmem>> -> memref<640x32xf32, #tpu.memory_space<vmem>>
        %get3A_774 = arith.index_cast %add3A_769 : i32 to index
        %get3A_775 = arith.constant 0 : index
        %get3A_776 = tpu.vector_load %get3A_773[%get3A_774, %get3A_775] {strides = array<i32>} : memref<640x32xf32, #tpu.memory_space<vmem>>, vector<16xf32>,
        %get3A_777 = arith.constant 0 : i32
        %get3A_778 = arith.constant 0 : i32
        %get3A_779 = tpu.memref_slice %arg6[%scan3A_268, %get3A_777, %get3A_778] : memref<2x640x32xf32, #tpu.memory_space<vmem>> -> memref<1x640x32xf32, #tpu.memory_space<vmem>>
        %get3A_780 = tpu.memref_squeeze %get3A_779 : memref<1x640x32xf32, #tpu.memory_space<vmem>> -> memref<640x32xf32, #tpu.memory_space<vmem>>
        %get3A_781 = arith.index_cast %add3A_769 : i32 to index
        %get3A_782 = arith.constant 16 : index
        %get3A_783 = tpu.vector_load %get3A_780[%get3A_781, %get3A_782] {strides = array<i32>} : memref<640x32xf32, #tpu.memory_space<vmem>>, vector<16xf32>,
        %broadcast_in_dim3A_784 = arith.constant 0 : i32
        %broadcast_in_dim3A_785 = vector.broadcast %broadcast_in_dim3A_784 : i32 to vector<16xi32>
        %add3A_786 = vector.broadcast %add3A_767 : i32 to vector<16xi32>
        %add3A_787 = arith.addi %broadcast_in_dim3A_785, %add3A_786 : vector<16xi32>
        %scatter3A_788 = arith.constant 0 : i32
        %scatter3A_789 = arith.constant 0 : i32
        %scatter3A_790 = arith.constant 0 : i32
        %scatter3A_791 = tpu.memref_slice %arg7[%scan3A_269, %scatter3A_788, %scatter3A_789, %scatter3A_790] : memref<2x5x32x129xf32, #tpu.memory_space<vmem>> -> memref<1x5x32x129xf32, #tpu.memory_space<vmem>>
        %scatter3A_792 = tpu.memref_squeeze %scatter3A_791 : memref<1x5x32x129xf32, #tpu.memory_space<vmem>> -> memref<5x32x129xf32, #tpu.memory_space<vmem>>
        tpu.vector_store_idx %scatter3A_792[%broadcast_in_dim3A_266, %iota3A, %add3A_787], %get3A_776 : memref<5x32x129xf32, #tpu.memory_space<vmem>>[vector<16xi32>, vector<16xi32>, vector<16xi32>], vector<16xf32>,
        %scatter3A_793 = arith.constant 0 : i32
        %scatter3A_794 = arith.constant 0 : i32
        %scatter3A_795 = arith.constant 0 : i32
        %scatter3A_796 = tpu.memref_slice %arg7[%scan3A_269, %scatter3A_793, %scatter3A_794, %scatter3A_795] : memref<2x5x32x129xf32, #tpu.memory_space<vmem>> -> memref<1x5x32x129xf32, #tpu.memory_space<vmem>>
        %scatter3A_797 = tpu.memref_squeeze %scatter3A_796 : memref<1x5x32x129xf32, #tpu.memory_space<vmem>> -> memref<5x32x129xf32, #tpu.memory_space<vmem>>
        tpu.vector_store_idx %scatter3A_797[%broadcast_in_dim3A_266, %add3A_3, %add3A_787], %get3A_783 : memref<5x32x129xf32, #tpu.memory_space<vmem>>[vector<16xi32>, vector<16xi32>, vector<16xi32>], vector<16xf32>,
      }
      %scan3A_274 = arith.constant 16 : i32
      %mul3A_275 = arith.constant 5 : i32
      %mul3A_276 = arith.muli %mul3A_195, %mul3A_275 : i32
      %dma_start3A_277 = arith.constant 0 : i32
      %dma_start3A_278 = arith.constant 0 : i32
      %dma_start3A_279 = arith.constant 0 : i32
      %dma_start3A_280 = arith.constant 0 : i32
      %dma_start3A_281 = arith.constant 0 : i32
      %dma_start3A_282 = tpu.memref_slice %arg7[%dma_start3A_277, %dma_start3A_279, %dma_start3A_280, %dma_start3A_281] : memref<2x5x32x129xf32, #tpu.memory_space<vmem>> -> memref<1x5x8x128xf32, #tpu.memory_space<vmem>>
      %dma_start3A_283 = tpu.memref_squeeze %dma_start3A_282 : memref<1x5x8x128xf32, #tpu.memory_space<vmem>> -> memref<5x8x128xf32, #tpu.memory_space<vmem>>
      %dma_start3A_284 = arith.constant 0 : i32
      %dma_start3A_285 = arith.constant 0 : i32
      %dma_start3A_286 = tpu.memref_slice %arg4[%mul3A_276, %dma_start3A_278, %add3A, %dma_start3A_284, %dma_start3A_285] : memref<200x4x32x8x128xf32, #tpu.memory_space<hbm>> -> memref<5x1x1x8x128xf32, #tpu.memory_space<hbm>>
      %dma_start3A_287 = tpu.memref_squeeze %dma_start3A_286 : memref<5x1x1x8x128xf32, #tpu.memory_space<hbm>> -> memref<5x8x128xf32, #tpu.memory_space<hbm>>
      %dma_start3A_288 = arith.constant 0 : i32
      %dma_start3A_289 = arith.constant 0 : i32
      %dma_start3A_290 = tpu.memref_slice %arg4[%mul3A_276, %dma_start3A_278, %add3A, %dma_start3A_288, %dma_start3A_289] : memref<200x4x32x8x128xf32, #tpu.memory_space<hbm>> -> memref<5x1x1x8x128xf32, #tpu.memory_space<hbm>>
      %dma_start3A_291 = tpu.memref_squeeze %dma_start3A_290 : memref<5x1x1x8x128xf32, #tpu.memory_space<hbm>> -> memref<5x8x128xf32, #tpu.memory_space<hbm>>
      %dma_start3A_292 = arith.constant 0 : i32
      %dma_start3A_293 = arith.constant 0 : i32
      %dma_start3A_294 = arith.constant 0 : i32
      %dma_start3A_295 = tpu.memref_slice %arg7[%dma_start3A_277, %dma_start3A_292, %dma_start3A_293, %dma_start3A_294] : memref<2x5x32x129xf32, #tpu.memory_space<vmem>> -> memref<1x5x8x128xf32, #tpu.memory_space<vmem>>
      %dma_start3A_296 = tpu.memref_squeeze %dma_start3A_295 : memref<1x5x8x128xf32, #tpu.memory_space<vmem>> -> memref<5x8x128xf32, #tpu.memory_space<vmem>>
      tpu.enqueue_dma source(%dma_start3A_296 : memref<5x8x128xf32, #tpu.memory_space<vmem>>) target(%dma_start3A_291 : memref<5x8x128xf32, #tpu.memory_space<hbm>>) target_semaphore(%arg10 : memref<!tpu.dma_semaphore, #tpu.memory_space<semaphore_mem>>)
      %mul3A_297 = arith.constant 5 : i32
      %mul3A_298 = arith.muli %mul3A_195, %mul3A_297 : i32
      %dma_start3A_299 = arith.constant 0 : i32
      %dma_start3A_300 = arith.constant 1 : i32
      %dma_start3A_301 = arith.constant 0 : i32
      %dma_start3A_302 = arith.constant 8 : i32
      %dma_start3A_303 = arith.constant 0 : i32
      %dma_start3A_304 = tpu.memref_slice %arg7[%dma_start3A_299, %dma_start3A_301, %dma_start3A_302, %dma_start3A_303] : memref<2x5x32x129xf32, #tpu.memory_space<vmem>> -> memref<1x5x8x128xf32, #tpu.memory_space<vmem>>
      %dma_start3A_305 = tpu.memref_squeeze %dma_start3A_304 : memref<1x5x8x128xf32, #tpu.memory_space<vmem>> -> memref<5x8x128xf32, #tpu.memory_space<vmem>>
      %dma_start3A_306 = arith.constant 0 : i32
      %dma_start3A_307 = arith.constant 0 : i32
      %dma_start3A_308 = tpu.memref_slice %arg4[%mul3A_298, %dma_start3A_300, %add3A, %dma_start3A_306, %dma_start3A_307] : memref<200x4x32x8x128xf32, #tpu.memory_space<hbm>> -> memref<5x1x1x8x128xf32, #tpu.memory_space<hbm>>
      %dma_start3A_309 = tpu.memref_squeeze %dma_start3A_308 : memref<5x1x1x8x128xf32, #tpu.memory_space<hbm>> -> memref<5x8x128xf32, #tpu.memory_space<hbm>>
      %dma_start3A_310 = arith.constant 0 : i32
      %dma_start3A_311 = arith.constant 0 : i32
      %dma_start3A_312 = tpu.memref_slice %arg4[%mul3A_298, %dma_start3A_300, %add3A, %dma_start3A_310, %dma_start3A_311] : memref<200x4x32x8x128xf32, #tpu.memory_space<hbm>> -> memref<5x1x1x8x128xf32, #tpu.memory_space<hbm>>
      %dma_start3A_313 = tpu.memref_squeeze %dma_start3A_312 : memref<5x1x1x8x128xf32, #tpu.memory_space<hbm>> -> memref<5x8x128xf32, #tpu.memory_space<hbm>>
      %dma_start3A_314 = arith.constant 0 : i32
      %dma_start3A_315 = arith.constant 8 : i32
      %dma_start3A_316 = arith.constant 0 : i32
      %dma_start3A_317 = tpu.memref_slice %arg7[%dma_start3A_299, %dma_start3A_314, %dma_start3A_315, %dma_start3A_316] : memref<2x5x32x129xf32, #tpu.memory_space<vmem>> -> memref<1x5x8x128xf32, #tpu.memory_space<vmem>>
      %dma_start3A_318 = tpu.memref_squeeze %dma_start3A_317 : memref<1x5x8x128xf32, #tpu.memory_space<vmem>> -> memref<5x8x128xf32, #tpu.memory_space<vmem>>
      tpu.enqueue_dma source(%dma_start3A_318 : memref<5x8x128xf32, #tpu.memory_space<vmem>>) target(%dma_start3A_313 : memref<5x8x128xf32, #tpu.memory_space<hbm>>) target_semaphore(%arg10 : memref<!tpu.dma_semaphore, #tpu.memory_space<semaphore_mem>>)
      %mul3A_319 = arith.constant 5 : i32
      %mul3A_320 = arith.muli %mul3A_195, %mul3A_319 : i32
      %dma_start3A_321 = arith.constant 0 : i32
      %dma_start3A_322 = arith.constant 2 : i32
      %dma_start3A_323 = arith.constant 0 : i32
      %dma_start3A_324 = arith.constant 16 : i32
      %dma_start3A_325 = arith.constant 0 : i32
      %dma_start3A_326 = tpu.memref_slice %arg7[%dma_start3A_321, %dma_start3A_323, %dma_start3A_324, %dma_start3A_325] : memref<2x5x32x129xf32, #tpu.memory_space<vmem>> -> memref<1x5x8x128xf32, #tpu.memory_space<vmem>>
      %dma_start3A_327 = tpu.memref_squeeze %dma_start3A_326 : memref<1x5x8x128xf32, #tpu.memory_space<vmem>> -> memref<5x8x128xf32, #tpu.memory_space<vmem>>
      %dma_start3A_328 = arith.constant 0 : i32
      %dma_start3A_329 = arith.constant 0 : i32
      %dma_start3A_330 = tpu.memref_slice %arg4[%mul3A_320, %dma_start3A_322, %add3A, %dma_start3A_328, %dma_start3A_329] : memref<200x4x32x8x128xf32, #tpu.memory_space<hbm>> -> memref<5x1x1x8x128xf32, #tpu.memory_space<hbm>>
      %dma_start3A_331 = tpu.memref_squeeze %dma_start3A_330 : memref<5x1x1x8x128xf32, #tpu.memory_space<hbm>> -> memref<5x8x128xf32, #tpu.memory_space<hbm>>
      %dma_start3A_332 = arith.constant 0 : i32
      %dma_start3A_333 = arith.constant 0 : i32
      %dma_start3A_334 = tpu.memref_slice %arg4[%mul3A_320, %dma_start3A_322, %add3A, %dma_start3A_332, %dma_start3A_333] : memref<200x4x32x8x128xf32, #tpu.memory_space<hbm>> -> memref<5x1x1x8x128xf32, #tpu.memory_space<hbm>>
      %dma_start3A_335 = tpu.memref_squeeze %dma_start3A_334 : memref<5x1x1x8x128xf32, #tpu.memory_space<hbm>> -> memref<5x8x128xf32, #tpu.memory_space<hbm>>
      %dma_start3A_336 = arith.constant 0 : i32
      %dma_start3A_337 = arith.constant 16 : i32
      %dma_start3A_338 = arith.constant 0 : i32
      %dma_start3A_339 = tpu.memref_slice %arg7[%dma_start3A_321, %dma_start3A_336, %dma_start3A_337, %dma_start3A_338] : memref<2x5x32x129xf32, #tpu.memory_space<vmem>> -> memref<1x5x8x128xf32, #tpu.memory_space<vmem>>
      %dma_start3A_340 = tpu.memref_squeeze %dma_start3A_339 : memref<1x5x8x128xf32, #tpu.memory_space<vmem>> -> memref<5x8x128xf32, #tpu.memory_space<vmem>>
      tpu.enqueue_dma source(%dma_start3A_340 : memref<5x8x128xf32, #tpu.memory_space<vmem>>) target(%dma_start3A_335 : memref<5x8x128xf32, #tpu.memory_space<hbm>>) target_semaphore(%arg10 : memref<!tpu.dma_semaphore, #tpu.memory_space<semaphore_mem>>)
      %mul3A_341 = arith.constant 5 : i32
      %mul3A_342 = arith.muli %mul3A_195, %mul3A_341 : i32
      %dma_start3A_343 = arith.constant 0 : i32
      %dma_start3A_344 = arith.constant 3 : i32
      %dma_start3A_345 = arith.constant 0 : i32
      %dma_start3A_346 = arith.constant 24 : i32
      %dma_start3A_347 = arith.constant 0 : i32
      %dma_start3A_348 = tpu.memref_slice %arg7[%dma_start3A_343, %dma_start3A_345, %dma_start3A_346, %dma_start3A_347] : memref<2x5x32x129xf32, #tpu.memory_space<vmem>> -> memref<1x5x8x128xf32, #tpu.memory_space<vmem>>
      %dma_start3A_349 = tpu.memref_squeeze %dma_start3A_348 : memref<1x5x8x128xf32, #tpu.memory_space<vmem>> -> memref<5x8x128xf32, #tpu.memory_space<vmem>>
      %dma_start3A_350 = arith.constant 0 : i32
      %dma_start3A_351 = arith.constant 0 : i32
      %dma_start3A_352 = tpu.memref_slice %arg4[%mul3A_342, %dma_start3A_344, %add3A, %dma_start3A_350, %dma_start3A_351] : memref<200x4x32x8x128xf32, #tpu.memory_space<hbm>> -> memref<5x1x1x8x128xf32, #tpu.memory_space<hbm>>
      %dma_start3A_353 = tpu.memref_squeeze %dma_start3A_352 : memref<5x1x1x8x128xf32, #tpu.memory_space<hbm>> -> memref<5x8x128xf32, #tpu.memory_space<hbm>>
      %dma_start3A_354 = arith.constant 0 : i32
      %dma_start3A_355 = arith.constant 0 : i32
      %dma_start3A_356 = tpu.memref_slice %arg4[%mul3A_342, %dma_start3A_344, %add3A, %dma_start3A_354, %dma_start3A_355] : memref<200x4x32x8x128xf32, #tpu.memory_space<hbm>> -> memref<5x1x1x8x128xf32, #tpu.memory_space<hbm>>
      %dma_start3A_357 = tpu.memref_squeeze %dma_start3A_356 : memref<5x1x1x8x128xf32, #tpu.memory_space<hbm>> -> memref<5x8x128xf32, #tpu.memory_space<hbm>>
      %dma_start3A_358 = arith.constant 0 : i32
      %dma_start3A_359 = arith.constant 24 : i32
      %dma_start3A_360 = arith.constant 0 : i32
      %dma_start3A_361 = tpu.memref_slice %arg7[%dma_start3A_343, %dma_start3A_358, %dma_start3A_359, %dma_start3A_360] : memref<2x5x32x129xf32, #tpu.memory_space<vmem>> -> memref<1x5x8x128xf32, #tpu.memory_space<vmem>>
      %dma_start3A_362 = tpu.memref_squeeze %dma_start3A_361 : memref<1x5x8x128xf32, #tpu.memory_space<vmem>> -> memref<5x8x128xf32, #tpu.memory_space<vmem>>
      tpu.enqueue_dma source(%dma_start3A_362 : memref<5x8x128xf32, #tpu.memory_space<vmem>>) target(%dma_start3A_357 : memref<5x8x128xf32, #tpu.memory_space<hbm>>) target_semaphore(%arg10 : memref<!tpu.dma_semaphore, #tpu.memory_space<semaphore_mem>>)
      %dma_wait3A_363 = arith.constant 1 : i32
      %dma_wait3A_364 = arith.constant 0 : i32
      %dma_wait3A_365 = arith.constant 0 : i32
      %dma_wait3A_366 = tpu.memref_slice %arg6[%dma_wait3A_363, %dma_wait3A_364, %dma_wait3A_365] : memref<2x640x32xf32, #tpu.memory_space<vmem>> -> memref<1x640x32xf32, #tpu.memory_space<vmem>>
      %dma_wait3A_367 = tpu.memref_squeeze %dma_wait3A_366 : memref<1x640x32xf32, #tpu.memory_space<vmem>> -> memref<640x32xf32, #tpu.memory_space<vmem>>
      %dma_wait3A_368 = arith.constant 0 : i32
      %dma_wait3A_369 = arith.constant 0 : i32
      %dma_wait3A_370 = tpu.memref_slice %arg3[%dma_wait3A_368, %dma_wait3A_369] : memref<1000000x32xf32, #tpu.memory_space<hbm>> -> memref<640x32xf32, #tpu.memory_space<hbm>>
      %dma_wait3A_371 = arith.constant 0 : i32
      %dma_wait3A_372 = arith.constant 0 : i32
      %dma_wait3A_373 = tpu.memref_slice %arg6[%dma_wait3A_363, %dma_wait3A_371, %dma_wait3A_372] : memref<2x640x32xf32, #tpu.memory_space<vmem>> -> memref<1x640x32xf32, #tpu.memory_space<vmem>>
      %dma_wait3A_374 = tpu.memref_squeeze %dma_wait3A_373 : memref<1x640x32xf32, #tpu.memory_space<vmem>> -> memref<640x32xf32, #tpu.memory_space<vmem>>
      %dma_wait3A_375 = arith.constant 0 : i32
      %dma_wait3A_376 = arith.constant 0 : i32
      %dma_wait3A_377 = tpu.memref_slice %arg3[%dma_wait3A_375, %dma_wait3A_376] : memref<1000000x32xf32, #tpu.memory_space<hbm>> -> memref<640x32xf32, #tpu.memory_space<hbm>>
      tpu.wait_dma2 semaphore(%arg9 : memref<!tpu.dma_semaphore, #tpu.memory_space<semaphore_mem>>) src(%dma_wait3A_377 : memref<640x32xf32, #tpu.memory_space<hbm>>) dst(%dma_wait3A_374 : memref<640x32xf32, #tpu.memory_space<vmem>>)
      %lt3A = arith.constant 19 : i32
      %lt3A_378 = arith.cmpi slt, %scan3A_193, %lt3A : i32
      %convert_element_type3A_379 = arith.extui %lt3A_378 : i1 to i32
      %cond3A_380 = arith.constant 0 : i32
      %cond3A_381 = arith.cmpi ne, %convert_element_type3A_379, %cond3A_380 : i32
      scf.if %cond3A_381 {
        %add3A_527 = arith.constant 2 : i32
        %add3A_528 = arith.addi %mul3A_195, %add3A_527 : i32
        %mul3A_529 = arith.constant 640 : i32
        %mul3A_530 = arith.muli %add3A_528, %mul3A_529 : i32
        %dma_start3A_531 = arith.constant 0 : i32
        %dma_start3A_532 = arith.constant 0 : i32
        %dma_start3A_533 = arith.constant 0 : i32
        %dma_start3A_534 = tpu.memref_slice %arg6[%dma_start3A_531, %dma_start3A_532, %dma_start3A_533] : memref<2x640x32xf32, #tpu.memory_space<vmem>> -> memref<1x640x32xf32, #tpu.memory_space<vmem>>
        %dma_start3A_535 = tpu.memref_squeeze %dma_start3A_534 : memref<1x640x32xf32, #tpu.memory_space<vmem>> -> memref<640x32xf32, #tpu.memory_space<vmem>>
        %dma_start3A_536 = tpu.memref_slice %arg5[%mul3A_530] : memref<25600xi32, #tpu.memory_space<vmem>> -> memref<640xi32, #tpu.memory_space<vmem>>
        %dma_start3A_537 = arith.constant 0 : i32
        %dma_start3A_538 = arith.constant 0 : i32
        %dma_start3A_539 = tpu.memref_slice %arg3[%dma_start3A_537, %dma_start3A_538] : memref<1000000x32xf32, #tpu.memory_space<hbm>> -> memref<1000000x32xf32, #tpu.memory_space<hbm>>
        tpu.enqueue_indirect_dma source(%dma_start3A_539 : memref<1000000x32xf32, #tpu.memory_space<hbm>>) target(%dma_start3A_535 : memref<640x32xf32, #tpu.memory_space<vmem>>) offsets(%dma_start3A_536 : memref<640xi32, #tpu.memory_space<vmem>>) semaphore(%arg8 : memref<!tpu.dma_semaphore, #tpu.memory_space<semaphore_mem>>)
      } else {
      }
      %gt3A_382 = arith.constant 0 : i32
      %gt3A_383 = arith.cmpi sgt, %scan3A_193, %gt3A_382 : i32
      %convert_element_type3A_384 = arith.extui %gt3A_383 : i1 to i32
      %cond3A_385 = arith.constant 0 : i32
      %cond3A_386 = arith.cmpi ne, %convert_element_type3A_384, %cond3A_385 : i32
      scf.if %cond3A_386 {
        %dma_wait3A_527 = arith.constant 1 : i32
        %dma_wait3A_528 = arith.constant 0 : i32
        %dma_wait3A_529 = arith.constant 0 : i32
        %dma_wait3A_530 = arith.constant 0 : i32
        %dma_wait3A_531 = arith.constant 0 : i32
        %dma_wait3A_532 = tpu.memref_slice %arg7[%dma_wait3A_527, %dma_wait3A_529, %dma_wait3A_530, %dma_wait3A_531] : memref<2x5x32x129xf32, #tpu.memory_space<vmem>> -> memref<1x5x8x128xf32, #tpu.memory_space<vmem>>
        %dma_wait3A_533 = tpu.memref_squeeze %dma_wait3A_532 : memref<1x5x8x128xf32, #tpu.memory_space<vmem>> -> memref<5x8x128xf32, #tpu.memory_space<vmem>>
        %dma_wait3A_534 = arith.constant 0 : i32
        %dma_wait3A_535 = arith.constant 0 : i32
        %dma_wait3A_536 = arith.constant 0 : i32
        %dma_wait3A_537 = tpu.memref_slice %arg4[%dma_wait3A_534, %dma_wait3A_528, %add3A, %dma_wait3A_535, %dma_wait3A_536] : memref<200x4x32x8x128xf32, #tpu.memory_space<hbm>> -> memref<5x1x1x8x128xf32, #tpu.memory_space<hbm>>
        %dma_wait3A_538 = tpu.memref_squeeze %dma_wait3A_537 : memref<5x1x1x8x128xf32, #tpu.memory_space<hbm>> -> memref<5x8x128xf32, #tpu.memory_space<hbm>>
        %dma_wait3A_539 = arith.constant 0 : i32
        %dma_wait3A_540 = arith.constant 0 : i32
        %dma_wait3A_541 = arith.constant 0 : i32
        %dma_wait3A_542 = tpu.memref_slice %arg4[%dma_wait3A_539, %dma_wait3A_528, %add3A, %dma_wait3A_540, %dma_wait3A_541] : memref<200x4x32x8x128xf32, #tpu.memory_space<hbm>> -> memref<5x1x1x8x128xf32, #tpu.memory_space<hbm>>
        %dma_wait3A_543 = tpu.memref_squeeze %dma_wait3A_542 : memref<5x1x1x8x128xf32, #tpu.memory_space<hbm>> -> memref<5x8x128xf32, #tpu.memory_space<hbm>>
        %dma_wait3A_544 = arith.constant 0 : i32
        %dma_wait3A_545 = arith.constant 0 : i32
        %dma_wait3A_546 = arith.constant 0 : i32
        %dma_wait3A_547 = tpu.memref_slice %arg7[%dma_wait3A_527, %dma_wait3A_544, %dma_wait3A_545, %dma_wait3A_546] : memref<2x5x32x129xf32, #tpu.memory_space<vmem>> -> memref<1x5x8x128xf32, #tpu.memory_space<vmem>>
        %dma_wait3A_548 = tpu.memref_squeeze %dma_wait3A_547 : memref<1x5x8x128xf32, #tpu.memory_space<vmem>> -> memref<5x8x128xf32, #tpu.memory_space<vmem>>
        tpu.wait_dma2 semaphore(%arg11 : memref<!tpu.dma_semaphore, #tpu.memory_space<semaphore_mem>>) src(%dma_wait3A_548 : memref<5x8x128xf32, #tpu.memory_space<vmem>>) dst(%dma_wait3A_543 : memref<5x8x128xf32, #tpu.memory_space<hbm>>)
        %dma_wait3A_549 = arith.constant 1 : i32
        %dma_wait3A_550 = arith.constant 1 : i32
        %dma_wait3A_551 = arith.constant 0 : i32
        %dma_wait3A_552 = arith.constant 8 : i32
        %dma_wait3A_553 = arith.constant 0 : i32
        %dma_wait3A_554 = tpu.memref_slice %arg7[%dma_wait3A_549, %dma_wait3A_551, %dma_wait3A_552, %dma_wait3A_553] : memref<2x5x32x129xf32, #tpu.memory_space<vmem>> -> memref<1x5x8x128xf32, #tpu.memory_space<vmem>>
        %dma_wait3A_555 = tpu.memref_squeeze %dma_wait3A_554 : memref<1x5x8x128xf32, #tpu.memory_space<vmem>> -> memref<5x8x128xf32, #tpu.memory_space<vmem>>
        %dma_wait3A_556 = arith.constant 0 : i32
        %dma_wait3A_557 = arith.constant 0 : i32
        %dma_wait3A_558 = arith.constant 0 : i32
        %dma_wait3A_559 = tpu.memref_slice %arg4[%dma_wait3A_556, %dma_wait3A_550, %add3A, %dma_wait3A_557, %dma_wait3A_558] : memref<200x4x32x8x128xf32, #tpu.memory_space<hbm>> -> memref<5x1x1x8x128xf32, #tpu.memory_space<hbm>>
        %dma_wait3A_560 = tpu.memref_squeeze %dma_wait3A_559 : memref<5x1x1x8x128xf32, #tpu.memory_space<hbm>> -> memref<5x8x128xf32, #tpu.memory_space<hbm>>
        %dma_wait3A_561 = arith.constant 0 : i32
        %dma_wait3A_562 = arith.constant 0 : i32
        %dma_wait3A_563 = arith.constant 0 : i32
        %dma_wait3A_564 = tpu.memref_slice %arg4[%dma_wait3A_561, %dma_wait3A_550, %add3A, %dma_wait3A_562, %dma_wait3A_563] : memref<200x4x32x8x128xf32, #tpu.memory_space<hbm>> -> memref<5x1x1x8x128xf32, #tpu.memory_space<hbm>>
        %dma_wait3A_565 = tpu.memref_squeeze %dma_wait3A_564 : memref<5x1x1x8x128xf32, #tpu.memory_space<hbm>> -> memref<5x8x128xf32, #tpu.memory_space<hbm>>
        %dma_wait3A_566 = arith.constant 0 : i32
        %dma_wait3A_567 = arith.constant 8 : i32
        %dma_wait3A_568 = arith.constant 0 : i32
        %dma_wait3A_569 = tpu.memref_slice %arg7[%dma_wait3A_549, %dma_wait3A_566, %dma_wait3A_567, %dma_wait3A_568] : memref<2x5x32x129xf32, #tpu.memory_space<vmem>> -> memref<1x5x8x128xf32, #tpu.memory_space<vmem>>
        %dma_wait3A_570 = tpu.memref_squeeze %dma_wait3A_569 : memref<1x5x8x128xf32, #tpu.memory_space<vmem>> -> memref<5x8x128xf32, #tpu.memory_space<vmem>>
        tpu.wait_dma2 semaphore(%arg11 : memref<!tpu.dma_semaphore, #tpu.memory_space<semaphore_mem>>) src(%dma_wait3A_570 : memref<5x8x128xf32, #tpu.memory_space<vmem>>) dst(%dma_wait3A_565 : memref<5x8x128xf32, #tpu.memory_space<hbm>>)
        %dma_wait3A_571 = arith.constant 1 : i32
        %dma_wait3A_572 = arith.constant 2 : i32
        %dma_wait3A_573 = arith.constant 0 : i32
        %dma_wait3A_574 = arith.constant 16 : i32
        %dma_wait3A_575 = arith.constant 0 : i32
        %dma_wait3A_576 = tpu.memref_slice %arg7[%dma_wait3A_571, %dma_wait3A_573, %dma_wait3A_574, %dma_wait3A_575] : memref<2x5x32x129xf32, #tpu.memory_space<vmem>> -> memref<1x5x8x128xf32, #tpu.memory_space<vmem>>
        %dma_wait3A_577 = tpu.memref_squeeze %dma_wait3A_576 : memref<1x5x8x128xf32, #tpu.memory_space<vmem>> -> memref<5x8x128xf32, #tpu.memory_space<vmem>>
        %dma_wait3A_578 = arith.constant 0 : i32
        %dma_wait3A_579 = arith.constant 0 : i32
        %dma_wait3A_580 = arith.constant 0 : i32
        %dma_wait3A_581 = tpu.memref_slice %arg4[%dma_wait3A_578, %dma_wait3A_572, %add3A, %dma_wait3A_579, %dma_wait3A_580] : memref<200x4x32x8x128xf32, #tpu.memory_space<hbm>> -> memref<5x1x1x8x128xf32, #tpu.memory_space<hbm>>
        %dma_wait3A_582 = tpu.memref_squeeze %dma_wait3A_581 : memref<5x1x1x8x128xf32, #tpu.memory_space<hbm>> -> memref<5x8x128xf32, #tpu.memory_space<hbm>>
        %dma_wait3A_583 = arith.constant 0 : i32
        %dma_wait3A_584 = arith.constant 0 : i32
        %dma_wait3A_585 = arith.constant 0 : i32
        %dma_wait3A_586 = tpu.memref_slice %arg4[%dma_wait3A_583, %dma_wait3A_572, %add3A, %dma_wait3A_584, %dma_wait3A_585] : memref<200x4x32x8x128xf32, #tpu.memory_space<hbm>> -> memref<5x1x1x8x128xf32, #tpu.memory_space<hbm>>
        %dma_wait3A_587 = tpu.memref_squeeze %dma_wait3A_586 : memref<5x1x1x8x128xf32, #tpu.memory_space<hbm>> -> memref<5x8x128xf32, #tpu.memory_space<hbm>>
        %dma_wait3A_588 = arith.constant 0 : i32
        %dma_wait3A_589 = arith.constant 16 : i32
        %dma_wait3A_590 = arith.constant 0 : i32
        %dma_wait3A_591 = tpu.memref_slice %arg7[%dma_wait3A_571, %dma_wait3A_588, %dma_wait3A_589, %dma_wait3A_590] : memref<2x5x32x129xf32, #tpu.memory_space<vmem>> -> memref<1x5x8x128xf32, #tpu.memory_space<vmem>>
        %dma_wait3A_592 = tpu.memref_squeeze %dma_wait3A_591 : memref<1x5x8x128xf32, #tpu.memory_space<vmem>> -> memref<5x8x128xf32, #tpu.memory_space<vmem>>
        tpu.wait_dma2 semaphore(%arg11 : memref<!tpu.dma_semaphore, #tpu.memory_space<semaphore_mem>>) src(%dma_wait3A_592 : memref<5x8x128xf32, #tpu.memory_space<vmem>>) dst(%dma_wait3A_587 : memref<5x8x128xf32, #tpu.memory_space<hbm>>)
        %dma_wait3A_593 = arith.constant 1 : i32
        %dma_wait3A_594 = arith.constant 3 : i32
        %dma_wait3A_595 = arith.constant 0 : i32
        %dma_wait3A_596 = arith.constant 24 : i32
        %dma_wait3A_597 = arith.constant 0 : i32
        %dma_wait3A_598 = tpu.memref_slice %arg7[%dma_wait3A_593, %dma_wait3A_595, %dma_wait3A_596, %dma_wait3A_597] : memref<2x5x32x129xf32, #tpu.memory_space<vmem>> -> memref<1x5x8x128xf32, #tpu.memory_space<vmem>>
        %dma_wait3A_599 = tpu.memref_squeeze %dma_wait3A_598 : memref<1x5x8x128xf32, #tpu.memory_space<vmem>> -> memref<5x8x128xf32, #tpu.memory_space<vmem>>
        %dma_wait3A_600 = arith.constant 0 : i32
        %dma_wait3A_601 = arith.constant 0 : i32
        %dma_wait3A_602 = arith.constant 0 : i32
        %dma_wait3A_603 = tpu.memref_slice %arg4[%dma_wait3A_600, %dma_wait3A_594, %add3A, %dma_wait3A_601, %dma_wait3A_602] : memref<200x4x32x8x128xf32, #tpu.memory_space<hbm>> -> memref<5x1x1x8x128xf32, #tpu.memory_space<hbm>>
        %dma_wait3A_604 = tpu.memref_squeeze %dma_wait3A_603 : memref<5x1x1x8x128xf32, #tpu.memory_space<hbm>> -> memref<5x8x128xf32, #tpu.memory_space<hbm>>
        %dma_wait3A_605 = arith.constant 0 : i32
        %dma_wait3A_606 = arith.constant 0 : i32
        %dma_wait3A_607 = arith.constant 0 : i32
        %dma_wait3A_608 = tpu.memref_slice %arg4[%dma_wait3A_605, %dma_wait3A_594, %add3A, %dma_wait3A_606, %dma_wait3A_607] : memref<200x4x32x8x128xf32, #tpu.memory_space<hbm>> -> memref<5x1x1x8x128xf32, #tpu.memory_space<hbm>>
        %dma_wait3A_609 = tpu.memref_squeeze %dma_wait3A_608 : memref<5x1x1x8x128xf32, #tpu.memory_space<hbm>> -> memref<5x8x128xf32, #tpu.memory_space<hbm>>
        %dma_wait3A_610 = arith.constant 0 : i32
        %dma_wait3A_611 = arith.constant 24 : i32
        %dma_wait3A_612 = arith.constant 0 : i32
        %dma_wait3A_613 = tpu.memref_slice %arg7[%dma_wait3A_593, %dma_wait3A_610, %dma_wait3A_611, %dma_wait3A_612] : memref<2x5x32x129xf32, #tpu.memory_space<vmem>> -> memref<1x5x8x128xf32, #tpu.memory_space<vmem>>
        %dma_wait3A_614 = tpu.memref_squeeze %dma_wait3A_613 : memref<1x5x8x128xf32, #tpu.memory_space<vmem>> -> memref<5x8x128xf32, #tpu.memory_space<vmem>>
        tpu.wait_dma2 semaphore(%arg11 : memref<!tpu.dma_semaphore, #tpu.memory_space<semaphore_mem>>) src(%dma_wait3A_614 : memref<5x8x128xf32, #tpu.memory_space<vmem>>) dst(%dma_wait3A_609 : memref<5x8x128xf32, #tpu.memory_space<hbm>>)
      } else {
      }
      %broadcast_in_dim3A_387 = arith.constant 0 : i32
      %broadcast_in_dim3A_388 = vector.broadcast %broadcast_in_dim3A_387 : i32 to vector<16xi32>
      %scan3A_389 = arith.constant 0 : i32
      %scan3A_390 = arith.constant 1 : i32
      %scan3A_391 = arith.constant 1 : i32
      %scan3A_392 = arith.constant 0 : i32
      %scan3A_393 = arith.constant 16 : i32
      %scan3A_394 = arith.addi %scan3A_392, %scan3A_393 : i32
      %scan3A_395 = arith.constant 1 : i32
      scf.for %scan3A_527 = %scan3A_392 to %scan3A_394 step %scan3A_395  : i32 {
        %mul3A_528 = arith.constant 8 : i32
        %mul3A_529 = arith.muli %scan3A_527, %mul3A_528 : i32
        %add3A_530 = arith.constant 0 : i32
        %add3A_531 = arith.addi %mul3A_529, %add3A_530 : i32
        %add3A_532 = arith.constant 0 : i32
        %add3A_533 = arith.addi %add3A_532, %add3A_531 : i32
        %get3A = arith.constant 0 : i32
        %get3A_534 = arith.constant 0 : i32
        %get3A_535 = tpu.memref_slice %arg6[%scan3A_390, %get3A, %get3A_534] : memref<2x640x32xf32, #tpu.memory_space<vmem>> -> memref<1x640x32xf32, #tpu.memory_space<vmem>>
        %get3A_536 = tpu.memref_squeeze %get3A_535 : memref<1x640x32xf32, #tpu.memory_space<vmem>> -> memref<640x32xf32, #tpu.memory_space<vmem>>
        %get3A_537 = arith.index_cast %add3A_533 : i32 to index
        %get3A_538 = arith.constant 0 : index
        %get3A_539 = tpu.vector_load %get3A_536[%get3A_537, %get3A_538] {strides = array<i32>} : memref<640x32xf32, #tpu.memory_space<vmem>>, vector<16xf32>,
        %get3A_540 = arith.constant 0 : i32
        %get3A_541 = arith.constant 0 : i32
        %get3A_542 = tpu.memref_slice %arg6[%scan3A_390, %get3A_540, %get3A_541] : memref<2x640x32xf32, #tpu.memory_space<vmem>> -> memref<1x640x32xf32, #tpu.memory_space<vmem>>
        %get3A_543 = tpu.memref_squeeze %get3A_542 : memref<1x640x32xf32, #tpu.memory_space<vmem>> -> memref<640x32xf32, #tpu.memory_space<vmem>>
        %get3A_544 = arith.index_cast %add3A_533 : i32 to index
        %get3A_545 = arith.constant 16 : index
        %get3A_546 = tpu.vector_load %get3A_543[%get3A_544, %get3A_545] {strides = array<i32>} : memref<640x32xf32, #tpu.memory_space<vmem>>, vector<16xf32>,
        %broadcast_in_dim3A_547 = arith.constant 0 : i32
        %broadcast_in_dim3A_548 = vector.broadcast %broadcast_in_dim3A_547 : i32 to vector<16xi32>
        %add3A_549 = vector.broadcast %add3A_531 : i32 to vector<16xi32>
        %add3A_550 = arith.addi %broadcast_in_dim3A_548, %add3A_549 : vector<16xi32>
        %scatter3A = arith.constant 0 : i32
        %scatter3A_551 = arith.constant 0 : i32
        %scatter3A_552 = arith.constant 0 : i32
        %scatter3A_553 = tpu.memref_slice %arg7[%scan3A_391, %scatter3A, %scatter3A_551, %scatter3A_552] : memref<2x5x32x129xf32, #tpu.memory_space<vmem>> -> memref<1x5x32x129xf32, #tpu.memory_space<vmem>>
        %scatter3A_554 = tpu.memref_squeeze %scatter3A_553 : memref<1x5x32x129xf32, #tpu.memory_space<vmem>> -> memref<5x32x129xf32, #tpu.memory_space<vmem>>
        tpu.vector_store_idx %scatter3A_554[%broadcast_in_dim3A_388, %iota3A, %add3A_550], %get3A_539 : memref<5x32x129xf32, #tpu.memory_space<vmem>>[vector<16xi32>, vector<16xi32>, vector<16xi32>], vector<16xf32>,
        %scatter3A_555 = arith.constant 0 : i32
        %scatter3A_556 = arith.constant 0 : i32
        %scatter3A_557 = arith.constant 0 : i32
        %scatter3A_558 = tpu.memref_slice %arg7[%scan3A_391, %scatter3A_555, %scatter3A_556, %scatter3A_557] : memref<2x5x32x129xf32, #tpu.memory_space<vmem>> -> memref<1x5x32x129xf32, #tpu.memory_space<vmem>>
        %scatter3A_559 = tpu.memref_squeeze %scatter3A_558 : memref<1x5x32x129xf32, #tpu.memory_space<vmem>> -> memref<5x32x129xf32, #tpu.memory_space<vmem>>
        tpu.vector_store_idx %scatter3A_559[%broadcast_in_dim3A_388, %add3A_3, %add3A_550], %get3A_546 : memref<5x32x129xf32, #tpu.memory_space<vmem>>[vector<16xi32>, vector<16xi32>, vector<16xi32>], vector<16xf32>,
        %mul3A_560 = arith.constant 8 : i32
        %mul3A_561 = arith.muli %scan3A_527, %mul3A_560 : i32
        %add3A_562 = arith.constant 1 : i32
        %add3A_563 = arith.addi %mul3A_561, %add3A_562 : i32
        %add3A_564 = arith.constant 0 : i32
        %add3A_565 = arith.addi %add3A_564, %add3A_563 : i32
        %get3A_566 = arith.constant 0 : i32
        %get3A_567 = arith.constant 0 : i32
        %get3A_568 = tpu.memref_slice %arg6[%scan3A_390, %get3A_566, %get3A_567] : memref<2x640x32xf32, #tpu.memory_space<vmem>> -> memref<1x640x32xf32, #tpu.memory_space<vmem>>
        %get3A_569 = tpu.memref_squeeze %get3A_568 : memref<1x640x32xf32, #tpu.memory_space<vmem>> -> memref<640x32xf32, #tpu.memory_space<vmem>>
        %get3A_570 = arith.index_cast %add3A_565 : i32 to index
        %get3A_571 = arith.constant 0 : index
        %get3A_572 = tpu.vector_load %get3A_569[%get3A_570, %get3A_571] {strides = array<i32>} : memref<640x32xf32, #tpu.memory_space<vmem>>, vector<16xf32>,
        %get3A_573 = arith.constant 0 : i32
        %get3A_574 = arith.constant 0 : i32
        %get3A_575 = tpu.memref_slice %arg6[%scan3A_390, %get3A_573, %get3A_574] : memref<2x640x32xf32, #tpu.memory_space<vmem>> -> memref<1x640x32xf32, #tpu.memory_space<vmem>>
        %get3A_576 = tpu.memref_squeeze %get3A_575 : memref<1x640x32xf32, #tpu.memory_space<vmem>> -> memref<640x32xf32, #tpu.memory_space<vmem>>
        %get3A_577 = arith.index_cast %add3A_565 : i32 to index
        %get3A_578 = arith.constant 16 : index
        %get3A_579 = tpu.vector_load %get3A_576[%get3A_577, %get3A_578] {strides = array<i32>} : memref<640x32xf32, #tpu.memory_space<vmem>>, vector<16xf32>,
        %broadcast_in_dim3A_580 = arith.constant 0 : i32
        %broadcast_in_dim3A_581 = vector.broadcast %broadcast_in_dim3A_580 : i32 to vector<16xi32>
        %add3A_582 = vector.broadcast %add3A_563 : i32 to vector<16xi32>
        %add3A_583 = arith.addi %broadcast_in_dim3A_581, %add3A_582 : vector<16xi32>
        %scatter3A_584 = arith.constant 0 : i32
        %scatter3A_585 = arith.constant 0 : i32
        %scatter3A_586 = arith.constant 0 : i32
        %scatter3A_587 = tpu.memref_slice %arg7[%scan3A_391, %scatter3A_584, %scatter3A_585, %scatter3A_586] : memref<2x5x32x129xf32, #tpu.memory_space<vmem>> -> memref<1x5x32x129xf32, #tpu.memory_space<vmem>>
        %scatter3A_588 = tpu.memref_squeeze %scatter3A_587 : memref<1x5x32x129xf32, #tpu.memory_space<vmem>> -> memref<5x32x129xf32, #tpu.memory_space<vmem>>
        tpu.vector_store_idx %scatter3A_588[%broadcast_in_dim3A_388, %iota3A, %add3A_583], %get3A_572 : memref<5x32x129xf32, #tpu.memory_space<vmem>>[vector<16xi32>, vector<16xi32>, vector<16xi32>], vector<16xf32>,
        %scatter3A_589 = arith.constant 0 : i32
        %scatter3A_590 = arith.constant 0 : i32
        %scatter3A_591 = arith.constant 0 : i32
        %scatter3A_592 = tpu.memref_slice %arg7[%scan3A_391, %scatter3A_589, %scatter3A_590, %scatter3A_591] : memref<2x5x32x129xf32, #tpu.memory_space<vmem>> -> memref<1x5x32x129xf32, #tpu.memory_space<vmem>>
        %scatter3A_593 = tpu.memref_squeeze %scatter3A_592 : memref<1x5x32x129xf32, #tpu.memory_space<vmem>> -> memref<5x32x129xf32, #tpu.memory_space<vmem>>
        tpu.vector_store_idx %scatter3A_593[%broadcast_in_dim3A_388, %add3A_3, %add3A_583], %get3A_579 : memref<5x32x129xf32, #tpu.memory_space<vmem>>[vector<16xi32>, vector<16xi32>, vector<16xi32>], vector<16xf32>,
        %mul3A_594 = arith.constant 8 : i32
        %mul3A_595 = arith.muli %scan3A_527, %mul3A_594 : i32
        %add3A_596 = arith.constant 2 : i32
        %add3A_597 = arith.addi %mul3A_595, %add3A_596 : i32
        %add3A_598 = arith.constant 0 : i32
        %add3A_599 = arith.addi %add3A_598, %add3A_597 : i32
        %get3A_600 = arith.constant 0 : i32
        %get3A_601 = arith.constant 0 : i32
        %get3A_602 = tpu.memref_slice %arg6[%scan3A_390, %get3A_600, %get3A_601] : memref<2x640x32xf32, #tpu.memory_space<vmem>> -> memref<1x640x32xf32, #tpu.memory_space<vmem>>
        %get3A_603 = tpu.memref_squeeze %get3A_602 : memref<1x640x32xf32, #tpu.memory_space<vmem>> -> memref<640x32xf32, #tpu.memory_space<vmem>>
        %get3A_604 = arith.index_cast %add3A_599 : i32 to index
        %get3A_605 = arith.constant 0 : index
        %get3A_606 = tpu.vector_load %get3A_603[%get3A_604, %get3A_605] {strides = array<i32>} : memref<640x32xf32, #tpu.memory_space<vmem>>, vector<16xf32>,
        %get3A_607 = arith.constant 0 : i32
        %get3A_608 = arith.constant 0 : i32
        %get3A_609 = tpu.memref_slice %arg6[%scan3A_390, %get3A_607, %get3A_608] : memref<2x640x32xf32, #tpu.memory_space<vmem>> -> memref<1x640x32xf32, #tpu.memory_space<vmem>>
        %get3A_610 = tpu.memref_squeeze %get3A_609 : memref<1x640x32xf32, #tpu.memory_space<vmem>> -> memref<640x32xf32, #tpu.memory_space<vmem>>
        %get3A_611 = arith.index_cast %add3A_599 : i32 to index
        %get3A_612 = arith.constant 16 : index
        %get3A_613 = tpu.vector_load %get3A_610[%get3A_611, %get3A_612] {strides = array<i32>} : memref<640x32xf32, #tpu.memory_space<vmem>>, vector<16xf32>,
        %broadcast_in_dim3A_614 = arith.constant 0 : i32
        %broadcast_in_dim3A_615 = vector.broadcast %broadcast_in_dim3A_614 : i32 to vector<16xi32>
        %add3A_616 = vector.broadcast %add3A_597 : i32 to vector<16xi32>
        %add3A_617 = arith.addi %broadcast_in_dim3A_615, %add3A_616 : vector<16xi32>
        %scatter3A_618 = arith.constant 0 : i32
        %scatter3A_619 = arith.constant 0 : i32
        %scatter3A_620 = arith.constant 0 : i32
        %scatter3A_621 = tpu.memref_slice %arg7[%scan3A_391, %scatter3A_618, %scatter3A_619, %scatter3A_620] : memref<2x5x32x129xf32, #tpu.memory_space<vmem>> -> memref<1x5x32x129xf32, #tpu.memory_space<vmem>>
        %scatter3A_622 = tpu.memref_squeeze %scatter3A_621 : memref<1x5x32x129xf32, #tpu.memory_space<vmem>> -> memref<5x32x129xf32, #tpu.memory_space<vmem>>
        tpu.vector_store_idx %scatter3A_622[%broadcast_in_dim3A_388, %iota3A, %add3A_617], %get3A_606 : memref<5x32x129xf32, #tpu.memory_space<vmem>>[vector<16xi32>, vector<16xi32>, vector<16xi32>], vector<16xf32>,
        %scatter3A_623 = arith.constant 0 : i32
        %scatter3A_624 = arith.constant 0 : i32
        %scatter3A_625 = arith.constant 0 : i32
        %scatter3A_626 = tpu.memref_slice %arg7[%scan3A_391, %scatter3A_623, %scatter3A_624, %scatter3A_625] : memref<2x5x32x129xf32, #tpu.memory_space<vmem>> -> memref<1x5x32x129xf32, #tpu.memory_space<vmem>>
        %scatter3A_627 = tpu.memref_squeeze %scatter3A_626 : memref<1x5x32x129xf32, #tpu.memory_space<vmem>> -> memref<5x32x129xf32, #tpu.memory_space<vmem>>
        tpu.vector_store_idx %scatter3A_627[%broadcast_in_dim3A_388, %add3A_3, %add3A_617], %get3A_613 : memref<5x32x129xf32, #tpu.memory_space<vmem>>[vector<16xi32>, vector<16xi32>, vector<16xi32>], vector<16xf32>,
        %mul3A_628 = arith.constant 8 : i32
        %mul3A_629 = arith.muli %scan3A_527, %mul3A_628 : i32
        %add3A_630 = arith.constant 3 : i32
        %add3A_631 = arith.addi %mul3A_629, %add3A_630 : i32
        %add3A_632 = arith.constant 0 : i32
        %add3A_633 = arith.addi %add3A_632, %add3A_631 : i32
        %get3A_634 = arith.constant 0 : i32
        %get3A_635 = arith.constant 0 : i32
        %get3A_636 = tpu.memref_slice %arg6[%scan3A_390, %get3A_634, %get3A_635] : memref<2x640x32xf32, #tpu.memory_space<vmem>> -> memref<1x640x32xf32, #tpu.memory_space<vmem>>
        %get3A_637 = tpu.memref_squeeze %get3A_636 : memref<1x640x32xf32, #tpu.memory_space<vmem>> -> memref<640x32xf32, #tpu.memory_space<vmem>>
        %get3A_638 = arith.index_cast %add3A_633 : i32 to index
        %get3A_639 = arith.constant 0 : index
        %get3A_640 = tpu.vector_load %get3A_637[%get3A_638, %get3A_639] {strides = array<i32>} : memref<640x32xf32, #tpu.memory_space<vmem>>, vector<16xf32>,
        %get3A_641 = arith.constant 0 : i32
        %get3A_642 = arith.constant 0 : i32
        %get3A_643 = tpu.memref_slice %arg6[%scan3A_390, %get3A_641, %get3A_642] : memref<2x640x32xf32, #tpu.memory_space<vmem>> -> memref<1x640x32xf32, #tpu.memory_space<vmem>>
        %get3A_644 = tpu.memref_squeeze %get3A_643 : memref<1x640x32xf32, #tpu.memory_space<vmem>> -> memref<640x32xf32, #tpu.memory_space<vmem>>
        %get3A_645 = arith.index_cast %add3A_633 : i32 to index
        %get3A_646 = arith.constant 16 : index
        %get3A_647 = tpu.vector_load %get3A_644[%get3A_645, %get3A_646] {strides = array<i32>} : memref<640x32xf32, #tpu.memory_space<vmem>>, vector<16xf32>,
        %broadcast_in_dim3A_648 = arith.constant 0 : i32
        %broadcast_in_dim3A_649 = vector.broadcast %broadcast_in_dim3A_648 : i32 to vector<16xi32>
        %add3A_650 = vector.broadcast %add3A_631 : i32 to vector<16xi32>
        %add3A_651 = arith.addi %broadcast_in_dim3A_649, %add3A_650 : vector<16xi32>
        %scatter3A_652 = arith.constant 0 : i32
        %scatter3A_653 = arith.constant 0 : i32
        %scatter3A_654 = arith.constant 0 : i32
        %scatter3A_655 = tpu.memref_slice %arg7[%scan3A_391, %scatter3A_652, %scatter3A_653, %scatter3A_654] : memref<2x5x32x129xf32, #tpu.memory_space<vmem>> -> memref<1x5x32x129xf32, #tpu.memory_space<vmem>>
        %scatter3A_656 = tpu.memref_squeeze %scatter3A_655 : memref<1x5x32x129xf32, #tpu.memory_space<vmem>> -> memref<5x32x129xf32, #tpu.memory_space<vmem>>
        tpu.vector_store_idx %scatter3A_656[%broadcast_in_dim3A_388, %iota3A, %add3A_651], %get3A_640 : memref<5x32x129xf32, #tpu.memory_space<vmem>>[vector<16xi32>, vector<16xi32>, vector<16xi32>], vector<16xf32>,
        %scatter3A_657 = arith.constant 0 : i32
        %scatter3A_658 = arith.constant 0 : i32
        %scatter3A_659 = arith.constant 0 : i32
        %scatter3A_660 = tpu.memref_slice %arg7[%scan3A_391, %scatter3A_657, %scatter3A_658, %scatter3A_659] : memref<2x5x32x129xf32, #tpu.memory_space<vmem>> -> memref<1x5x32x129xf32, #tpu.memory_space<vmem>>
        %scatter3A_661 = tpu.memref_squeeze %scatter3A_660 : memref<1x5x32x129xf32, #tpu.memory_space<vmem>> -> memref<5x32x129xf32, #tpu.memory_space<vmem>>
        tpu.vector_store_idx %scatter3A_661[%broadcast_in_dim3A_388, %add3A_3, %add3A_651], %get3A_647 : memref<5x32x129xf32, #tpu.memory_space<vmem>>[vector<16xi32>, vector<16xi32>, vector<16xi32>], vector<16xf32>,
        %mul3A_662 = arith.constant 8 : i32
        %mul3A_663 = arith.muli %scan3A_527, %mul3A_662 : i32
        %add3A_664 = arith.constant 4 : i32
        %add3A_665 = arith.addi %mul3A_663, %add3A_664 : i32
        %add3A_666 = arith.constant 0 : i32
        %add3A_667 = arith.addi %add3A_666, %add3A_665 : i32
        %get3A_668 = arith.constant 0 : i32
        %get3A_669 = arith.constant 0 : i32
        %get3A_670 = tpu.memref_slice %arg6[%scan3A_390, %get3A_668, %get3A_669] : memref<2x640x32xf32, #tpu.memory_space<vmem>> -> memref<1x640x32xf32, #tpu.memory_space<vmem>>
        %get3A_671 = tpu.memref_squeeze %get3A_670 : memref<1x640x32xf32, #tpu.memory_space<vmem>> -> memref<640x32xf32, #tpu.memory_space<vmem>>
        %get3A_672 = arith.index_cast %add3A_667 : i32 to index
        %get3A_673 = arith.constant 0 : index
        %get3A_674 = tpu.vector_load %get3A_671[%get3A_672, %get3A_673] {strides = array<i32>} : memref<640x32xf32, #tpu.memory_space<vmem>>, vector<16xf32>,
        %get3A_675 = arith.constant 0 : i32
        %get3A_676 = arith.constant 0 : i32
        %get3A_677 = tpu.memref_slice %arg6[%scan3A_390, %get3A_675, %get3A_676] : memref<2x640x32xf32, #tpu.memory_space<vmem>> -> memref<1x640x32xf32, #tpu.memory_space<vmem>>
        %get3A_678 = tpu.memref_squeeze %get3A_677 : memref<1x640x32xf32, #tpu.memory_space<vmem>> -> memref<640x32xf32, #tpu.memory_space<vmem>>
        %get3A_679 = arith.index_cast %add3A_667 : i32 to index
        %get3A_680 = arith.constant 16 : index
        %get3A_681 = tpu.vector_load %get3A_678[%get3A_679, %get3A_680] {strides = array<i32>} : memref<640x32xf32, #tpu.memory_space<vmem>>, vector<16xf32>,
        %broadcast_in_dim3A_682 = arith.constant 0 : i32
        %broadcast_in_dim3A_683 = vector.broadcast %broadcast_in_dim3A_682 : i32 to vector<16xi32>
        %add3A_684 = vector.broadcast %add3A_665 : i32 to vector<16xi32>
        %add3A_685 = arith.addi %broadcast_in_dim3A_683, %add3A_684 : vector<16xi32>
        %scatter3A_686 = arith.constant 0 : i32
        %scatter3A_687 = arith.constant 0 : i32
        %scatter3A_688 = arith.constant 0 : i32
        %scatter3A_689 = tpu.memref_slice %arg7[%scan3A_391, %scatter3A_686, %scatter3A_687, %scatter3A_688] : memref<2x5x32x129xf32, #tpu.memory_space<vmem>> -> memref<1x5x32x129xf32, #tpu.memory_space<vmem>>
        %scatter3A_690 = tpu.memref_squeeze %scatter3A_689 : memref<1x5x32x129xf32, #tpu.memory_space<vmem>> -> memref<5x32x129xf32, #tpu.memory_space<vmem>>
        tpu.vector_store_idx %scatter3A_690[%broadcast_in_dim3A_388, %iota3A, %add3A_685], %get3A_674 : memref<5x32x129xf32, #tpu.memory_space<vmem>>[vector<16xi32>, vector<16xi32>, vector<16xi32>], vector<16xf32>,
        %scatter3A_691 = arith.constant 0 : i32
        %scatter3A_692 = arith.constant 0 : i32
        %scatter3A_693 = arith.constant 0 : i32
        %scatter3A_694 = tpu.memref_slice %arg7[%scan3A_391, %scatter3A_691, %scatter3A_692, %scatter3A_693] : memref<2x5x32x129xf32, #tpu.memory_space<vmem>> -> memref<1x5x32x129xf32, #tpu.memory_space<vmem>>
        %scatter3A_695 = tpu.memref_squeeze %scatter3A_694 : memref<1x5x32x129xf32, #tpu.memory_space<vmem>> -> memref<5x32x129xf32, #tpu.memory_space<vmem>>
        tpu.vector_store_idx %scatter3A_695[%broadcast_in_dim3A_388, %add3A_3, %add3A_685], %get3A_681 : memref<5x32x129xf32, #tpu.memory_space<vmem>>[vector<16xi32>, vector<16xi32>, vector<16xi32>], vector<16xf32>,
        %mul3A_696 = arith.constant 8 : i32
        %mul3A_697 = arith.muli %scan3A_527, %mul3A_696 : i32
        %add3A_698 = arith.constant 5 : i32
        %add3A_699 = arith.addi %mul3A_697, %add3A_698 : i32
        %add3A_700 = arith.constant 0 : i32
        %add3A_701 = arith.addi %add3A_700, %add3A_699 : i32
        %get3A_702 = arith.constant 0 : i32
        %get3A_703 = arith.constant 0 : i32
        %get3A_704 = tpu.memref_slice %arg6[%scan3A_390, %get3A_702, %get3A_703] : memref<2x640x32xf32, #tpu.memory_space<vmem>> -> memref<1x640x32xf32, #tpu.memory_space<vmem>>
        %get3A_705 = tpu.memref_squeeze %get3A_704 : memref<1x640x32xf32, #tpu.memory_space<vmem>> -> memref<640x32xf32, #tpu.memory_space<vmem>>
        %get3A_706 = arith.index_cast %add3A_701 : i32 to index
        %get3A_707 = arith.constant 0 : index
        %get3A_708 = tpu.vector_load %get3A_705[%get3A_706, %get3A_707] {strides = array<i32>} : memref<640x32xf32, #tpu.memory_space<vmem>>, vector<16xf32>,
        %get3A_709 = arith.constant 0 : i32
        %get3A_710 = arith.constant 0 : i32
        %get3A_711 = tpu.memref_slice %arg6[%scan3A_390, %get3A_709, %get3A_710] : memref<2x640x32xf32, #tpu.memory_space<vmem>> -> memref<1x640x32xf32, #tpu.memory_space<vmem>>
        %get3A_712 = tpu.memref_squeeze %get3A_711 : memref<1x640x32xf32, #tpu.memory_space<vmem>> -> memref<640x32xf32, #tpu.memory_space<vmem>>
        %get3A_713 = arith.index_cast %add3A_701 : i32 to index
        %get3A_714 = arith.constant 16 : index
        %get3A_715 = tpu.vector_load %get3A_712[%get3A_713, %get3A_714] {strides = array<i32>} : memref<640x32xf32, #tpu.memory_space<vmem>>, vector<16xf32>,
        %broadcast_in_dim3A_716 = arith.constant 0 : i32
        %broadcast_in_dim3A_717 = vector.broadcast %broadcast_in_dim3A_716 : i32 to vector<16xi32>
        %add3A_718 = vector.broadcast %add3A_699 : i32 to vector<16xi32>
        %add3A_719 = arith.addi %broadcast_in_dim3A_717, %add3A_718 : vector<16xi32>
        %scatter3A_720 = arith.constant 0 : i32
        %scatter3A_721 = arith.constant 0 : i32
        %scatter3A_722 = arith.constant 0 : i32
        %scatter3A_723 = tpu.memref_slice %arg7[%scan3A_391, %scatter3A_720, %scatter3A_721, %scatter3A_722] : memref<2x5x32x129xf32, #tpu.memory_space<vmem>> -> memref<1x5x32x129xf32, #tpu.memory_space<vmem>>
        %scatter3A_724 = tpu.memref_squeeze %scatter3A_723 : memref<1x5x32x129xf32, #tpu.memory_space<vmem>> -> memref<5x32x129xf32, #tpu.memory_space<vmem>>
        tpu.vector_store_idx %scatter3A_724[%broadcast_in_dim3A_388, %iota3A, %add3A_719], %get3A_708 : memref<5x32x129xf32, #tpu.memory_space<vmem>>[vector<16xi32>, vector<16xi32>, vector<16xi32>], vector<16xf32>,
        %scatter3A_725 = arith.constant 0 : i32
        %scatter3A_726 = arith.constant 0 : i32
        %scatter3A_727 = arith.constant 0 : i32
        %scatter3A_728 = tpu.memref_slice %arg7[%scan3A_391, %scatter3A_725, %scatter3A_726, %scatter3A_727] : memref<2x5x32x129xf32, #tpu.memory_space<vmem>> -> memref<1x5x32x129xf32, #tpu.memory_space<vmem>>
        %scatter3A_729 = tpu.memref_squeeze %scatter3A_728 : memref<1x5x32x129xf32, #tpu.memory_space<vmem>> -> memref<5x32x129xf32, #tpu.memory_space<vmem>>
        tpu.vector_store_idx %scatter3A_729[%broadcast_in_dim3A_388, %add3A_3, %add3A_719], %get3A_715 : memref<5x32x129xf32, #tpu.memory_space<vmem>>[vector<16xi32>, vector<16xi32>, vector<16xi32>], vector<16xf32>,
        %mul3A_730 = arith.constant 8 : i32
        %mul3A_731 = arith.muli %scan3A_527, %mul3A_730 : i32
        %add3A_732 = arith.constant 6 : i32
        %add3A_733 = arith.addi %mul3A_731, %add3A_732 : i32
        %add3A_734 = arith.constant 0 : i32
        %add3A_735 = arith.addi %add3A_734, %add3A_733 : i32
        %get3A_736 = arith.constant 0 : i32
        %get3A_737 = arith.constant 0 : i32
        %get3A_738 = tpu.memref_slice %arg6[%scan3A_390, %get3A_736, %get3A_737] : memref<2x640x32xf32, #tpu.memory_space<vmem>> -> memref<1x640x32xf32, #tpu.memory_space<vmem>>
        %get3A_739 = tpu.memref_squeeze %get3A_738 : memref<1x640x32xf32, #tpu.memory_space<vmem>> -> memref<640x32xf32, #tpu.memory_space<vmem>>
        %get3A_740 = arith.index_cast %add3A_735 : i32 to index
        %get3A_741 = arith.constant 0 : index
        %get3A_742 = tpu.vector_load %get3A_739[%get3A_740, %get3A_741] {strides = array<i32>} : memref<640x32xf32, #tpu.memory_space<vmem>>, vector<16xf32>,
        %get3A_743 = arith.constant 0 : i32
        %get3A_744 = arith.constant 0 : i32
        %get3A_745 = tpu.memref_slice %arg6[%scan3A_390, %get3A_743, %get3A_744] : memref<2x640x32xf32, #tpu.memory_space<vmem>> -> memref<1x640x32xf32, #tpu.memory_space<vmem>>
        %get3A_746 = tpu.memref_squeeze %get3A_745 : memref<1x640x32xf32, #tpu.memory_space<vmem>> -> memref<640x32xf32, #tpu.memory_space<vmem>>
        %get3A_747 = arith.index_cast %add3A_735 : i32 to index
        %get3A_748 = arith.constant 16 : index
        %get3A_749 = tpu.vector_load %get3A_746[%get3A_747, %get3A_748] {strides = array<i32>} : memref<640x32xf32, #tpu.memory_space<vmem>>, vector<16xf32>,
        %broadcast_in_dim3A_750 = arith.constant 0 : i32
        %broadcast_in_dim3A_751 = vector.broadcast %broadcast_in_dim3A_750 : i32 to vector<16xi32>
        %add3A_752 = vector.broadcast %add3A_733 : i32 to vector<16xi32>
        %add3A_753 = arith.addi %broadcast_in_dim3A_751, %add3A_752 : vector<16xi32>
        %scatter3A_754 = arith.constant 0 : i32
        %scatter3A_755 = arith.constant 0 : i32
        %scatter3A_756 = arith.constant 0 : i32
        %scatter3A_757 = tpu.memref_slice %arg7[%scan3A_391, %scatter3A_754, %scatter3A_755, %scatter3A_756] : memref<2x5x32x129xf32, #tpu.memory_space<vmem>> -> memref<1x5x32x129xf32, #tpu.memory_space<vmem>>
        %scatter3A_758 = tpu.memref_squeeze %scatter3A_757 : memref<1x5x32x129xf32, #tpu.memory_space<vmem>> -> memref<5x32x129xf32, #tpu.memory_space<vmem>>
        tpu.vector_store_idx %scatter3A_758[%broadcast_in_dim3A_388, %iota3A, %add3A_753], %get3A_742 : memref<5x32x129xf32, #tpu.memory_space<vmem>>[vector<16xi32>, vector<16xi32>, vector<16xi32>], vector<16xf32>,
        %scatter3A_759 = arith.constant 0 : i32
        %scatter3A_760 = arith.constant 0 : i32
        %scatter3A_761 = arith.constant 0 : i32
        %scatter3A_762 = tpu.memref_slice %arg7[%scan3A_391, %scatter3A_759, %scatter3A_760, %scatter3A_761] : memref<2x5x32x129xf32, #tpu.memory_space<vmem>> -> memref<1x5x32x129xf32, #tpu.memory_space<vmem>>
        %scatter3A_763 = tpu.memref_squeeze %scatter3A_762 : memref<1x5x32x129xf32, #tpu.memory_space<vmem>> -> memref<5x32x129xf32, #tpu.memory_space<vmem>>
        tpu.vector_store_idx %scatter3A_763[%broadcast_in_dim3A_388, %add3A_3, %add3A_753], %get3A_749 : memref<5x32x129xf32, #tpu.memory_space<vmem>>[vector<16xi32>, vector<16xi32>, vector<16xi32>], vector<16xf32>,
        %mul3A_764 = arith.constant 8 : i32
        %mul3A_765 = arith.muli %scan3A_527, %mul3A_764 : i32
        %add3A_766 = arith.constant 7 : i32
        %add3A_767 = arith.addi %mul3A_765, %add3A_766 : i32
        %add3A_768 = arith.constant 0 : i32
        %add3A_769 = arith.addi %add3A_768, %add3A_767 : i32
        %get3A_770 = arith.constant 0 : i32
        %get3A_771 = arith.constant 0 : i32
        %get3A_772 = tpu.memref_slice %arg6[%scan3A_390, %get3A_770, %get3A_771] : memref<2x640x32xf32, #tpu.memory_space<vmem>> -> memref<1x640x32xf32, #tpu.memory_space<vmem>>
        %get3A_773 = tpu.memref_squeeze %get3A_772 : memref<1x640x32xf32, #tpu.memory_space<vmem>> -> memref<640x32xf32, #tpu.memory_space<vmem>>
        %get3A_774 = arith.index_cast %add3A_769 : i32 to index
        %get3A_775 = arith.constant 0 : index
        %get3A_776 = tpu.vector_load %get3A_773[%get3A_774, %get3A_775] {strides = array<i32>} : memref<640x32xf32, #tpu.memory_space<vmem>>, vector<16xf32>,
        %get3A_777 = arith.constant 0 : i32
        %get3A_778 = arith.constant 0 : i32
        %get3A_779 = tpu.memref_slice %arg6[%scan3A_390, %get3A_777, %get3A_778] : memref<2x640x32xf32, #tpu.memory_space<vmem>> -> memref<1x640x32xf32, #tpu.memory_space<vmem>>
        %get3A_780 = tpu.memref_squeeze %get3A_779 : memref<1x640x32xf32, #tpu.memory_space<vmem>> -> memref<640x32xf32, #tpu.memory_space<vmem>>
        %get3A_781 = arith.index_cast %add3A_769 : i32 to index
        %get3A_782 = arith.constant 16 : index
        %get3A_783 = tpu.vector_load %get3A_780[%get3A_781, %get3A_782] {strides = array<i32>} : memref<640x32xf32, #tpu.memory_space<vmem>>, vector<16xf32>,
        %broadcast_in_dim3A_784 = arith.constant 0 : i32
        %broadcast_in_dim3A_785 = vector.broadcast %broadcast_in_dim3A_784 : i32 to vector<16xi32>
        %add3A_786 = vector.broadcast %add3A_767 : i32 to vector<16xi32>
        %add3A_787 = arith.addi %broadcast_in_dim3A_785, %add3A_786 : vector<16xi32>
        %scatter3A_788 = arith.constant 0 : i32
        %scatter3A_789 = arith.constant 0 : i32
        %scatter3A_790 = arith.constant 0 : i32
        %scatter3A_791 = tpu.memref_slice %arg7[%scan3A_391, %scatter3A_788, %scatter3A_789, %scatter3A_790] : memref<2x5x32x129xf32, #tpu.memory_space<vmem>> -> memref<1x5x32x129xf32, #tpu.memory_space<vmem>>
        %scatter3A_792 = tpu.memref_squeeze %scatter3A_791 : memref<1x5x32x129xf32, #tpu.memory_space<vmem>> -> memref<5x32x129xf32, #tpu.memory_space<vmem>>
        tpu.vector_store_idx %scatter3A_792[%broadcast_in_dim3A_388, %iota3A, %add3A_787], %get3A_776 : memref<5x32x129xf32, #tpu.memory_space<vmem>>[vector<16xi32>, vector<16xi32>, vector<16xi32>], vector<16xf32>,
        %scatter3A_793 = arith.constant 0 : i32
        %scatter3A_794 = arith.constant 0 : i32
        %scatter3A_795 = arith.constant 0 : i32
        %scatter3A_796 = tpu.memref_slice %arg7[%scan3A_391, %scatter3A_793, %scatter3A_794, %scatter3A_795] : memref<2x5x32x129xf32, #tpu.memory_space<vmem>> -> memref<1x5x32x129xf32, #tpu.memory_space<vmem>>
        %scatter3A_797 = tpu.memref_squeeze %scatter3A_796 : memref<1x5x32x129xf32, #tpu.memory_space<vmem>> -> memref<5x32x129xf32, #tpu.memory_space<vmem>>
        tpu.vector_store_idx %scatter3A_797[%broadcast_in_dim3A_388, %add3A_3, %add3A_787], %get3A_783 : memref<5x32x129xf32, #tpu.memory_space<vmem>>[vector<16xi32>, vector<16xi32>, vector<16xi32>], vector<16xf32>,
      }
      %scan3A_396 = arith.constant 16 : i32
      %broadcast_in_dim3A_397 = arith.constant 1 : i32
      %broadcast_in_dim3A_398 = vector.broadcast %broadcast_in_dim3A_397 : i32 to vector<16xi32>
      %scan3A_399 = arith.constant 0 : i32
      %scan3A_400 = arith.constant 1 : i32
      %scan3A_401 = arith.constant 1 : i32
      %scan3A_402 = arith.constant 0 : i32
      %scan3A_403 = arith.constant 16 : i32
      %scan3A_404 = arith.addi %scan3A_402, %scan3A_403 : i32
      %scan3A_405 = arith.constant 1 : i32
      scf.for %scan3A_527 = %scan3A_402 to %scan3A_404 step %scan3A_405  : i32 {
        %mul3A_528 = arith.constant 8 : i32
        %mul3A_529 = arith.muli %scan3A_527, %mul3A_528 : i32
        %add3A_530 = arith.constant 0 : i32
        %add3A_531 = arith.addi %mul3A_529, %add3A_530 : i32
        %add3A_532 = arith.constant 128 : i32
        %add3A_533 = arith.addi %add3A_532, %add3A_531 : i32
        %get3A = arith.constant 0 : i32
        %get3A_534 = arith.constant 0 : i32
        %get3A_535 = tpu.memref_slice %arg6[%scan3A_400, %get3A, %get3A_534] : memref<2x640x32xf32, #tpu.memory_space<vmem>> -> memref<1x640x32xf32, #tpu.memory_space<vmem>>
        %get3A_536 = tpu.memref_squeeze %get3A_535 : memref<1x640x32xf32, #tpu.memory_space<vmem>> -> memref<640x32xf32, #tpu.memory_space<vmem>>
        %get3A_537 = arith.index_cast %add3A_533 : i32 to index
        %get3A_538 = arith.constant 0 : index
        %get3A_539 = tpu.vector_load %get3A_536[%get3A_537, %get3A_538] {strides = array<i32>} : memref<640x32xf32, #tpu.memory_space<vmem>>, vector<16xf32>,
        %get3A_540 = arith.constant 0 : i32
        %get3A_541 = arith.constant 0 : i32
        %get3A_542 = tpu.memref_slice %arg6[%scan3A_400, %get3A_540, %get3A_541] : memref<2x640x32xf32, #tpu.memory_space<vmem>> -> memref<1x640x32xf32, #tpu.memory_space<vmem>>
        %get3A_543 = tpu.memref_squeeze %get3A_542 : memref<1x640x32xf32, #tpu.memory_space<vmem>> -> memref<640x32xf32, #tpu.memory_space<vmem>>
        %get3A_544 = arith.index_cast %add3A_533 : i32 to index
        %get3A_545 = arith.constant 16 : index
        %get3A_546 = tpu.vector_load %get3A_543[%get3A_544, %get3A_545] {strides = array<i32>} : memref<640x32xf32, #tpu.memory_space<vmem>>, vector<16xf32>,
        %broadcast_in_dim3A_547 = arith.constant 0 : i32
        %broadcast_in_dim3A_548 = vector.broadcast %broadcast_in_dim3A_547 : i32 to vector<16xi32>
        %add3A_549 = vector.broadcast %add3A_531 : i32 to vector<16xi32>
        %add3A_550 = arith.addi %broadcast_in_dim3A_548, %add3A_549 : vector<16xi32>
        %scatter3A = arith.constant 0 : i32
        %scatter3A_551 = arith.constant 0 : i32
        %scatter3A_552 = arith.constant 0 : i32
        %scatter3A_553 = tpu.memref_slice %arg7[%scan3A_401, %scatter3A, %scatter3A_551, %scatter3A_552] : memref<2x5x32x129xf32, #tpu.memory_space<vmem>> -> memref<1x5x32x129xf32, #tpu.memory_space<vmem>>
        %scatter3A_554 = tpu.memref_squeeze %scatter3A_553 : memref<1x5x32x129xf32, #tpu.memory_space<vmem>> -> memref<5x32x129xf32, #tpu.memory_space<vmem>>
        tpu.vector_store_idx %scatter3A_554[%broadcast_in_dim3A_398, %iota3A, %add3A_550], %get3A_539 : memref<5x32x129xf32, #tpu.memory_space<vmem>>[vector<16xi32>, vector<16xi32>, vector<16xi32>], vector<16xf32>,
        %scatter3A_555 = arith.constant 0 : i32
        %scatter3A_556 = arith.constant 0 : i32
        %scatter3A_557 = arith.constant 0 : i32
        %scatter3A_558 = tpu.memref_slice %arg7[%scan3A_401, %scatter3A_555, %scatter3A_556, %scatter3A_557] : memref<2x5x32x129xf32, #tpu.memory_space<vmem>> -> memref<1x5x32x129xf32, #tpu.memory_space<vmem>>
        %scatter3A_559 = tpu.memref_squeeze %scatter3A_558 : memref<1x5x32x129xf32, #tpu.memory_space<vmem>> -> memref<5x32x129xf32, #tpu.memory_space<vmem>>
        tpu.vector_store_idx %scatter3A_559[%broadcast_in_dim3A_398, %add3A_3, %add3A_550], %get3A_546 : memref<5x32x129xf32, #tpu.memory_space<vmem>>[vector<16xi32>, vector<16xi32>, vector<16xi32>], vector<16xf32>,
        %mul3A_560 = arith.constant 8 : i32
        %mul3A_561 = arith.muli %scan3A_527, %mul3A_560 : i32
        %add3A_562 = arith.constant 1 : i32
        %add3A_563 = arith.addi %mul3A_561, %add3A_562 : i32
        %add3A_564 = arith.constant 128 : i32
        %add3A_565 = arith.addi %add3A_564, %add3A_563 : i32
        %get3A_566 = arith.constant 0 : i32
        %get3A_567 = arith.constant 0 : i32
        %get3A_568 = tpu.memref_slice %arg6[%scan3A_400, %get3A_566, %get3A_567] : memref<2x640x32xf32, #tpu.memory_space<vmem>> -> memref<1x640x32xf32, #tpu.memory_space<vmem>>
        %get3A_569 = tpu.memref_squeeze %get3A_568 : memref<1x640x32xf32, #tpu.memory_space<vmem>> -> memref<640x32xf32, #tpu.memory_space<vmem>>
        %get3A_570 = arith.index_cast %add3A_565 : i32 to index
        %get3A_571 = arith.constant 0 : index
        %get3A_572 = tpu.vector_load %get3A_569[%get3A_570, %get3A_571] {strides = array<i32>} : memref<640x32xf32, #tpu.memory_space<vmem>>, vector<16xf32>,
        %get3A_573 = arith.constant 0 : i32
        %get3A_574 = arith.constant 0 : i32
        %get3A_575 = tpu.memref_slice %arg6[%scan3A_400, %get3A_573, %get3A_574] : memref<2x640x32xf32, #tpu.memory_space<vmem>> -> memref<1x640x32xf32, #tpu.memory_space<vmem>>
        %get3A_576 = tpu.memref_squeeze %get3A_575 : memref<1x640x32xf32, #tpu.memory_space<vmem>> -> memref<640x32xf32, #tpu.memory_space<vmem>>
        %get3A_577 = arith.index_cast %add3A_565 : i32 to index
        %get3A_578 = arith.constant 16 : index
        %get3A_579 = tpu.vector_load %get3A_576[%get3A_577, %get3A_578] {strides = array<i32>} : memref<640x32xf32, #tpu.memory_space<vmem>>, vector<16xf32>,
        %broadcast_in_dim3A_580 = arith.constant 0 : i32
        %broadcast_in_dim3A_581 = vector.broadcast %broadcast_in_dim3A_580 : i32 to vector<16xi32>
        %add3A_582 = vector.broadcast %add3A_563 : i32 to vector<16xi32>
        %add3A_583 = arith.addi %broadcast_in_dim3A_581, %add3A_582 : vector<16xi32>
        %scatter3A_584 = arith.constant 0 : i32
        %scatter3A_585 = arith.constant 0 : i32
        %scatter3A_586 = arith.constant 0 : i32
        %scatter3A_587 = tpu.memref_slice %arg7[%scan3A_401, %scatter3A_584, %scatter3A_585, %scatter3A_586] : memref<2x5x32x129xf32, #tpu.memory_space<vmem>> -> memref<1x5x32x129xf32, #tpu.memory_space<vmem>>
        %scatter3A_588 = tpu.memref_squeeze %scatter3A_587 : memref<1x5x32x129xf32, #tpu.memory_space<vmem>> -> memref<5x32x129xf32, #tpu.memory_space<vmem>>
        tpu.vector_store_idx %scatter3A_588[%broadcast_in_dim3A_398, %iota3A, %add3A_583], %get3A_572 : memref<5x32x129xf32, #tpu.memory_space<vmem>>[vector<16xi32>, vector<16xi32>, vector<16xi32>], vector<16xf32>,
        %scatter3A_589 = arith.constant 0 : i32
        %scatter3A_590 = arith.constant 0 : i32
        %scatter3A_591 = arith.constant 0 : i32
        %scatter3A_592 = tpu.memref_slice %arg7[%scan3A_401, %scatter3A_589, %scatter3A_590, %scatter3A_591] : memref<2x5x32x129xf32, #tpu.memory_space<vmem>> -> memref<1x5x32x129xf32, #tpu.memory_space<vmem>>
        %scatter3A_593 = tpu.memref_squeeze %scatter3A_592 : memref<1x5x32x129xf32, #tpu.memory_space<vmem>> -> memref<5x32x129xf32, #tpu.memory_space<vmem>>
        tpu.vector_store_idx %scatter3A_593[%broadcast_in_dim3A_398, %add3A_3, %add3A_583], %get3A_579 : memref<5x32x129xf32, #tpu.memory_space<vmem>>[vector<16xi32>, vector<16xi32>, vector<16xi32>], vector<16xf32>,
        %mul3A_594 = arith.constant 8 : i32
        %mul3A_595 = arith.muli %scan3A_527, %mul3A_594 : i32
        %add3A_596 = arith.constant 2 : i32
        %add3A_597 = arith.addi %mul3A_595, %add3A_596 : i32
        %add3A_598 = arith.constant 128 : i32
        %add3A_599 = arith.addi %add3A_598, %add3A_597 : i32
        %get3A_600 = arith.constant 0 : i32
        %get3A_601 = arith.constant 0 : i32
        %get3A_602 = tpu.memref_slice %arg6[%scan3A_400, %get3A_600, %get3A_601] : memref<2x640x32xf32, #tpu.memory_space<vmem>> -> memref<1x640x32xf32, #tpu.memory_space<vmem>>
        %get3A_603 = tpu.memref_squeeze %get3A_602 : memref<1x640x32xf32, #tpu.memory_space<vmem>> -> memref<640x32xf32, #tpu.memory_space<vmem>>
        %get3A_604 = arith.index_cast %add3A_599 : i32 to index
        %get3A_605 = arith.constant 0 : index
        %get3A_606 = tpu.vector_load %get3A_603[%get3A_604, %get3A_605] {strides = array<i32>} : memref<640x32xf32, #tpu.memory_space<vmem>>, vector<16xf32>,
        %get3A_607 = arith.constant 0 : i32
        %get3A_608 = arith.constant 0 : i32
        %get3A_609 = tpu.memref_slice %arg6[%scan3A_400, %get3A_607, %get3A_608] : memref<2x640x32xf32, #tpu.memory_space<vmem>> -> memref<1x640x32xf32, #tpu.memory_space<vmem>>
        %get3A_610 = tpu.memref_squeeze %get3A_609 : memref<1x640x32xf32, #tpu.memory_space<vmem>> -> memref<640x32xf32, #tpu.memory_space<vmem>>
        %get3A_611 = arith.index_cast %add3A_599 : i32 to index
        %get3A_612 = arith.constant 16 : index
        %get3A_613 = tpu.vector_load %get3A_610[%get3A_611, %get3A_612] {strides = array<i32>} : memref<640x32xf32, #tpu.memory_space<vmem>>, vector<16xf32>,
        %broadcast_in_dim3A_614 = arith.constant 0 : i32
        %broadcast_in_dim3A_615 = vector.broadcast %broadcast_in_dim3A_614 : i32 to vector<16xi32>
        %add3A_616 = vector.broadcast %add3A_597 : i32 to vector<16xi32>
        %add3A_617 = arith.addi %broadcast_in_dim3A_615, %add3A_616 : vector<16xi32>
        %scatter3A_618 = arith.constant 0 : i32
        %scatter3A_619 = arith.constant 0 : i32
        %scatter3A_620 = arith.constant 0 : i32
        %scatter3A_621 = tpu.memref_slice %arg7[%scan3A_401, %scatter3A_618, %scatter3A_619, %scatter3A_620] : memref<2x5x32x129xf32, #tpu.memory_space<vmem>> -> memref<1x5x32x129xf32, #tpu.memory_space<vmem>>
        %scatter3A_622 = tpu.memref_squeeze %scatter3A_621 : memref<1x5x32x129xf32, #tpu.memory_space<vmem>> -> memref<5x32x129xf32, #tpu.memory_space<vmem>>
        tpu.vector_store_idx %scatter3A_622[%broadcast_in_dim3A_398, %iota3A, %add3A_617], %get3A_606 : memref<5x32x129xf32, #tpu.memory_space<vmem>>[vector<16xi32>, vector<16xi32>, vector<16xi32>], vector<16xf32>,
        %scatter3A_623 = arith.constant 0 : i32
        %scatter3A_624 = arith.constant 0 : i32
        %scatter3A_625 = arith.constant 0 : i32
        %scatter3A_626 = tpu.memref_slice %arg7[%scan3A_401, %scatter3A_623, %scatter3A_624, %scatter3A_625] : memref<2x5x32x129xf32, #tpu.memory_space<vmem>> -> memref<1x5x32x129xf32, #tpu.memory_space<vmem>>
        %scatter3A_627 = tpu.memref_squeeze %scatter3A_626 : memref<1x5x32x129xf32, #tpu.memory_space<vmem>> -> memref<5x32x129xf32, #tpu.memory_space<vmem>>
        tpu.vector_store_idx %scatter3A_627[%broadcast_in_dim3A_398, %add3A_3, %add3A_617], %get3A_613 : memref<5x32x129xf32, #tpu.memory_space<vmem>>[vector<16xi32>, vector<16xi32>, vector<16xi32>], vector<16xf32>,
        %mul3A_628 = arith.constant 8 : i32
        %mul3A_629 = arith.muli %scan3A_527, %mul3A_628 : i32
        %add3A_630 = arith.constant 3 : i32
        %add3A_631 = arith.addi %mul3A_629, %add3A_630 : i32
        %add3A_632 = arith.constant 128 : i32
        %add3A_633 = arith.addi %add3A_632, %add3A_631 : i32
        %get3A_634 = arith.constant 0 : i32
        %get3A_635 = arith.constant 0 : i32
        %get3A_636 = tpu.memref_slice %arg6[%scan3A_400, %get3A_634, %get3A_635] : memref<2x640x32xf32, #tpu.memory_space<vmem>> -> memref<1x640x32xf32, #tpu.memory_space<vmem>>
        %get3A_637 = tpu.memref_squeeze %get3A_636 : memref<1x640x32xf32, #tpu.memory_space<vmem>> -> memref<640x32xf32, #tpu.memory_space<vmem>>
        %get3A_638 = arith.index_cast %add3A_633 : i32 to index
        %get3A_639 = arith.constant 0 : index
        %get3A_640 = tpu.vector_load %get3A_637[%get3A_638, %get3A_639] {strides = array<i32>} : memref<640x32xf32, #tpu.memory_space<vmem>>, vector<16xf32>,
        %get3A_641 = arith.constant 0 : i32
        %get3A_642 = arith.constant 0 : i32
        %get3A_643 = tpu.memref_slice %arg6[%scan3A_400, %get3A_641, %get3A_642] : memref<2x640x32xf32, #tpu.memory_space<vmem>> -> memref<1x640x32xf32, #tpu.memory_space<vmem>>
        %get3A_644 = tpu.memref_squeeze %get3A_643 : memref<1x640x32xf32, #tpu.memory_space<vmem>> -> memref<640x32xf32, #tpu.memory_space<vmem>>
        %get3A_645 = arith.index_cast %add3A_633 : i32 to index
        %get3A_646 = arith.constant 16 : index
        %get3A_647 = tpu.vector_load %get3A_644[%get3A_645, %get3A_646] {strides = array<i32>} : memref<640x32xf32, #tpu.memory_space<vmem>>, vector<16xf32>,
        %broadcast_in_dim3A_648 = arith.constant 0 : i32
        %broadcast_in_dim3A_649 = vector.broadcast %broadcast_in_dim3A_648 : i32 to vector<16xi32>
        %add3A_650 = vector.broadcast %add3A_631 : i32 to vector<16xi32>
        %add3A_651 = arith.addi %broadcast_in_dim3A_649, %add3A_650 : vector<16xi32>
        %scatter3A_652 = arith.constant 0 : i32
        %scatter3A_653 = arith.constant 0 : i32
        %scatter3A_654 = arith.constant 0 : i32
        %scatter3A_655 = tpu.memref_slice %arg7[%scan3A_401, %scatter3A_652, %scatter3A_653, %scatter3A_654] : memref<2x5x32x129xf32, #tpu.memory_space<vmem>> -> memref<1x5x32x129xf32, #tpu.memory_space<vmem>>
        %scatter3A_656 = tpu.memref_squeeze %scatter3A_655 : memref<1x5x32x129xf32, #tpu.memory_space<vmem>> -> memref<5x32x129xf32, #tpu.memory_space<vmem>>
        tpu.vector_store_idx %scatter3A_656[%broadcast_in_dim3A_398, %iota3A, %add3A_651], %get3A_640 : memref<5x32x129xf32, #tpu.memory_space<vmem>>[vector<16xi32>, vector<16xi32>, vector<16xi32>], vector<16xf32>,
        %scatter3A_657 = arith.constant 0 : i32
        %scatter3A_658 = arith.constant 0 : i32
        %scatter3A_659 = arith.constant 0 : i32
        %scatter3A_660 = tpu.memref_slice %arg7[%scan3A_401, %scatter3A_657, %scatter3A_658, %scatter3A_659] : memref<2x5x32x129xf32, #tpu.memory_space<vmem>> -> memref<1x5x32x129xf32, #tpu.memory_space<vmem>>
        %scatter3A_661 = tpu.memref_squeeze %scatter3A_660 : memref<1x5x32x129xf32, #tpu.memory_space<vmem>> -> memref<5x32x129xf32, #tpu.memory_space<vmem>>
        tpu.vector_store_idx %scatter3A_661[%broadcast_in_dim3A_398, %add3A_3, %add3A_651], %get3A_647 : memref<5x32x129xf32, #tpu.memory_space<vmem>>[vector<16xi32>, vector<16xi32>, vector<16xi32>], vector<16xf32>,
        %mul3A_662 = arith.constant 8 : i32
        %mul3A_663 = arith.muli %scan3A_527, %mul3A_662 : i32
        %add3A_664 = arith.constant 4 : i32
        %add3A_665 = arith.addi %mul3A_663, %add3A_664 : i32
        %add3A_666 = arith.constant 128 : i32
        %add3A_667 = arith.addi %add3A_666, %add3A_665 : i32
        %get3A_668 = arith.constant 0 : i32
        %get3A_669 = arith.constant 0 : i32
        %get3A_670 = tpu.memref_slice %arg6[%scan3A_400, %get3A_668, %get3A_669] : memref<2x640x32xf32, #tpu.memory_space<vmem>> -> memref<1x640x32xf32, #tpu.memory_space<vmem>>
        %get3A_671 = tpu.memref_squeeze %get3A_670 : memref<1x640x32xf32, #tpu.memory_space<vmem>> -> memref<640x32xf32, #tpu.memory_space<vmem>>
        %get3A_672 = arith.index_cast %add3A_667 : i32 to index
        %get3A_673 = arith.constant 0 : index
        %get3A_674 = tpu.vector_load %get3A_671[%get3A_672, %get3A_673] {strides = array<i32>} : memref<640x32xf32, #tpu.memory_space<vmem>>, vector<16xf32>,
        %get3A_675 = arith.constant 0 : i32
        %get3A_676 = arith.constant 0 : i32
        %get3A_677 = tpu.memref_slice %arg6[%scan3A_400, %get3A_675, %get3A_676] : memref<2x640x32xf32, #tpu.memory_space<vmem>> -> memref<1x640x32xf32, #tpu.memory_space<vmem>>
        %get3A_678 = tpu.memref_squeeze %get3A_677 : memref<1x640x32xf32, #tpu.memory_space<vmem>> -> memref<640x32xf32, #tpu.memory_space<vmem>>
        %get3A_679 = arith.index_cast %add3A_667 : i32 to index
        %get3A_680 = arith.constant 16 : index
        %get3A_681 = tpu.vector_load %get3A_678[%get3A_679, %get3A_680] {strides = array<i32>} : memref<640x32xf32, #tpu.memory_space<vmem>>, vector<16xf32>,
        %broadcast_in_dim3A_682 = arith.constant 0 : i32
        %broadcast_in_dim3A_683 = vector.broadcast %broadcast_in_dim3A_682 : i32 to vector<16xi32>
        %add3A_684 = vector.broadcast %add3A_665 : i32 to vector<16xi32>
        %add3A_685 = arith.addi %broadcast_in_dim3A_683, %add3A_684 : vector<16xi32>
        %scatter3A_686 = arith.constant 0 : i32
        %scatter3A_687 = arith.constant 0 : i32
        %scatter3A_688 = arith.constant 0 : i32
        %scatter3A_689 = tpu.memref_slice %arg7[%scan3A_401, %scatter3A_686, %scatter3A_687, %scatter3A_688] : memref<2x5x32x129xf32, #tpu.memory_space<vmem>> -> memref<1x5x32x129xf32, #tpu.memory_space<vmem>>
        %scatter3A_690 = tpu.memref_squeeze %scatter3A_689 : memref<1x5x32x129xf32, #tpu.memory_space<vmem>> -> memref<5x32x129xf32, #tpu.memory_space<vmem>>
        tpu.vector_store_idx %scatter3A_690[%broadcast_in_dim3A_398, %iota3A, %add3A_685], %get3A_674 : memref<5x32x129xf32, #tpu.memory_space<vmem>>[vector<16xi32>, vector<16xi32>, vector<16xi32>], vector<16xf32>,
        %scatter3A_691 = arith.constant 0 : i32
        %scatter3A_692 = arith.constant 0 : i32
        %scatter3A_693 = arith.constant 0 : i32
        %scatter3A_694 = tpu.memref_slice %arg7[%scan3A_401, %scatter3A_691, %scatter3A_692, %scatter3A_693] : memref<2x5x32x129xf32, #tpu.memory_space<vmem>> -> memref<1x5x32x129xf32, #tpu.memory_space<vmem>>
        %scatter3A_695 = tpu.memref_squeeze %scatter3A_694 : memref<1x5x32x129xf32, #tpu.memory_space<vmem>> -> memref<5x32x129xf32, #tpu.memory_space<vmem>>
        tpu.vector_store_idx %scatter3A_695[%broadcast_in_dim3A_398, %add3A_3, %add3A_685], %get3A_681 : memref<5x32x129xf32, #tpu.memory_space<vmem>>[vector<16xi32>, vector<16xi32>, vector<16xi32>], vector<16xf32>,
        %mul3A_696 = arith.constant 8 : i32
        %mul3A_697 = arith.muli %scan3A_527, %mul3A_696 : i32
        %add3A_698 = arith.constant 5 : i32
        %add3A_699 = arith.addi %mul3A_697, %add3A_698 : i32
        %add3A_700 = arith.constant 128 : i32
        %add3A_701 = arith.addi %add3A_700, %add3A_699 : i32
        %get3A_702 = arith.constant 0 : i32
        %get3A_703 = arith.constant 0 : i32
        %get3A_704 = tpu.memref_slice %arg6[%scan3A_400, %get3A_702, %get3A_703] : memref<2x640x32xf32, #tpu.memory_space<vmem>> -> memref<1x640x32xf32, #tpu.memory_space<vmem>>
        %get3A_705 = tpu.memref_squeeze %get3A_704 : memref<1x640x32xf32, #tpu.memory_space<vmem>> -> memref<640x32xf32, #tpu.memory_space<vmem>>
        %get3A_706 = arith.index_cast %add3A_701 : i32 to index
        %get3A_707 = arith.constant 0 : index
        %get3A_708 = tpu.vector_load %get3A_705[%get3A_706, %get3A_707] {strides = array<i32>} : memref<640x32xf32, #tpu.memory_space<vmem>>, vector<16xf32>,
        %get3A_709 = arith.constant 0 : i32
        %get3A_710 = arith.constant 0 : i32
        %get3A_711 = tpu.memref_slice %arg6[%scan3A_400, %get3A_709, %get3A_710] : memref<2x640x32xf32, #tpu.memory_space<vmem>> -> memref<1x640x32xf32, #tpu.memory_space<vmem>>
        %get3A_712 = tpu.memref_squeeze %get3A_711 : memref<1x640x32xf32, #tpu.memory_space<vmem>> -> memref<640x32xf32, #tpu.memory_space<vmem>>
        %get3A_713 = arith.index_cast %add3A_701 : i32 to index
        %get3A_714 = arith.constant 16 : index
        %get3A_715 = tpu.vector_load %get3A_712[%get3A_713, %get3A_714] {strides = array<i32>} : memref<640x32xf32, #tpu.memory_space<vmem>>, vector<16xf32>,
        %broadcast_in_dim3A_716 = arith.constant 0 : i32
        %broadcast_in_dim3A_717 = vector.broadcast %broadcast_in_dim3A_716 : i32 to vector<16xi32>
        %add3A_718 = vector.broadcast %add3A_699 : i32 to vector<16xi32>
        %add3A_719 = arith.addi %broadcast_in_dim3A_717, %add3A_718 : vector<16xi32>
        %scatter3A_720 = arith.constant 0 : i32
        %scatter3A_721 = arith.constant 0 : i32
        %scatter3A_722 = arith.constant 0 : i32
        %scatter3A_723 = tpu.memref_slice %arg7[%scan3A_401, %scatter3A_720, %scatter3A_721, %scatter3A_722] : memref<2x5x32x129xf32, #tpu.memory_space<vmem>> -> memref<1x5x32x129xf32, #tpu.memory_space<vmem>>
        %scatter3A_724 = tpu.memref_squeeze %scatter3A_723 : memref<1x5x32x129xf32, #tpu.memory_space<vmem>> -> memref<5x32x129xf32, #tpu.memory_space<vmem>>
        tpu.vector_store_idx %scatter3A_724[%broadcast_in_dim3A_398, %iota3A, %add3A_719], %get3A_708 : memref<5x32x129xf32, #tpu.memory_space<vmem>>[vector<16xi32>, vector<16xi32>, vector<16xi32>], vector<16xf32>,
        %scatter3A_725 = arith.constant 0 : i32
        %scatter3A_726 = arith.constant 0 : i32
        %scatter3A_727 = arith.constant 0 : i32
        %scatter3A_728 = tpu.memref_slice %arg7[%scan3A_401, %scatter3A_725, %scatter3A_726, %scatter3A_727] : memref<2x5x32x129xf32, #tpu.memory_space<vmem>> -> memref<1x5x32x129xf32, #tpu.memory_space<vmem>>
        %scatter3A_729 = tpu.memref_squeeze %scatter3A_728 : memref<1x5x32x129xf32, #tpu.memory_space<vmem>> -> memref<5x32x129xf32, #tpu.memory_space<vmem>>
        tpu.vector_store_idx %scatter3A_729[%broadcast_in_dim3A_398, %add3A_3, %add3A_719], %get3A_715 : memref<5x32x129xf32, #tpu.memory_space<vmem>>[vector<16xi32>, vector<16xi32>, vector<16xi32>], vector<16xf32>,
        %mul3A_730 = arith.constant 8 : i32
        %mul3A_731 = arith.muli %scan3A_527, %mul3A_730 : i32
        %add3A_732 = arith.constant 6 : i32
        %add3A_733 = arith.addi %mul3A_731, %add3A_732 : i32
        %add3A_734 = arith.constant 128 : i32
        %add3A_735 = arith.addi %add3A_734, %add3A_733 : i32
        %get3A_736 = arith.constant 0 : i32
        %get3A_737 = arith.constant 0 : i32
        %get3A_738 = tpu.memref_slice %arg6[%scan3A_400, %get3A_736, %get3A_737] : memref<2x640x32xf32, #tpu.memory_space<vmem>> -> memref<1x640x32xf32, #tpu.memory_space<vmem>>
        %get3A_739 = tpu.memref_squeeze %get3A_738 : memref<1x640x32xf32, #tpu.memory_space<vmem>> -> memref<640x32xf32, #tpu.memory_space<vmem>>
        %get3A_740 = arith.index_cast %add3A_735 : i32 to index
        %get3A_741 = arith.constant 0 : index
        %get3A_742 = tpu.vector_load %get3A_739[%get3A_740, %get3A_741] {strides = array<i32>} : memref<640x32xf32, #tpu.memory_space<vmem>>, vector<16xf32>,
        %get3A_743 = arith.constant 0 : i32
        %get3A_744 = arith.constant 0 : i32
        %get3A_745 = tpu.memref_slice %arg6[%scan3A_400, %get3A_743, %get3A_744] : memref<2x640x32xf32, #tpu.memory_space<vmem>> -> memref<1x640x32xf32, #tpu.memory_space<vmem>>
        %get3A_746 = tpu.memref_squeeze %get3A_745 : memref<1x640x32xf32, #tpu.memory_space<vmem>> -> memref<640x32xf32, #tpu.memory_space<vmem>>
        %get3A_747 = arith.index_cast %add3A_735 : i32 to index
        %get3A_748 = arith.constant 16 : index
        %get3A_749 = tpu.vector_load %get3A_746[%get3A_747, %get3A_748] {strides = array<i32>} : memref<640x32xf32, #tpu.memory_space<vmem>>, vector<16xf32>,
        %broadcast_in_dim3A_750 = arith.constant 0 : i32
        %broadcast_in_dim3A_751 = vector.broadcast %broadcast_in_dim3A_750 : i32 to vector<16xi32>
        %add3A_752 = vector.broadcast %add3A_733 : i32 to vector<16xi32>
        %add3A_753 = arith.addi %broadcast_in_dim3A_751, %add3A_752 : vector<16xi32>
        %scatter3A_754 = arith.constant 0 : i32
        %scatter3A_755 = arith.constant 0 : i32
        %scatter3A_756 = arith.constant 0 : i32
        %scatter3A_757 = tpu.memref_slice %arg7[%scan3A_401, %scatter3A_754, %scatter3A_755, %scatter3A_756] : memref<2x5x32x129xf32, #tpu.memory_space<vmem>> -> memref<1x5x32x129xf32, #tpu.memory_space<vmem>>
        %scatter3A_758 = tpu.memref_squeeze %scatter3A_757 : memref<1x5x32x129xf32, #tpu.memory_space<vmem>> -> memref<5x32x129xf32, #tpu.memory_space<vmem>>
        tpu.vector_store_idx %scatter3A_758[%broadcast_in_dim3A_398, %iota3A, %add3A_753], %get3A_742 : memref<5x32x129xf32, #tpu.memory_space<vmem>>[vector<16xi32>, vector<16xi32>, vector<16xi32>], vector<16xf32>,
        %scatter3A_759 = arith.constant 0 : i32
        %scatter3A_760 = arith.constant 0 : i32
        %scatter3A_761 = arith.constant 0 : i32
        %scatter3A_762 = tpu.memref_slice %arg7[%scan3A_401, %scatter3A_759, %scatter3A_760, %scatter3A_761] : memref<2x5x32x129xf32, #tpu.memory_space<vmem>> -> memref<1x5x32x129xf32, #tpu.memory_space<vmem>>
        %scatter3A_763 = tpu.memref_squeeze %scatter3A_762 : memref<1x5x32x129xf32, #tpu.memory_space<vmem>> -> memref<5x32x129xf32, #tpu.memory_space<vmem>>
        tpu.vector_store_idx %scatter3A_763[%broadcast_in_dim3A_398, %add3A_3, %add3A_753], %get3A_749 : memref<5x32x129xf32, #tpu.memory_space<vmem>>[vector<16xi32>, vector<16xi32>, vector<16xi32>], vector<16xf32>,
        %mul3A_764 = arith.constant 8 : i32
        %mul3A_765 = arith.muli %scan3A_527, %mul3A_764 : i32
        %add3A_766 = arith.constant 7 : i32
        %add3A_767 = arith.addi %mul3A_765, %add3A_766 : i32
        %add3A_768 = arith.constant 128 : i32
        %add3A_769 = arith.addi %add3A_768, %add3A_767 : i32
        %get3A_770 = arith.constant 0 : i32
        %get3A_771 = arith.constant 0 : i32
        %get3A_772 = tpu.memref_slice %arg6[%scan3A_400, %get3A_770, %get3A_771] : memref<2x640x32xf32, #tpu.memory_space<vmem>> -> memref<1x640x32xf32, #tpu.memory_space<vmem>>
        %get3A_773 = tpu.memref_squeeze %get3A_772 : memref<1x640x32xf32, #tpu.memory_space<vmem>> -> memref<640x32xf32, #tpu.memory_space<vmem>>
        %get3A_774 = arith.index_cast %add3A_769 : i32 to index
        %get3A_775 = arith.constant 0 : index
        %get3A_776 = tpu.vector_load %get3A_773[%get3A_774, %get3A_775] {strides = array<i32>} : memref<640x32xf32, #tpu.memory_space<vmem>>, vector<16xf32>,
        %get3A_777 = arith.constant 0 : i32
        %get3A_778 = arith.constant 0 : i32
        %get3A_779 = tpu.memref_slice %arg6[%scan3A_400, %get3A_777, %get3A_778] : memref<2x640x32xf32, #tpu.memory_space<vmem>> -> memref<1x640x32xf32, #tpu.memory_space<vmem>>
        %get3A_780 = tpu.memref_squeeze %get3A_779 : memref<1x640x32xf32, #tpu.memory_space<vmem>> -> memref<640x32xf32, #tpu.memory_space<vmem>>
        %get3A_781 = arith.index_cast %add3A_769 : i32 to index
        %get3A_782 = arith.constant 16 : index
        %get3A_783 = tpu.vector_load %get3A_780[%get3A_781, %get3A_782] {strides = array<i32>} : memref<640x32xf32, #tpu.memory_space<vmem>>, vector<16xf32>,
        %broadcast_in_dim3A_784 = arith.constant 0 : i32
        %broadcast_in_dim3A_785 = vector.broadcast %broadcast_in_dim3A_784 : i32 to vector<16xi32>
        %add3A_786 = vector.broadcast %add3A_767 : i32 to vector<16xi32>
        %add3A_787 = arith.addi %broadcast_in_dim3A_785, %add3A_786 : vector<16xi32>
        %scatter3A_788 = arith.constant 0 : i32
        %scatter3A_789 = arith.constant 0 : i32
        %scatter3A_790 = arith.constant 0 : i32
        %scatter3A_791 = tpu.memref_slice %arg7[%scan3A_401, %scatter3A_788, %scatter3A_789, %scatter3A_790] : memref<2x5x32x129xf32, #tpu.memory_space<vmem>> -> memref<1x5x32x129xf32, #tpu.memory_space<vmem>>
        %scatter3A_792 = tpu.memref_squeeze %scatter3A_791 : memref<1x5x32x129xf32, #tpu.memory_space<vmem>> -> memref<5x32x129xf32, #tpu.memory_space<vmem>>
        tpu.vector_store_idx %scatter3A_792[%broadcast_in_dim3A_398, %iota3A, %add3A_787], %get3A_776 : memref<5x32x129xf32, #tpu.memory_space<vmem>>[vector<16xi32>, vector<16xi32>, vector<16xi32>], vector<16xf32>,
        %scatter3A_793 = arith.constant 0 : i32
        %scatter3A_794 = arith.constant 0 : i32
        %scatter3A_795 = arith.constant 0 : i32
        %scatter3A_796 = tpu.memref_slice %arg7[%scan3A_401, %scatter3A_793, %scatter3A_794, %scatter3A_795] : memref<2x5x32x129xf32, #tpu.memory_space<vmem>> -> memref<1x5x32x129xf32, #tpu.memory_space<vmem>>
        %scatter3A_797 = tpu.memref_squeeze %scatter3A_796 : memref<1x5x32x129xf32, #tpu.memory_space<vmem>> -> memref<5x32x129xf32, #tpu.memory_space<vmem>>
        tpu.vector_store_idx %scatter3A_797[%broadcast_in_dim3A_398, %add3A_3, %add3A_787], %get3A_783 : memref<5x32x129xf32, #tpu.memory_space<vmem>>[vector<16xi32>, vector<16xi32>, vector<16xi32>], vector<16xf32>,
      }
      %scan3A_406 = arith.constant 16 : i32
      %broadcast_in_dim3A_407 = arith.constant 2 : i32
      %broadcast_in_dim3A_408 = vector.broadcast %broadcast_in_dim3A_407 : i32 to vector<16xi32>
      %scan3A_409 = arith.constant 0 : i32
      %scan3A_410 = arith.constant 1 : i32
      %scan3A_411 = arith.constant 1 : i32
      %scan3A_412 = arith.constant 0 : i32
      %scan3A_413 = arith.constant 16 : i32
      %scan3A_414 = arith.addi %scan3A_412, %scan3A_413 : i32
      %scan3A_415 = arith.constant 1 : i32
      scf.for %scan3A_527 = %scan3A_412 to %scan3A_414 step %scan3A_415  : i32 {
        %mul3A_528 = arith.constant 8 : i32
        %mul3A_529 = arith.muli %scan3A_527, %mul3A_528 : i32
        %add3A_530 = arith.constant 0 : i32
        %add3A_531 = arith.addi %mul3A_529, %add3A_530 : i32
        %add3A_532 = arith.constant 256 : i32
        %add3A_533 = arith.addi %add3A_532, %add3A_531 : i32
        %get3A = arith.constant 0 : i32
        %get3A_534 = arith.constant 0 : i32
        %get3A_535 = tpu.memref_slice %arg6[%scan3A_410, %get3A, %get3A_534] : memref<2x640x32xf32, #tpu.memory_space<vmem>> -> memref<1x640x32xf32, #tpu.memory_space<vmem>>
        %get3A_536 = tpu.memref_squeeze %get3A_535 : memref<1x640x32xf32, #tpu.memory_space<vmem>> -> memref<640x32xf32, #tpu.memory_space<vmem>>
        %get3A_537 = arith.index_cast %add3A_533 : i32 to index
        %get3A_538 = arith.constant 0 : index
        %get3A_539 = tpu.vector_load %get3A_536[%get3A_537, %get3A_538] {strides = array<i32>} : memref<640x32xf32, #tpu.memory_space<vmem>>, vector<16xf32>,
        %get3A_540 = arith.constant 0 : i32
        %get3A_541 = arith.constant 0 : i32
        %get3A_542 = tpu.memref_slice %arg6[%scan3A_410, %get3A_540, %get3A_541] : memref<2x640x32xf32, #tpu.memory_space<vmem>> -> memref<1x640x32xf32, #tpu.memory_space<vmem>>
        %get3A_543 = tpu.memref_squeeze %get3A_542 : memref<1x640x32xf32, #tpu.memory_space<vmem>> -> memref<640x32xf32, #tpu.memory_space<vmem>>
        %get3A_544 = arith.index_cast %add3A_533 : i32 to index
        %get3A_545 = arith.constant 16 : index
        %get3A_546 = tpu.vector_load %get3A_543[%get3A_544, %get3A_545] {strides = array<i32>} : memref<640x32xf32, #tpu.memory_space<vmem>>, vector<16xf32>,
        %broadcast_in_dim3A_547 = arith.constant 0 : i32
        %broadcast_in_dim3A_548 = vector.broadcast %broadcast_in_dim3A_547 : i32 to vector<16xi32>
        %add3A_549 = vector.broadcast %add3A_531 : i32 to vector<16xi32>
        %add3A_550 = arith.addi %broadcast_in_dim3A_548, %add3A_549 : vector<16xi32>
        %scatter3A = arith.constant 0 : i32
        %scatter3A_551 = arith.constant 0 : i32
        %scatter3A_552 = arith.constant 0 : i32
        %scatter3A_553 = tpu.memref_slice %arg7[%scan3A_411, %scatter3A, %scatter3A_551, %scatter3A_552] : memref<2x5x32x129xf32, #tpu.memory_space<vmem>> -> memref<1x5x32x129xf32, #tpu.memory_space<vmem>>
        %scatter3A_554 = tpu.memref_squeeze %scatter3A_553 : memref<1x5x32x129xf32, #tpu.memory_space<vmem>> -> memref<5x32x129xf32, #tpu.memory_space<vmem>>
        tpu.vector_store_idx %scatter3A_554[%broadcast_in_dim3A_408, %iota3A, %add3A_550], %get3A_539 : memref<5x32x129xf32, #tpu.memory_space<vmem>>[vector<16xi32>, vector<16xi32>, vector<16xi32>], vector<16xf32>,
        %scatter3A_555 = arith.constant 0 : i32
        %scatter3A_556 = arith.constant 0 : i32
        %scatter3A_557 = arith.constant 0 : i32
        %scatter3A_558 = tpu.memref_slice %arg7[%scan3A_411, %scatter3A_555, %scatter3A_556, %scatter3A_557] : memref<2x5x32x129xf32, #tpu.memory_space<vmem>> -> memref<1x5x32x129xf32, #tpu.memory_space<vmem>>
        %scatter3A_559 = tpu.memref_squeeze %scatter3A_558 : memref<1x5x32x129xf32, #tpu.memory_space<vmem>> -> memref<5x32x129xf32, #tpu.memory_space<vmem>>
        tpu.vector_store_idx %scatter3A_559[%broadcast_in_dim3A_408, %add3A_3, %add3A_550], %get3A_546 : memref<5x32x129xf32, #tpu.memory_space<vmem>>[vector<16xi32>, vector<16xi32>, vector<16xi32>], vector<16xf32>,
        %mul3A_560 = arith.constant 8 : i32
        %mul3A_561 = arith.muli %scan3A_527, %mul3A_560 : i32
        %add3A_562 = arith.constant 1 : i32
        %add3A_563 = arith.addi %mul3A_561, %add3A_562 : i32
        %add3A_564 = arith.constant 256 : i32
        %add3A_565 = arith.addi %add3A_564, %add3A_563 : i32
        %get3A_566 = arith.constant 0 : i32
        %get3A_567 = arith.constant 0 : i32
        %get3A_568 = tpu.memref_slice %arg6[%scan3A_410, %get3A_566, %get3A_567] : memref<2x640x32xf32, #tpu.memory_space<vmem>> -> memref<1x640x32xf32, #tpu.memory_space<vmem>>
        %get3A_569 = tpu.memref_squeeze %get3A_568 : memref<1x640x32xf32, #tpu.memory_space<vmem>> -> memref<640x32xf32, #tpu.memory_space<vmem>>
        %get3A_570 = arith.index_cast %add3A_565 : i32 to index
        %get3A_571 = arith.constant 0 : index
        %get3A_572 = tpu.vector_load %get3A_569[%get3A_570, %get3A_571] {strides = array<i32>} : memref<640x32xf32, #tpu.memory_space<vmem>>, vector<16xf32>,
        %get3A_573 = arith.constant 0 : i32
        %get3A_574 = arith.constant 0 : i32
        %get3A_575 = tpu.memref_slice %arg6[%scan3A_410, %get3A_573, %get3A_574] : memref<2x640x32xf32, #tpu.memory_space<vmem>> -> memref<1x640x32xf32, #tpu.memory_space<vmem>>
        %get3A_576 = tpu.memref_squeeze %get3A_575 : memref<1x640x32xf32, #tpu.memory_space<vmem>> -> memref<640x32xf32, #tpu.memory_space<vmem>>
        %get3A_577 = arith.index_cast %add3A_565 : i32 to index
        %get3A_578 = arith.constant 16 : index
        %get3A_579 = tpu.vector_load %get3A_576[%get3A_577, %get3A_578] {strides = array<i32>} : memref<640x32xf32, #tpu.memory_space<vmem>>, vector<16xf32>,
        %broadcast_in_dim3A_580 = arith.constant 0 : i32
        %broadcast_in_dim3A_581 = vector.broadcast %broadcast_in_dim3A_580 : i32 to vector<16xi32>
        %add3A_582 = vector.broadcast %add3A_563 : i32 to vector<16xi32>
        %add3A_583 = arith.addi %broadcast_in_dim3A_581, %add3A_582 : vector<16xi32>
        %scatter3A_584 = arith.constant 0 : i32
        %scatter3A_585 = arith.constant 0 : i32
        %scatter3A_586 = arith.constant 0 : i32
        %scatter3A_587 = tpu.memref_slice %arg7[%scan3A_411, %scatter3A_584, %scatter3A_585, %scatter3A_586] : memref<2x5x32x129xf32, #tpu.memory_space<vmem>> -> memref<1x5x32x129xf32, #tpu.memory_space<vmem>>
        %scatter3A_588 = tpu.memref_squeeze %scatter3A_587 : memref<1x5x32x129xf32, #tpu.memory_space<vmem>> -> memref<5x32x129xf32, #tpu.memory_space<vmem>>
        tpu.vector_store_idx %scatter3A_588[%broadcast_in_dim3A_408, %iota3A, %add3A_583], %get3A_572 : memref<5x32x129xf32, #tpu.memory_space<vmem>>[vector<16xi32>, vector<16xi32>, vector<16xi32>], vector<16xf32>,
        %scatter3A_589 = arith.constant 0 : i32
        %scatter3A_590 = arith.constant 0 : i32
        %scatter3A_591 = arith.constant 0 : i32
        %scatter3A_592 = tpu.memref_slice %arg7[%scan3A_411, %scatter3A_589, %scatter3A_590, %scatter3A_591] : memref<2x5x32x129xf32, #tpu.memory_space<vmem>> -> memref<1x5x32x129xf32, #tpu.memory_space<vmem>>
        %scatter3A_593 = tpu.memref_squeeze %scatter3A_592 : memref<1x5x32x129xf32, #tpu.memory_space<vmem>> -> memref<5x32x129xf32, #tpu.memory_space<vmem>>
        tpu.vector_store_idx %scatter3A_593[%broadcast_in_dim3A_408, %add3A_3, %add3A_583], %get3A_579 : memref<5x32x129xf32, #tpu.memory_space<vmem>>[vector<16xi32>, vector<16xi32>, vector<16xi32>], vector<16xf32>,
        %mul3A_594 = arith.constant 8 : i32
        %mul3A_595 = arith.muli %scan3A_527, %mul3A_594 : i32
        %add3A_596 = arith.constant 2 : i32
        %add3A_597 = arith.addi %mul3A_595, %add3A_596 : i32
        %add3A_598 = arith.constant 256 : i32
        %add3A_599 = arith.addi %add3A_598, %add3A_597 : i32
        %get3A_600 = arith.constant 0 : i32
        %get3A_601 = arith.constant 0 : i32
        %get3A_602 = tpu.memref_slice %arg6[%scan3A_410, %get3A_600, %get3A_601] : memref<2x640x32xf32, #tpu.memory_space<vmem>> -> memref<1x640x32xf32, #tpu.memory_space<vmem>>
        %get3A_603 = tpu.memref_squeeze %get3A_602 : memref<1x640x32xf32, #tpu.memory_space<vmem>> -> memref<640x32xf32, #tpu.memory_space<vmem>>
        %get3A_604 = arith.index_cast %add3A_599 : i32 to index
        %get3A_605 = arith.constant 0 : index
        %get3A_606 = tpu.vector_load %get3A_603[%get3A_604, %get3A_605] {strides = array<i32>} : memref<640x32xf32, #tpu.memory_space<vmem>>, vector<16xf32>,
        %get3A_607 = arith.constant 0 : i32
        %get3A_608 = arith.constant 0 : i32
        %get3A_609 = tpu.memref_slice %arg6[%scan3A_410, %get3A_607, %get3A_608] : memref<2x640x32xf32, #tpu.memory_space<vmem>> -> memref<1x640x32xf32, #tpu.memory_space<vmem>>
        %get3A_610 = tpu.memref_squeeze %get3A_609 : memref<1x640x32xf32, #tpu.memory_space<vmem>> -> memref<640x32xf32, #tpu.memory_space<vmem>>
        %get3A_611 = arith.index_cast %add3A_599 : i32 to index
        %get3A_612 = arith.constant 16 : index
        %get3A_613 = tpu.vector_load %get3A_610[%get3A_611, %get3A_612] {strides = array<i32>} : memref<640x32xf32, #tpu.memory_space<vmem>>, vector<16xf32>,
        %broadcast_in_dim3A_614 = arith.constant 0 : i32
        %broadcast_in_dim3A_615 = vector.broadcast %broadcast_in_dim3A_614 : i32 to vector<16xi32>
        %add3A_616 = vector.broadcast %add3A_597 : i32 to vector<16xi32>
        %add3A_617 = arith.addi %broadcast_in_dim3A_615, %add3A_616 : vector<16xi32>
        %scatter3A_618 = arith.constant 0 : i32
        %scatter3A_619 = arith.constant 0 : i32
        %scatter3A_620 = arith.constant 0 : i32
        %scatter3A_621 = tpu.memref_slice %arg7[%scan3A_411, %scatter3A_618, %scatter3A_619, %scatter3A_620] : memref<2x5x32x129xf32, #tpu.memory_space<vmem>> -> memref<1x5x32x129xf32, #tpu.memory_space<vmem>>
        %scatter3A_622 = tpu.memref_squeeze %scatter3A_621 : memref<1x5x32x129xf32, #tpu.memory_space<vmem>> -> memref<5x32x129xf32, #tpu.memory_space<vmem>>
        tpu.vector_store_idx %scatter3A_622[%broadcast_in_dim3A_408, %iota3A, %add3A_617], %get3A_606 : memref<5x32x129xf32, #tpu.memory_space<vmem>>[vector<16xi32>, vector<16xi32>, vector<16xi32>], vector<16xf32>,
        %scatter3A_623 = arith.constant 0 : i32
        %scatter3A_624 = arith.constant 0 : i32
        %scatter3A_625 = arith.constant 0 : i32
        %scatter3A_626 = tpu.memref_slice %arg7[%scan3A_411, %scatter3A_623, %scatter3A_624, %scatter3A_625] : memref<2x5x32x129xf32, #tpu.memory_space<vmem>> -> memref<1x5x32x129xf32, #tpu.memory_space<vmem>>
        %scatter3A_627 = tpu.memref_squeeze %scatter3A_626 : memref<1x5x32x129xf32, #tpu.memory_space<vmem>> -> memref<5x32x129xf32, #tpu.memory_space<vmem>>
        tpu.vector_store_idx %scatter3A_627[%broadcast_in_dim3A_408, %add3A_3, %add3A_617], %get3A_613 : memref<5x32x129xf32, #tpu.memory_space<vmem>>[vector<16xi32>, vector<16xi32>, vector<16xi32>], vector<16xf32>,
        %mul3A_628 = arith.constant 8 : i32
        %mul3A_629 = arith.muli %scan3A_527, %mul3A_628 : i32
        %add3A_630 = arith.constant 3 : i32
        %add3A_631 = arith.addi %mul3A_629, %add3A_630 : i32
        %add3A_632 = arith.constant 256 : i32
        %add3A_633 = arith.addi %add3A_632, %add3A_631 : i32
        %get3A_634 = arith.constant 0 : i32
        %get3A_635 = arith.constant 0 : i32
        %get3A_636 = tpu.memref_slice %arg6[%scan3A_410, %get3A_634, %get3A_635] : memref<2x640x32xf32, #tpu.memory_space<vmem>> -> memref<1x640x32xf32, #tpu.memory_space<vmem>>
        %get3A_637 = tpu.memref_squeeze %get3A_636 : memref<1x640x32xf32, #tpu.memory_space<vmem>> -> memref<640x32xf32, #tpu.memory_space<vmem>>
        %get3A_638 = arith.index_cast %add3A_633 : i32 to index
        %get3A_639 = arith.constant 0 : index
        %get3A_640 = tpu.vector_load %get3A_637[%get3A_638, %get3A_639] {strides = array<i32>} : memref<640x32xf32, #tpu.memory_space<vmem>>, vector<16xf32>,
        %get3A_641 = arith.constant 0 : i32
        %get3A_642 = arith.constant 0 : i32
        %get3A_643 = tpu.memref_slice %arg6[%scan3A_410, %get3A_641, %get3A_642] : memref<2x640x32xf32, #tpu.memory_space<vmem>> -> memref<1x640x32xf32, #tpu.memory_space<vmem>>
        %get3A_644 = tpu.memref_squeeze %get3A_643 : memref<1x640x32xf32, #tpu.memory_space<vmem>> -> memref<640x32xf32, #tpu.memory_space<vmem>>
        %get3A_645 = arith.index_cast %add3A_633 : i32 to index
        %get3A_646 = arith.constant 16 : index
        %get3A_647 = tpu.vector_load %get3A_644[%get3A_645, %get3A_646] {strides = array<i32>} : memref<640x32xf32, #tpu.memory_space<vmem>>, vector<16xf32>,
        %broadcast_in_dim3A_648 = arith.constant 0 : i32
        %broadcast_in_dim3A_649 = vector.broadcast %broadcast_in_dim3A_648 : i32 to vector<16xi32>
        %add3A_650 = vector.broadcast %add3A_631 : i32 to vector<16xi32>
        %add3A_651 = arith.addi %broadcast_in_dim3A_649, %add3A_650 : vector<16xi32>
        %scatter3A_652 = arith.constant 0 : i32
        %scatter3A_653 = arith.constant 0 : i32
        %scatter3A_654 = arith.constant 0 : i32
        %scatter3A_655 = tpu.memref_slice %arg7[%scan3A_411, %scatter3A_652, %scatter3A_653, %scatter3A_654] : memref<2x5x32x129xf32, #tpu.memory_space<vmem>> -> memref<1x5x32x129xf32, #tpu.memory_space<vmem>>
        %scatter3A_656 = tpu.memref_squeeze %scatter3A_655 : memref<1x5x32x129xf32, #tpu.memory_space<vmem>> -> memref<5x32x129xf32, #tpu.memory_space<vmem>>
        tpu.vector_store_idx %scatter3A_656[%broadcast_in_dim3A_408, %iota3A, %add3A_651], %get3A_640 : memref<5x32x129xf32, #tpu.memory_space<vmem>>[vector<16xi32>, vector<16xi32>, vector<16xi32>], vector<16xf32>,
        %scatter3A_657 = arith.constant 0 : i32
        %scatter3A_658 = arith.constant 0 : i32
        %scatter3A_659 = arith.constant 0 : i32
        %scatter3A_660 = tpu.memref_slice %arg7[%scan3A_411, %scatter3A_657, %scatter3A_658, %scatter3A_659] : memref<2x5x32x129xf32, #tpu.memory_space<vmem>> -> memref<1x5x32x129xf32, #tpu.memory_space<vmem>>
        %scatter3A_661 = tpu.memref_squeeze %scatter3A_660 : memref<1x5x32x129xf32, #tpu.memory_space<vmem>> -> memref<5x32x129xf32, #tpu.memory_space<vmem>>
        tpu.vector_store_idx %scatter3A_661[%broadcast_in_dim3A_408, %add3A_3, %add3A_651], %get3A_647 : memref<5x32x129xf32, #tpu.memory_space<vmem>>[vector<16xi32>, vector<16xi32>, vector<16xi32>], vector<16xf32>,
        %mul3A_662 = arith.constant 8 : i32
        %mul3A_663 = arith.muli %scan3A_527, %mul3A_662 : i32
        %add3A_664 = arith.constant 4 : i32
        %add3A_665 = arith.addi %mul3A_663, %add3A_664 : i32
        %add3A_666 = arith.constant 256 : i32
        %add3A_667 = arith.addi %add3A_666, %add3A_665 : i32
        %get3A_668 = arith.constant 0 : i32
        %get3A_669 = arith.constant 0 : i32
        %get3A_670 = tpu.memref_slice %arg6[%scan3A_410, %get3A_668, %get3A_669] : memref<2x640x32xf32, #tpu.memory_space<vmem>> -> memref<1x640x32xf32, #tpu.memory_space<vmem>>
        %get3A_671 = tpu.memref_squeeze %get3A_670 : memref<1x640x32xf32, #tpu.memory_space<vmem>> -> memref<640x32xf32, #tpu.memory_space<vmem>>
        %get3A_672 = arith.index_cast %add3A_667 : i32 to index
        %get3A_673 = arith.constant 0 : index
        %get3A_674 = tpu.vector_load %get3A_671[%get3A_672, %get3A_673] {strides = array<i32>} : memref<640x32xf32, #tpu.memory_space<vmem>>, vector<16xf32>,
        %get3A_675 = arith.constant 0 : i32
        %get3A_676 = arith.constant 0 : i32
        %get3A_677 = tpu.memref_slice %arg6[%scan3A_410, %get3A_675, %get3A_676] : memref<2x640x32xf32, #tpu.memory_space<vmem>> -> memref<1x640x32xf32, #tpu.memory_space<vmem>>
        %get3A_678 = tpu.memref_squeeze %get3A_677 : memref<1x640x32xf32, #tpu.memory_space<vmem>> -> memref<640x32xf32, #tpu.memory_space<vmem>>
        %get3A_679 = arith.index_cast %add3A_667 : i32 to index
        %get3A_680 = arith.constant 16 : index
        %get3A_681 = tpu.vector_load %get3A_678[%get3A_679, %get3A_680] {strides = array<i32>} : memref<640x32xf32, #tpu.memory_space<vmem>>, vector<16xf32>,
        %broadcast_in_dim3A_682 = arith.constant 0 : i32
        %broadcast_in_dim3A_683 = vector.broadcast %broadcast_in_dim3A_682 : i32 to vector<16xi32>
        %add3A_684 = vector.broadcast %add3A_665 : i32 to vector<16xi32>
        %add3A_685 = arith.addi %broadcast_in_dim3A_683, %add3A_684 : vector<16xi32>
        %scatter3A_686 = arith.constant 0 : i32
        %scatter3A_687 = arith.constant 0 : i32
        %scatter3A_688 = arith.constant 0 : i32
        %scatter3A_689 = tpu.memref_slice %arg7[%scan3A_411, %scatter3A_686, %scatter3A_687, %scatter3A_688] : memref<2x5x32x129xf32, #tpu.memory_space<vmem>> -> memref<1x5x32x129xf32, #tpu.memory_space<vmem>>
        %scatter3A_690 = tpu.memref_squeeze %scatter3A_689 : memref<1x5x32x129xf32, #tpu.memory_space<vmem>> -> memref<5x32x129xf32, #tpu.memory_space<vmem>>
        tpu.vector_store_idx %scatter3A_690[%broadcast_in_dim3A_408, %iota3A, %add3A_685], %get3A_674 : memref<5x32x129xf32, #tpu.memory_space<vmem>>[vector<16xi32>, vector<16xi32>, vector<16xi32>], vector<16xf32>,
        %scatter3A_691 = arith.constant 0 : i32
        %scatter3A_692 = arith.constant 0 : i32
        %scatter3A_693 = arith.constant 0 : i32
        %scatter3A_694 = tpu.memref_slice %arg7[%scan3A_411, %scatter3A_691, %scatter3A_692, %scatter3A_693] : memref<2x5x32x129xf32, #tpu.memory_space<vmem>> -> memref<1x5x32x129xf32, #tpu.memory_space<vmem>>
        %scatter3A_695 = tpu.memref_squeeze %scatter3A_694 : memref<1x5x32x129xf32, #tpu.memory_space<vmem>> -> memref<5x32x129xf32, #tpu.memory_space<vmem>>
        tpu.vector_store_idx %scatter3A_695[%broadcast_in_dim3A_408, %add3A_3, %add3A_685], %get3A_681 : memref<5x32x129xf32, #tpu.memory_space<vmem>>[vector<16xi32>, vector<16xi32>, vector<16xi32>], vector<16xf32>,
        %mul3A_696 = arith.constant 8 : i32
        %mul3A_697 = arith.muli %scan3A_527, %mul3A_696 : i32
        %add3A_698 = arith.constant 5 : i32
        %add3A_699 = arith.addi %mul3A_697, %add3A_698 : i32
        %add3A_700 = arith.constant 256 : i32
        %add3A_701 = arith.addi %add3A_700, %add3A_699 : i32
        %get3A_702 = arith.constant 0 : i32
        %get3A_703 = arith.constant 0 : i32
        %get3A_704 = tpu.memref_slice %arg6[%scan3A_410, %get3A_702, %get3A_703] : memref<2x640x32xf32, #tpu.memory_space<vmem>> -> memref<1x640x32xf32, #tpu.memory_space<vmem>>
        %get3A_705 = tpu.memref_squeeze %get3A_704 : memref<1x640x32xf32, #tpu.memory_space<vmem>> -> memref<640x32xf32, #tpu.memory_space<vmem>>
        %get3A_706 = arith.index_cast %add3A_701 : i32 to index
        %get3A_707 = arith.constant 0 : index
        %get3A_708 = tpu.vector_load %get3A_705[%get3A_706, %get3A_707] {strides = array<i32>} : memref<640x32xf32, #tpu.memory_space<vmem>>, vector<16xf32>,
        %get3A_709 = arith.constant 0 : i32
        %get3A_710 = arith.constant 0 : i32
        %get3A_711 = tpu.memref_slice %arg6[%scan3A_410, %get3A_709, %get3A_710] : memref<2x640x32xf32, #tpu.memory_space<vmem>> -> memref<1x640x32xf32, #tpu.memory_space<vmem>>
        %get3A_712 = tpu.memref_squeeze %get3A_711 : memref<1x640x32xf32, #tpu.memory_space<vmem>> -> memref<640x32xf32, #tpu.memory_space<vmem>>
        %get3A_713 = arith.index_cast %add3A_701 : i32 to index
        %get3A_714 = arith.constant 16 : index
        %get3A_715 = tpu.vector_load %get3A_712[%get3A_713, %get3A_714] {strides = array<i32>} : memref<640x32xf32, #tpu.memory_space<vmem>>, vector<16xf32>,
        %broadcast_in_dim3A_716 = arith.constant 0 : i32
        %broadcast_in_dim3A_717 = vector.broadcast %broadcast_in_dim3A_716 : i32 to vector<16xi32>
        %add3A_718 = vector.broadcast %add3A_699 : i32 to vector<16xi32>
        %add3A_719 = arith.addi %broadcast_in_dim3A_717, %add3A_718 : vector<16xi32>
        %scatter3A_720 = arith.constant 0 : i32
        %scatter3A_721 = arith.constant 0 : i32
        %scatter3A_722 = arith.constant 0 : i32
        %scatter3A_723 = tpu.memref_slice %arg7[%scan3A_411, %scatter3A_720, %scatter3A_721, %scatter3A_722] : memref<2x5x32x129xf32, #tpu.memory_space<vmem>> -> memref<1x5x32x129xf32, #tpu.memory_space<vmem>>
        %scatter3A_724 = tpu.memref_squeeze %scatter3A_723 : memref<1x5x32x129xf32, #tpu.memory_space<vmem>> -> memref<5x32x129xf32, #tpu.memory_space<vmem>>
        tpu.vector_store_idx %scatter3A_724[%broadcast_in_dim3A_408, %iota3A, %add3A_719], %get3A_708 : memref<5x32x129xf32, #tpu.memory_space<vmem>>[vector<16xi32>, vector<16xi32>, vector<16xi32>], vector<16xf32>,
        %scatter3A_725 = arith.constant 0 : i32
        %scatter3A_726 = arith.constant 0 : i32
        %scatter3A_727 = arith.constant 0 : i32
        %scatter3A_728 = tpu.memref_slice %arg7[%scan3A_411, %scatter3A_725, %scatter3A_726, %scatter3A_727] : memref<2x5x32x129xf32, #tpu.memory_space<vmem>> -> memref<1x5x32x129xf32, #tpu.memory_space<vmem>>
        %scatter3A_729 = tpu.memref_squeeze %scatter3A_728 : memref<1x5x32x129xf32, #tpu.memory_space<vmem>> -> memref<5x32x129xf32, #tpu.memory_space<vmem>>
        tpu.vector_store_idx %scatter3A_729[%broadcast_in_dim3A_408, %add3A_3, %add3A_719], %get3A_715 : memref<5x32x129xf32, #tpu.memory_space<vmem>>[vector<16xi32>, vector<16xi32>, vector<16xi32>], vector<16xf32>,
        %mul3A_730 = arith.constant 8 : i32
        %mul3A_731 = arith.muli %scan3A_527, %mul3A_730 : i32
        %add3A_732 = arith.constant 6 : i32
        %add3A_733 = arith.addi %mul3A_731, %add3A_732 : i32
        %add3A_734 = arith.constant 256 : i32
        %add3A_735 = arith.addi %add3A_734, %add3A_733 : i32
        %get3A_736 = arith.constant 0 : i32
        %get3A_737 = arith.constant 0 : i32
        %get3A_738 = tpu.memref_slice %arg6[%scan3A_410, %get3A_736, %get3A_737] : memref<2x640x32xf32, #tpu.memory_space<vmem>> -> memref<1x640x32xf32, #tpu.memory_space<vmem>>
        %get3A_739 = tpu.memref_squeeze %get3A_738 : memref<1x640x32xf32, #tpu.memory_space<vmem>> -> memref<640x32xf32, #tpu.memory_space<vmem>>
        %get3A_740 = arith.index_cast %add3A_735 : i32 to index
        %get3A_741 = arith.constant 0 : index
        %get3A_742 = tpu.vector_load %get3A_739[%get3A_740, %get3A_741] {strides = array<i32>} : memref<640x32xf32, #tpu.memory_space<vmem>>, vector<16xf32>,
        %get3A_743 = arith.constant 0 : i32
        %get3A_744 = arith.constant 0 : i32
        %get3A_745 = tpu.memref_slice %arg6[%scan3A_410, %get3A_743, %get3A_744] : memref<2x640x32xf32, #tpu.memory_space<vmem>> -> memref<1x640x32xf32, #tpu.memory_space<vmem>>
        %get3A_746 = tpu.memref_squeeze %get3A_745 : memref<1x640x32xf32, #tpu.memory_space<vmem>> -> memref<640x32xf32, #tpu.memory_space<vmem>>
        %get3A_747 = arith.index_cast %add3A_735 : i32 to index
        %get3A_748 = arith.constant 16 : index
        %get3A_749 = tpu.vector_load %get3A_746[%get3A_747, %get3A_748] {strides = array<i32>} : memref<640x32xf32, #tpu.memory_space<vmem>>, vector<16xf32>,
        %broadcast_in_dim3A_750 = arith.constant 0 : i32
        %broadcast_in_dim3A_751 = vector.broadcast %broadcast_in_dim3A_750 : i32 to vector<16xi32>
        %add3A_752 = vector.broadcast %add3A_733 : i32 to vector<16xi32>
        %add3A_753 = arith.addi %broadcast_in_dim3A_751, %add3A_752 : vector<16xi32>
        %scatter3A_754 = arith.constant 0 : i32
        %scatter3A_755 = arith.constant 0 : i32
        %scatter3A_756 = arith.constant 0 : i32
        %scatter3A_757 = tpu.memref_slice %arg7[%scan3A_411, %scatter3A_754, %scatter3A_755, %scatter3A_756] : memref<2x5x32x129xf32, #tpu.memory_space<vmem>> -> memref<1x5x32x129xf32, #tpu.memory_space<vmem>>
        %scatter3A_758 = tpu.memref_squeeze %scatter3A_757 : memref<1x5x32x129xf32, #tpu.memory_space<vmem>> -> memref<5x32x129xf32, #tpu.memory_space<vmem>>
        tpu.vector_store_idx %scatter3A_758[%broadcast_in_dim3A_408, %iota3A, %add3A_753], %get3A_742 : memref<5x32x129xf32, #tpu.memory_space<vmem>>[vector<16xi32>, vector<16xi32>, vector<16xi32>], vector<16xf32>,
        %scatter3A_759 = arith.constant 0 : i32
        %scatter3A_760 = arith.constant 0 : i32
        %scatter3A_761 = arith.constant 0 : i32
        %scatter3A_762 = tpu.memref_slice %arg7[%scan3A_411, %scatter3A_759, %scatter3A_760, %scatter3A_761] : memref<2x5x32x129xf32, #tpu.memory_space<vmem>> -> memref<1x5x32x129xf32, #tpu.memory_space<vmem>>
        %scatter3A_763 = tpu.memref_squeeze %scatter3A_762 : memref<1x5x32x129xf32, #tpu.memory_space<vmem>> -> memref<5x32x129xf32, #tpu.memory_space<vmem>>
        tpu.vector_store_idx %scatter3A_763[%broadcast_in_dim3A_408, %add3A_3, %add3A_753], %get3A_749 : memref<5x32x129xf32, #tpu.memory_space<vmem>>[vector<16xi32>, vector<16xi32>, vector<16xi32>], vector<16xf32>,
        %mul3A_764 = arith.constant 8 : i32
        %mul3A_765 = arith.muli %scan3A_527, %mul3A_764 : i32
        %add3A_766 = arith.constant 7 : i32
        %add3A_767 = arith.addi %mul3A_765, %add3A_766 : i32
        %add3A_768 = arith.constant 256 : i32
        %add3A_769 = arith.addi %add3A_768, %add3A_767 : i32
        %get3A_770 = arith.constant 0 : i32
        %get3A_771 = arith.constant 0 : i32
        %get3A_772 = tpu.memref_slice %arg6[%scan3A_410, %get3A_770, %get3A_771] : memref<2x640x32xf32, #tpu.memory_space<vmem>> -> memref<1x640x32xf32, #tpu.memory_space<vmem>>
        %get3A_773 = tpu.memref_squeeze %get3A_772 : memref<1x640x32xf32, #tpu.memory_space<vmem>> -> memref<640x32xf32, #tpu.memory_space<vmem>>
        %get3A_774 = arith.index_cast %add3A_769 : i32 to index
        %get3A_775 = arith.constant 0 : index
        %get3A_776 = tpu.vector_load %get3A_773[%get3A_774, %get3A_775] {strides = array<i32>} : memref<640x32xf32, #tpu.memory_space<vmem>>, vector<16xf32>,
        %get3A_777 = arith.constant 0 : i32
        %get3A_778 = arith.constant 0 : i32
        %get3A_779 = tpu.memref_slice %arg6[%scan3A_410, %get3A_777, %get3A_778] : memref<2x640x32xf32, #tpu.memory_space<vmem>> -> memref<1x640x32xf32, #tpu.memory_space<vmem>>
        %get3A_780 = tpu.memref_squeeze %get3A_779 : memref<1x640x32xf32, #tpu.memory_space<vmem>> -> memref<640x32xf32, #tpu.memory_space<vmem>>
        %get3A_781 = arith.index_cast %add3A_769 : i32 to index
        %get3A_782 = arith.constant 16 : index
        %get3A_783 = tpu.vector_load %get3A_780[%get3A_781, %get3A_782] {strides = array<i32>} : memref<640x32xf32, #tpu.memory_space<vmem>>, vector<16xf32>,
        %broadcast_in_dim3A_784 = arith.constant 0 : i32
        %broadcast_in_dim3A_785 = vector.broadcast %broadcast_in_dim3A_784 : i32 to vector<16xi32>
        %add3A_786 = vector.broadcast %add3A_767 : i32 to vector<16xi32>
        %add3A_787 = arith.addi %broadcast_in_dim3A_785, %add3A_786 : vector<16xi32>
        %scatter3A_788 = arith.constant 0 : i32
        %scatter3A_789 = arith.constant 0 : i32
        %scatter3A_790 = arith.constant 0 : i32
        %scatter3A_791 = tpu.memref_slice %arg7[%scan3A_411, %scatter3A_788, %scatter3A_789, %scatter3A_790] : memref<2x5x32x129xf32, #tpu.memory_space<vmem>> -> memref<1x5x32x129xf32, #tpu.memory_space<vmem>>
        %scatter3A_792 = tpu.memref_squeeze %scatter3A_791 : memref<1x5x32x129xf32, #tpu.memory_space<vmem>> -> memref<5x32x129xf32, #tpu.memory_space<vmem>>
        tpu.vector_store_idx %scatter3A_792[%broadcast_in_dim3A_408, %iota3A, %add3A_787], %get3A_776 : memref<5x32x129xf32, #tpu.memory_space<vmem>>[vector<16xi32>, vector<16xi32>, vector<16xi32>], vector<16xf32>,
        %scatter3A_793 = arith.constant 0 : i32
        %scatter3A_794 = arith.constant 0 : i32
        %scatter3A_795 = arith.constant 0 : i32
        %scatter3A_796 = tpu.memref_slice %arg7[%scan3A_411, %scatter3A_793, %scatter3A_794, %scatter3A_795] : memref<2x5x32x129xf32, #tpu.memory_space<vmem>> -> memref<1x5x32x129xf32, #tpu.memory_space<vmem>>
        %scatter3A_797 = tpu.memref_squeeze %scatter3A_796 : memref<1x5x32x129xf32, #tpu.memory_space<vmem>> -> memref<5x32x129xf32, #tpu.memory_space<vmem>>
        tpu.vector_store_idx %scatter3A_797[%broadcast_in_dim3A_408, %add3A_3, %add3A_787], %get3A_783 : memref<5x32x129xf32, #tpu.memory_space<vmem>>[vector<16xi32>, vector<16xi32>, vector<16xi32>], vector<16xf32>,
      }
      %scan3A_416 = arith.constant 16 : i32
      %broadcast_in_dim3A_417 = arith.constant 3 : i32
      %broadcast_in_dim3A_418 = vector.broadcast %broadcast_in_dim3A_417 : i32 to vector<16xi32>
      %scan3A_419 = arith.constant 0 : i32
      %scan3A_420 = arith.constant 1 : i32
      %scan3A_421 = arith.constant 1 : i32
      %scan3A_422 = arith.constant 0 : i32
      %scan3A_423 = arith.constant 16 : i32
      %scan3A_424 = arith.addi %scan3A_422, %scan3A_423 : i32
      %scan3A_425 = arith.constant 1 : i32
      scf.for %scan3A_527 = %scan3A_422 to %scan3A_424 step %scan3A_425  : i32 {
        %mul3A_528 = arith.constant 8 : i32
        %mul3A_529 = arith.muli %scan3A_527, %mul3A_528 : i32
        %add3A_530 = arith.constant 0 : i32
        %add3A_531 = arith.addi %mul3A_529, %add3A_530 : i32
        %add3A_532 = arith.constant 384 : i32
        %add3A_533 = arith.addi %add3A_532, %add3A_531 : i32
        %get3A = arith.constant 0 : i32
        %get3A_534 = arith.constant 0 : i32
        %get3A_535 = tpu.memref_slice %arg6[%scan3A_420, %get3A, %get3A_534] : memref<2x640x32xf32, #tpu.memory_space<vmem>> -> memref<1x640x32xf32, #tpu.memory_space<vmem>>
        %get3A_536 = tpu.memref_squeeze %get3A_535 : memref<1x640x32xf32, #tpu.memory_space<vmem>> -> memref<640x32xf32, #tpu.memory_space<vmem>>
        %get3A_537 = arith.index_cast %add3A_533 : i32 to index
        %get3A_538 = arith.constant 0 : index
        %get3A_539 = tpu.vector_load %get3A_536[%get3A_537, %get3A_538] {strides = array<i32>} : memref<640x32xf32, #tpu.memory_space<vmem>>, vector<16xf32>,
        %get3A_540 = arith.constant 0 : i32
        %get3A_541 = arith.constant 0 : i32
        %get3A_542 = tpu.memref_slice %arg6[%scan3A_420, %get3A_540, %get3A_541] : memref<2x640x32xf32, #tpu.memory_space<vmem>> -> memref<1x640x32xf32, #tpu.memory_space<vmem>>
        %get3A_543 = tpu.memref_squeeze %get3A_542 : memref<1x640x32xf32, #tpu.memory_space<vmem>> -> memref<640x32xf32, #tpu.memory_space<vmem>>
        %get3A_544 = arith.index_cast %add3A_533 : i32 to index
        %get3A_545 = arith.constant 16 : index
        %get3A_546 = tpu.vector_load %get3A_543[%get3A_544, %get3A_545] {strides = array<i32>} : memref<640x32xf32, #tpu.memory_space<vmem>>, vector<16xf32>,
        %broadcast_in_dim3A_547 = arith.constant 0 : i32
        %broadcast_in_dim3A_548 = vector.broadcast %broadcast_in_dim3A_547 : i32 to vector<16xi32>
        %add3A_549 = vector.broadcast %add3A_531 : i32 to vector<16xi32>
        %add3A_550 = arith.addi %broadcast_in_dim3A_548, %add3A_549 : vector<16xi32>
        %scatter3A = arith.constant 0 : i32
        %scatter3A_551 = arith.constant 0 : i32
        %scatter3A_552 = arith.constant 0 : i32
        %scatter3A_553 = tpu.memref_slice %arg7[%scan3A_421, %scatter3A, %scatter3A_551, %scatter3A_552] : memref<2x5x32x129xf32, #tpu.memory_space<vmem>> -> memref<1x5x32x129xf32, #tpu.memory_space<vmem>>
        %scatter3A_554 = tpu.memref_squeeze %scatter3A_553 : memref<1x5x32x129xf32, #tpu.memory_space<vmem>> -> memref<5x32x129xf32, #tpu.memory_space<vmem>>
        tpu.vector_store_idx %scatter3A_554[%broadcast_in_dim3A_418, %iota3A, %add3A_550], %get3A_539 : memref<5x32x129xf32, #tpu.memory_space<vmem>>[vector<16xi32>, vector<16xi32>, vector<16xi32>], vector<16xf32>,
        %scatter3A_555 = arith.constant 0 : i32
        %scatter3A_556 = arith.constant 0 : i32
        %scatter3A_557 = arith.constant 0 : i32
        %scatter3A_558 = tpu.memref_slice %arg7[%scan3A_421, %scatter3A_555, %scatter3A_556, %scatter3A_557] : memref<2x5x32x129xf32, #tpu.memory_space<vmem>> -> memref<1x5x32x129xf32, #tpu.memory_space<vmem>>
        %scatter3A_559 = tpu.memref_squeeze %scatter3A_558 : memref<1x5x32x129xf32, #tpu.memory_space<vmem>> -> memref<5x32x129xf32, #tpu.memory_space<vmem>>
        tpu.vector_store_idx %scatter3A_559[%broadcast_in_dim3A_418, %add3A_3, %add3A_550], %get3A_546 : memref<5x32x129xf32, #tpu.memory_space<vmem>>[vector<16xi32>, vector<16xi32>, vector<16xi32>], vector<16xf32>,
        %mul3A_560 = arith.constant 8 : i32
        %mul3A_561 = arith.muli %scan3A_527, %mul3A_560 : i32
        %add3A_562 = arith.constant 1 : i32
        %add3A_563 = arith.addi %mul3A_561, %add3A_562 : i32
        %add3A_564 = arith.constant 384 : i32
        %add3A_565 = arith.addi %add3A_564, %add3A_563 : i32
        %get3A_566 = arith.constant 0 : i32
        %get3A_567 = arith.constant 0 : i32
        %get3A_568 = tpu.memref_slice %arg6[%scan3A_420, %get3A_566, %get3A_567] : memref<2x640x32xf32, #tpu.memory_space<vmem>> -> memref<1x640x32xf32, #tpu.memory_space<vmem>>
        %get3A_569 = tpu.memref_squeeze %get3A_568 : memref<1x640x32xf32, #tpu.memory_space<vmem>> -> memref<640x32xf32, #tpu.memory_space<vmem>>
        %get3A_570 = arith.index_cast %add3A_565 : i32 to index
        %get3A_571 = arith.constant 0 : index
        %get3A_572 = tpu.vector_load %get3A_569[%get3A_570, %get3A_571] {strides = array<i32>} : memref<640x32xf32, #tpu.memory_space<vmem>>, vector<16xf32>,
        %get3A_573 = arith.constant 0 : i32
        %get3A_574 = arith.constant 0 : i32
        %get3A_575 = tpu.memref_slice %arg6[%scan3A_420, %get3A_573, %get3A_574] : memref<2x640x32xf32, #tpu.memory_space<vmem>> -> memref<1x640x32xf32, #tpu.memory_space<vmem>>
        %get3A_576 = tpu.memref_squeeze %get3A_575 : memref<1x640x32xf32, #tpu.memory_space<vmem>> -> memref<640x32xf32, #tpu.memory_space<vmem>>
        %get3A_577 = arith.index_cast %add3A_565 : i32 to index
        %get3A_578 = arith.constant 16 : index
        %get3A_579 = tpu.vector_load %get3A_576[%get3A_577, %get3A_578] {strides = array<i32>} : memref<640x32xf32, #tpu.memory_space<vmem>>, vector<16xf32>,
        %broadcast_in_dim3A_580 = arith.constant 0 : i32
        %broadcast_in_dim3A_581 = vector.broadcast %broadcast_in_dim3A_580 : i32 to vector<16xi32>
        %add3A_582 = vector.broadcast %add3A_563 : i32 to vector<16xi32>
        %add3A_583 = arith.addi %broadcast_in_dim3A_581, %add3A_582 : vector<16xi32>
        %scatter3A_584 = arith.constant 0 : i32
        %scatter3A_585 = arith.constant 0 : i32
        %scatter3A_586 = arith.constant 0 : i32
        %scatter3A_587 = tpu.memref_slice %arg7[%scan3A_421, %scatter3A_584, %scatter3A_585, %scatter3A_586] : memref<2x5x32x129xf32, #tpu.memory_space<vmem>> -> memref<1x5x32x129xf32, #tpu.memory_space<vmem>>
        %scatter3A_588 = tpu.memref_squeeze %scatter3A_587 : memref<1x5x32x129xf32, #tpu.memory_space<vmem>> -> memref<5x32x129xf32, #tpu.memory_space<vmem>>
        tpu.vector_store_idx %scatter3A_588[%broadcast_in_dim3A_418, %iota3A, %add3A_583], %get3A_572 : memref<5x32x129xf32, #tpu.memory_space<vmem>>[vector<16xi32>, vector<16xi32>, vector<16xi32>], vector<16xf32>,
        %scatter3A_589 = arith.constant 0 : i32
        %scatter3A_590 = arith.constant 0 : i32
        %scatter3A_591 = arith.constant 0 : i32
        %scatter3A_592 = tpu.memref_slice %arg7[%scan3A_421, %scatter3A_589, %scatter3A_590, %scatter3A_591] : memref<2x5x32x129xf32, #tpu.memory_space<vmem>> -> memref<1x5x32x129xf32, #tpu.memory_space<vmem>>
        %scatter3A_593 = tpu.memref_squeeze %scatter3A_592 : memref<1x5x32x129xf32, #tpu.memory_space<vmem>> -> memref<5x32x129xf32, #tpu.memory_space<vmem>>
        tpu.vector_store_idx %scatter3A_593[%broadcast_in_dim3A_418, %add3A_3, %add3A_583], %get3A_579 : memref<5x32x129xf32, #tpu.memory_space<vmem>>[vector<16xi32>, vector<16xi32>, vector<16xi32>], vector<16xf32>,
        %mul3A_594 = arith.constant 8 : i32
        %mul3A_595 = arith.muli %scan3A_527, %mul3A_594 : i32
        %add3A_596 = arith.constant 2 : i32
        %add3A_597 = arith.addi %mul3A_595, %add3A_596 : i32
        %add3A_598 = arith.constant 384 : i32
        %add3A_599 = arith.addi %add3A_598, %add3A_597 : i32
        %get3A_600 = arith.constant 0 : i32
        %get3A_601 = arith.constant 0 : i32
        %get3A_602 = tpu.memref_slice %arg6[%scan3A_420, %get3A_600, %get3A_601] : memref<2x640x32xf32, #tpu.memory_space<vmem>> -> memref<1x640x32xf32, #tpu.memory_space<vmem>>
        %get3A_603 = tpu.memref_squeeze %get3A_602 : memref<1x640x32xf32, #tpu.memory_space<vmem>> -> memref<640x32xf32, #tpu.memory_space<vmem>>
        %get3A_604 = arith.index_cast %add3A_599 : i32 to index
        %get3A_605 = arith.constant 0 : index
        %get3A_606 = tpu.vector_load %get3A_603[%get3A_604, %get3A_605] {strides = array<i32>} : memref<640x32xf32, #tpu.memory_space<vmem>>, vector<16xf32>,
        %get3A_607 = arith.constant 0 : i32
        %get3A_608 = arith.constant 0 : i32
        %get3A_609 = tpu.memref_slice %arg6[%scan3A_420, %get3A_607, %get3A_608] : memref<2x640x32xf32, #tpu.memory_space<vmem>> -> memref<1x640x32xf32, #tpu.memory_space<vmem>>
        %get3A_610 = tpu.memref_squeeze %get3A_609 : memref<1x640x32xf32, #tpu.memory_space<vmem>> -> memref<640x32xf32, #tpu.memory_space<vmem>>
        %get3A_611 = arith.index_cast %add3A_599 : i32 to index
        %get3A_612 = arith.constant 16 : index
        %get3A_613 = tpu.vector_load %get3A_610[%get3A_611, %get3A_612] {strides = array<i32>} : memref<640x32xf32, #tpu.memory_space<vmem>>, vector<16xf32>,
        %broadcast_in_dim3A_614 = arith.constant 0 : i32
        %broadcast_in_dim3A_615 = vector.broadcast %broadcast_in_dim3A_614 : i32 to vector<16xi32>
        %add3A_616 = vector.broadcast %add3A_597 : i32 to vector<16xi32>
        %add3A_617 = arith.addi %broadcast_in_dim3A_615, %add3A_616 : vector<16xi32>
        %scatter3A_618 = arith.constant 0 : i32
        %scatter3A_619 = arith.constant 0 : i32
        %scatter3A_620 = arith.constant 0 : i32
        %scatter3A_621 = tpu.memref_slice %arg7[%scan3A_421, %scatter3A_618, %scatter3A_619, %scatter3A_620] : memref<2x5x32x129xf32, #tpu.memory_space<vmem>> -> memref<1x5x32x129xf32, #tpu.memory_space<vmem>>
        %scatter3A_622 = tpu.memref_squeeze %scatter3A_621 : memref<1x5x32x129xf32, #tpu.memory_space<vmem>> -> memref<5x32x129xf32, #tpu.memory_space<vmem>>
        tpu.vector_store_idx %scatter3A_622[%broadcast_in_dim3A_418, %iota3A, %add3A_617], %get3A_606 : memref<5x32x129xf32, #tpu.memory_space<vmem>>[vector<16xi32>, vector<16xi32>, vector<16xi32>], vector<16xf32>,
        %scatter3A_623 = arith.constant 0 : i32
        %scatter3A_624 = arith.constant 0 : i32
        %scatter3A_625 = arith.constant 0 : i32
        %scatter3A_626 = tpu.memref_slice %arg7[%scan3A_421, %scatter3A_623, %scatter3A_624, %scatter3A_625] : memref<2x5x32x129xf32, #tpu.memory_space<vmem>> -> memref<1x5x32x129xf32, #tpu.memory_space<vmem>>
        %scatter3A_627 = tpu.memref_squeeze %scatter3A_626 : memref<1x5x32x129xf32, #tpu.memory_space<vmem>> -> memref<5x32x129xf32, #tpu.memory_space<vmem>>
        tpu.vector_store_idx %scatter3A_627[%broadcast_in_dim3A_418, %add3A_3, %add3A_617], %get3A_613 : memref<5x32x129xf32, #tpu.memory_space<vmem>>[vector<16xi32>, vector<16xi32>, vector<16xi32>], vector<16xf32>,
        %mul3A_628 = arith.constant 8 : i32
        %mul3A_629 = arith.muli %scan3A_527, %mul3A_628 : i32
        %add3A_630 = arith.constant 3 : i32
        %add3A_631 = arith.addi %mul3A_629, %add3A_630 : i32
        %add3A_632 = arith.constant 384 : i32
        %add3A_633 = arith.addi %add3A_632, %add3A_631 : i32
        %get3A_634 = arith.constant 0 : i32
        %get3A_635 = arith.constant 0 : i32
        %get3A_636 = tpu.memref_slice %arg6[%scan3A_420, %get3A_634, %get3A_635] : memref<2x640x32xf32, #tpu.memory_space<vmem>> -> memref<1x640x32xf32, #tpu.memory_space<vmem>>
        %get3A_637 = tpu.memref_squeeze %get3A_636 : memref<1x640x32xf32, #tpu.memory_space<vmem>> -> memref<640x32xf32, #tpu.memory_space<vmem>>
        %get3A_638 = arith.index_cast %add3A_633 : i32 to index
        %get3A_639 = arith.constant 0 : index
        %get3A_640 = tpu.vector_load %get3A_637[%get3A_638, %get3A_639] {strides = array<i32>} : memref<640x32xf32, #tpu.memory_space<vmem>>, vector<16xf32>,
        %get3A_641 = arith.constant 0 : i32
        %get3A_642 = arith.constant 0 : i32
        %get3A_643 = tpu.memref_slice %arg6[%scan3A_420, %get3A_641, %get3A_642] : memref<2x640x32xf32, #tpu.memory_space<vmem>> -> memref<1x640x32xf32, #tpu.memory_space<vmem>>
        %get3A_644 = tpu.memref_squeeze %get3A_643 : memref<1x640x32xf32, #tpu.memory_space<vmem>> -> memref<640x32xf32, #tpu.memory_space<vmem>>
        %get3A_645 = arith.index_cast %add3A_633 : i32 to index
        %get3A_646 = arith.constant 16 : index
        %get3A_647 = tpu.vector_load %get3A_644[%get3A_645, %get3A_646] {strides = array<i32>} : memref<640x32xf32, #tpu.memory_space<vmem>>, vector<16xf32>,
        %broadcast_in_dim3A_648 = arith.constant 0 : i32
        %broadcast_in_dim3A_649 = vector.broadcast %broadcast_in_dim3A_648 : i32 to vector<16xi32>
        %add3A_650 = vector.broadcast %add3A_631 : i32 to vector<16xi32>
        %add3A_651 = arith.addi %broadcast_in_dim3A_649, %add3A_650 : vector<16xi32>
        %scatter3A_652 = arith.constant 0 : i32
        %scatter3A_653 = arith.constant 0 : i32
        %scatter3A_654 = arith.constant 0 : i32
        %scatter3A_655 = tpu.memref_slice %arg7[%scan3A_421, %scatter3A_652, %scatter3A_653, %scatter3A_654] : memref<2x5x32x129xf32, #tpu.memory_space<vmem>> -> memref<1x5x32x129xf32, #tpu.memory_space<vmem>>
        %scatter3A_656 = tpu.memref_squeeze %scatter3A_655 : memref<1x5x32x129xf32, #tpu.memory_space<vmem>> -> memref<5x32x129xf32, #tpu.memory_space<vmem>>
        tpu.vector_store_idx %scatter3A_656[%broadcast_in_dim3A_418, %iota3A, %add3A_651], %get3A_640 : memref<5x32x129xf32, #tpu.memory_space<vmem>>[vector<16xi32>, vector<16xi32>, vector<16xi32>], vector<16xf32>,
        %scatter3A_657 = arith.constant 0 : i32
        %scatter3A_658 = arith.constant 0 : i32
        %scatter3A_659 = arith.constant 0 : i32
        %scatter3A_660 = tpu.memref_slice %arg7[%scan3A_421, %scatter3A_657, %scatter3A_658, %scatter3A_659] : memref<2x5x32x129xf32, #tpu.memory_space<vmem>> -> memref<1x5x32x129xf32, #tpu.memory_space<vmem>>
        %scatter3A_661 = tpu.memref_squeeze %scatter3A_660 : memref<1x5x32x129xf32, #tpu.memory_space<vmem>> -> memref<5x32x129xf32, #tpu.memory_space<vmem>>
        tpu.vector_store_idx %scatter3A_661[%broadcast_in_dim3A_418, %add3A_3, %add3A_651], %get3A_647 : memref<5x32x129xf32, #tpu.memory_space<vmem>>[vector<16xi32>, vector<16xi32>, vector<16xi32>], vector<16xf32>,
        %mul3A_662 = arith.constant 8 : i32
        %mul3A_663 = arith.muli %scan3A_527, %mul3A_662 : i32
        %add3A_664 = arith.constant 4 : i32
        %add3A_665 = arith.addi %mul3A_663, %add3A_664 : i32
        %add3A_666 = arith.constant 384 : i32
        %add3A_667 = arith.addi %add3A_666, %add3A_665 : i32
        %get3A_668 = arith.constant 0 : i32
        %get3A_669 = arith.constant 0 : i32
        %get3A_670 = tpu.memref_slice %arg6[%scan3A_420, %get3A_668, %get3A_669] : memref<2x640x32xf32, #tpu.memory_space<vmem>> -> memref<1x640x32xf32, #tpu.memory_space<vmem>>
        %get3A_671 = tpu.memref_squeeze %get3A_670 : memref<1x640x32xf32, #tpu.memory_space<vmem>> -> memref<640x32xf32, #tpu.memory_space<vmem>>
        %get3A_672 = arith.index_cast %add3A_667 : i32 to index
        %get3A_673 = arith.constant 0 : index
        %get3A_674 = tpu.vector_load %get3A_671[%get3A_672, %get3A_673] {strides = array<i32>} : memref<640x32xf32, #tpu.memory_space<vmem>>, vector<16xf32>,
        %get3A_675 = arith.constant 0 : i32
        %get3A_676 = arith.constant 0 : i32
        %get3A_677 = tpu.memref_slice %arg6[%scan3A_420, %get3A_675, %get3A_676] : memref<2x640x32xf32, #tpu.memory_space<vmem>> -> memref<1x640x32xf32, #tpu.memory_space<vmem>>
        %get3A_678 = tpu.memref_squeeze %get3A_677 : memref<1x640x32xf32, #tpu.memory_space<vmem>> -> memref<640x32xf32, #tpu.memory_space<vmem>>
        %get3A_679 = arith.index_cast %add3A_667 : i32 to index
        %get3A_680 = arith.constant 16 : index
        %get3A_681 = tpu.vector_load %get3A_678[%get3A_679, %get3A_680] {strides = array<i32>} : memref<640x32xf32, #tpu.memory_space<vmem>>, vector<16xf32>,
        %broadcast_in_dim3A_682 = arith.constant 0 : i32
        %broadcast_in_dim3A_683 = vector.broadcast %broadcast_in_dim3A_682 : i32 to vector<16xi32>
        %add3A_684 = vector.broadcast %add3A_665 : i32 to vector<16xi32>
        %add3A_685 = arith.addi %broadcast_in_dim3A_683, %add3A_684 : vector<16xi32>
        %scatter3A_686 = arith.constant 0 : i32
        %scatter3A_687 = arith.constant 0 : i32
        %scatter3A_688 = arith.constant 0 : i32
        %scatter3A_689 = tpu.memref_slice %arg7[%scan3A_421, %scatter3A_686, %scatter3A_687, %scatter3A_688] : memref<2x5x32x129xf32, #tpu.memory_space<vmem>> -> memref<1x5x32x129xf32, #tpu.memory_space<vmem>>
        %scatter3A_690 = tpu.memref_squeeze %scatter3A_689 : memref<1x5x32x129xf32, #tpu.memory_space<vmem>> -> memref<5x32x129xf32, #tpu.memory_space<vmem>>
        tpu.vector_store_idx %scatter3A_690[%broadcast_in_dim3A_418, %iota3A, %add3A_685], %get3A_674 : memref<5x32x129xf32, #tpu.memory_space<vmem>>[vector<16xi32>, vector<16xi32>, vector<16xi32>], vector<16xf32>,
        %scatter3A_691 = arith.constant 0 : i32
        %scatter3A_692 = arith.constant 0 : i32
        %scatter3A_693 = arith.constant 0 : i32
        %scatter3A_694 = tpu.memref_slice %arg7[%scan3A_421, %scatter3A_691, %scatter3A_692, %scatter3A_693] : memref<2x5x32x129xf32, #tpu.memory_space<vmem>> -> memref<1x5x32x129xf32, #tpu.memory_space<vmem>>
        %scatter3A_695 = tpu.memref_squeeze %scatter3A_694 : memref<1x5x32x129xf32, #tpu.memory_space<vmem>> -> memref<5x32x129xf32, #tpu.memory_space<vmem>>
        tpu.vector_store_idx %scatter3A_695[%broadcast_in_dim3A_418, %add3A_3, %add3A_685], %get3A_681 : memref<5x32x129xf32, #tpu.memory_space<vmem>>[vector<16xi32>, vector<16xi32>, vector<16xi32>], vector<16xf32>,
        %mul3A_696 = arith.constant 8 : i32
        %mul3A_697 = arith.muli %scan3A_527, %mul3A_696 : i32
        %add3A_698 = arith.constant 5 : i32
        %add3A_699 = arith.addi %mul3A_697, %add3A_698 : i32
        %add3A_700 = arith.constant 384 : i32
        %add3A_701 = arith.addi %add3A_700, %add3A_699 : i32
        %get3A_702 = arith.constant 0 : i32
        %get3A_703 = arith.constant 0 : i32
        %get3A_704 = tpu.memref_slice %arg6[%scan3A_420, %get3A_702, %get3A_703] : memref<2x640x32xf32, #tpu.memory_space<vmem>> -> memref<1x640x32xf32, #tpu.memory_space<vmem>>
        %get3A_705 = tpu.memref_squeeze %get3A_704 : memref<1x640x32xf32, #tpu.memory_space<vmem>> -> memref<640x32xf32, #tpu.memory_space<vmem>>
        %get3A_706 = arith.index_cast %add3A_701 : i32 to index
        %get3A_707 = arith.constant 0 : index
        %get3A_708 = tpu.vector_load %get3A_705[%get3A_706, %get3A_707] {strides = array<i32>} : memref<640x32xf32, #tpu.memory_space<vmem>>, vector<16xf32>,
        %get3A_709 = arith.constant 0 : i32
        %get3A_710 = arith.constant 0 : i32
        %get3A_711 = tpu.memref_slice %arg6[%scan3A_420, %get3A_709, %get3A_710] : memref<2x640x32xf32, #tpu.memory_space<vmem>> -> memref<1x640x32xf32, #tpu.memory_space<vmem>>
        %get3A_712 = tpu.memref_squeeze %get3A_711 : memref<1x640x32xf32, #tpu.memory_space<vmem>> -> memref<640x32xf32, #tpu.memory_space<vmem>>
        %get3A_713 = arith.index_cast %add3A_701 : i32 to index
        %get3A_714 = arith.constant 16 : index
        %get3A_715 = tpu.vector_load %get3A_712[%get3A_713, %get3A_714] {strides = array<i32>} : memref<640x32xf32, #tpu.memory_space<vmem>>, vector<16xf32>,
        %broadcast_in_dim3A_716 = arith.constant 0 : i32
        %broadcast_in_dim3A_717 = vector.broadcast %broadcast_in_dim3A_716 : i32 to vector<16xi32>
        %add3A_718 = vector.broadcast %add3A_699 : i32 to vector<16xi32>
        %add3A_719 = arith.addi %broadcast_in_dim3A_717, %add3A_718 : vector<16xi32>
        %scatter3A_720 = arith.constant 0 : i32
        %scatter3A_721 = arith.constant 0 : i32
        %scatter3A_722 = arith.constant 0 : i32
        %scatter3A_723 = tpu.memref_slice %arg7[%scan3A_421, %scatter3A_720, %scatter3A_721, %scatter3A_722] : memref<2x5x32x129xf32, #tpu.memory_space<vmem>> -> memref<1x5x32x129xf32, #tpu.memory_space<vmem>>
        %scatter3A_724 = tpu.memref_squeeze %scatter3A_723 : memref<1x5x32x129xf32, #tpu.memory_space<vmem>> -> memref<5x32x129xf32, #tpu.memory_space<vmem>>
        tpu.vector_store_idx %scatter3A_724[%broadcast_in_dim3A_418, %iota3A, %add3A_719], %get3A_708 : memref<5x32x129xf32, #tpu.memory_space<vmem>>[vector<16xi32>, vector<16xi32>, vector<16xi32>], vector<16xf32>,
        %scatter3A_725 = arith.constant 0 : i32
        %scatter3A_726 = arith.constant 0 : i32
        %scatter3A_727 = arith.constant 0 : i32
        %scatter3A_728 = tpu.memref_slice %arg7[%scan3A_421, %scatter3A_725, %scatter3A_726, %scatter3A_727] : memref<2x5x32x129xf32, #tpu.memory_space<vmem>> -> memref<1x5x32x129xf32, #tpu.memory_space<vmem>>
        %scatter3A_729 = tpu.memref_squeeze %scatter3A_728 : memref<1x5x32x129xf32, #tpu.memory_space<vmem>> -> memref<5x32x129xf32, #tpu.memory_space<vmem>>
        tpu.vector_store_idx %scatter3A_729[%broadcast_in_dim3A_418, %add3A_3, %add3A_719], %get3A_715 : memref<5x32x129xf32, #tpu.memory_space<vmem>>[vector<16xi32>, vector<16xi32>, vector<16xi32>], vector<16xf32>,
        %mul3A_730 = arith.constant 8 : i32
        %mul3A_731 = arith.muli %scan3A_527, %mul3A_730 : i32
        %add3A_732 = arith.constant 6 : i32
        %add3A_733 = arith.addi %mul3A_731, %add3A_732 : i32
        %add3A_734 = arith.constant 384 : i32
        %add3A_735 = arith.addi %add3A_734, %add3A_733 : i32
        %get3A_736 = arith.constant 0 : i32
        %get3A_737 = arith.constant 0 : i32
        %get3A_738 = tpu.memref_slice %arg6[%scan3A_420, %get3A_736, %get3A_737] : memref<2x640x32xf32, #tpu.memory_space<vmem>> -> memref<1x640x32xf32, #tpu.memory_space<vmem>>
        %get3A_739 = tpu.memref_squeeze %get3A_738 : memref<1x640x32xf32, #tpu.memory_space<vmem>> -> memref<640x32xf32, #tpu.memory_space<vmem>>
        %get3A_740 = arith.index_cast %add3A_735 : i32 to index
        %get3A_741 = arith.constant 0 : index
        %get3A_742 = tpu.vector_load %get3A_739[%get3A_740, %get3A_741] {strides = array<i32>} : memref<640x32xf32, #tpu.memory_space<vmem>>, vector<16xf32>,
        %get3A_743 = arith.constant 0 : i32
        %get3A_744 = arith.constant 0 : i32
        %get3A_745 = tpu.memref_slice %arg6[%scan3A_420, %get3A_743, %get3A_744] : memref<2x640x32xf32, #tpu.memory_space<vmem>> -> memref<1x640x32xf32, #tpu.memory_space<vmem>>
        %get3A_746 = tpu.memref_squeeze %get3A_745 : memref<1x640x32xf32, #tpu.memory_space<vmem>> -> memref<640x32xf32, #tpu.memory_space<vmem>>
        %get3A_747 = arith.index_cast %add3A_735 : i32 to index
        %get3A_748 = arith.constant 16 : index
        %get3A_749 = tpu.vector_load %get3A_746[%get3A_747, %get3A_748] {strides = array<i32>} : memref<640x32xf32, #tpu.memory_space<vmem>>, vector<16xf32>,
        %broadcast_in_dim3A_750 = arith.constant 0 : i32
        %broadcast_in_dim3A_751 = vector.broadcast %broadcast_in_dim3A_750 : i32 to vector<16xi32>
        %add3A_752 = vector.broadcast %add3A_733 : i32 to vector<16xi32>
        %add3A_753 = arith.addi %broadcast_in_dim3A_751, %add3A_752 : vector<16xi32>
        %scatter3A_754 = arith.constant 0 : i32
        %scatter3A_755 = arith.constant 0 : i32
        %scatter3A_756 = arith.constant 0 : i32
        %scatter3A_757 = tpu.memref_slice %arg7[%scan3A_421, %scatter3A_754, %scatter3A_755, %scatter3A_756] : memref<2x5x32x129xf32, #tpu.memory_space<vmem>> -> memref<1x5x32x129xf32, #tpu.memory_space<vmem>>
        %scatter3A_758 = tpu.memref_squeeze %scatter3A_757 : memref<1x5x32x129xf32, #tpu.memory_space<vmem>> -> memref<5x32x129xf32, #tpu.memory_space<vmem>>
        tpu.vector_store_idx %scatter3A_758[%broadcast_in_dim3A_418, %iota3A, %add3A_753], %get3A_742 : memref<5x32x129xf32, #tpu.memory_space<vmem>>[vector<16xi32>, vector<16xi32>, vector<16xi32>], vector<16xf32>,
        %scatter3A_759 = arith.constant 0 : i32
        %scatter3A_760 = arith.constant 0 : i32
        %scatter3A_761 = arith.constant 0 : i32
        %scatter3A_762 = tpu.memref_slice %arg7[%scan3A_421, %scatter3A_759, %scatter3A_760, %scatter3A_761] : memref<2x5x32x129xf32, #tpu.memory_space<vmem>> -> memref<1x5x32x129xf32, #tpu.memory_space<vmem>>
        %scatter3A_763 = tpu.memref_squeeze %scatter3A_762 : memref<1x5x32x129xf32, #tpu.memory_space<vmem>> -> memref<5x32x129xf32, #tpu.memory_space<vmem>>
        tpu.vector_store_idx %scatter3A_763[%broadcast_in_dim3A_418, %add3A_3, %add3A_753], %get3A_749 : memref<5x32x129xf32, #tpu.memory_space<vmem>>[vector<16xi32>, vector<16xi32>, vector<16xi32>], vector<16xf32>,
        %mul3A_764 = arith.constant 8 : i32
        %mul3A_765 = arith.muli %scan3A_527, %mul3A_764 : i32
        %add3A_766 = arith.constant 7 : i32
        %add3A_767 = arith.addi %mul3A_765, %add3A_766 : i32
        %add3A_768 = arith.constant 384 : i32
        %add3A_769 = arith.addi %add3A_768, %add3A_767 : i32
        %get3A_770 = arith.constant 0 : i32
        %get3A_771 = arith.constant 0 : i32
        %get3A_772 = tpu.memref_slice %arg6[%scan3A_420, %get3A_770, %get3A_771] : memref<2x640x32xf32, #tpu.memory_space<vmem>> -> memref<1x640x32xf32, #tpu.memory_space<vmem>>
        %get3A_773 = tpu.memref_squeeze %get3A_772 : memref<1x640x32xf32, #tpu.memory_space<vmem>> -> memref<640x32xf32, #tpu.memory_space<vmem>>
        %get3A_774 = arith.index_cast %add3A_769 : i32 to index
        %get3A_775 = arith.constant 0 : index
        %get3A_776 = tpu.vector_load %get3A_773[%get3A_774, %get3A_775] {strides = array<i32>} : memref<640x32xf32, #tpu.memory_space<vmem>>, vector<16xf32>,
        %get3A_777 = arith.constant 0 : i32
        %get3A_778 = arith.constant 0 : i32
        %get3A_779 = tpu.memref_slice %arg6[%scan3A_420, %get3A_777, %get3A_778] : memref<2x640x32xf32, #tpu.memory_space<vmem>> -> memref<1x640x32xf32, #tpu.memory_space<vmem>>
        %get3A_780 = tpu.memref_squeeze %get3A_779 : memref<1x640x32xf32, #tpu.memory_space<vmem>> -> memref<640x32xf32, #tpu.memory_space<vmem>>
        %get3A_781 = arith.index_cast %add3A_769 : i32 to index
        %get3A_782 = arith.constant 16 : index
        %get3A_783 = tpu.vector_load %get3A_780[%get3A_781, %get3A_782] {strides = array<i32>} : memref<640x32xf32, #tpu.memory_space<vmem>>, vector<16xf32>,
        %broadcast_in_dim3A_784 = arith.constant 0 : i32
        %broadcast_in_dim3A_785 = vector.broadcast %broadcast_in_dim3A_784 : i32 to vector<16xi32>
        %add3A_786 = vector.broadcast %add3A_767 : i32 to vector<16xi32>
        %add3A_787 = arith.addi %broadcast_in_dim3A_785, %add3A_786 : vector<16xi32>
        %scatter3A_788 = arith.constant 0 : i32
        %scatter3A_789 = arith.constant 0 : i32
        %scatter3A_790 = arith.constant 0 : i32
        %scatter3A_791 = tpu.memref_slice %arg7[%scan3A_421, %scatter3A_788, %scatter3A_789, %scatter3A_790] : memref<2x5x32x129xf32, #tpu.memory_space<vmem>> -> memref<1x5x32x129xf32, #tpu.memory_space<vmem>>
        %scatter3A_792 = tpu.memref_squeeze %scatter3A_791 : memref<1x5x32x129xf32, #tpu.memory_space<vmem>> -> memref<5x32x129xf32, #tpu.memory_space<vmem>>
        tpu.vector_store_idx %scatter3A_792[%broadcast_in_dim3A_418, %iota3A, %add3A_787], %get3A_776 : memref<5x32x129xf32, #tpu.memory_space<vmem>>[vector<16xi32>, vector<16xi32>, vector<16xi32>], vector<16xf32>,
        %scatter3A_793 = arith.constant 0 : i32
        %scatter3A_794 = arith.constant 0 : i32
        %scatter3A_795 = arith.constant 0 : i32
        %scatter3A_796 = tpu.memref_slice %arg7[%scan3A_421, %scatter3A_793, %scatter3A_794, %scatter3A_795] : memref<2x5x32x129xf32, #tpu.memory_space<vmem>> -> memref<1x5x32x129xf32, #tpu.memory_space<vmem>>
        %scatter3A_797 = tpu.memref_squeeze %scatter3A_796 : memref<1x5x32x129xf32, #tpu.memory_space<vmem>> -> memref<5x32x129xf32, #tpu.memory_space<vmem>>
        tpu.vector_store_idx %scatter3A_797[%broadcast_in_dim3A_418, %add3A_3, %add3A_787], %get3A_783 : memref<5x32x129xf32, #tpu.memory_space<vmem>>[vector<16xi32>, vector<16xi32>, vector<16xi32>], vector<16xf32>,
      }
      %scan3A_426 = arith.constant 16 : i32
      %broadcast_in_dim3A_427 = arith.constant 4 : i32
      %broadcast_in_dim3A_428 = vector.broadcast %broadcast_in_dim3A_427 : i32 to vector<16xi32>
      %scan3A_429 = arith.constant 0 : i32
      %scan3A_430 = arith.constant 1 : i32
      %scan3A_431 = arith.constant 1 : i32
      %scan3A_432 = arith.constant 0 : i32
      %scan3A_433 = arith.constant 16 : i32
      %scan3A_434 = arith.addi %scan3A_432, %scan3A_433 : i32
      %scan3A_435 = arith.constant 1 : i32
      scf.for %scan3A_527 = %scan3A_432 to %scan3A_434 step %scan3A_435  : i32 {
        %mul3A_528 = arith.constant 8 : i32
        %mul3A_529 = arith.muli %scan3A_527, %mul3A_528 : i32
        %add3A_530 = arith.constant 0 : i32
        %add3A_531 = arith.addi %mul3A_529, %add3A_530 : i32
        %add3A_532 = arith.constant 512 : i32
        %add3A_533 = arith.addi %add3A_532, %add3A_531 : i32
        %get3A = arith.constant 0 : i32
        %get3A_534 = arith.constant 0 : i32
        %get3A_535 = tpu.memref_slice %arg6[%scan3A_430, %get3A, %get3A_534] : memref<2x640x32xf32, #tpu.memory_space<vmem>> -> memref<1x640x32xf32, #tpu.memory_space<vmem>>
        %get3A_536 = tpu.memref_squeeze %get3A_535 : memref<1x640x32xf32, #tpu.memory_space<vmem>> -> memref<640x32xf32, #tpu.memory_space<vmem>>
        %get3A_537 = arith.index_cast %add3A_533 : i32 to index
        %get3A_538 = arith.constant 0 : index
        %get3A_539 = tpu.vector_load %get3A_536[%get3A_537, %get3A_538] {strides = array<i32>} : memref<640x32xf32, #tpu.memory_space<vmem>>, vector<16xf32>,
        %get3A_540 = arith.constant 0 : i32
        %get3A_541 = arith.constant 0 : i32
        %get3A_542 = tpu.memref_slice %arg6[%scan3A_430, %get3A_540, %get3A_541] : memref<2x640x32xf32, #tpu.memory_space<vmem>> -> memref<1x640x32xf32, #tpu.memory_space<vmem>>
        %get3A_543 = tpu.memref_squeeze %get3A_542 : memref<1x640x32xf32, #tpu.memory_space<vmem>> -> memref<640x32xf32, #tpu.memory_space<vmem>>
        %get3A_544 = arith.index_cast %add3A_533 : i32 to index
        %get3A_545 = arith.constant 16 : index
        %get3A_546 = tpu.vector_load %get3A_543[%get3A_544, %get3A_545] {strides = array<i32>} : memref<640x32xf32, #tpu.memory_space<vmem>>, vector<16xf32>,
        %broadcast_in_dim3A_547 = arith.constant 0 : i32
        %broadcast_in_dim3A_548 = vector.broadcast %broadcast_in_dim3A_547 : i32 to vector<16xi32>
        %add3A_549 = vector.broadcast %add3A_531 : i32 to vector<16xi32>
        %add3A_550 = arith.addi %broadcast_in_dim3A_548, %add3A_549 : vector<16xi32>
        %scatter3A = arith.constant 0 : i32
        %scatter3A_551 = arith.constant 0 : i32
        %scatter3A_552 = arith.constant 0 : i32
        %scatter3A_553 = tpu.memref_slice %arg7[%scan3A_431, %scatter3A, %scatter3A_551, %scatter3A_552] : memref<2x5x32x129xf32, #tpu.memory_space<vmem>> -> memref<1x5x32x129xf32, #tpu.memory_space<vmem>>
        %scatter3A_554 = tpu.memref_squeeze %scatter3A_553 : memref<1x5x32x129xf32, #tpu.memory_space<vmem>> -> memref<5x32x129xf32, #tpu.memory_space<vmem>>
        tpu.vector_store_idx %scatter3A_554[%broadcast_in_dim3A_428, %iota3A, %add3A_550], %get3A_539 : memref<5x32x129xf32, #tpu.memory_space<vmem>>[vector<16xi32>, vector<16xi32>, vector<16xi32>], vector<16xf32>,
        %scatter3A_555 = arith.constant 0 : i32
        %scatter3A_556 = arith.constant 0 : i32
        %scatter3A_557 = arith.constant 0 : i32
        %scatter3A_558 = tpu.memref_slice %arg7[%scan3A_431, %scatter3A_555, %scatter3A_556, %scatter3A_557] : memref<2x5x32x129xf32, #tpu.memory_space<vmem>> -> memref<1x5x32x129xf32, #tpu.memory_space<vmem>>
        %scatter3A_559 = tpu.memref_squeeze %scatter3A_558 : memref<1x5x32x129xf32, #tpu.memory_space<vmem>> -> memref<5x32x129xf32, #tpu.memory_space<vmem>>
        tpu.vector_store_idx %scatter3A_559[%broadcast_in_dim3A_428, %add3A_3, %add3A_550], %get3A_546 : memref<5x32x129xf32, #tpu.memory_space<vmem>>[vector<16xi32>, vector<16xi32>, vector<16xi32>], vector<16xf32>,
        %mul3A_560 = arith.constant 8 : i32
        %mul3A_561 = arith.muli %scan3A_527, %mul3A_560 : i32
        %add3A_562 = arith.constant 1 : i32
        %add3A_563 = arith.addi %mul3A_561, %add3A_562 : i32
        %add3A_564 = arith.constant 512 : i32
        %add3A_565 = arith.addi %add3A_564, %add3A_563 : i32
        %get3A_566 = arith.constant 0 : i32
        %get3A_567 = arith.constant 0 : i32
        %get3A_568 = tpu.memref_slice %arg6[%scan3A_430, %get3A_566, %get3A_567] : memref<2x640x32xf32, #tpu.memory_space<vmem>> -> memref<1x640x32xf32, #tpu.memory_space<vmem>>
        %get3A_569 = tpu.memref_squeeze %get3A_568 : memref<1x640x32xf32, #tpu.memory_space<vmem>> -> memref<640x32xf32, #tpu.memory_space<vmem>>
        %get3A_570 = arith.index_cast %add3A_565 : i32 to index
        %get3A_571 = arith.constant 0 : index
        %get3A_572 = tpu.vector_load %get3A_569[%get3A_570, %get3A_571] {strides = array<i32>} : memref<640x32xf32, #tpu.memory_space<vmem>>, vector<16xf32>,
        %get3A_573 = arith.constant 0 : i32
        %get3A_574 = arith.constant 0 : i32
        %get3A_575 = tpu.memref_slice %arg6[%scan3A_430, %get3A_573, %get3A_574] : memref<2x640x32xf32, #tpu.memory_space<vmem>> -> memref<1x640x32xf32, #tpu.memory_space<vmem>>
        %get3A_576 = tpu.memref_squeeze %get3A_575 : memref<1x640x32xf32, #tpu.memory_space<vmem>> -> memref<640x32xf32, #tpu.memory_space<vmem>>
        %get3A_577 = arith.index_cast %add3A_565 : i32 to index
        %get3A_578 = arith.constant 16 : index
        %get3A_579 = tpu.vector_load %get3A_576[%get3A_577, %get3A_578] {strides = array<i32>} : memref<640x32xf32, #tpu.memory_space<vmem>>, vector<16xf32>,
        %broadcast_in_dim3A_580 = arith.constant 0 : i32
        %broadcast_in_dim3A_581 = vector.broadcast %broadcast_in_dim3A_580 : i32 to vector<16xi32>
        %add3A_582 = vector.broadcast %add3A_563 : i32 to vector<16xi32>
        %add3A_583 = arith.addi %broadcast_in_dim3A_581, %add3A_582 : vector<16xi32>
        %scatter3A_584 = arith.constant 0 : i32
        %scatter3A_585 = arith.constant 0 : i32
        %scatter3A_586 = arith.constant 0 : i32
        %scatter3A_587 = tpu.memref_slice %arg7[%scan3A_431, %scatter3A_584, %scatter3A_585, %scatter3A_586] : memref<2x5x32x129xf32, #tpu.memory_space<vmem>> -> memref<1x5x32x129xf32, #tpu.memory_space<vmem>>
        %scatter3A_588 = tpu.memref_squeeze %scatter3A_587 : memref<1x5x32x129xf32, #tpu.memory_space<vmem>> -> memref<5x32x129xf32, #tpu.memory_space<vmem>>
        tpu.vector_store_idx %scatter3A_588[%broadcast_in_dim3A_428, %iota3A, %add3A_583], %get3A_572 : memref<5x32x129xf32, #tpu.memory_space<vmem>>[vector<16xi32>, vector<16xi32>, vector<16xi32>], vector<16xf32>,
        %scatter3A_589 = arith.constant 0 : i32
        %scatter3A_590 = arith.constant 0 : i32
        %scatter3A_591 = arith.constant 0 : i32
        %scatter3A_592 = tpu.memref_slice %arg7[%scan3A_431, %scatter3A_589, %scatter3A_590, %scatter3A_591] : memref<2x5x32x129xf32, #tpu.memory_space<vmem>> -> memref<1x5x32x129xf32, #tpu.memory_space<vmem>>
        %scatter3A_593 = tpu.memref_squeeze %scatter3A_592 : memref<1x5x32x129xf32, #tpu.memory_space<vmem>> -> memref<5x32x129xf32, #tpu.memory_space<vmem>>
        tpu.vector_store_idx %scatter3A_593[%broadcast_in_dim3A_428, %add3A_3, %add3A_583], %get3A_579 : memref<5x32x129xf32, #tpu.memory_space<vmem>>[vector<16xi32>, vector<16xi32>, vector<16xi32>], vector<16xf32>,
        %mul3A_594 = arith.constant 8 : i32
        %mul3A_595 = arith.muli %scan3A_527, %mul3A_594 : i32
        %add3A_596 = arith.constant 2 : i32
        %add3A_597 = arith.addi %mul3A_595, %add3A_596 : i32
        %add3A_598 = arith.constant 512 : i32
        %add3A_599 = arith.addi %add3A_598, %add3A_597 : i32
        %get3A_600 = arith.constant 0 : i32
        %get3A_601 = arith.constant 0 : i32
        %get3A_602 = tpu.memref_slice %arg6[%scan3A_430, %get3A_600, %get3A_601] : memref<2x640x32xf32, #tpu.memory_space<vmem>> -> memref<1x640x32xf32, #tpu.memory_space<vmem>>
        %get3A_603 = tpu.memref_squeeze %get3A_602 : memref<1x640x32xf32, #tpu.memory_space<vmem>> -> memref<640x32xf32, #tpu.memory_space<vmem>>
        %get3A_604 = arith.index_cast %add3A_599 : i32 to index
        %get3A_605 = arith.constant 0 : index
        %get3A_606 = tpu.vector_load %get3A_603[%get3A_604, %get3A_605] {strides = array<i32>} : memref<640x32xf32, #tpu.memory_space<vmem>>, vector<16xf32>,
        %get3A_607 = arith.constant 0 : i32
        %get3A_608 = arith.constant 0 : i32
        %get3A_609 = tpu.memref_slice %arg6[%scan3A_430, %get3A_607, %get3A_608] : memref<2x640x32xf32, #tpu.memory_space<vmem>> -> memref<1x640x32xf32, #tpu.memory_space<vmem>>
        %get3A_610 = tpu.memref_squeeze %get3A_609 : memref<1x640x32xf32, #tpu.memory_space<vmem>> -> memref<640x32xf32, #tpu.memory_space<vmem>>
        %get3A_611 = arith.index_cast %add3A_599 : i32 to index
        %get3A_612 = arith.constant 16 : index
        %get3A_613 = tpu.vector_load %get3A_610[%get3A_611, %get3A_612] {strides = array<i32>} : memref<640x32xf32, #tpu.memory_space<vmem>>, vector<16xf32>,
        %broadcast_in_dim3A_614 = arith.constant 0 : i32
        %broadcast_in_dim3A_615 = vector.broadcast %broadcast_in_dim3A_614 : i32 to vector<16xi32>
        %add3A_616 = vector.broadcast %add3A_597 : i32 to vector<16xi32>
        %add3A_617 = arith.addi %broadcast_in_dim3A_615, %add3A_616 : vector<16xi32>
        %scatter3A_618 = arith.constant 0 : i32
        %scatter3A_619 = arith.constant 0 : i32
        %scatter3A_620 = arith.constant 0 : i32
        %scatter3A_621 = tpu.memref_slice %arg7[%scan3A_431, %scatter3A_618, %scatter3A_619, %scatter3A_620] : memref<2x5x32x129xf32, #tpu.memory_space<vmem>> -> memref<1x5x32x129xf32, #tpu.memory_space<vmem>>
        %scatter3A_622 = tpu.memref_squeeze %scatter3A_621 : memref<1x5x32x129xf32, #tpu.memory_space<vmem>> -> memref<5x32x129xf32, #tpu.memory_space<vmem>>
        tpu.vector_store_idx %scatter3A_622[%broadcast_in_dim3A_428, %iota3A, %add3A_617], %get3A_606 : memref<5x32x129xf32, #tpu.memory_space<vmem>>[vector<16xi32>, vector<16xi32>, vector<16xi32>], vector<16xf32>,
        %scatter3A_623 = arith.constant 0 : i32
        %scatter3A_624 = arith.constant 0 : i32
        %scatter3A_625 = arith.constant 0 : i32
        %scatter3A_626 = tpu.memref_slice %arg7[%scan3A_431, %scatter3A_623, %scatter3A_624, %scatter3A_625] : memref<2x5x32x129xf32, #tpu.memory_space<vmem>> -> memref<1x5x32x129xf32, #tpu.memory_space<vmem>>
        %scatter3A_627 = tpu.memref_squeeze %scatter3A_626 : memref<1x5x32x129xf32, #tpu.memory_space<vmem>> -> memref<5x32x129xf32, #tpu.memory_space<vmem>>
        tpu.vector_store_idx %scatter3A_627[%broadcast_in_dim3A_428, %add3A_3, %add3A_617], %get3A_613 : memref<5x32x129xf32, #tpu.memory_space<vmem>>[vector<16xi32>, vector<16xi32>, vector<16xi32>], vector<16xf32>,
        %mul3A_628 = arith.constant 8 : i32
        %mul3A_629 = arith.muli %scan3A_527, %mul3A_628 : i32
        %add3A_630 = arith.constant 3 : i32
        %add3A_631 = arith.addi %mul3A_629, %add3A_630 : i32
        %add3A_632 = arith.constant 512 : i32
        %add3A_633 = arith.addi %add3A_632, %add3A_631 : i32
        %get3A_634 = arith.constant 0 : i32
        %get3A_635 = arith.constant 0 : i32
        %get3A_636 = tpu.memref_slice %arg6[%scan3A_430, %get3A_634, %get3A_635] : memref<2x640x32xf32, #tpu.memory_space<vmem>> -> memref<1x640x32xf32, #tpu.memory_space<vmem>>
        %get3A_637 = tpu.memref_squeeze %get3A_636 : memref<1x640x32xf32, #tpu.memory_space<vmem>> -> memref<640x32xf32, #tpu.memory_space<vmem>>
        %get3A_638 = arith.index_cast %add3A_633 : i32 to index
        %get3A_639 = arith.constant 0 : index
        %get3A_640 = tpu.vector_load %get3A_637[%get3A_638, %get3A_639] {strides = array<i32>} : memref<640x32xf32, #tpu.memory_space<vmem>>, vector<16xf32>,
        %get3A_641 = arith.constant 0 : i32
        %get3A_642 = arith.constant 0 : i32
        %get3A_643 = tpu.memref_slice %arg6[%scan3A_430, %get3A_641, %get3A_642] : memref<2x640x32xf32, #tpu.memory_space<vmem>> -> memref<1x640x32xf32, #tpu.memory_space<vmem>>
        %get3A_644 = tpu.memref_squeeze %get3A_643 : memref<1x640x32xf32, #tpu.memory_space<vmem>> -> memref<640x32xf32, #tpu.memory_space<vmem>>
        %get3A_645 = arith.index_cast %add3A_633 : i32 to index
        %get3A_646 = arith.constant 16 : index
        %get3A_647 = tpu.vector_load %get3A_644[%get3A_645, %get3A_646] {strides = array<i32>} : memref<640x32xf32, #tpu.memory_space<vmem>>, vector<16xf32>,
        %broadcast_in_dim3A_648 = arith.constant 0 : i32
        %broadcast_in_dim3A_649 = vector.broadcast %broadcast_in_dim3A_648 : i32 to vector<16xi32>
        %add3A_650 = vector.broadcast %add3A_631 : i32 to vector<16xi32>
        %add3A_651 = arith.addi %broadcast_in_dim3A_649, %add3A_650 : vector<16xi32>
        %scatter3A_652 = arith.constant 0 : i32
        %scatter3A_653 = arith.constant 0 : i32
        %scatter3A_654 = arith.constant 0 : i32
        %scatter3A_655 = tpu.memref_slice %arg7[%scan3A_431, %scatter3A_652, %scatter3A_653, %scatter3A_654] : memref<2x5x32x129xf32, #tpu.memory_space<vmem>> -> memref<1x5x32x129xf32, #tpu.memory_space<vmem>>
        %scatter3A_656 = tpu.memref_squeeze %scatter3A_655 : memref<1x5x32x129xf32, #tpu.memory_space<vmem>> -> memref<5x32x129xf32, #tpu.memory_space<vmem>>
        tpu.vector_store_idx %scatter3A_656[%broadcast_in_dim3A_428, %iota3A, %add3A_651], %get3A_640 : memref<5x32x129xf32, #tpu.memory_space<vmem>>[vector<16xi32>, vector<16xi32>, vector<16xi32>], vector<16xf32>,
        %scatter3A_657 = arith.constant 0 : i32
        %scatter3A_658 = arith.constant 0 : i32
        %scatter3A_659 = arith.constant 0 : i32
        %scatter3A_660 = tpu.memref_slice %arg7[%scan3A_431, %scatter3A_657, %scatter3A_658, %scatter3A_659] : memref<2x5x32x129xf32, #tpu.memory_space<vmem>> -> memref<1x5x32x129xf32, #tpu.memory_space<vmem>>
        %scatter3A_661 = tpu.memref_squeeze %scatter3A_660 : memref<1x5x32x129xf32, #tpu.memory_space<vmem>> -> memref<5x32x129xf32, #tpu.memory_space<vmem>>
        tpu.vector_store_idx %scatter3A_661[%broadcast_in_dim3A_428, %add3A_3, %add3A_651], %get3A_647 : memref<5x32x129xf32, #tpu.memory_space<vmem>>[vector<16xi32>, vector<16xi32>, vector<16xi32>], vector<16xf32>,
        %mul3A_662 = arith.constant 8 : i32
        %mul3A_663 = arith.muli %scan3A_527, %mul3A_662 : i32
        %add3A_664 = arith.constant 4 : i32
        %add3A_665 = arith.addi %mul3A_663, %add3A_664 : i32
        %add3A_666 = arith.constant 512 : i32
        %add3A_667 = arith.addi %add3A_666, %add3A_665 : i32
        %get3A_668 = arith.constant 0 : i32
        %get3A_669 = arith.constant 0 : i32
        %get3A_670 = tpu.memref_slice %arg6[%scan3A_430, %get3A_668, %get3A_669] : memref<2x640x32xf32, #tpu.memory_space<vmem>> -> memref<1x640x32xf32, #tpu.memory_space<vmem>>
        %get3A_671 = tpu.memref_squeeze %get3A_670 : memref<1x640x32xf32, #tpu.memory_space<vmem>> -> memref<640x32xf32, #tpu.memory_space<vmem>>
        %get3A_672 = arith.index_cast %add3A_667 : i32 to index
        %get3A_673 = arith.constant 0 : index
        %get3A_674 = tpu.vector_load %get3A_671[%get3A_672, %get3A_673] {strides = array<i32>} : memref<640x32xf32, #tpu.memory_space<vmem>>, vector<16xf32>,
        %get3A_675 = arith.constant 0 : i32
        %get3A_676 = arith.constant 0 : i32
        %get3A_677 = tpu.memref_slice %arg6[%scan3A_430, %get3A_675, %get3A_676] : memref<2x640x32xf32, #tpu.memory_space<vmem>> -> memref<1x640x32xf32, #tpu.memory_space<vmem>>
        %get3A_678 = tpu.memref_squeeze %get3A_677 : memref<1x640x32xf32, #tpu.memory_space<vmem>> -> memref<640x32xf32, #tpu.memory_space<vmem>>
        %get3A_679 = arith.index_cast %add3A_667 : i32 to index
        %get3A_680 = arith.constant 16 : index
        %get3A_681 = tpu.vector_load %get3A_678[%get3A_679, %get3A_680] {strides = array<i32>} : memref<640x32xf32, #tpu.memory_space<vmem>>, vector<16xf32>,
        %broadcast_in_dim3A_682 = arith.constant 0 : i32
        %broadcast_in_dim3A_683 = vector.broadcast %broadcast_in_dim3A_682 : i32 to vector<16xi32>
        %add3A_684 = vector.broadcast %add3A_665 : i32 to vector<16xi32>
        %add3A_685 = arith.addi %broadcast_in_dim3A_683, %add3A_684 : vector<16xi32>
        %scatter3A_686 = arith.constant 0 : i32
        %scatter3A_687 = arith.constant 0 : i32
        %scatter3A_688 = arith.constant 0 : i32
        %scatter3A_689 = tpu.memref_slice %arg7[%scan3A_431, %scatter3A_686, %scatter3A_687, %scatter3A_688] : memref<2x5x32x129xf32, #tpu.memory_space<vmem>> -> memref<1x5x32x129xf32, #tpu.memory_space<vmem>>
        %scatter3A_690 = tpu.memref_squeeze %scatter3A_689 : memref<1x5x32x129xf32, #tpu.memory_space<vmem>> -> memref<5x32x129xf32, #tpu.memory_space<vmem>>
        tpu.vector_store_idx %scatter3A_690[%broadcast_in_dim3A_428, %iota3A, %add3A_685], %get3A_674 : memref<5x32x129xf32, #tpu.memory_space<vmem>>[vector<16xi32>, vector<16xi32>, vector<16xi32>], vector<16xf32>,
        %scatter3A_691 = arith.constant 0 : i32
        %scatter3A_692 = arith.constant 0 : i32
        %scatter3A_693 = arith.constant 0 : i32
        %scatter3A_694 = tpu.memref_slice %arg7[%scan3A_431, %scatter3A_691, %scatter3A_692, %scatter3A_693] : memref<2x5x32x129xf32, #tpu.memory_space<vmem>> -> memref<1x5x32x129xf32, #tpu.memory_space<vmem>>
        %scatter3A_695 = tpu.memref_squeeze %scatter3A_694 : memref<1x5x32x129xf32, #tpu.memory_space<vmem>> -> memref<5x32x129xf32, #tpu.memory_space<vmem>>
        tpu.vector_store_idx %scatter3A_695[%broadcast_in_dim3A_428, %add3A_3, %add3A_685], %get3A_681 : memref<5x32x129xf32, #tpu.memory_space<vmem>>[vector<16xi32>, vector<16xi32>, vector<16xi32>], vector<16xf32>,
        %mul3A_696 = arith.constant 8 : i32
        %mul3A_697 = arith.muli %scan3A_527, %mul3A_696 : i32
        %add3A_698 = arith.constant 5 : i32
        %add3A_699 = arith.addi %mul3A_697, %add3A_698 : i32
        %add3A_700 = arith.constant 512 : i32
        %add3A_701 = arith.addi %add3A_700, %add3A_699 : i32
        %get3A_702 = arith.constant 0 : i32
        %get3A_703 = arith.constant 0 : i32
        %get3A_704 = tpu.memref_slice %arg6[%scan3A_430, %get3A_702, %get3A_703] : memref<2x640x32xf32, #tpu.memory_space<vmem>> -> memref<1x640x32xf32, #tpu.memory_space<vmem>>
        %get3A_705 = tpu.memref_squeeze %get3A_704 : memref<1x640x32xf32, #tpu.memory_space<vmem>> -> memref<640x32xf32, #tpu.memory_space<vmem>>
        %get3A_706 = arith.index_cast %add3A_701 : i32 to index
        %get3A_707 = arith.constant 0 : index
        %get3A_708 = tpu.vector_load %get3A_705[%get3A_706, %get3A_707] {strides = array<i32>} : memref<640x32xf32, #tpu.memory_space<vmem>>, vector<16xf32>,
        %get3A_709 = arith.constant 0 : i32
        %get3A_710 = arith.constant 0 : i32
        %get3A_711 = tpu.memref_slice %arg6[%scan3A_430, %get3A_709, %get3A_710] : memref<2x640x32xf32, #tpu.memory_space<vmem>> -> memref<1x640x32xf32, #tpu.memory_space<vmem>>
        %get3A_712 = tpu.memref_squeeze %get3A_711 : memref<1x640x32xf32, #tpu.memory_space<vmem>> -> memref<640x32xf32, #tpu.memory_space<vmem>>
        %get3A_713 = arith.index_cast %add3A_701 : i32 to index
        %get3A_714 = arith.constant 16 : index
        %get3A_715 = tpu.vector_load %get3A_712[%get3A_713, %get3A_714] {strides = array<i32>} : memref<640x32xf32, #tpu.memory_space<vmem>>, vector<16xf32>,
        %broadcast_in_dim3A_716 = arith.constant 0 : i32
        %broadcast_in_dim3A_717 = vector.broadcast %broadcast_in_dim3A_716 : i32 to vector<16xi32>
        %add3A_718 = vector.broadcast %add3A_699 : i32 to vector<16xi32>
        %add3A_719 = arith.addi %broadcast_in_dim3A_717, %add3A_718 : vector<16xi32>
        %scatter3A_720 = arith.constant 0 : i32
        %scatter3A_721 = arith.constant 0 : i32
        %scatter3A_722 = arith.constant 0 : i32
        %scatter3A_723 = tpu.memref_slice %arg7[%scan3A_431, %scatter3A_720, %scatter3A_721, %scatter3A_722] : memref<2x5x32x129xf32, #tpu.memory_space<vmem>> -> memref<1x5x32x129xf32, #tpu.memory_space<vmem>>
        %scatter3A_724 = tpu.memref_squeeze %scatter3A_723 : memref<1x5x32x129xf32, #tpu.memory_space<vmem>> -> memref<5x32x129xf32, #tpu.memory_space<vmem>>
        tpu.vector_store_idx %scatter3A_724[%broadcast_in_dim3A_428, %iota3A, %add3A_719], %get3A_708 : memref<5x32x129xf32, #tpu.memory_space<vmem>>[vector<16xi32>, vector<16xi32>, vector<16xi32>], vector<16xf32>,
        %scatter3A_725 = arith.constant 0 : i32
        %scatter3A_726 = arith.constant 0 : i32
        %scatter3A_727 = arith.constant 0 : i32
        %scatter3A_728 = tpu.memref_slice %arg7[%scan3A_431, %scatter3A_725, %scatter3A_726, %scatter3A_727] : memref<2x5x32x129xf32, #tpu.memory_space<vmem>> -> memref<1x5x32x129xf32, #tpu.memory_space<vmem>>
        %scatter3A_729 = tpu.memref_squeeze %scatter3A_728 : memref<1x5x32x129xf32, #tpu.memory_space<vmem>> -> memref<5x32x129xf32, #tpu.memory_space<vmem>>
        tpu.vector_store_idx %scatter3A_729[%broadcast_in_dim3A_428, %add3A_3, %add3A_719], %get3A_715 : memref<5x32x129xf32, #tpu.memory_space<vmem>>[vector<16xi32>, vector<16xi32>, vector<16xi32>], vector<16xf32>,
        %mul3A_730 = arith.constant 8 : i32
        %mul3A_731 = arith.muli %scan3A_527, %mul3A_730 : i32
        %add3A_732 = arith.constant 6 : i32
        %add3A_733 = arith.addi %mul3A_731, %add3A_732 : i32
        %add3A_734 = arith.constant 512 : i32
        %add3A_735 = arith.addi %add3A_734, %add3A_733 : i32
        %get3A_736 = arith.constant 0 : i32
        %get3A_737 = arith.constant 0 : i32
        %get3A_738 = tpu.memref_slice %arg6[%scan3A_430, %get3A_736, %get3A_737] : memref<2x640x32xf32, #tpu.memory_space<vmem>> -> memref<1x640x32xf32, #tpu.memory_space<vmem>>
        %get3A_739 = tpu.memref_squeeze %get3A_738 : memref<1x640x32xf32, #tpu.memory_space<vmem>> -> memref<640x32xf32, #tpu.memory_space<vmem>>
        %get3A_740 = arith.index_cast %add3A_735 : i32 to index
        %get3A_741 = arith.constant 0 : index
        %get3A_742 = tpu.vector_load %get3A_739[%get3A_740, %get3A_741] {strides = array<i32>} : memref<640x32xf32, #tpu.memory_space<vmem>>, vector<16xf32>,
        %get3A_743 = arith.constant 0 : i32
        %get3A_744 = arith.constant 0 : i32
        %get3A_745 = tpu.memref_slice %arg6[%scan3A_430, %get3A_743, %get3A_744] : memref<2x640x32xf32, #tpu.memory_space<vmem>> -> memref<1x640x32xf32, #tpu.memory_space<vmem>>
        %get3A_746 = tpu.memref_squeeze %get3A_745 : memref<1x640x32xf32, #tpu.memory_space<vmem>> -> memref<640x32xf32, #tpu.memory_space<vmem>>
        %get3A_747 = arith.index_cast %add3A_735 : i32 to index
        %get3A_748 = arith.constant 16 : index
        %get3A_749 = tpu.vector_load %get3A_746[%get3A_747, %get3A_748] {strides = array<i32>} : memref<640x32xf32, #tpu.memory_space<vmem>>, vector<16xf32>,
        %broadcast_in_dim3A_750 = arith.constant 0 : i32
        %broadcast_in_dim3A_751 = vector.broadcast %broadcast_in_dim3A_750 : i32 to vector<16xi32>
        %add3A_752 = vector.broadcast %add3A_733 : i32 to vector<16xi32>
        %add3A_753 = arith.addi %broadcast_in_dim3A_751, %add3A_752 : vector<16xi32>
        %scatter3A_754 = arith.constant 0 : i32
        %scatter3A_755 = arith.constant 0 : i32
        %scatter3A_756 = arith.constant 0 : i32
        %scatter3A_757 = tpu.memref_slice %arg7[%scan3A_431, %scatter3A_754, %scatter3A_755, %scatter3A_756] : memref<2x5x32x129xf32, #tpu.memory_space<vmem>> -> memref<1x5x32x129xf32, #tpu.memory_space<vmem>>
        %scatter3A_758 = tpu.memref_squeeze %scatter3A_757 : memref<1x5x32x129xf32, #tpu.memory_space<vmem>> -> memref<5x32x129xf32, #tpu.memory_space<vmem>>
        tpu.vector_store_idx %scatter3A_758[%broadcast_in_dim3A_428, %iota3A, %add3A_753], %get3A_742 : memref<5x32x129xf32, #tpu.memory_space<vmem>>[vector<16xi32>, vector<16xi32>, vector<16xi32>], vector<16xf32>,
        %scatter3A_759 = arith.constant 0 : i32
        %scatter3A_760 = arith.constant 0 : i32
        %scatter3A_761 = arith.constant 0 : i32
        %scatter3A_762 = tpu.memref_slice %arg7[%scan3A_431, %scatter3A_759, %scatter3A_760, %scatter3A_761] : memref<2x5x32x129xf32, #tpu.memory_space<vmem>> -> memref<1x5x32x129xf32, #tpu.memory_space<vmem>>
        %scatter3A_763 = tpu.memref_squeeze %scatter3A_762 : memref<1x5x32x129xf32, #tpu.memory_space<vmem>> -> memref<5x32x129xf32, #tpu.memory_space<vmem>>
        tpu.vector_store_idx %scatter3A_763[%broadcast_in_dim3A_428, %add3A_3, %add3A_753], %get3A_749 : memref<5x32x129xf32, #tpu.memory_space<vmem>>[vector<16xi32>, vector<16xi32>, vector<16xi32>], vector<16xf32>,
        %mul3A_764 = arith.constant 8 : i32
        %mul3A_765 = arith.muli %scan3A_527, %mul3A_764 : i32
        %add3A_766 = arith.constant 7 : i32
        %add3A_767 = arith.addi %mul3A_765, %add3A_766 : i32
        %add3A_768 = arith.constant 512 : i32
        %add3A_769 = arith.addi %add3A_768, %add3A_767 : i32
        %get3A_770 = arith.constant 0 : i32
        %get3A_771 = arith.constant 0 : i32
        %get3A_772 = tpu.memref_slice %arg6[%scan3A_430, %get3A_770, %get3A_771] : memref<2x640x32xf32, #tpu.memory_space<vmem>> -> memref<1x640x32xf32, #tpu.memory_space<vmem>>
        %get3A_773 = tpu.memref_squeeze %get3A_772 : memref<1x640x32xf32, #tpu.memory_space<vmem>> -> memref<640x32xf32, #tpu.memory_space<vmem>>
        %get3A_774 = arith.index_cast %add3A_769 : i32 to index
        %get3A_775 = arith.constant 0 : index
        %get3A_776 = tpu.vector_load %get3A_773[%get3A_774, %get3A_775] {strides = array<i32>} : memref<640x32xf32, #tpu.memory_space<vmem>>, vector<16xf32>,
        %get3A_777 = arith.constant 0 : i32
        %get3A_778 = arith.constant 0 : i32
        %get3A_779 = tpu.memref_slice %arg6[%scan3A_430, %get3A_777, %get3A_778] : memref<2x640x32xf32, #tpu.memory_space<vmem>> -> memref<1x640x32xf32, #tpu.memory_space<vmem>>
        %get3A_780 = tpu.memref_squeeze %get3A_779 : memref<1x640x32xf32, #tpu.memory_space<vmem>> -> memref<640x32xf32, #tpu.memory_space<vmem>>
        %get3A_781 = arith.index_cast %add3A_769 : i32 to index
        %get3A_782 = arith.constant 16 : index
        %get3A_783 = tpu.vector_load %get3A_780[%get3A_781, %get3A_782] {strides = array<i32>} : memref<640x32xf32, #tpu.memory_space<vmem>>, vector<16xf32>,
        %broadcast_in_dim3A_784 = arith.constant 0 : i32
        %broadcast_in_dim3A_785 = vector.broadcast %broadcast_in_dim3A_784 : i32 to vector<16xi32>
        %add3A_786 = vector.broadcast %add3A_767 : i32 to vector<16xi32>
        %add3A_787 = arith.addi %broadcast_in_dim3A_785, %add3A_786 : vector<16xi32>
        %scatter3A_788 = arith.constant 0 : i32
        %scatter3A_789 = arith.constant 0 : i32
        %scatter3A_790 = arith.constant 0 : i32
        %scatter3A_791 = tpu.memref_slice %arg7[%scan3A_431, %scatter3A_788, %scatter3A_789, %scatter3A_790] : memref<2x5x32x129xf32, #tpu.memory_space<vmem>> -> memref<1x5x32x129xf32, #tpu.memory_space<vmem>>
        %scatter3A_792 = tpu.memref_squeeze %scatter3A_791 : memref<1x5x32x129xf32, #tpu.memory_space<vmem>> -> memref<5x32x129xf32, #tpu.memory_space<vmem>>
        tpu.vector_store_idx %scatter3A_792[%broadcast_in_dim3A_428, %iota3A, %add3A_787], %get3A_776 : memref<5x32x129xf32, #tpu.memory_space<vmem>>[vector<16xi32>, vector<16xi32>, vector<16xi32>], vector<16xf32>,
        %scatter3A_793 = arith.constant 0 : i32
        %scatter3A_794 = arith.constant 0 : i32
        %scatter3A_795 = arith.constant 0 : i32
        %scatter3A_796 = tpu.memref_slice %arg7[%scan3A_431, %scatter3A_793, %scatter3A_794, %scatter3A_795] : memref<2x5x32x129xf32, #tpu.memory_space<vmem>> -> memref<1x5x32x129xf32, #tpu.memory_space<vmem>>
        %scatter3A_797 = tpu.memref_squeeze %scatter3A_796 : memref<1x5x32x129xf32, #tpu.memory_space<vmem>> -> memref<5x32x129xf32, #tpu.memory_space<vmem>>
        tpu.vector_store_idx %scatter3A_797[%broadcast_in_dim3A_428, %add3A_3, %add3A_787], %get3A_783 : memref<5x32x129xf32, #tpu.memory_space<vmem>>[vector<16xi32>, vector<16xi32>, vector<16xi32>], vector<16xf32>,
      }
      %scan3A_436 = arith.constant 16 : i32
      %add3A_437 = arith.constant 1 : i32
      %add3A_438 = arith.addi %mul3A_195, %add3A_437 : i32
      %mul3A_439 = arith.constant 5 : i32
      %mul3A_440 = arith.muli %add3A_438, %mul3A_439 : i32
      %dma_start3A_441 = arith.constant 1 : i32
      %dma_start3A_442 = arith.constant 0 : i32
      %dma_start3A_443 = arith.constant 0 : i32
      %dma_start3A_444 = arith.constant 0 : i32
      %dma_start3A_445 = arith.constant 0 : i32
      %dma_start3A_446 = tpu.memref_slice %arg7[%dma_start3A_441, %dma_start3A_443, %dma_start3A_444, %dma_start3A_445] : memref<2x5x32x129xf32, #tpu.memory_space<vmem>> -> memref<1x5x8x128xf32, #tpu.memory_space<vmem>>
      %dma_start3A_447 = tpu.memref_squeeze %dma_start3A_446 : memref<1x5x8x128xf32, #tpu.memory_space<vmem>> -> memref<5x8x128xf32, #tpu.memory_space<vmem>>
      %dma_start3A_448 = arith.constant 0 : i32
      %dma_start3A_449 = arith.constant 0 : i32
      %dma_start3A_450 = tpu.memref_slice %arg4[%mul3A_440, %dma_start3A_442, %add3A, %dma_start3A_448, %dma_start3A_449] : memref<200x4x32x8x128xf32, #tpu.memory_space<hbm>> -> memref<5x1x1x8x128xf32, #tpu.memory_space<hbm>>
      %dma_start3A_451 = tpu.memref_squeeze %dma_start3A_450 : memref<5x1x1x8x128xf32, #tpu.memory_space<hbm>> -> memref<5x8x128xf32, #tpu.memory_space<hbm>>
      %dma_start3A_452 = arith.constant 0 : i32
      %dma_start3A_453 = arith.constant 0 : i32
      %dma_start3A_454 = tpu.memref_slice %arg4[%mul3A_440, %dma_start3A_442, %add3A, %dma_start3A_452, %dma_start3A_453] : memref<200x4x32x8x128xf32, #tpu.memory_space<hbm>> -> memref<5x1x1x8x128xf32, #tpu.memory_space<hbm>>
      %dma_start3A_455 = tpu.memref_squeeze %dma_start3A_454 : memref<5x1x1x8x128xf32, #tpu.memory_space<hbm>> -> memref<5x8x128xf32, #tpu.memory_space<hbm>>
      %dma_start3A_456 = arith.constant 0 : i32
      %dma_start3A_457 = arith.constant 0 : i32
      %dma_start3A_458 = arith.constant 0 : i32
      %dma_start3A_459 = tpu.memref_slice %arg7[%dma_start3A_441, %dma_start3A_456, %dma_start3A_457, %dma_start3A_458] : memref<2x5x32x129xf32, #tpu.memory_space<vmem>> -> memref<1x5x8x128xf32, #tpu.memory_space<vmem>>
      %dma_start3A_460 = tpu.memref_squeeze %dma_start3A_459 : memref<1x5x8x128xf32, #tpu.memory_space<vmem>> -> memref<5x8x128xf32, #tpu.memory_space<vmem>>
      tpu.enqueue_dma source(%dma_start3A_460 : memref<5x8x128xf32, #tpu.memory_space<vmem>>) target(%dma_start3A_455 : memref<5x8x128xf32, #tpu.memory_space<hbm>>) target_semaphore(%arg11 : memref<!tpu.dma_semaphore, #tpu.memory_space<semaphore_mem>>)
      %mul3A_461 = arith.constant 5 : i32
      %mul3A_462 = arith.muli %add3A_438, %mul3A_461 : i32
      %dma_start3A_463 = arith.constant 1 : i32
      %dma_start3A_464 = arith.constant 1 : i32
      %dma_start3A_465 = arith.constant 0 : i32
      %dma_start3A_466 = arith.constant 8 : i32
      %dma_start3A_467 = arith.constant 0 : i32
      %dma_start3A_468 = tpu.memref_slice %arg7[%dma_start3A_463, %dma_start3A_465, %dma_start3A_466, %dma_start3A_467] : memref<2x5x32x129xf32, #tpu.memory_space<vmem>> -> memref<1x5x8x128xf32, #tpu.memory_space<vmem>>
      %dma_start3A_469 = tpu.memref_squeeze %dma_start3A_468 : memref<1x5x8x128xf32, #tpu.memory_space<vmem>> -> memref<5x8x128xf32, #tpu.memory_space<vmem>>
      %dma_start3A_470 = arith.constant 0 : i32
      %dma_start3A_471 = arith.constant 0 : i32
      %dma_start3A_472 = tpu.memref_slice %arg4[%mul3A_462, %dma_start3A_464, %add3A, %dma_start3A_470, %dma_start3A_471] : memref<200x4x32x8x128xf32, #tpu.memory_space<hbm>> -> memref<5x1x1x8x128xf32, #tpu.memory_space<hbm>>
      %dma_start3A_473 = tpu.memref_squeeze %dma_start3A_472 : memref<5x1x1x8x128xf32, #tpu.memory_space<hbm>> -> memref<5x8x128xf32, #tpu.memory_space<hbm>>
      %dma_start3A_474 = arith.constant 0 : i32
      %dma_start3A_475 = arith.constant 0 : i32
      %dma_start3A_476 = tpu.memref_slice %arg4[%mul3A_462, %dma_start3A_464, %add3A, %dma_start3A_474, %dma_start3A_475] : memref<200x4x32x8x128xf32, #tpu.memory_space<hbm>> -> memref<5x1x1x8x128xf32, #tpu.memory_space<hbm>>
      %dma_start3A_477 = tpu.memref_squeeze %dma_start3A_476 : memref<5x1x1x8x128xf32, #tpu.memory_space<hbm>> -> memref<5x8x128xf32, #tpu.memory_space<hbm>>
      %dma_start3A_478 = arith.constant 0 : i32
      %dma_start3A_479 = arith.constant 8 : i32
      %dma_start3A_480 = arith.constant 0 : i32
      %dma_start3A_481 = tpu.memref_slice %arg7[%dma_start3A_463, %dma_start3A_478, %dma_start3A_479, %dma_start3A_480] : memref<2x5x32x129xf32, #tpu.memory_space<vmem>> -> memref<1x5x8x128xf32, #tpu.memory_space<vmem>>
      %dma_start3A_482 = tpu.memref_squeeze %dma_start3A_481 : memref<1x5x8x128xf32, #tpu.memory_space<vmem>> -> memref<5x8x128xf32, #tpu.memory_space<vmem>>
      tpu.enqueue_dma source(%dma_start3A_482 : memref<5x8x128xf32, #tpu.memory_space<vmem>>) target(%dma_start3A_477 : memref<5x8x128xf32, #tpu.memory_space<hbm>>) target_semaphore(%arg11 : memref<!tpu.dma_semaphore, #tpu.memory_space<semaphore_mem>>)
      %mul3A_483 = arith.constant 5 : i32
      %mul3A_484 = arith.muli %add3A_438, %mul3A_483 : i32
      %dma_start3A_485 = arith.constant 1 : i32
      %dma_start3A_486 = arith.constant 2 : i32
      %dma_start3A_487 = arith.constant 0 : i32
      %dma_start3A_488 = arith.constant 16 : i32
      %dma_start3A_489 = arith.constant 0 : i32
      %dma_start3A_490 = tpu.memref_slice %arg7[%dma_start3A_485, %dma_start3A_487, %dma_start3A_488, %dma_start3A_489] : memref<2x5x32x129xf32, #tpu.memory_space<vmem>> -> memref<1x5x8x128xf32, #tpu.memory_space<vmem>>
      %dma_start3A_491 = tpu.memref_squeeze %dma_start3A_490 : memref<1x5x8x128xf32, #tpu.memory_space<vmem>> -> memref<5x8x128xf32, #tpu.memory_space<vmem>>
      %dma_start3A_492 = arith.constant 0 : i32
      %dma_start3A_493 = arith.constant 0 : i32
      %dma_start3A_494 = tpu.memref_slice %arg4[%mul3A_484, %dma_start3A_486, %add3A, %dma_start3A_492, %dma_start3A_493] : memref<200x4x32x8x128xf32, #tpu.memory_space<hbm>> -> memref<5x1x1x8x128xf32, #tpu.memory_space<hbm>>
      %dma_start3A_495 = tpu.memref_squeeze %dma_start3A_494 : memref<5x1x1x8x128xf32, #tpu.memory_space<hbm>> -> memref<5x8x128xf32, #tpu.memory_space<hbm>>
      %dma_start3A_496 = arith.constant 0 : i32
      %dma_start3A_497 = arith.constant 0 : i32
      %dma_start3A_498 = tpu.memref_slice %arg4[%mul3A_484, %dma_start3A_486, %add3A, %dma_start3A_496, %dma_start3A_497] : memref<200x4x32x8x128xf32, #tpu.memory_space<hbm>> -> memref<5x1x1x8x128xf32, #tpu.memory_space<hbm>>
      %dma_start3A_499 = tpu.memref_squeeze %dma_start3A_498 : memref<5x1x1x8x128xf32, #tpu.memory_space<hbm>> -> memref<5x8x128xf32, #tpu.memory_space<hbm>>
      %dma_start3A_500 = arith.constant 0 : i32
      %dma_start3A_501 = arith.constant 16 : i32
      %dma_start3A_502 = arith.constant 0 : i32
      %dma_start3A_503 = tpu.memref_slice %arg7[%dma_start3A_485, %dma_start3A_500, %dma_start3A_501, %dma_start3A_502] : memref<2x5x32x129xf32, #tpu.memory_space<vmem>> -> memref<1x5x8x128xf32, #tpu.memory_space<vmem>>
      %dma_start3A_504 = tpu.memref_squeeze %dma_start3A_503 : memref<1x5x8x128xf32, #tpu.memory_space<vmem>> -> memref<5x8x128xf32, #tpu.memory_space<vmem>>
      tpu.enqueue_dma source(%dma_start3A_504 : memref<5x8x128xf32, #tpu.memory_space<vmem>>) target(%dma_start3A_499 : memref<5x8x128xf32, #tpu.memory_space<hbm>>) target_semaphore(%arg11 : memref<!tpu.dma_semaphore, #tpu.memory_space<semaphore_mem>>)
      %mul3A_505 = arith.constant 5 : i32
      %mul3A_506 = arith.muli %add3A_438, %mul3A_505 : i32
      %dma_start3A_507 = arith.constant 1 : i32
      %dma_start3A_508 = arith.constant 3 : i32
      %dma_start3A_509 = arith.constant 0 : i32
      %dma_start3A_510 = arith.constant 24 : i32
      %dma_start3A_511 = arith.constant 0 : i32
      %dma_start3A_512 = tpu.memref_slice %arg7[%dma_start3A_507, %dma_start3A_509, %dma_start3A_510, %dma_start3A_511] : memref<2x5x32x129xf32, #tpu.memory_space<vmem>> -> memref<1x5x8x128xf32, #tpu.memory_space<vmem>>
      %dma_start3A_513 = tpu.memref_squeeze %dma_start3A_512 : memref<1x5x8x128xf32, #tpu.memory_space<vmem>> -> memref<5x8x128xf32, #tpu.memory_space<vmem>>
      %dma_start3A_514 = arith.constant 0 : i32
      %dma_start3A_515 = arith.constant 0 : i32
      %dma_start3A_516 = tpu.memref_slice %arg4[%mul3A_506, %dma_start3A_508, %add3A, %dma_start3A_514, %dma_start3A_515] : memref<200x4x32x8x128xf32, #tpu.memory_space<hbm>> -> memref<5x1x1x8x128xf32, #tpu.memory_space<hbm>>
      %dma_start3A_517 = tpu.memref_squeeze %dma_start3A_516 : memref<5x1x1x8x128xf32, #tpu.memory_space<hbm>> -> memref<5x8x128xf32, #tpu.memory_space<hbm>>
      %dma_start3A_518 = arith.constant 0 : i32
      %dma_start3A_519 = arith.constant 0 : i32
      %dma_start3A_520 = tpu.memref_slice %arg4[%mul3A_506, %dma_start3A_508, %add3A, %dma_start3A_518, %dma_start3A_519] : memref<200x4x32x8x128xf32, #tpu.memory_space<hbm>> -> memref<5x1x1x8x128xf32, #tpu.memory_space<hbm>>
      %dma_start3A_521 = tpu.memref_squeeze %dma_start3A_520 : memref<5x1x1x8x128xf32, #tpu.memory_space<hbm>> -> memref<5x8x128xf32, #tpu.memory_space<hbm>>
      %dma_start3A_522 = arith.constant 0 : i32
      %dma_start3A_523 = arith.constant 24 : i32
      %dma_start3A_524 = arith.constant 0 : i32
      %dma_start3A_525 = tpu.memref_slice %arg7[%dma_start3A_507, %dma_start3A_522, %dma_start3A_523, %dma_start3A_524] : memref<2x5x32x129xf32, #tpu.memory_space<vmem>> -> memref<1x5x8x128xf32, #tpu.memory_space<vmem>>
      %dma_start3A_526 = tpu.memref_squeeze %dma_start3A_525 : memref<1x5x8x128xf32, #tpu.memory_space<vmem>> -> memref<5x8x128xf32, #tpu.memory_space<vmem>>
      tpu.enqueue_dma source(%dma_start3A_526 : memref<5x8x128xf32, #tpu.memory_space<vmem>>) target(%dma_start3A_521 : memref<5x8x128xf32, #tpu.memory_space<hbm>>) target_semaphore(%arg11 : memref<!tpu.dma_semaphore, #tpu.memory_space<semaphore_mem>>)
    }
    %scan3A_17 = arith.constant 20 : i32
    %dma_wait3A = arith.constant 0 : i32
    %dma_wait3A_18 = arith.constant 0 : i32
    %dma_wait3A_19 = arith.constant 0 : i32
    %dma_wait3A_20 = arith.constant 0 : i32
    %dma_wait3A_21 = arith.constant 0 : i32
    %dma_wait3A_22 = tpu.memref_slice %arg7[%dma_wait3A, %dma_wait3A_19, %dma_wait3A_20, %dma_wait3A_21] : memref<2x5x32x129xf32, #tpu.memory_space<vmem>> -> memref<1x5x8x128xf32, #tpu.memory_space<vmem>>
    %dma_wait3A_23 = tpu.memref_squeeze %dma_wait3A_22 : memref<1x5x8x128xf32, #tpu.memory_space<vmem>> -> memref<5x8x128xf32, #tpu.memory_space<vmem>>
    %dma_wait3A_24 = arith.constant 0 : i32
    %dma_wait3A_25 = arith.constant 0 : i32
    %dma_wait3A_26 = arith.constant 0 : i32
    %dma_wait3A_27 = tpu.memref_slice %arg4[%dma_wait3A_24, %dma_wait3A_18, %add3A, %dma_wait3A_25, %dma_wait3A_26] : memref<200x4x32x8x128xf32, #tpu.memory_space<hbm>> -> memref<5x1x1x8x128xf32, #tpu.memory_space<hbm>>
    %dma_wait3A_28 = tpu.memref_squeeze %dma_wait3A_27 : memref<5x1x1x8x128xf32, #tpu.memory_space<hbm>> -> memref<5x8x128xf32, #tpu.memory_space<hbm>>
    %dma_wait3A_29 = arith.constant 0 : i32
    %dma_wait3A_30 = arith.constant 0 : i32
    %dma_wait3A_31 = arith.constant 0 : i32
    %dma_wait3A_32 = tpu.memref_slice %arg4[%dma_wait3A_29, %dma_wait3A_18, %add3A, %dma_wait3A_30, %dma_wait3A_31] : memref<200x4x32x8x128xf32, #tpu.memory_space<hbm>> -> memref<5x1x1x8x128xf32, #tpu.memory_space<hbm>>
    %dma_wait3A_33 = tpu.memref_squeeze %dma_wait3A_32 : memref<5x1x1x8x128xf32, #tpu.memory_space<hbm>> -> memref<5x8x128xf32, #tpu.memory_space<hbm>>
    %dma_wait3A_34 = arith.constant 0 : i32
    %dma_wait3A_35 = arith.constant 0 : i32
    %dma_wait3A_36 = arith.constant 0 : i32
    %dma_wait3A_37 = tpu.memref_slice %arg7[%dma_wait3A, %dma_wait3A_34, %dma_wait3A_35, %dma_wait3A_36] : memref<2x5x32x129xf32, #tpu.memory_space<vmem>> -> memref<1x5x8x128xf32, #tpu.memory_space<vmem>>
    %dma_wait3A_38 = tpu.memref_squeeze %dma_wait3A_37 : memref<1x5x8x128xf32, #tpu.memory_space<vmem>> -> memref<5x8x128xf32, #tpu.memory_space<vmem>>
    tpu.wait_dma2 semaphore(%arg10 : memref<!tpu.dma_semaphore, #tpu.memory_space<semaphore_mem>>) src(%dma_wait3A_38 : memref<5x8x128xf32, #tpu.memory_space<vmem>>) dst(%dma_wait3A_33 : memref<5x8x128xf32, #tpu.memory_space<hbm>>)
    %dma_wait3A_39 = arith.constant 0 : i32
    %dma_wait3A_40 = arith.constant 1 : i32
    %dma_wait3A_41 = arith.constant 0 : i32
    %dma_wait3A_42 = arith.constant 8 : i32
    %dma_wait3A_43 = arith.constant 0 : i32
    %dma_wait3A_44 = tpu.memref_slice %arg7[%dma_wait3A_39, %dma_wait3A_41, %dma_wait3A_42, %dma_wait3A_43] : memref<2x5x32x129xf32, #tpu.memory_space<vmem>> -> memref<1x5x8x128xf32, #tpu.memory_space<vmem>>
    %dma_wait3A_45 = tpu.memref_squeeze %dma_wait3A_44 : memref<1x5x8x128xf32, #tpu.memory_space<vmem>> -> memref<5x8x128xf32, #tpu.memory_space<vmem>>
    %dma_wait3A_46 = arith.constant 0 : i32
    %dma_wait3A_47 = arith.constant 0 : i32
    %dma_wait3A_48 = arith.constant 0 : i32
    %dma_wait3A_49 = tpu.memref_slice %arg4[%dma_wait3A_46, %dma_wait3A_40, %add3A, %dma_wait3A_47, %dma_wait3A_48] : memref<200x4x32x8x128xf32, #tpu.memory_space<hbm>> -> memref<5x1x1x8x128xf32, #tpu.memory_space<hbm>>
    %dma_wait3A_50 = tpu.memref_squeeze %dma_wait3A_49 : memref<5x1x1x8x128xf32, #tpu.memory_space<hbm>> -> memref<5x8x128xf32, #tpu.memory_space<hbm>>
    %dma_wait3A_51 = arith.constant 0 : i32
    %dma_wait3A_52 = arith.constant 0 : i32
    %dma_wait3A_53 = arith.constant 0 : i32
    %dma_wait3A_54 = tpu.memref_slice %arg4[%dma_wait3A_51, %dma_wait3A_40, %add3A, %dma_wait3A_52, %dma_wait3A_53] : memref<200x4x32x8x128xf32, #tpu.memory_space<hbm>> -> memref<5x1x1x8x128xf32, #tpu.memory_space<hbm>>
    %dma_wait3A_55 = tpu.memref_squeeze %dma_wait3A_54 : memref<5x1x1x8x128xf32, #tpu.memory_space<hbm>> -> memref<5x8x128xf32, #tpu.memory_space<hbm>>
    %dma_wait3A_56 = arith.constant 0 : i32
    %dma_wait3A_57 = arith.constant 8 : i32
    %dma_wait3A_58 = arith.constant 0 : i32
    %dma_wait3A_59 = tpu.memref_slice %arg7[%dma_wait3A_39, %dma_wait3A_56, %dma_wait3A_57, %dma_wait3A_58] : memref<2x5x32x129xf32, #tpu.memory_space<vmem>> -> memref<1x5x8x128xf32, #tpu.memory_space<vmem>>
    %dma_wait3A_60 = tpu.memref_squeeze %dma_wait3A_59 : memref<1x5x8x128xf32, #tpu.memory_space<vmem>> -> memref<5x8x128xf32, #tpu.memory_space<vmem>>
    tpu.wait_dma2 semaphore(%arg10 : memref<!tpu.dma_semaphore, #tpu.memory_space<semaphore_mem>>) src(%dma_wait3A_60 : memref<5x8x128xf32, #tpu.memory_space<vmem>>) dst(%dma_wait3A_55 : memref<5x8x128xf32, #tpu.memory_space<hbm>>)
    %dma_wait3A_61 = arith.constant 0 : i32
    %dma_wait3A_62 = arith.constant 2 : i32
    %dma_wait3A_63 = arith.constant 0 : i32
    %dma_wait3A_64 = arith.constant 16 : i32
    %dma_wait3A_65 = arith.constant 0 : i32
    %dma_wait3A_66 = tpu.memref_slice %arg7[%dma_wait3A_61, %dma_wait3A_63, %dma_wait3A_64, %dma_wait3A_65] : memref<2x5x32x129xf32, #tpu.memory_space<vmem>> -> memref<1x5x8x128xf32, #tpu.memory_space<vmem>>
    %dma_wait3A_67 = tpu.memref_squeeze %dma_wait3A_66 : memref<1x5x8x128xf32, #tpu.memory_space<vmem>> -> memref<5x8x128xf32, #tpu.memory_space<vmem>>
    %dma_wait3A_68 = arith.constant 0 : i32
    %dma_wait3A_69 = arith.constant 0 : i32
    %dma_wait3A_70 = arith.constant 0 : i32
    %dma_wait3A_71 = tpu.memref_slice %arg4[%dma_wait3A_68, %dma_wait3A_62, %add3A, %dma_wait3A_69, %dma_wait3A_70] : memref<200x4x32x8x128xf32, #tpu.memory_space<hbm>> -> memref<5x1x1x8x128xf32, #tpu.memory_space<hbm>>
    %dma_wait3A_72 = tpu.memref_squeeze %dma_wait3A_71 : memref<5x1x1x8x128xf32, #tpu.memory_space<hbm>> -> memref<5x8x128xf32, #tpu.memory_space<hbm>>
    %dma_wait3A_73 = arith.constant 0 : i32
    %dma_wait3A_74 = arith.constant 0 : i32
    %dma_wait3A_75 = arith.constant 0 : i32
    %dma_wait3A_76 = tpu.memref_slice %arg4[%dma_wait3A_73, %dma_wait3A_62, %add3A, %dma_wait3A_74, %dma_wait3A_75] : memref<200x4x32x8x128xf32, #tpu.memory_space<hbm>> -> memref<5x1x1x8x128xf32, #tpu.memory_space<hbm>>
    %dma_wait3A_77 = tpu.memref_squeeze %dma_wait3A_76 : memref<5x1x1x8x128xf32, #tpu.memory_space<hbm>> -> memref<5x8x128xf32, #tpu.memory_space<hbm>>
    %dma_wait3A_78 = arith.constant 0 : i32
    %dma_wait3A_79 = arith.constant 16 : i32
    %dma_wait3A_80 = arith.constant 0 : i32
    %dma_wait3A_81 = tpu.memref_slice %arg7[%dma_wait3A_61, %dma_wait3A_78, %dma_wait3A_79, %dma_wait3A_80] : memref<2x5x32x129xf32, #tpu.memory_space<vmem>> -> memref<1x5x8x128xf32, #tpu.memory_space<vmem>>
    %dma_wait3A_82 = tpu.memref_squeeze %dma_wait3A_81 : memref<1x5x8x128xf32, #tpu.memory_space<vmem>> -> memref<5x8x128xf32, #tpu.memory_space<vmem>>
    tpu.wait_dma2 semaphore(%arg10 : memref<!tpu.dma_semaphore, #tpu.memory_space<semaphore_mem>>) src(%dma_wait3A_82 : memref<5x8x128xf32, #tpu.memory_space<vmem>>) dst(%dma_wait3A_77 : memref<5x8x128xf32, #tpu.memory_space<hbm>>)
    %dma_wait3A_83 = arith.constant 0 : i32
    %dma_wait3A_84 = arith.constant 3 : i32
    %dma_wait3A_85 = arith.constant 0 : i32
    %dma_wait3A_86 = arith.constant 24 : i32
    %dma_wait3A_87 = arith.constant 0 : i32
    %dma_wait3A_88 = tpu.memref_slice %arg7[%dma_wait3A_83, %dma_wait3A_85, %dma_wait3A_86, %dma_wait3A_87] : memref<2x5x32x129xf32, #tpu.memory_space<vmem>> -> memref<1x5x8x128xf32, #tpu.memory_space<vmem>>
    %dma_wait3A_89 = tpu.memref_squeeze %dma_wait3A_88 : memref<1x5x8x128xf32, #tpu.memory_space<vmem>> -> memref<5x8x128xf32, #tpu.memory_space<vmem>>
    %dma_wait3A_90 = arith.constant 0 : i32
    %dma_wait3A_91 = arith.constant 0 : i32
    %dma_wait3A_92 = arith.constant 0 : i32
    %dma_wait3A_93 = tpu.memref_slice %arg4[%dma_wait3A_90, %dma_wait3A_84, %add3A, %dma_wait3A_91, %dma_wait3A_92] : memref<200x4x32x8x128xf32, #tpu.memory_space<hbm>> -> memref<5x1x1x8x128xf32, #tpu.memory_space<hbm>>
    %dma_wait3A_94 = tpu.memref_squeeze %dma_wait3A_93 : memref<5x1x1x8x128xf32, #tpu.memory_space<hbm>> -> memref<5x8x128xf32, #tpu.memory_space<hbm>>
    %dma_wait3A_95 = arith.constant 0 : i32
    %dma_wait3A_96 = arith.constant 0 : i32
    %dma_wait3A_97 = arith.constant 0 : i32
    %dma_wait3A_98 = tpu.memref_slice %arg4[%dma_wait3A_95, %dma_wait3A_84, %add3A, %dma_wait3A_96, %dma_wait3A_97] : memref<200x4x32x8x128xf32, #tpu.memory_space<hbm>> -> memref<5x1x1x8x128xf32, #tpu.memory_space<hbm>>
    %dma_wait3A_99 = tpu.memref_squeeze %dma_wait3A_98 : memref<5x1x1x8x128xf32, #tpu.memory_space<hbm>> -> memref<5x8x128xf32, #tpu.memory_space<hbm>>
    %dma_wait3A_100 = arith.constant 0 : i32
    %dma_wait3A_101 = arith.constant 24 : i32
    %dma_wait3A_102 = arith.constant 0 : i32
    %dma_wait3A_103 = tpu.memref_slice %arg7[%dma_wait3A_83, %dma_wait3A_100, %dma_wait3A_101, %dma_wait3A_102] : memref<2x5x32x129xf32, #tpu.memory_space<vmem>> -> memref<1x5x8x128xf32, #tpu.memory_space<vmem>>
    %dma_wait3A_104 = tpu.memref_squeeze %dma_wait3A_103 : memref<1x5x8x128xf32, #tpu.memory_space<vmem>> -> memref<5x8x128xf32, #tpu.memory_space<vmem>>
    tpu.wait_dma2 semaphore(%arg10 : memref<!tpu.dma_semaphore, #tpu.memory_space<semaphore_mem>>) src(%dma_wait3A_104 : memref<5x8x128xf32, #tpu.memory_space<vmem>>) dst(%dma_wait3A_99 : memref<5x8x128xf32, #tpu.memory_space<hbm>>)
    %dma_wait3A_105 = arith.constant 1 : i32
    %dma_wait3A_106 = arith.constant 0 : i32
    %dma_wait3A_107 = arith.constant 0 : i32
    %dma_wait3A_108 = arith.constant 0 : i32
    %dma_wait3A_109 = arith.constant 0 : i32
    %dma_wait3A_110 = tpu.memref_slice %arg7[%dma_wait3A_105, %dma_wait3A_107, %dma_wait3A_108, %dma_wait3A_109] : memref<2x5x32x129xf32, #tpu.memory_space<vmem>> -> memref<1x5x8x128xf32, #tpu.memory_space<vmem>>
    %dma_wait3A_111 = tpu.memref_squeeze %dma_wait3A_110 : memref<1x5x8x128xf32, #tpu.memory_space<vmem>> -> memref<5x8x128xf32, #tpu.memory_space<vmem>>
    %dma_wait3A_112 = arith.constant 0 : i32
    %dma_wait3A_113 = arith.constant 0 : i32
    %dma_wait3A_114 = arith.constant 0 : i32
    %dma_wait3A_115 = tpu.memref_slice %arg4[%dma_wait3A_112, %dma_wait3A_106, %add3A, %dma_wait3A_113, %dma_wait3A_114] : memref<200x4x32x8x128xf32, #tpu.memory_space<hbm>> -> memref<5x1x1x8x128xf32, #tpu.memory_space<hbm>>
    %dma_wait3A_116 = tpu.memref_squeeze %dma_wait3A_115 : memref<5x1x1x8x128xf32, #tpu.memory_space<hbm>> -> memref<5x8x128xf32, #tpu.memory_space<hbm>>
    %dma_wait3A_117 = arith.constant 0 : i32
    %dma_wait3A_118 = arith.constant 0 : i32
    %dma_wait3A_119 = arith.constant 0 : i32
    %dma_wait3A_120 = tpu.memref_slice %arg4[%dma_wait3A_117, %dma_wait3A_106, %add3A, %dma_wait3A_118, %dma_wait3A_119] : memref<200x4x32x8x128xf32, #tpu.memory_space<hbm>> -> memref<5x1x1x8x128xf32, #tpu.memory_space<hbm>>
    %dma_wait3A_121 = tpu.memref_squeeze %dma_wait3A_120 : memref<5x1x1x8x128xf32, #tpu.memory_space<hbm>> -> memref<5x8x128xf32, #tpu.memory_space<hbm>>
    %dma_wait3A_122 = arith.constant 0 : i32
    %dma_wait3A_123 = arith.constant 0 : i32
    %dma_wait3A_124 = arith.constant 0 : i32
    %dma_wait3A_125 = tpu.memref_slice %arg7[%dma_wait3A_105, %dma_wait3A_122, %dma_wait3A_123, %dma_wait3A_124] : memref<2x5x32x129xf32, #tpu.memory_space<vmem>> -> memref<1x5x8x128xf32, #tpu.memory_space<vmem>>
    %dma_wait3A_126 = tpu.memref_squeeze %dma_wait3A_125 : memref<1x5x8x128xf32, #tpu.memory_space<vmem>> -> memref<5x8x128xf32, #tpu.memory_space<vmem>>
    tpu.wait_dma2 semaphore(%arg11 : memref<!tpu.dma_semaphore, #tpu.memory_space<semaphore_mem>>) src(%dma_wait3A_126 : memref<5x8x128xf32, #tpu.memory_space<vmem>>) dst(%dma_wait3A_121 : memref<5x8x128xf32, #tpu.memory_space<hbm>>)
    %dma_wait3A_127 = arith.constant 1 : i32
    %dma_wait3A_128 = arith.constant 1 : i32
    %dma_wait3A_129 = arith.constant 0 : i32
    %dma_wait3A_130 = arith.constant 8 : i32
    %dma_wait3A_131 = arith.constant 0 : i32
    %dma_wait3A_132 = tpu.memref_slice %arg7[%dma_wait3A_127, %dma_wait3A_129, %dma_wait3A_130, %dma_wait3A_131] : memref<2x5x32x129xf32, #tpu.memory_space<vmem>> -> memref<1x5x8x128xf32, #tpu.memory_space<vmem>>
    %dma_wait3A_133 = tpu.memref_squeeze %dma_wait3A_132 : memref<1x5x8x128xf32, #tpu.memory_space<vmem>> -> memref<5x8x128xf32, #tpu.memory_space<vmem>>
    %dma_wait3A_134 = arith.constant 0 : i32
    %dma_wait3A_135 = arith.constant 0 : i32
    %dma_wait3A_136 = arith.constant 0 : i32
    %dma_wait3A_137 = tpu.memref_slice %arg4[%dma_wait3A_134, %dma_wait3A_128, %add3A, %dma_wait3A_135, %dma_wait3A_136] : memref<200x4x32x8x128xf32, #tpu.memory_space<hbm>> -> memref<5x1x1x8x128xf32, #tpu.memory_space<hbm>>
    %dma_wait3A_138 = tpu.memref_squeeze %dma_wait3A_137 : memref<5x1x1x8x128xf32, #tpu.memory_space<hbm>> -> memref<5x8x128xf32, #tpu.memory_space<hbm>>
    %dma_wait3A_139 = arith.constant 0 : i32
    %dma_wait3A_140 = arith.constant 0 : i32
    %dma_wait3A_141 = arith.constant 0 : i32
    %dma_wait3A_142 = tpu.memref_slice %arg4[%dma_wait3A_139, %dma_wait3A_128, %add3A, %dma_wait3A_140, %dma_wait3A_141] : memref<200x4x32x8x128xf32, #tpu.memory_space<hbm>> -> memref<5x1x1x8x128xf32, #tpu.memory_space<hbm>>
    %dma_wait3A_143 = tpu.memref_squeeze %dma_wait3A_142 : memref<5x1x1x8x128xf32, #tpu.memory_space<hbm>> -> memref<5x8x128xf32, #tpu.memory_space<hbm>>
    %dma_wait3A_144 = arith.constant 0 : i32
    %dma_wait3A_145 = arith.constant 8 : i32
    %dma_wait3A_146 = arith.constant 0 : i32
    %dma_wait3A_147 = tpu.memref_slice %arg7[%dma_wait3A_127, %dma_wait3A_144, %dma_wait3A_145, %dma_wait3A_146] : memref<2x5x32x129xf32, #tpu.memory_space<vmem>> -> memref<1x5x8x128xf32, #tpu.memory_space<vmem>>
    %dma_wait3A_148 = tpu.memref_squeeze %dma_wait3A_147 : memref<1x5x8x128xf32, #tpu.memory_space<vmem>> -> memref<5x8x128xf32, #tpu.memory_space<vmem>>
    tpu.wait_dma2 semaphore(%arg11 : memref<!tpu.dma_semaphore, #tpu.memory_space<semaphore_mem>>) src(%dma_wait3A_148 : memref<5x8x128xf32, #tpu.memory_space<vmem>>) dst(%dma_wait3A_143 : memref<5x8x128xf32, #tpu.memory_space<hbm>>)
    %dma_wait3A_149 = arith.constant 1 : i32
    %dma_wait3A_150 = arith.constant 2 : i32
    %dma_wait3A_151 = arith.constant 0 : i32
    %dma_wait3A_152 = arith.constant 16 : i32
    %dma_wait3A_153 = arith.constant 0 : i32
    %dma_wait3A_154 = tpu.memref_slice %arg7[%dma_wait3A_149, %dma_wait3A_151, %dma_wait3A_152, %dma_wait3A_153] : memref<2x5x32x129xf32, #tpu.memory_space<vmem>> -> memref<1x5x8x128xf32, #tpu.memory_space<vmem>>
    %dma_wait3A_155 = tpu.memref_squeeze %dma_wait3A_154 : memref<1x5x8x128xf32, #tpu.memory_space<vmem>> -> memref<5x8x128xf32, #tpu.memory_space<vmem>>
    %dma_wait3A_156 = arith.constant 0 : i32
    %dma_wait3A_157 = arith.constant 0 : i32
    %dma_wait3A_158 = arith.constant 0 : i32
    %dma_wait3A_159 = tpu.memref_slice %arg4[%dma_wait3A_156, %dma_wait3A_150, %add3A, %dma_wait3A_157, %dma_wait3A_158] : memref<200x4x32x8x128xf32, #tpu.memory_space<hbm>> -> memref<5x1x1x8x128xf32, #tpu.memory_space<hbm>>
    %dma_wait3A_160 = tpu.memref_squeeze %dma_wait3A_159 : memref<5x1x1x8x128xf32, #tpu.memory_space<hbm>> -> memref<5x8x128xf32, #tpu.memory_space<hbm>>
    %dma_wait3A_161 = arith.constant 0 : i32
    %dma_wait3A_162 = arith.constant 0 : i32
    %dma_wait3A_163 = arith.constant 0 : i32
    %dma_wait3A_164 = tpu.memref_slice %arg4[%dma_wait3A_161, %dma_wait3A_150, %add3A, %dma_wait3A_162, %dma_wait3A_163] : memref<200x4x32x8x128xf32, #tpu.memory_space<hbm>> -> memref<5x1x1x8x128xf32, #tpu.memory_space<hbm>>
    %dma_wait3A_165 = tpu.memref_squeeze %dma_wait3A_164 : memref<5x1x1x8x128xf32, #tpu.memory_space<hbm>> -> memref<5x8x128xf32, #tpu.memory_space<hbm>>
    %dma_wait3A_166 = arith.constant 0 : i32
    %dma_wait3A_167 = arith.constant 16 : i32
    %dma_wait3A_168 = arith.constant 0 : i32
    %dma_wait3A_169 = tpu.memref_slice %arg7[%dma_wait3A_149, %dma_wait3A_166, %dma_wait3A_167, %dma_wait3A_168] : memref<2x5x32x129xf32, #tpu.memory_space<vmem>> -> memref<1x5x8x128xf32, #tpu.memory_space<vmem>>
    %dma_wait3A_170 = tpu.memref_squeeze %dma_wait3A_169 : memref<1x5x8x128xf32, #tpu.memory_space<vmem>> -> memref<5x8x128xf32, #tpu.memory_space<vmem>>
    tpu.wait_dma2 semaphore(%arg11 : memref<!tpu.dma_semaphore, #tpu.memory_space<semaphore_mem>>) src(%dma_wait3A_170 : memref<5x8x128xf32, #tpu.memory_space<vmem>>) dst(%dma_wait3A_165 : memref<5x8x128xf32, #tpu.memory_space<hbm>>)
    %dma_wait3A_171 = arith.constant 1 : i32
    %dma_wait3A_172 = arith.constant 3 : i32
    %dma_wait3A_173 = arith.constant 0 : i32
    %dma_wait3A_174 = arith.constant 24 : i32
    %dma_wait3A_175 = arith.constant 0 : i32
    %dma_wait3A_176 = tpu.memref_slice %arg7[%dma_wait3A_171, %dma_wait3A_173, %dma_wait3A_174, %dma_wait3A_175] : memref<2x5x32x129xf32, #tpu.memory_space<vmem>> -> memref<1x5x8x128xf32, #tpu.memory_space<vmem>>
    %dma_wait3A_177 = tpu.memref_squeeze %dma_wait3A_176 : memref<1x5x8x128xf32, #tpu.memory_space<vmem>> -> memref<5x8x128xf32, #tpu.memory_space<vmem>>
    %dma_wait3A_178 = arith.constant 0 : i32
    %dma_wait3A_179 = arith.constant 0 : i32
    %dma_wait3A_180 = arith.constant 0 : i32
    %dma_wait3A_181 = tpu.memref_slice %arg4[%dma_wait3A_178, %dma_wait3A_172, %add3A, %dma_wait3A_179, %dma_wait3A_180] : memref<200x4x32x8x128xf32, #tpu.memory_space<hbm>> -> memref<5x1x1x8x128xf32, #tpu.memory_space<hbm>>
    %dma_wait3A_182 = tpu.memref_squeeze %dma_wait3A_181 : memref<5x1x1x8x128xf32, #tpu.memory_space<hbm>> -> memref<5x8x128xf32, #tpu.memory_space<hbm>>
    %dma_wait3A_183 = arith.constant 0 : i32
    %dma_wait3A_184 = arith.constant 0 : i32
    %dma_wait3A_185 = arith.constant 0 : i32
    %dma_wait3A_186 = tpu.memref_slice %arg4[%dma_wait3A_183, %dma_wait3A_172, %add3A, %dma_wait3A_184, %dma_wait3A_185] : memref<200x4x32x8x128xf32, #tpu.memory_space<hbm>> -> memref<5x1x1x8x128xf32, #tpu.memory_space<hbm>>
    %dma_wait3A_187 = tpu.memref_squeeze %dma_wait3A_186 : memref<5x1x1x8x128xf32, #tpu.memory_space<hbm>> -> memref<5x8x128xf32, #tpu.memory_space<hbm>>
    %dma_wait3A_188 = arith.constant 0 : i32
    %dma_wait3A_189 = arith.constant 24 : i32
    %dma_wait3A_190 = arith.constant 0 : i32
    %dma_wait3A_191 = tpu.memref_slice %arg7[%dma_wait3A_171, %dma_wait3A_188, %dma_wait3A_189, %dma_wait3A_190] : memref<2x5x32x129xf32, #tpu.memory_space<vmem>> -> memref<1x5x8x128xf32, #tpu.memory_space<vmem>>
    %dma_wait3A_192 = tpu.memref_squeeze %dma_wait3A_191 : memref<1x5x8x128xf32, #tpu.memory_space<vmem>> -> memref<5x8x128xf32, #tpu.memory_space<vmem>>
    tpu.wait_dma2 semaphore(%arg11 : memref<!tpu.dma_semaphore, #tpu.memory_space<semaphore_mem>>) src(%dma_wait3A_192 : memref<5x8x128xf32, #tpu.memory_space<vmem>>) dst(%dma_wait3A_187 : memref<5x8x128xf32, #tpu.memory_space<hbm>>)
    return
  }
}

</mosaic_0001>

<sc_bundles>
// kernel: kernel.3.cloned.1.call-start
scs
__scs_entry_jumppad:
0x0: {  	(pc) =	sbr.rel $0x88, $3  }
0x1: {  	(tag) =	ssettag $0x0;
	lr =	simm.s32 $0x1  }
0x2: {  	[smem:$0x3F9F] =	sst lr;
	_ =	strace $0xD0000000  }
0x3: {  	_ = 	snop  }
0x4: {  	_ = 	snop  }
0x5: {  	_ = 	snop  }
0x6: {  	_ = 	snop  }
0x7: {  	_ = 	snop  }
__scs_overlays_trampoline_lowered:
0x8: {  	[smem:$0x3FAE] =	sst s0  }
0x9: {  	[smem:$0x3FAF] =	sst s1  }
0xa: {  	[smem:$0x3FB0] =	sst s2  }
0xb: {  	[smem:$0x3FB1] =	sst s3  }
0xc: {  	[smem:$0x3FB2] =	sst s4  }
0xd: {  	[smem:$0x3FB3] =	sst s5  }
0xe: {  	[smem:$0x3FB4] =	sst s6  }
0xf: {  	[smem:$0x3FB5] =	sst s7  }
0x10: {  	[smem:$0x3FB6] =	sst s8  }
0x11: {  	[smem:$0x3FB7] =	sst s9;
	s0 =	simm.s32 @!p0 $0x0  }
0x12: {  	s1 =	sld [smem:$0x3F9D];
	s0 =	simm.s32 @p0 $0x1  }
0x13: {  	[smem:$0x3FB8] =	sst s0;
	s0 =	simm.s32 @!p1 $0x0  }
0x14: {  	s2 =	sld [smem:$0x3F9C];
	s0 =	simm.s32 @p1 $0x1  }
0x15: {  	[smem:$0x3FB9] =	sst s0;
	s0 =	simm.s32 @!p2 $0x0  }
0x16: {  	s3 =	sld [smem:$0x3FDB];
	s0 =	simm.s32 @p2 $0x1  }
0x17: {  	s4 =	simm.s32 $0x1BF5;
	[smem:$0x3FBB] =	sst s0  }
0x18: {  	s0 =	sld [smem:$0x3F9E];
	_ =	swait.ge [sflag:s4], $0x0  }
0x19: {  	s7 =	sld [smem:$0x3F9F]  }
0x1a: {  	s8 =	sadd.s32 $0xFFFFE003, lr  }
0x1b: {  	s9 =	sadd.s32 $0xFFFFFEF7, lr;
	s5 =	simm.s32 $0xFFFFFFFF;
	p2 =	slt.u32 s8, $0xFFFFF086  }
0x1c: {  	p1 =	slt.u32 s9, $0xF7A;
	s5 =	simm.s32 @!p2 $0x0  }
0x1d: {  	s5 =	simm.s32 @p1 $0x1;
	p0 =	seq.s32 s7, s2  }
0x1e: {  	s7 =	smul.u32 @!p0 $0xF7A, s2;
	p2 =	seq.s32 @!p0 s5, $0x0  }
0x1f: {  	s9 =	smul.u32 $0xF7A, s1;
	s8 =	simm.s32 @!p0 $0x1BF5;
	p2 =	por !p2, p0  }
0x20: {  	[sflag:s8] =	ssyncset.s32 @!p0 $0xFFFFF086;
	s6 =	sadd.s32 @!p0 s3, s7;
	s7 =	simm.s32 @!p0 $0x108  }
0x21: {  	s3 =	sadd.s32 s3, s9;
	s6 =	sadd.s32 @!p0 $0x88, s6;
	s7 =	simm.s32 @p2 $0x1082  }
0x22: {  	[simem:s7], [sflag:s8] =	dma.local @!p0 [hbm:s6], $0xF7A  }
0x23: {  	s9 =	sor.u32 $0xD0000000, s2;
	s6 =	simm.s32 $0x108;
	_ =	swait.ge @!p0 [sflag:s8], $0x0  }
0x24: {  	s3 =	sadd.s32 $0x88, s3;
	s6 =	simm.s32 @!p1 $0x1082;
	[sflag:s4] =	ssyncset.s32 $0xFFFFF086  }
0x25: {  	[simem:s6], [sflag:s4] =	dma.local [hbm:s3], $0xF7A  }
0x26: {  	[smem:$0x3F9F] =	sst s1;
	(tag) =	ssettag s2;
	_ =	strace s9  }
0x27: {  	s1 =	sld [smem:$0x3FAF]  }
0x28: {  	s2 =	sld [smem:$0x3FB0]  }
0x29: {  	s4 =	sld [smem:$0x3FB2]  }
0x2a: {  	p0 =	seq.s32 s5, $0x0;
	s5 =	sld [smem:$0x3FB3]  }
0x2b: {  	s6 =	sld [smem:$0x3FB4]  }
0x2c: {  	s7 =	sld [smem:$0x3FB5]  }
0x2d: {  	s3 =	simm.s32 $0x108;
	s8 =	sld [smem:$0x3FB6]  }
0x2e: {  	s3 =	simm.s32 @!p0 $0x1082;
	s9 =	sld [smem:$0x3FB7]  }
0x2f: {  	lr =	sadd.s32 s0, s3;
	s0 =	sld [smem:$0x3FAE]  }
0x30: {  	s3 =	sld [smem:$0x3FB1]  }
0x31: {  	[smem:$0x3FBA] =	sst s10  }
0x32: {  	s10 =	sld [smem:$0x3FB8];
	_ =	sdelay $0x3  }
0x33: {  	p0 =	seq.s32 s10, $0x1;
	s10 =	sld [smem:$0x3FBA];
	_ =	sdelay $0x3  }
0x34: {  	[smem:$0x3FBA] =	sst s10  }
0x35: {  	s10 =	sld [smem:$0x3FB9];
	_ =	sdelay $0x3  }
0x36: {  	p1 =	seq.s32 s10, $0x1;
	s10 =	sld [smem:$0x3FBA];
	_ =	sdelay $0x3  }
0x37: {  	[smem:$0x3FBA] =	sst s10  }
0x38: {  	s10 =	sld [smem:$0x3FBB]  }
0x39: {  	_ = 	snop;
	(pc) =	sbr.ind lr, $3  }
0x3a: {  	_ = 	snop  }
0x3b: {  	_ = 	snop  }
0x3c: {  	p2 =	seq.s32 s10, $0x1;
	s10 =	sld [smem:$0x3FBA]  }
0x3d: {  	_ =	shalt  }
0x3e: {  	_ =	shalt  }
0x3f: {  	_ =	shalt  }
0x40: {  	_ =	shalt  }
0x41: {  	_ =	shalt  }
0x42: {  	_ =	shalt  }
0x43: {  	_ =	shalt  }
0x44: {  	_ =	shalt  }
0x45: {  	_ =	shalt  }
0x46: {  	_ =	shalt  }
0x47: {  	_ =	shalt  }
0x48: {  	_ =	shalt  }
0x49: {  	_ =	shalt  }
0x4a: {  	_ =	shalt  }
0x4b: {  	_ =	shalt  }
0x4c: {  	_ =	shalt  }
0x4d: {  	_ =	shalt  }
0x4e: {  	_ =	shalt  }
0x4f: {  	_ =	shalt  }
0x50: {  	_ =	shalt  }
0x51: {  	_ =	shalt  }
0x52: {  	_ =	shalt  }
0x53: {  	_ =	shalt  }
0x54: {  	_ =	shalt  }
0x55: {  	_ =	shalt  }
0x56: {  	_ =	shalt  }
0x57: {  	_ =	shalt  }
0x58: {  	_ =	shalt  }
0x59: {  	_ =	shalt  }
0x5a: {  	_ =	shalt  }
0x5b: {  	_ =	shalt  }
0x5c: {  	_ =	shalt  }
0x5d: {  	_ =	shalt  }
0x5e: {  	_ =	shalt  }
0x5f: {  	_ =	shalt  }
0x60: {  	_ =	shalt  }
0x61: {  	_ =	shalt  }
0x62: {  	_ =	shalt  }
0x63: {  	_ =	shalt  }
0x64: {  	_ =	shalt  }
0x65: {  	_ =	shalt  }
0x66: {  	_ =	shalt  }
0x67: {  	_ =	shalt  }
0x68: {  	_ =	shalt  }
0x69: {  	_ =	shalt  }
0x6a: {  	_ =	shalt  }
0x6b: {  	_ =	shalt  }
0x6c: {  	_ =	shalt  }
0x6d: {  	_ =	shalt  }
0x6e: {  	_ =	shalt  }
0x6f: {  	_ =	shalt  }
0x70: {  	_ =	shalt  }
0x71: {  	_ =	shalt  }
0x72: {  	_ =	shalt  }
0x73: {  	_ =	shalt  }
0x74: {  	_ =	shalt  }
0x75: {  	_ =	shalt  }
0x76: {  	_ =	shalt  }
0x77: {  	_ =	shalt  }
0x78: {  	_ =	shalt  }
0x79: {  	_ =	shalt  }
0x7a: {  	_ =	shalt  }
0x7b: {  	_ =	shalt  }
0x7c: {  	_ =	shalt  }
0x7d: {  	_ =	shalt  }
0x7e: {  	_ =	shalt  }
0x7f: {  	_ =	shalt  }
0x80: {  	_ =	shalt  }
0x81: {  	_ =	shalt  }
0x82: {  	_ =	shalt  }
0x83: {  	_ =	shalt  }
0x84: {  	_ =	shalt  }
0x85: {  	_ =	shalt  }
0x86: {  	_ =	shalt  }
0x87: {  	_ =	shalt  }
.Lfunc_end0:
.L_simem_size_0:
called_computation_lowered:
.L_overlay_start_0:
0x88: {  	s2 =	sld [smem:$0x3FD9]  }
0x89: {  	s3 =	sld [smem:$0x3FFE];
	_ =	sdelay $0x1  }
0x8a: {  	s1 =	srdreg.scid  }
0x8b: {  	s0 =	sand.u32 $0x1, s1  }
0x8c: {  	s17 =	sshll.u32 s0, $0xA;
	s2 =	sadd.s32 s3, s2  }
0x8d: {  	s2 =	sadd.s32 s2, s17  }
0x8e: {  	[smem:$0x3FC6] =	sst s2  }
0x8f: {  	_ = 	snop  }
0x90: {  	s2 =	sld [smem:$0x3FD0];
	(tm) =	ssettm $0x1  }
0x91: {  	s18 =	sld [smem:$0x3FFB];
	_ =	sdelay $0x3  }
0x92: {  	_ =	strace s18  }
0x93: {  	s3 =	sld [smem:$0x3FFC];
	_ =	sdelay $0x3  }
0x94: {  	_ =	strace s3  }
0x95: {  	s3 =	sld [smem:$0x3FFD];
	_ =	sdelay $0x3  }
0x96: {  	_ =	strace s3  }
0x97: {  	_ =	strace $0x8FFFFFFF  }
0x98: {  	s19 =	sld [smem:$0x3FDB];
	_ =	sdelay $0x1  }
0x99: {  	s4 =	simm.s32 $_scs_section_size  }
0x9a: {  	s5 =	simm.s32 $_size__tile_overlayer_lowered;
	s6 =	simm.s32 $_tile_overlayer_lowered  }
0x9b: {  	s22 =	simm.s32 $0x1BFF;
	s21 =	sshll.u32 s6, $0x1;
	s3 =	sadd.s32 s4, s19  }
0x9c: {  	s7 =	simm.s32 $0x0;
	s20 =	sshll.u32 s5, $0x1;
	s5 =	sadd.s32 s21, s3  }
0x9d: {  	[timem:s7], [sflag:s22] =	dma.local [hbm:s5], s20  }
0x9e: {  	_ =	swait.ge [sflag:s22], s20  }
0x9f: {  	s4 =	ssub.s32 $0x0, s20;
	[sflag:s22] =	ssyncset.done $0x0  }
0xa0: {  	[sflag:s22] =	ssyncadd.s32 s4;
	_ =	sdelay $0x1  }
0xa1: {  	s23 =	simm.s32 $0x1B8B  }
0xa2: {  	_ =	swait.ge [sflag:s23], $0x1  }
0xa3: {  	[sflag:s23] =	ssyncset.done $0x0  }
0xa4: {  	s25 =	simm.s32 $0x1B8E;
	s24 =	sld [smem:$0x3FFE];
	[sflag:s23] =	ssyncadd.s32 $0xFFFFFFFF  }
0xa5: {  	s26 =	simm.s32 $execute0_lowered;
	[smem:$0x3FD2] =	sst s25  }
0xa6: {  	s5 =	sshll.u32 s26, $0x1;
	_ =	strace $0x80000046;
	[dreg:$0x1] =	wrdreg $0xFFFFFFFF  }
0xa7: {  	s28 =	simm.s32 $_size_execute0_lowered;
	s3 =	sadd.s32 s3, s5;
	[dreg:$0x0] =	wrdreg $0x0  }
0xa8: {  	s5 =	sshll.u32 s28, $0x1;
	[dreg:$0x2] =	wrdreg s3  }
0xa9: {  	[dreg:$0x3] =	wrdreg s5  }
0xaa: {  	[dreg:$0x4] =	wrdreg $0xC0  }
0xab: {  	_ =	task [dreg:s7], $0x5FFFF  }
0xac: {  	[dreg:$0x1] =	wrdreg $0xFFFFFFFF  }
0xad: {  	[dreg:$0x0] =	wrdreg $0x60  }
0xae: {  	[dreg:$0x2] =	wrdreg s24  }
0xaf: {  	[dreg:$0x3] =	wrdreg s2  }
0xb0: {  	[dreg:$0x4] =	wrdreg $0x9  }
0xb1: {  	_ =	task.clear_ibuf [dreg:s7], $0x5FFFF;
	_ =	strace $0x90000046  }
0xb2: {  	s29 =	simm.s32 $0x9;
	_ =	strace $0x80000048  }
0xb3: {  	_ =	swait.ge [sflag:s29], $0x1  }
0xb4: {  	[sflag:s29] =	ssyncadd.s32 $0xFFFFFFFF  }
0xb5: {  	_ =	strace $0x90000048  }
0xb6: {  	_ =	sfence  }
0xb7: {  	s30 =	sld [smem:$0x0];
	_ =	sdelay $0x2  }
0xb8: {  	s31 =	sshll.u32 s1, $0xD;
	s1 =	sshrl.u32 s1, $0x2  }
0xb9: {  	s3 =	sand.u32 $0x4000, s31;
	s1 =	sadd.s32 s1, s30  }
0xba: {  	s0 =	sor.u32 s3, s0;
	s1 =	sshll.u32 s1, $0x11  }
0xbb: {  	s0 =	sor.u32 s1, s0  }
0xbc: {  	s0 =	sadd.s32 $0x8F2B, s0  }
0xbd: {  	[sflag:s0] =	ssyncadd.remote.s32 $0x1  }
0xbe: {  	_ =	sfence.sel $0xFFFF  }
0xbf: {  	[dreg:$0x0] =	wrdreg $0xFFFFFFFF;
	(pc) =	sbr.abs _section_cstart, $3  }
0xc0: {  	[dreg:$0x1] =	wrdreg $0xFFFFFFFF  }
0xc1: {  	_ =	task.clear_ibuf [dreg:s7], $0x2FFFF;
	_ =	strace $0x9FFFFFFF  }
0xc2: {  	(tm) =	ssettm $0x7FFFFFFF  }
0xc3: {  	_ =	shalt  }
tec
execute0_lowered:
.L_overlay_start_1:
0x0: {  	(tag) =	ssettag $0x1  }
0x1: {  	v0 =	vlaneseq.u32  }
0x2: {  	v25 =	vmul.u32 $0x88, v0;
	_ =	sdelay $0x1  }
0x3: {  	v0 =	vadd.s32 $0x886, v25  }
0x4: {  	[tilespmem:$0x1FD40] =	vst v0;
	v0 =	vor.u32 $0x7, v25  }
0x5: {  	[tilespmem:$0x1FD50] =	vst v0;
	v0 =	vadd.s32 $0x887, v25  }
0x6: {  	[tilespmem:$0x1FD60] =	vst v0;
	v0 =	vadd.s32 $0x1983, v25  }
0x7: {  	[tilespmem:$0x1FD70] =	vst v0;
	v0 =	vadd.s32 $0x1106, v25  }
0x8: {  	s4 =	rddreg [dreg:$0x0];
	s3 =	simm.s32 $0x0;
	[tilespmem:$0x1FD80] =	vst v0;
	v0 =	vadd.s32 $0x1986, v25  }
0x9: {  	[smem:$0x7FF] =	sst s3;
	v24 =	vadd.s32 $0x880, v25;
	[tilespmem:$0x1FD90] =	vst v0  }
0xa: {  	s2 =	rddreg [dreg:$0x1];
	v8 =	vor.u32 $0x1, v25;
	_ =	strace $0x80000047;
	[tilespmem:$0x1FDA0] =	vst v24  }
0xb: {  	v9 =	vor.u32 $0x2, v25;
	[tilespmem:$0x1FDB0] =	vst v8  }
0xc: {  	[tilespmem:$0x1FDC0] =	vst v9  }
0xd: {  	v19 =	vadd.s32 $0x882, v25;
	[tilespmem:$0x1FDD0] =	vst v25  }
0xe: {  	v10 =	vadd.s32 $0x883, v25;
	[tilespmem:$0x1FDE0] =	vst v19  }
0xf: {  	v22 =	vadd.s32 $0x884, v25;
	[tilespmem:$0x1FDF0] =	vst v10  }
0x10: {  	v11 =	vadd.s32 $0x885, v25;
	[tilespmem:$0x1FE00] =	vst v22  }
0x11: {  	v35 =	vadd.s32 $0x1100, v25;
	[tilespmem:$0x1FE10] =	vst v11  }
0x12: {  	v36 =	vadd.s32 $0x1980, v25;
	[tilespmem:$0x1FE20] =	vst v35  }
0x13: {  	v37 =	vadd.s32 $0x1101, v25;
	[tilespmem:$0x1FE30] =	vst v36  }
0x14: {  	v38 =	vadd.s32 $0x1981, v25;
	[tilespmem:$0x1FE40] =	vst v37  }
0x15: {  	v12 =	vadd.s32 $0x1102, v25;
	[tilespmem:$0x1FE50] =	vst v38  }
0x16: {  	v13 =	vadd.s32 $0x1982, v25;
	[tilespmem:$0x1FE60] =	vst v12  }
0x17: {  	v14 =	vadd.s32 $0x1103, v25;
	[tilespmem:$0x1FE70] =	vst v13  }
0x18: {  	v15 =	vadd.s32 $0x1104, v25;
	[tilespmem:$0x1FE80] =	vst v14  }
0x19: {  	v40 =	vadd.s32 $0x1984, v25;
	[tilespmem:$0x1FE90] =	vst v15  }
0x1a: {  	v30 =	vadd.s32 $0x1105, v25;
	[tilespmem:$0x1FEA0] =	vst v40  }
0x1b: {  	v16 =	vadd.s32 $0x1985, v25;
	[tilespmem:$0x1FEB0] =	vst v30  }
0x1c: {  	v39 =	vadd.s32 $0x1107, v25;
	[tilespmem:$0x1FEC0] =	vst v16  }
0x1d: {  	v17 =	vadd.s32 $0x1987, v25;
	[tilespmem:$0x1FED0] =	vst v39  }
0x1e: {  	v41 =	vadd.s32 $0x2200, v25;
	[tilespmem:$0x1FEE0] =	vst v17  }
0x1f: {  	v42 =	vadd.s32 $0x2A80, v25;
	[tilespmem:$0x1FEF0] =	vst v41  }
0x20: {  	v43 =	vadd.s32 $0x2201, v25;
	[tilespmem:$0x1FF00] =	vst v42  }
0x21: {  	v44 =	vadd.s32 $0x2A81, v25;
	[tilespmem:$0x1FF10] =	vst v43  }
0x22: {  	v18 =	vadd.s32 $0x2202, v25;
	[tilespmem:$0x1FF20] =	vst v44  }
0x23: {  	v28 =	vadd.s32 $0x2A82, v25;
	[tilespmem:$0x1FF30] =	vst v18  }
0x24: {  	v26 =	vadd.s32 $0x2203, v25;
	[tilespmem:$0x1FF40] =	vst v28  }
0x25: {  	v1 =	vimm.s32 $0x0;
	vm0 =	vcmask $0x300;
	v32 =	vadd.s32 $0x2A83, v25;
	[tilespmem:$0x1FF50] =	vst v26  }
0x26: {  	s1 =	srdreg.scid;
	s0 =	stileid.u32;
	v1 =	vsel vm0, $0x3, v1;
	v31 =	vadd.s32 $0x2204, v25;
	[tilespmem:$0x1FF60] =	vst v32  }
0x27: {  	s11 =	simm.s32 $0x5;
	s12 =	simm.s32 $0x280;
	s13 =	simm.s32 $0x6400;
	v34 =	vadd.s32 $0x881, v25;
	v20 =	vor.u32 $0x3, v25;
	v29 =	vadd.s32 $0x2A84, v25;
	[tilespmem:$0x1FF70] =	vst v31  }
0x28: {  	s14 =	simm.s32 $0x1;
	s15 =	simm.s32 $0xB400;
	s16 =	simm.s32 $0x10400;
	v21 =	vor.u32 $0x4, v25;
	v23 =	vor.u32 $0x5, v25;
	v33 =	vadd.s32 $0x2205, v25;
	[tilespmem:$0x1FF80] =	vst v29  }
0x29: {  	s17 =	simm.s32 $0x2;
	s18 =	simm.s32 $0x15900;
	s19 =	simm.s32 $0x3;
	v45 =	vadd.s32 $0x2206, v25;
	v46 =	vadd.s32 $0x2A86, v25;
	v0 =	vadd.s32 $0x2A85, v25;
	[tilespmem:$0x1FF90] =	vst v33  }
0x2a: {  	s20 =	simm.s32 $0x4;
	s5 =	sand.u32 $0x1, s1;
	s6 =	sshll.u32 s0, $0x1;
	v47 =	vadd.s32 $0x2207, v25;
	v48 =	vadd.s32 $0x2A87, v25;
	v49 =	vadd.s32 $0x3300, v25;
	[tilespmem:$0x1FFA0] =	vst v0  }
.Ltmp0:
0x2b: {  	s6 =	sor.u32 s5, s6;
	s5 =	ssub.s32 $0x2, s5;
	v50 =	vadd.s32 $0x3B80, v25;
	v51 =	vadd.s32 $0x3301, v25;
	v52 =	vadd.s32 $0x3B81, v25;
	[tilespmem:$0x1FFB0] =	vst v34;
	(pc) =	sbr.rel .LBB2_1-.Ltmp0, $4  }
0x2c: {  	s21 =	simm.s32 $0x0;
	s7 =	smul.u32 $0xC80, s6;
	s8 =	sshrl.u32 s5, $0x1;
	v53 =	vadd.s32 $0x3302, v25;
	v54 =	vadd.s32 $0x3B82, v25;
	v55 =	vadd.s32 $0x3303, v25;
	[tilespmem:$0x1FFC0] =	vst v20  }
0x2d: {  	s9 =	sadd.s32 $0x3000, s2;
	s6 =	sshll.u32 s6, $0xA;
	v56 =	vadd.s32 $0x3B83, v25;
	v57 =	vadd.s32 $0x3304, v25;
	v58 =	vadd.s32 $0x3B84, v25;
	s10 =	ssub.s32 s5, s8;
	[tilespmem:$0x1FFD0] =	vst v21  }
0x2e: {  	v7 =	vor.u32 $0x6, v25;
	v59 =	vadd.s32 $0x3305, v25;
	v60 =	vadd.s32 $0x3B85, v25;
	s8 =	sadd.s32 $0x2000, s2;
	s7 =	sadd.s32 s7, s4;
	s4 =	sadd.s32 $0xF42A00, s4;
	[tilespmem:$0x1FFE0] =	vst v23  }
0x2f: {  	v61 =	vadd.s32 $0x3306, v25;
	v62 =	vadd.s32 $0x3B86, v25;
	v63 =	vadd.s32 $0x3307, v25;
	s10 =	smax.u32 s10, $0x1;
	s5 =	sadd.s32 $0x600, s7;
	s7 =	sadd.s32 $0x1000, s2;
	[tilespmem:$0x1FFF0] =	vst v7  }
.LBB2_44:
0x30: {  	_ =	swait.ge [sflag:s19], $0x1400  }
0x31: {  	[sflag:s19] =	ssyncset.done $0x0  }
0x32: {  	[sflag:s19] =	ssyncadd.s32 $0xFFFFEC00  }
0x33: {  	_ =	swait.ge [sflag:s19], $0x1400  }
0x34: {  	[sflag:s19] =	ssyncset.done $0x0  }
0x35: {  	[sflag:s19] =	ssyncadd.s32 $0xFFFFEC00  }
0x36: {  	_ =	swait.ge [sflag:s19], $0x1400  }
0x37: {  	[sflag:s19] =	ssyncset.done $0x0  }
0x38: {  	[sflag:s19] =	ssyncadd.s32 $0xFFFFEC00  }
0x39: {  	_ =	swait.ge [sflag:s19], $0x1400  }
0x3a: {  	[sflag:s19] =	ssyncset.done $0x0  }
0x3b: {  	[sflag:s19] =	ssyncadd.s32 $0xFFFFEC00  }
0x3c: {  	_ =	swait.ge [sflag:s20], $0x1400  }
0x3d: {  	[sflag:s20] =	ssyncset.done $0x0  }
0x3e: {  	[sflag:s20] =	ssyncadd.s32 $0xFFFFEC00  }
0x3f: {  	_ =	swait.ge [sflag:s20], $0x1400  }
0x40: {  	[sflag:s20] =	ssyncset.done $0x0  }
0x41: {  	s21 =	sadd.s32 $0x1, s21;
	[sflag:s20] =	ssyncadd.s32 $0xFFFFEC00  }
0x42: {  	p0 =	sne.s32 s21, s10;
	_ =	swait.ge [sflag:s20], $0x1400  }
.Ltmp1:
0x43: {  	[sflag:s20] =	ssyncset.done $0x0;
	(pc) =	sbr.rel @!p0 .LBB2_45-.Ltmp1, $4  }
0x44: {  	[sflag:s20] =	ssyncadd.s32 $0xFFFFEC00  }
0x45: {  	_ =	swait.ge [sflag:s20], $0x1400  }
0x46: {  	[sflag:s20] =	ssyncset.done $0x0  }
0x47: {  	[sflag:s20] =	ssyncadd.s32 $0xFFFFEC00  }
.LBB2_1:
0x48: {  	[tilespmem:s3], [sflag:$0x5] =	stream.linear.gather [hbm4b:s5+s3], $0x6400, $0x38;
	[tilespmem:$0x1AE00] =	vst v63  }
0x49: {  	_ =	swait.ge [sflag:s11], $0x6400  }
0x4a: {  	[sflag:s11] =	ssyncset.done $0x0  }
0x4b: {  	s22 =	simm.s32 $0x0;
	[sflag:s11] =	ssyncadd.s32 $0xFFFF9C00  }
0x4c: {  	[tilespmem:s13], [sflag:$0x1] =	stream.indirect.gather [hbm4b:s4+s12], $0x20, s3, s12, $0xb8;
	[tilespmem:$0x1AE00] =	vst v63  }
.LBB2_2:
0x4d: {  	s23 =	sshllo.u32 s22, $0x1  }
0x4e: {  	_ =	swait.ge [sflag:s14], $0x5000;
	s24 =	smul.u32 $0xA00, s23  }
0x4f: {  	[sflag:s14] =	ssyncset.done $0x0  }
0x50: {  	p0 =	seq.s32 s22, $0x0;
	[sflag:s14] =	ssyncadd.s32 $0xFFFFB000;
	s24 =	sshra.s32 s24, $0x2  }
0x51: {  	[tilespmem:s15], [sflag:$0x2] =	stream.indirect.gather [hbm4b:s4+s12], $0x20, s24, s12, $0xb8;
	[tilespmem:$0x1AE00] =	vst v63  }
0x52: {  	s24 =	simm.s32 @!p0 $0x3  }
0x53: {  	_ =	swait.ge @!p0 [sflag:s24], $0x1400  }
0x54: {  	[sflag:s24] =	ssyncset.done @!p0 $0x0  }
0x55: {  	[sflag:s24] =	ssyncadd.s32 @!p0 $0xFFFFEC00  }
0x56: {  	_ =	swait.ge @!p0 [sflag:s24], $0x1400  }
0x57: {  	[sflag:s24] =	ssyncset.done @!p0 $0x0  }
0x58: {  	[sflag:s24] =	ssyncadd.s32 @!p0 $0xFFFFEC00  }
0x59: {  	s25 =	simm.s32 $0x0;
	_ =	swait.ge @!p0 [sflag:s24], $0x1400  }
0x5a: {  	v2 =	vmov s25;
	[sflag:s24] =	ssyncset.done @!p0 $0x0  }
0x5b: {  	v2 =	vshrl.u32 v2, $0x3;
	[sflag:s24] =	ssyncadd.s32 @!p0 $0xFFFFEC00  }
0x5c: {  	v2 =	vshll.u32 v2, v1;
	_ =	swait.ge @!p0 [sflag:s24], $0x1400  }
0x5d: {  	v2 =	vbroadcast v2, $0x0;
	[sflag:s24] =	ssyncset.done @!p0 $0x0  }
0x5e: {  	[sflag:s24] =	ssyncadd.s32 @!p0 $0xFFFFEC00;
	s24 =	simm.s32 $0x6480  }
0x5f: {  	v4 =	vadd.s32 v25, v2;
	v3 =	vld [tilespmem:s24+$0xFFFFFF80]  }
0x60: {  	s30 =	simm.s32 $0x1;
	v2 =	vadd.s32 v24, v2;
	v5 =	vld [tilespmem:s24+$0xFFFFFF90]  }
0x61: {  	v6 =	vmov s30  }
0x62: {  	v6 =	vshrl.u32 v6, $0x3  }
0x63: {  	v6 =	vshll.u32 v6, v1  }
0x64: {  	[tilespmem:v4+s16+$0x0] =	vst.idx.msk $0xffff, v3;
	v3 =	vbroadcast v6, $0x0  }
0x65: {  	[tilespmem:v2+s16+$0x0] =	vst.idx.msk $0xffff, v5  }
0x66: {  	v2 =	vld [tilespmem:s24+$0xFFFFFFA0];
	v4 =	vadd.s32 v8, v3  }
0x67: {  	s31 =	simm.s32 $0x2;
	v5 =	vld [tilespmem:s24+$0xFFFFFFB0];
	v3 =	vadd.s32 v34, v3  }
0x68: {  	v6 =	vmov s31  }
0x69: {  	v6 =	vshrl.u32 v6, $0x3  }
0x6a: {  	v6 =	vshll.u32 v6, v1  }
0x6b: {  	[tilespmem:v4+s16+$0x0] =	vst.idx.msk $0xffff, v2;
	v2 =	vbroadcast v6, $0x0  }
0x6c: {  	[tilespmem:v3+s16+$0x0] =	vst.idx.msk $0xffff, v5  }
0x6d: {  	v3 =	vld [tilespmem:s24+$0xFFFFFFC0];
	v4 =	vadd.s32 v9, v2  }
0x6e: {  	s1 =	simm.s32 $0x3;
	v5 =	vld [tilespmem:s24+$0xFFFFFFD0];
	v2 =	vadd.s32 v19, v2  }
0x6f: {  	v6 =	vmov s1  }
0x70: {  	v6 =	vshrl.u32 v6, $0x3  }
0x71: {  	v6 =	vshll.u32 v6, v1  }
0x72: {  	[tilespmem:v4+s16+$0x0] =	vst.idx.msk $0xffff, v3;
	v3 =	vbroadcast v6, $0x0  }
0x73: {  	[tilespmem:v2+s16+$0x0] =	vst.idx.msk $0xffff, v5  }
0x74: {  	v2 =	vld [tilespmem:s24+$0xFFFFFFE0];
	v4 =	vadd.s32 v20, v3  }
0x75: {  	s26 =	simm.s32 $0x4;
	v5 =	vld [tilespmem:s24+$0xFFFFFFF0];
	v3 =	vadd.s32 v10, v3  }
0x76: {  	v6 =	vmov s26  }
0x77: {  	v6 =	vshrl.u32 v6, $0x3  }
0x78: {  	v6 =	vshll.u32 v6, v1  }
0x79: {  	[tilespmem:v4+s16+$0x0] =	vst.idx.msk $0xffff, v2;
	v2 =	vbroadcast v6, $0x0  }
0x7a: {  	[tilespmem:v3+s16+$0x0] =	vst.idx.msk $0xffff, v5  }
0x7b: {  	v3 =	vld [tilespmem:s24+$0x0];
	v4 =	vadd.s32 v21, v2  }
0x7c: {  	s28 =	simm.s32 $0x5;
	v5 =	vld [tilespmem:s24+$0x10];
	v2 =	vadd.s32 v22, v2  }
0x7d: {  	v6 =	vmov s28  }
0x7e: {  	v6 =	vshrl.u32 v6, $0x3  }
0x7f: {  	v6 =	vshll.u32 v6, v1  }
0x80: {  	[tilespmem:v4+s16+$0x0] =	vst.idx.msk $0xffff, v3;
	v3 =	vbroadcast v6, $0x0  }
0x81: {  	[tilespmem:v2+s16+$0x0] =	vst.idx.msk $0xffff, v5  }
0x82: {  	v2 =	vld [tilespmem:s24+$0x20];
	v4 =	vadd.s32 v23, v3  }
0x83: {  	s29 =	simm.s32 $0x6;
	v5 =	vld [tilespmem:s24+$0x30];
	v3 =	vadd.s32 v11, v3  }
0x84: {  	v6 =	vmov s29  }
0x85: {  	v39 =	vld [tilespmem:$0x1FD40];
	v6 =	vshrl.u32 v6, $0x3  }
0x86: {  	v6 =	vshll.u32 v6, v1  }
0x87: {  	[tilespmem:v4+s16+$0x0] =	vst.idx.msk $0xffff, v2;
	v2 =	vbroadcast v6, $0x0  }
0x88: {  	[tilespmem:v3+s16+$0x0] =	vst.idx.msk $0xffff, v5  }
0x89: {  	v3 =	vld [tilespmem:s24+$0x40];
	v4 =	vadd.s32 v7, v2  }
0x8a: {  	s30 =	simm.s32 $0x7;
	v5 =	vld [tilespmem:s24+$0x50];
	v2 =	vadd.s32 v39, v2  }
0x8b: {  	v40 =	vld [tilespmem:$0x1FD50];
	v6 =	vmov s30  }
0x8c: {  	v6 =	vshrl.u32 v6, $0x3  }
0x8d: {  	v27 =	vld [tilespmem:$0x1FD60];
	v6 =	vshll.u32 v6, v1  }
0x8e: {  	[tilespmem:v4+s16+$0x0] =	vst.idx.msk $0xffff, v3;
	v3 =	vbroadcast v6, $0x0  }
0x8f: {  	s31 =	simm.s32 $0x8;
	[tilespmem:v2+s16+$0x0] =	vst.idx.msk $0xffff, v5  }
0x90: {  	v2 =	vmov s31;
	v5 =	vld [tilespmem:s24+$0x60];
	v6 =	vadd.s32 v40, v3  }
0x91: {  	v4 =	vshrl.u32 v2, $0x3  }
0x92: {  	v2 =	vld [tilespmem:s24+$0x70];
	v7 =	vshll.u32 v4, v1;
	v4 =	vadd.s32 v27, v3;
	_ =	sdelay $0x2  }
0x93: {  	s25 =	simm.s32 $0xF;
	s26 =	simm.s32 $0x17;
	v3 =	vbroadcast v7, $0x0;
	v7 =	vld [tilespmem:$0x1FFF0];
	[tilespmem:v6+s16+$0x0] =	vst.idx.msk $0xffff, v5  }
.LBB2_3:
0x94: {  	p0 =	sne.s32 s26, $0x7F  }
0x95: {  	[tilespmem:v4+s16+$0x0] =	vst.idx.msk $0xffff, v2;
	s24 =	sadd.s32 $0x100, s24;
	s28 =	smov.u32 s26;
	s26 =	sadd.s32 $0x8, s26  }
0x96: {  	v2 =	vld [tilespmem:s24+$0xFFFFFF80];
	v4 =	vadd.s32 v25, v3  }
0x97: {  	s29 =	sadd.s32 $0xFFFFFFFA, s25;
	v3 =	vadd.s32 v24, v3;
	v5 =	vld [tilespmem:s24+$0xFFFFFF90]  }
0x98: {  	v6 =	vmov s29  }
0x99: {  	v6 =	vshrl.u32 v6, $0x3  }
0x9a: {  	v6 =	vshll.u32 v6, v1  }
0x9b: {  	[tilespmem:v4+s16+$0x0] =	vst.idx.msk $0xffff, v2;
	v2 =	vbroadcast v6, $0x0  }
0x9c: {  	[tilespmem:v3+s16+$0x0] =	vst.idx.msk $0xffff, v5  }
0x9d: {  	v3 =	vld [tilespmem:s24+$0xFFFFFFA0];
	v4 =	vadd.s32 v8, v2  }
0x9e: {  	s29 =	sadd.s32 $0xFFFFFFFB, s25;
	v2 =	vadd.s32 v34, v2;
	v5 =	vld [tilespmem:s24+$0xFFFFFFB0]  }
0x9f: {  	v6 =	vmov s29  }
0xa0: {  	v6 =	vshrl.u32 v6, $0x3  }
0xa1: {  	v6 =	vshll.u32 v6, v1  }
0xa2: {  	[tilespmem:v4+s16+$0x0] =	vst.idx.msk $0xffff, v3;
	v3 =	vbroadcast v6, $0x0  }
0xa3: {  	[tilespmem:v2+s16+$0x0] =	vst.idx.msk $0xffff, v5  }
0xa4: {  	v2 =	vld [tilespmem:s24+$0xFFFFFFC0];
	v4 =	vadd.s32 v9, v3  }
0xa5: {  	s29 =	sadd.s32 $0xFFFFFFFC, s25;
	v3 =	vadd.s32 v19, v3;
	v5 =	vld [tilespmem:s24+$0xFFFFFFD0]  }
0xa6: {  	v6 =	vmov s29  }
0xa7: {  	v6 =	vshrl.u32 v6, $0x3  }
0xa8: {  	v6 =	vshll.u32 v6, v1  }
0xa9: {  	[tilespmem:v4+s16+$0x0] =	vst.idx.msk $0xffff, v2;
	v2 =	vbroadcast v6, $0x0  }
0xaa: {  	[tilespmem:v3+s16+$0x0] =	vst.idx.msk $0xffff, v5  }
0xab: {  	v3 =	vld [tilespmem:s24+$0xFFFFFFE0];
	v4 =	vadd.s32 v20, v2  }
0xac: {  	s29 =	sadd.s32 $0xFFFFFFFD, s25;
	v2 =	vadd.s32 v10, v2;
	v5 =	vld [tilespmem:s24+$0xFFFFFFF0]  }
0xad: {  	v6 =	vmov s29  }
0xae: {  	v6 =	vshrl.u32 v6, $0x3  }
0xaf: {  	v6 =	vshll.u32 v6, v1  }
0xb0: {  	[tilespmem:v4+s16+$0x0] =	vst.idx.msk $0xffff, v3;
	v3 =	vbroadcast v6, $0x0  }
0xb1: {  	[tilespmem:v2+s16+$0x0] =	vst.idx.msk $0xffff, v5  }
0xb2: {  	v2 =	vld [tilespmem:s24+$0x0];
	v4 =	vadd.s32 v21, v3  }
0xb3: {  	s29 =	sadd.s32 $0xFFFFFFFE, s25;
	v3 =	vadd.s32 v22, v3;
	v5 =	vld [tilespmem:s24+$0x10]  }
0xb4: {  	v6 =	vmov s29  }
0xb5: {  	v6 =	vshrl.u32 v6, $0x3  }
0xb6: {  	v6 =	vshll.u32 v6, v1  }
0xb7: {  	[tilespmem:v4+s16+$0x0] =	vst.idx.msk $0xffff, v2;
	v2 =	vbroadcast v6, $0x0  }
0xb8: {  	[tilespmem:v3+s16+$0x0] =	vst.idx.msk $0xffff, v5  }
0xb9: {  	v3 =	vld [tilespmem:s24+$0x20];
	v4 =	vadd.s32 v23, v2  }
0xba: {  	s29 =	sadd.s32 $0xFFFFFFFF, s25;
	v2 =	vadd.s32 v11, v2;
	v5 =	vld [tilespmem:s24+$0x30]  }
0xbb: {  	v6 =	vmov s29  }
0xbc: {  	v6 =	vshrl.u32 v6, $0x3  }
0xbd: {  	v6 =	vshll.u32 v6, v1  }
0xbe: {  	[tilespmem:v4+s16+$0x0] =	vst.idx.msk $0xffff, v3;
	v3 =	vbroadcast v6, $0x0  }
0xbf: {  	[tilespmem:v2+s16+$0x0] =	vst.idx.msk $0xffff, v5  }
0xc0: {  	v2 =	vld [tilespmem:s24+$0x40];
	v4 =	vadd.s32 v7, v3  }
0xc1: {  	v3 =	vadd.s32 v39, v3;
	v5 =	vld [tilespmem:s24+$0x50]  }
0xc2: {  	v6 =	vmov s25;
	s25 =	smov.u32 s28  }
0xc3: {  	v6 =	vshrl.u32 v6, $0x3  }
0xc4: {  	v6 =	vshll.u32 v6, v1  }
0xc5: {  	[tilespmem:v4+s16+$0x0] =	vst.idx.msk $0xffff, v2;
	v4 =	vbroadcast v6, $0x0  }
0xc6: {  	[tilespmem:v3+s16+$0x0] =	vst.idx.msk $0xffff, v5  }
0xc7: {  	v5 =	vld [tilespmem:s24+$0x60];
	v6 =	vadd.s32 v40, v4  }
.Ltmp2:
0xc8: {  	s28 =	sadd.s32 $0xFFFFFFF9, s25;
	v4 =	vadd.s32 v27, v4;
	v2 =	vld [tilespmem:s24+$0x70];
	(pc) =	sbr.rel @p0 .LBB2_3-.Ltmp2, $4  }
0xc9: {  	v3 =	vmov s28  }
0xca: {  	v3 =	vshrl.u32 v3, $0x3  }
0xcb: {  	v3 =	vshll.u32 v3, v1  }
0xcc: {  	v3 =	vbroadcast v3, $0x0;
	[tilespmem:v6+s16+$0x0] =	vst.idx.msk $0xffff, v5  }
0xcd: {  	_ =	sdelay $0x3  }
0xce: {  	[tilespmem:v4+s16+$0x0] =	vst.idx.msk $0xffff, v2;
	s24 =	sadd.s32 $0x100, s24  }
0xcf: {  	v2 =	vld [tilespmem:s24+$0xFFFFFF80];
	v4 =	vadd.s32 v25, v3  }
0xd0: {  	s26 =	sadd.s32 $0xFFFFFFFA, s25;
	v5 =	vld [tilespmem:s24+$0xFFFFFF90];
	v3 =	vadd.s32 v24, v3  }
0xd1: {  	v6 =	vmov s26  }
0xd2: {  	v6 =	vshrl.u32 v6, $0x3  }
0xd3: {  	v6 =	vshll.u32 v6, v1  }
0xd4: {  	[tilespmem:v4+s16+$0x0] =	vst.idx.msk $0xffff, v2;
	v2 =	vbroadcast v6, $0x0  }
0xd5: {  	[tilespmem:v3+s16+$0x0] =	vst.idx.msk $0xffff, v5  }
0xd6: {  	v3 =	vld [tilespmem:s24+$0xFFFFFFA0];
	v4 =	vadd.s32 v8, v2  }
0xd7: {  	s30 =	sadd.s32 $0xFFFFFFFB, s25;
	v5 =	vld [tilespmem:s24+$0xFFFFFFB0];
	v2 =	vadd.s32 v34, v2  }
0xd8: {  	v6 =	vmov s30  }
0xd9: {  	v6 =	vshrl.u32 v6, $0x3  }
0xda: {  	v6 =	vshll.u32 v6, v1  }
0xdb: {  	[tilespmem:v4+s16+$0x0] =	vst.idx.msk $0xffff, v3;
	v3 =	vbroadcast v6, $0x0  }
0xdc: {  	[tilespmem:v2+s16+$0x0] =	vst.idx.msk $0xffff, v5  }
0xdd: {  	v2 =	vld [tilespmem:s24+$0xFFFFFFC0];
	v4 =	vadd.s32 v9, v3  }
0xde: {  	s31 =	sadd.s32 $0xFFFFFFFC, s25;
	v5 =	vld [tilespmem:s24+$0xFFFFFFD0];
	v3 =	vadd.s32 v19, v3  }
0xdf: {  	v6 =	vmov s31  }
0xe0: {  	v6 =	vshrl.u32 v6, $0x3  }
0xe1: {  	v6 =	vshll.u32 v6, v1  }
0xe2: {  	[tilespmem:v4+s16+$0x0] =	vst.idx.msk $0xffff, v2;
	v2 =	vbroadcast v6, $0x0  }
0xe3: {  	[tilespmem:v3+s16+$0x0] =	vst.idx.msk $0xffff, v5  }
0xe4: {  	v3 =	vld [tilespmem:s24+$0xFFFFFFE0];
	v4 =	vadd.s32 v20, v2  }
0xe5: {  	s1 =	sadd.s32 $0xFFFFFFFD, s25;
	v5 =	vld [tilespmem:s24+$0xFFFFFFF0];
	v2 =	vadd.s32 v10, v2  }
0xe6: {  	v6 =	vmov s1  }
0xe7: {  	v6 =	vshrl.u32 v6, $0x3  }
0xe8: {  	v6 =	vshll.u32 v6, v1  }
0xe9: {  	[tilespmem:v4+s16+$0x0] =	vst.idx.msk $0xffff, v3;
	v3 =	vbroadcast v6, $0x0  }
0xea: {  	[tilespmem:v2+s16+$0x0] =	vst.idx.msk $0xffff, v5  }
0xeb: {  	v2 =	vld [tilespmem:s24+$0x0];
	v4 =	vadd.s32 v21, v3  }
0xec: {  	s28 =	sadd.s32 $0xFFFFFFFE, s25;
	v5 =	vld [tilespmem:s24+$0x10];
	v3 =	vadd.s32 v22, v3  }
0xed: {  	v6 =	vmov s28  }
0xee: {  	v6 =	vshrl.u32 v6, $0x3  }
0xef: {  	v6 =	vshll.u32 v6, v1  }
0xf0: {  	[tilespmem:v4+s16+$0x0] =	vst.idx.msk $0xffff, v2;
	v2 =	vbroadcast v6, $0x0  }
0xf1: {  	[tilespmem:v3+s16+$0x0] =	vst.idx.msk $0xffff, v5  }
0xf2: {  	v3 =	vld [tilespmem:s24+$0x20];
	v4 =	vadd.s32 v23, v2  }
0xf3: {  	s29 =	sadd.s32 $0xFFFFFFFF, s25;
	v5 =	vld [tilespmem:s24+$0x30];
	v2 =	vadd.s32 v11, v2  }
0xf4: {  	v6 =	vmov s29  }
0xf5: {  	v6 =	vshrl.u32 v6, $0x3  }
0xf6: {  	v6 =	vshll.u32 v6, v1  }
0xf7: {  	[tilespmem:v4+s16+$0x0] =	vst.idx.msk $0xffff, v3;
	v3 =	vbroadcast v6, $0x0  }
0xf8: {  	[tilespmem:v2+s16+$0x0] =	vst.idx.msk $0xffff, v5  }
0xf9: {  	v2 =	vld [tilespmem:s24+$0x40];
	v4 =	vadd.s32 v7, v3  }
0xfa: {  	v5 =	vld [tilespmem:s24+$0x50];
	v3 =	vadd.s32 v39, v3  }
0xfb: {  	v6 =	vmov s25  }
0xfc: {  	v6 =	vshrl.u32 v6, $0x3  }
0xfd: {  	v6 =	vshll.u32 v6, v1  }
0xfe: {  	[tilespmem:v4+s16+$0x0] =	vst.idx.msk $0xffff, v2;
	v2 =	vbroadcast v6, $0x0  }
0xff: {  	[tilespmem:v3+s16+$0x0] =	vst.idx.msk $0xffff, v5  }
0x100: {  	v3 =	vld [tilespmem:s24+$0x60];
	v4 =	vadd.s32 v40, v2  }
0x101: {  	s30 =	simm.s32 $0x0;
	v5 =	vld [tilespmem:s24+$0x70];
	v6 =	vadd.s32 v27, v2  }
0x102: {  	v2 =	vmov s30  }
0x103: {  	v2 =	vshrl.u32 v2, $0x3  }
0x104: {  	v2 =	vshll.u32 v2, $0x3  }
0x105: {  	[tilespmem:v4+s16+$0x0] =	vst.idx.msk $0xffff, v3;
	v4 =	vbroadcast v2, $0x0  }
0x106: {  	s24 =	simm.s32 $0x74F0;
	[tilespmem:v6+s16+$0x0] =	vst.idx.msk $0xffff, v5  }
0x107: {  	v3 =	vld [tilespmem:s24+$0xFFFFFF10];
	v2 =	vadd.s32 v35, v4  }
0x108: {  	v5 =	vld [tilespmem:s24+$0xFFFFFF20];
	v6 =	vadd.s32 v36, v4;
	_ =	sdelay $0x3  }
0x109: {  	[tilespmem:v2+s16+$0x0] =	vst.idx.msk $0xffff, v3  }
0x10a: {  	[tilespmem:v6+s16+$0x0] =	vst.idx.msk $0xffff, v5  }
0x10b: {  	v2 =	vadd.s32 v37, v4;
	v3 =	vld [tilespmem:s24+$0xFFFFFF30]  }
0x10c: {  	v6 =	vadd.s32 v38, v4;
	v5 =	vld [tilespmem:s24+$0xFFFFFF40];
	_ =	sdelay $0x3  }
0x10d: {  	[tilespmem:v2+s16+$0x0] =	vst.idx.msk $0xffff, v3  }
0x10e: {  	[tilespmem:v6+s16+$0x0] =	vst.idx.msk $0xffff, v5  }
0x10f: {  	v2 =	vadd.s32 v12, v4;
	v3 =	vld [tilespmem:s24+$0xFFFFFF50]  }
0x110: {  	v6 =	vadd.s32 v13, v4;
	v5 =	vld [tilespmem:s24+$0xFFFFFF60];
	_ =	sdelay $0x3  }
0x111: {  	[tilespmem:v2+s16+$0x0] =	vst.idx.msk $0xffff, v3  }
0x112: {  	[tilespmem:v6+s16+$0x0] =	vst.idx.msk $0xffff, v5;
	v6 =	vld [tilespmem:$0x1FD70];
	_ =	sdelay $0x1  }
0x113: {  	v2 =	vadd.s32 v14, v4;
	v3 =	vld [tilespmem:s24+$0xFFFFFF70];
	_ =	sdelay $0x2  }
0x114: {  	v5 =	vld [tilespmem:s24+$0xFFFFFF80];
	v6 =	vadd.s32 v6, v4;
	_ =	sdelay $0x1  }
0x115: {  	[tilespmem:v2+s16+$0x0] =	vst.idx.msk $0xffff, v3;
	v2 =	vld [tilespmem:$0x1FEA0];
	_ =	sdelay $0x2  }
0x116: {  	[tilespmem:v6+s16+$0x0] =	vst.idx.msk $0xffff, v5  }
0x117: {  	v7 =	vadd.s32 v15, v4;
	v3 =	vld [tilespmem:s24+$0xFFFFFF90]  }
0x118: {  	v5 =	vld [tilespmem:s24+$0xFFFFFFA0];
	v6 =	vadd.s32 v2, v4;
	_ =	sdelay $0x3  }
0x119: {  	[tilespmem:v7+s16+$0x0] =	vst.idx.msk $0xffff, v3  }
0x11a: {  	[tilespmem:v6+s16+$0x0] =	vst.idx.msk $0xffff, v5  }
0x11b: {  	v7 =	vadd.s32 v30, v4;
	v3 =	vld [tilespmem:s24+$0xFFFFFFB0]  }
0x11c: {  	v6 =	vadd.s32 v16, v4;
	v5 =	vld [tilespmem:s24+$0xFFFFFFC0]  }
0x11d: {  	v27 =	vld [tilespmem:$0x1FD80]  }
0x11e: {  	v25 =	vld [tilespmem:$0x1FD90];
	_ =	sdelay $0x1  }
0x11f: {  	[tilespmem:v7+s16+$0x0] =	vst.idx.msk $0xffff, v3  }
0x120: {  	[tilespmem:v6+s16+$0x0] =	vst.idx.msk $0xffff, v5  }
0x121: {  	v7 =	vadd.s32 v27, v4;
	v3 =	vld [tilespmem:s24+$0xFFFFFFD0]  }
0x122: {  	v6 =	vadd.s32 v25, v4;
	v5 =	vld [tilespmem:s24+$0xFFFFFFE0]  }
0x123: {  	v40 =	vld [tilespmem:$0x1FED0];
	_ =	sdelay $0x2  }
0x124: {  	[tilespmem:v7+s16+$0x0] =	vst.idx.msk $0xffff, v3  }
0x125: {  	[tilespmem:v6+s16+$0x0] =	vst.idx.msk $0xffff, v5  }
0x126: {  	v8 =	vadd.s32 v40, v4;
	v7 =	vld [tilespmem:s24+$0xFFFFFFF0]  }
0x127: {  	s31 =	simm.s32 $0x8  }
0x128: {  	v3 =	vmov s31;
	v6 =	vadd.s32 v17, v4;
	v5 =	vld [tilespmem:s24+$0x0]  }
0x129: {  	v3 =	vshrl.u32 v3, $0x3  }
0x12a: {  	[tilespmem:$0x1FD30] =	vst v4;
	v3 =	vshll.u32 v3, $0x3  }
0x12b: {  	s25 =	simm.s32 $0x10;
	v39 =	vld [tilespmem:$0x1FD70];
	v4 =	vbroadcast v3, $0x0;
	[tilespmem:v8+s16+$0x0] =	vst.idx.msk $0xffff, v7  }
.LBB2_5:
0x12c: {  	p0 =	sne.s32 s25, $0x78  }
0x12d: {  	[tilespmem:v6+s16+$0x0] =	vst.idx.msk $0xffff, v5;
	s24 =	sadd.s32 $0x100, s24;
	s26 =	smov.u32 s25;
	s25 =	sadd.s32 $0x8, s25  }
0x12e: {  	v5 =	vld [tilespmem:s24+$0xFFFFFF10];
	v6 =	vadd.s32 v35, v4  }
0x12f: {  	v8 =	vadd.s32 v36, v4;
	v7 =	vld [tilespmem:s24+$0xFFFFFF20];
	_ =	sdelay $0x3  }
0x130: {  	[tilespmem:v6+s16+$0x0] =	vst.idx.msk $0xffff, v5  }
0x131: {  	[tilespmem:v8+s16+$0x0] =	vst.idx.msk $0xffff, v7  }
0x132: {  	v6 =	vadd.s32 v37, v4;
	v5 =	vld [tilespmem:s24+$0xFFFFFF30]  }
0x133: {  	v8 =	vadd.s32 v38, v4;
	v7 =	vld [tilespmem:s24+$0xFFFFFF40];
	_ =	sdelay $0x3  }
0x134: {  	[tilespmem:v6+s16+$0x0] =	vst.idx.msk $0xffff, v5  }
0x135: {  	[tilespmem:v8+s16+$0x0] =	vst.idx.msk $0xffff, v7  }
0x136: {  	v6 =	vadd.s32 v12, v4;
	v5 =	vld [tilespmem:s24+$0xFFFFFF50]  }
0x137: {  	v8 =	vadd.s32 v13, v4;
	v7 =	vld [tilespmem:s24+$0xFFFFFF60];
	_ =	sdelay $0x3  }
0x138: {  	[tilespmem:v6+s16+$0x0] =	vst.idx.msk $0xffff, v5  }
0x139: {  	[tilespmem:v8+s16+$0x0] =	vst.idx.msk $0xffff, v7  }
0x13a: {  	v6 =	vadd.s32 v14, v4;
	v5 =	vld [tilespmem:s24+$0xFFFFFF70]  }
0x13b: {  	v8 =	vadd.s32 v39, v4;
	v7 =	vld [tilespmem:s24+$0xFFFFFF80];
	_ =	sdelay $0x3  }
0x13c: {  	[tilespmem:v6+s16+$0x0] =	vst.idx.msk $0xffff, v5  }
0x13d: {  	[tilespmem:v8+s16+$0x0] =	vst.idx.msk $0xffff, v7  }
0x13e: {  	v6 =	vadd.s32 v15, v4;
	v5 =	vld [tilespmem:s24+$0xFFFFFF90]  }
0x13f: {  	v8 =	vadd.s32 v2, v4;
	v7 =	vld [tilespmem:s24+$0xFFFFFFA0];
	_ =	sdelay $0x3  }
0x140: {  	[tilespmem:v6+s16+$0x0] =	vst.idx.msk $0xffff, v5  }
0x141: {  	[tilespmem:v8+s16+$0x0] =	vst.idx.msk $0xffff, v7  }
0x142: {  	v6 =	vadd.s32 v30, v4;
	v5 =	vld [tilespmem:s24+$0xFFFFFFB0]  }
0x143: {  	v8 =	vadd.s32 v16, v4;
	v7 =	vld [tilespmem:s24+$0xFFFFFFC0];
	_ =	sdelay $0x3  }
0x144: {  	[tilespmem:v6+s16+$0x0] =	vst.idx.msk $0xffff, v5  }
0x145: {  	[tilespmem:v8+s16+$0x0] =	vst.idx.msk $0xffff, v7  }
0x146: {  	v6 =	vadd.s32 v27, v4;
	v5 =	vld [tilespmem:s24+$0xFFFFFFD0]  }
0x147: {  	v8 =	vadd.s32 v25, v4;
	v7 =	vld [tilespmem:s24+$0xFFFFFFE0];
	_ =	sdelay $0x3  }
0x148: {  	[tilespmem:v6+s16+$0x0] =	vst.idx.msk $0xffff, v5  }
0x149: {  	[tilespmem:v8+s16+$0x0] =	vst.idx.msk $0xffff, v7  }
0x14a: {  	v8 =	vadd.s32 v40, v4;
	v7 =	vld [tilespmem:s24+$0xFFFFFFF0]  }
.Ltmp3:
0x14b: {  	v6 =	vadd.s32 v17, v4;
	v5 =	vld [tilespmem:s24+$0x0];
	(pc) =	sbr.rel @p0 .LBB2_5-.Ltmp3, $4  }
0x14c: {  	v4 =	vmov s26  }
0x14d: {  	v4 =	vshrl.u32 v4, $0x3  }
0x14e: {  	v4 =	vshll.u32 v4, $0x3  }
0x14f: {  	v4 =	vbroadcast v4, $0x0;
	[tilespmem:v8+s16+$0x0] =	vst.idx.msk $0xffff, v7  }
0x150: {  	_ =	sdelay $0x3  }
0x151: {  	[tilespmem:v6+s16+$0x0] =	vst.idx.msk $0xffff, v5;
	s24 =	sadd.s32 $0x100, s24  }
0x152: {  	v5 =	vld [tilespmem:s24+$0xFFFFFF10];
	v6 =	vadd.s32 v35, v4  }
0x153: {  	v7 =	vld [tilespmem:s24+$0xFFFFFF20];
	v8 =	vadd.s32 v36, v4;
	_ =	sdelay $0x3  }
0x154: {  	[tilespmem:v6+s16+$0x0] =	vst.idx.msk $0xffff, v5  }
0x155: {  	[tilespmem:v8+s16+$0x0] =	vst.idx.msk $0xffff, v7  }
0x156: {  	v6 =	vadd.s32 v37, v4;
	v5 =	vld [tilespmem:s24+$0xFFFFFF30]  }
0x157: {  	v23 =	vadd.s32 v38, v4;
	v7 =	vld [tilespmem:s24+$0xFFFFFF40];
	_ =	sdelay $0x3  }
0x158: {  	[tilespmem:v6+s16+$0x0] =	vst.idx.msk $0xffff, v5  }
0x159: {  	[tilespmem:v23+s16+$0x0] =	vst.idx.msk $0xffff, v7  }
0x15a: {  	v6 =	vadd.s32 v12, v4;
	v5 =	vld [tilespmem:s24+$0xFFFFFF50]  }
0x15b: {  	v35 =	vadd.s32 v13, v4;
	v7 =	vld [tilespmem:s24+$0xFFFFFF60];
	_ =	sdelay $0x3  }
0x15c: {  	[tilespmem:v6+s16+$0x0] =	vst.idx.msk $0xffff, v5  }
0x15d: {  	[tilespmem:v35+s16+$0x0] =	vst.idx.msk $0xffff, v7  }
0x15e: {  	v6 =	vadd.s32 v14, v4;
	v5 =	vld [tilespmem:s24+$0xFFFFFF70]  }
0x15f: {  	v36 =	vadd.s32 v39, v4;
	v7 =	vld [tilespmem:s24+$0xFFFFFF80];
	_ =	sdelay $0x3  }
0x160: {  	[tilespmem:v6+s16+$0x0] =	vst.idx.msk $0xffff, v5  }
0x161: {  	[tilespmem:v36+s16+$0x0] =	vst.idx.msk $0xffff, v7  }
0x162: {  	v6 =	vadd.s32 v15, v4;
	v5 =	vld [tilespmem:s24+$0xFFFFFF90]  }
0x163: {  	v37 =	vadd.s32 v2, v4;
	v7 =	vld [tilespmem:s24+$0xFFFFFFA0];
	_ =	sdelay $0x3  }
0x164: {  	[tilespmem:v6+s16+$0x0] =	vst.idx.msk $0xffff, v5  }
0x165: {  	[tilespmem:v37+s16+$0x0] =	vst.idx.msk $0xffff, v7  }
0x166: {  	v6 =	vadd.s32 v30, v4;
	v5 =	vld [tilespmem:s24+$0xFFFFFFB0]  }
0x167: {  	v38 =	vadd.s32 v16, v4;
	v7 =	vld [tilespmem:s24+$0xFFFFFFC0];
	_ =	sdelay $0x3  }
0x168: {  	[tilespmem:v6+s16+$0x0] =	vst.idx.msk $0xffff, v5  }
0x169: {  	[tilespmem:v38+s16+$0x0] =	vst.idx.msk $0xffff, v7  }
0x16a: {  	v6 =	vadd.s32 v27, v4;
	v5 =	vld [tilespmem:s24+$0xFFFFFFD0]  }
0x16b: {  	v39 =	vadd.s32 v25, v4;
	v7 =	vld [tilespmem:s24+$0xFFFFFFE0];
	_ =	sdelay $0x3  }
0x16c: {  	[tilespmem:v6+s16+$0x0] =	vst.idx.msk $0xffff, v5  }
0x16d: {  	[tilespmem:v39+s16+$0x0] =	vst.idx.msk $0xffff, v7  }
0x16e: {  	v6 =	vadd.s32 v40, v4;
	v5 =	vld [tilespmem:s24+$0xFFFFFFF0]  }
0x16f: {  	v4 =	vadd.s32 v17, v4;
	v7 =	vld [tilespmem:s24+$0x0]  }
0x170: {  	v2 =	vld [tilespmem:$0x1FD30];
	_ =	sdelay $0x2  }
0x171: {  	[tilespmem:v6+s16+$0x0] =	vst.idx.msk $0xffff, v5  }
0x172: {  	s24 =	simm.s32 $0x84F0;
	[tilespmem:v4+s16+$0x0] =	vst.idx.msk $0xffff, v7  }
0x173: {  	v5 =	vadd.s32 v41, v2;
	v4 =	vld [tilespmem:s24+$0xFFFFFF10]  }
0x174: {  	v7 =	vadd.s32 v42, v2;
	v6 =	vld [tilespmem:s24+$0xFFFFFF20];
	_ =	sdelay $0x3  }
0x175: {  	[tilespmem:v5+s16+$0x0] =	vst.idx.msk $0xffff, v4  }
0x176: {  	[tilespmem:v7+s16+$0x0] =	vst.idx.msk $0xffff, v6  }
0x177: {  	v5 =	vadd.s32 v43, v2;
	v4 =	vld [tilespmem:s24+$0xFFFFFF30]  }
0x178: {  	v7 =	vadd.s32 v44, v2;
	v6 =	vld [tilespmem:s24+$0xFFFFFF40];
	_ =	sdelay $0x3  }
0x179: {  	[tilespmem:v5+s16+$0x0] =	vst.idx.msk $0xffff, v4  }
0x17a: {  	[tilespmem:v7+s16+$0x0] =	vst.idx.msk $0xffff, v6  }
0x17b: {  	v5 =	vadd.s32 v18, v2;
	v4 =	vld [tilespmem:s24+$0xFFFFFF50]  }
0x17c: {  	v7 =	vadd.s32 v28, v2;
	v6 =	vld [tilespmem:s24+$0xFFFFFF60];
	_ =	sdelay $0x3  }
0x17d: {  	[tilespmem:v5+s16+$0x0] =	vst.idx.msk $0xffff, v4  }
0x17e: {  	[tilespmem:v7+s16+$0x0] =	vst.idx.msk $0xffff, v6  }
0x17f: {  	v5 =	vadd.s32 v26, v2;
	v4 =	vld [tilespmem:s24+$0xFFFFFF70]  }
0x180: {  	v7 =	vadd.s32 v32, v2;
	v6 =	vld [tilespmem:s24+$0xFFFFFF80];
	_ =	sdelay $0x3  }
0x181: {  	[tilespmem:v5+s16+$0x0] =	vst.idx.msk $0xffff, v4  }
0x182: {  	[tilespmem:v7+s16+$0x0] =	vst.idx.msk $0xffff, v6  }
0x183: {  	v5 =	vadd.s32 v31, v2;
	v4 =	vld [tilespmem:s24+$0xFFFFFF90]  }
0x184: {  	v7 =	vadd.s32 v29, v2;
	v6 =	vld [tilespmem:s24+$0xFFFFFFA0];
	_ =	sdelay $0x3  }
0x185: {  	[tilespmem:v5+s16+$0x0] =	vst.idx.msk $0xffff, v4  }
0x186: {  	[tilespmem:v7+s16+$0x0] =	vst.idx.msk $0xffff, v6  }
0x187: {  	v5 =	vadd.s32 v33, v2;
	v4 =	vld [tilespmem:s24+$0xFFFFFFB0]  }
0x188: {  	v7 =	vadd.s32 v0, v2;
	v6 =	vld [tilespmem:s24+$0xFFFFFFC0];
	_ =	sdelay $0x3  }
0x189: {  	[tilespmem:v5+s16+$0x0] =	vst.idx.msk $0xffff, v4  }
0x18a: {  	[tilespmem:v7+s16+$0x0] =	vst.idx.msk $0xffff, v6  }
0x18b: {  	v5 =	vadd.s32 v45, v2;
	v4 =	vld [tilespmem:s24+$0xFFFFFFD0]  }
0x18c: {  	v7 =	vadd.s32 v46, v2;
	v6 =	vld [tilespmem:s24+$0xFFFFFFE0];
	_ =	sdelay $0x3  }
0x18d: {  	[tilespmem:v5+s16+$0x0] =	vst.idx.msk $0xffff, v4  }
0x18e: {  	[tilespmem:v7+s16+$0x0] =	vst.idx.msk $0xffff, v6  }
0x18f: {  	v7 =	vadd.s32 v47, v2;
	v6 =	vld [tilespmem:s24+$0xFFFFFFF0];
	_ =	sdelay $0x1  }
0x190: {  	v5 =	vadd.s32 v48, v2;
	v4 =	vld [tilespmem:s24+$0x0];
	_ =	sdelay $0x2  }
0x191: {  	s25 =	simm.s32 $0x10;
	v2 =	vbroadcast v3, $0x0;
	[tilespmem:v7+s16+$0x0] =	vst.idx.msk $0xffff, v6  }
.LBB2_7:
0x192: {  	p0 =	sne.s32 s25, $0x78  }
0x193: {  	[tilespmem:v5+s16+$0x0] =	vst.idx.msk $0xffff, v4;
	s24 =	sadd.s32 $0x100, s24;
	s26 =	smov.u32 s25;
	s25 =	sadd.s32 $0x8, s25  }
0x194: {  	v3 =	vld [tilespmem:s24+$0xFFFFFF10];
	v4 =	vadd.s32 v41, v2  }
0x195: {  	v6 =	vadd.s32 v42, v2;
	v5 =	vld [tilespmem:s24+$0xFFFFFF20];
	_ =	sdelay $0x3  }
0x196: {  	[tilespmem:v4+s16+$0x0] =	vst.idx.msk $0xffff, v3  }
0x197: {  	[tilespmem:v6+s16+$0x0] =	vst.idx.msk $0xffff, v5  }
0x198: {  	v4 =	vadd.s32 v43, v2;
	v3 =	vld [tilespmem:s24+$0xFFFFFF30]  }
0x199: {  	v6 =	vadd.s32 v44, v2;
	v5 =	vld [tilespmem:s24+$0xFFFFFF40];
	_ =	sdelay $0x3  }
0x19a: {  	[tilespmem:v4+s16+$0x0] =	vst.idx.msk $0xffff, v3  }
0x19b: {  	[tilespmem:v6+s16+$0x0] =	vst.idx.msk $0xffff, v5  }
0x19c: {  	v4 =	vadd.s32 v18, v2;
	v3 =	vld [tilespmem:s24+$0xFFFFFF50]  }
0x19d: {  	v6 =	vadd.s32 v28, v2;
	v5 =	vld [tilespmem:s24+$0xFFFFFF60];
	_ =	sdelay $0x3  }
0x19e: {  	[tilespmem:v4+s16+$0x0] =	vst.idx.msk $0xffff, v3  }
0x19f: {  	[tilespmem:v6+s16+$0x0] =	vst.idx.msk $0xffff, v5  }
0x1a0: {  	v4 =	vadd.s32 v26, v2;
	v3 =	vld [tilespmem:s24+$0xFFFFFF70]  }
0x1a1: {  	v6 =	vadd.s32 v32, v2;
	v5 =	vld [tilespmem:s24+$0xFFFFFF80];
	_ =	sdelay $0x3  }
0x1a2: {  	[tilespmem:v4+s16+$0x0] =	vst.idx.msk $0xffff, v3  }
0x1a3: {  	[tilespmem:v6+s16+$0x0] =	vst.idx.msk $0xffff, v5  }
0x1a4: {  	v4 =	vadd.s32 v31, v2;
	v3 =	vld [tilespmem:s24+$0xFFFFFF90]  }
0x1a5: {  	v6 =	vadd.s32 v29, v2;
	v5 =	vld [tilespmem:s24+$0xFFFFFFA0];
	_ =	sdelay $0x3  }
0x1a6: {  	[tilespmem:v4+s16+$0x0] =	vst.idx.msk $0xffff, v3  }
0x1a7: {  	[tilespmem:v6+s16+$0x0] =	vst.idx.msk $0xffff, v5  }
0x1a8: {  	v4 =	vadd.s32 v33, v2;
	v3 =	vld [tilespmem:s24+$0xFFFFFFB0]  }
0x1a9: {  	v6 =	vadd.s32 v0, v2;
	v5 =	vld [tilespmem:s24+$0xFFFFFFC0];
	_ =	sdelay $0x3  }
0x1aa: {  	[tilespmem:v4+s16+$0x0] =	vst.idx.msk $0xffff, v3  }
0x1ab: {  	[tilespmem:v6+s16+$0x0] =	vst.idx.msk $0xffff, v5  }
0x1ac: {  	v4 =	vadd.s32 v45, v2;
	v3 =	vld [tilespmem:s24+$0xFFFFFFD0]  }
0x1ad: {  	v6 =	vadd.s32 v46, v2;
	v5 =	vld [tilespmem:s24+$0xFFFFFFE0];
	_ =	sdelay $0x3  }
0x1ae: {  	[tilespmem:v4+s16+$0x0] =	vst.idx.msk $0xffff, v3  }
0x1af: {  	[tilespmem:v6+s16+$0x0] =	vst.idx.msk $0xffff, v5  }
0x1b0: {  	v6 =	vadd.s32 v47, v2;
	v3 =	vld [tilespmem:s24+$0xFFFFFFF0]  }
.Ltmp4:
0x1b1: {  	v5 =	vadd.s32 v48, v2;
	v4 =	vld [tilespmem:s24+$0x0];
	(pc) =	sbr.rel @p0 .LBB2_7-.Ltmp4, $4  }
0x1b2: {  	v2 =	vmov s26  }
0x1b3: {  	v2 =	vshrl.u32 v2, $0x3  }
0x1b4: {  	v2 =	vshll.u32 v2, $0x3  }
0x1b5: {  	v2 =	vbroadcast v2, $0x0;
	[tilespmem:v6+s16+$0x0] =	vst.idx.msk $0xffff, v3  }
0x1b6: {  	_ =	sdelay $0x3  }
0x1b7: {  	[tilespmem:v5+s16+$0x0] =	vst.idx.msk $0xffff, v4;
	s24 =	sadd.s32 $0x100, s24  }
0x1b8: {  	v3 =	vld [tilespmem:s24+$0xFFFFFF10];
	v4 =	vadd.s32 v41, v2  }
0x1b9: {  	v5 =	vld [tilespmem:s24+$0xFFFFFF20];
	v6 =	vadd.s32 v42, v2;
	_ =	sdelay $0x3  }
0x1ba: {  	[tilespmem:v4+s16+$0x0] =	vst.idx.msk $0xffff, v3  }
0x1bb: {  	[tilespmem:v6+s16+$0x0] =	vst.idx.msk $0xffff, v5  }
0x1bc: {  	v4 =	vadd.s32 v43, v2;
	v3 =	vld [tilespmem:s24+$0xFFFFFF30]  }
0x1bd: {  	v6 =	vadd.s32 v44, v2;
	v5 =	vld [tilespmem:s24+$0xFFFFFF40];
	_ =	sdelay $0x3  }
0x1be: {  	[tilespmem:v4+s16+$0x0] =	vst.idx.msk $0xffff, v3  }
0x1bf: {  	[tilespmem:v6+s16+$0x0] =	vst.idx.msk $0xffff, v5  }
0x1c0: {  	v4 =	vadd.s32 v18, v2;
	v3 =	vld [tilespmem:s24+$0xFFFFFF50]  }
0x1c1: {  	v6 =	vadd.s32 v28, v2;
	v5 =	vld [tilespmem:s24+$0xFFFFFF60];
	_ =	sdelay $0x3  }
0x1c2: {  	[tilespmem:v4+s16+$0x0] =	vst.idx.msk $0xffff, v3  }
0x1c3: {  	[tilespmem:v6+s16+$0x0] =	vst.idx.msk $0xffff, v5  }
0x1c4: {  	v4 =	vadd.s32 v26, v2;
	v3 =	vld [tilespmem:s24+$0xFFFFFF70]  }
0x1c5: {  	v6 =	vadd.s32 v32, v2;
	v5 =	vld [tilespmem:s24+$0xFFFFFF80];
	_ =	sdelay $0x3  }
0x1c6: {  	[tilespmem:v4+s16+$0x0] =	vst.idx.msk $0xffff, v3  }
0x1c7: {  	[tilespmem:v6+s16+$0x0] =	vst.idx.msk $0xffff, v5  }
0x1c8: {  	v4 =	vadd.s32 v31, v2;
	v3 =	vld [tilespmem:s24+$0xFFFFFF90]  }
0x1c9: {  	v6 =	vadd.s32 v29, v2;
	v5 =	vld [tilespmem:s24+$0xFFFFFFA0];
	_ =	sdelay $0x3  }
0x1ca: {  	[tilespmem:v4+s16+$0x0] =	vst.idx.msk $0xffff, v3  }
0x1cb: {  	[tilespmem:v6+s16+$0x0] =	vst.idx.msk $0xffff, v5  }
0x1cc: {  	v4 =	vadd.s32 v33, v2;
	v3 =	vld [tilespmem:s24+$0xFFFFFFB0]  }
0x1cd: {  	v6 =	vadd.s32 v0, v2;
	v5 =	vld [tilespmem:s24+$0xFFFFFFC0];
	_ =	sdelay $0x3  }
0x1ce: {  	[tilespmem:v4+s16+$0x0] =	vst.idx.msk $0xffff, v3  }
0x1cf: {  	[tilespmem:v6+s16+$0x0] =	vst.idx.msk $0xffff, v5  }
0x1d0: {  	v4 =	vadd.s32 v45, v2;
	v3 =	vld [tilespmem:s24+$0xFFFFFFD0]  }
0x1d1: {  	v6 =	vadd.s32 v46, v2;
	v5 =	vld [tilespmem:s24+$0xFFFFFFE0];
	_ =	sdelay $0x3  }
0x1d2: {  	[tilespmem:v4+s16+$0x0] =	vst.idx.msk $0xffff, v3  }
0x1d3: {  	[tilespmem:v6+s16+$0x0] =	vst.idx.msk $0xffff, v5  }
0x1d4: {  	v4 =	vadd.s32 v47, v2;
	v3 =	vld [tilespmem:s24+$0xFFFFFFF0]  }
0x1d5: {  	s25 =	simm.s32 $0x0;
	v2 =	vadd.s32 v48, v2;
	v5 =	vld [tilespmem:s24+$0x0]  }
0x1d6: {  	v6 =	vmov s25  }
0x1d7: {  	v6 =	vshrl.u32 v6, $0x3  }
0x1d8: {  	v6 =	vshll.u32 v6, $0x3  }
0x1d9: {  	[tilespmem:v4+s16+$0x0] =	vst.idx.msk $0xffff, v3;
	v4 =	vbroadcast v6, $0x0  }
0x1da: {  	s26 =	simm.s32 $0x94F0;
	[tilespmem:v2+s16+$0x0] =	vst.idx.msk $0xffff, v5  }
0x1db: {  	v2 =	vld [tilespmem:s26+$0xFFFFFF10];
	v3 =	vadd.s32 v49, v4  }
0x1dc: {  	v5 =	vld [tilespmem:s26+$0xFFFFFF20];
	v6 =	vadd.s32 v50, v4;
	_ =	sdelay $0x3  }
0x1dd: {  	[tilespmem:v3+s16+$0x0] =	vst.idx.msk $0xffff, v2  }
0x1de: {  	[tilespmem:v6+s16+$0x0] =	vst.idx.msk $0xffff, v5  }
0x1df: {  	v3 =	vadd.s32 v51, v4;
	v2 =	vld [tilespmem:s26+$0xFFFFFF30]  }
0x1e0: {  	v6 =	vadd.s32 v52, v4;
	v5 =	vld [tilespmem:s26+$0xFFFFFF40];
	_ =	sdelay $0x3  }
0x1e1: {  	[tilespmem:v3+s16+$0x0] =	vst.idx.msk $0xffff, v2  }
0x1e2: {  	[tilespmem:v6+s16+$0x0] =	vst.idx.msk $0xffff, v5  }
0x1e3: {  	v3 =	vadd.s32 v53, v4;
	v2 =	vld [tilespmem:s26+$0xFFFFFF50]  }
0x1e4: {  	v6 =	vadd.s32 v54, v4;
	v5 =	vld [tilespmem:s26+$0xFFFFFF60];
	_ =	sdelay $0x3  }
0x1e5: {  	[tilespmem:v3+s16+$0x0] =	vst.idx.msk $0xffff, v2  }
0x1e6: {  	[tilespmem:v6+s16+$0x0] =	vst.idx.msk $0xffff, v5  }
0x1e7: {  	v3 =	vadd.s32 v55, v4;
	v2 =	vld [tilespmem:s26+$0xFFFFFF70]  }
0x1e8: {  	v6 =	vadd.s32 v56, v4;
	v5 =	vld [tilespmem:s26+$0xFFFFFF80];
	_ =	sdelay $0x3  }
0x1e9: {  	[tilespmem:v3+s16+$0x0] =	vst.idx.msk $0xffff, v2  }
0x1ea: {  	[tilespmem:v6+s16+$0x0] =	vst.idx.msk $0xffff, v5  }
0x1eb: {  	v3 =	vadd.s32 v57, v4;
	v2 =	vld [tilespmem:s26+$0xFFFFFF90]  }
0x1ec: {  	v6 =	vadd.s32 v58, v4;
	v5 =	vld [tilespmem:s26+$0xFFFFFFA0];
	_ =	sdelay $0x3  }
0x1ed: {  	[tilespmem:v3+s16+$0x0] =	vst.idx.msk $0xffff, v2  }
0x1ee: {  	[tilespmem:v6+s16+$0x0] =	vst.idx.msk $0xffff, v5  }
0x1ef: {  	v3 =	vadd.s32 v59, v4;
	v2 =	vld [tilespmem:s26+$0xFFFFFFB0]  }
0x1f0: {  	v6 =	vadd.s32 v60, v4;
	v5 =	vld [tilespmem:s26+$0xFFFFFFC0];
	_ =	sdelay $0x3  }
0x1f1: {  	[tilespmem:v3+s16+$0x0] =	vst.idx.msk $0xffff, v2  }
0x1f2: {  	[tilespmem:v6+s16+$0x0] =	vst.idx.msk $0xffff, v5  }
0x1f3: {  	v3 =	vadd.s32 v61, v4;
	v2 =	vld [tilespmem:s26+$0xFFFFFFD0]  }
0x1f4: {  	v6 =	vadd.s32 v62, v4;
	v5 =	vld [tilespmem:s26+$0xFFFFFFE0];
	_ =	sdelay $0x1  }
0x1f5: {  	v25 =	vld [tilespmem:$0x1FDD0];
	_ =	sdelay $0x1  }
0x1f6: {  	[tilespmem:v3+s16+$0x0] =	vst.idx.msk $0xffff, v2  }
0x1f7: {  	[tilespmem:v6+s16+$0x0] =	vst.idx.msk $0xffff, v5  }
0x1f8: {  	v7 =	vadd.s32 v63, v4;
	v5 =	vld [tilespmem:s26+$0xFFFFFFF0]  }
0x1f9: {  	s24 =	simm.s32 $0x8;
	v6 =	vadd.s32 $0x3B87, v25  }
0x1fa: {  	v2 =	vmov s24;
	v3 =	vld [tilespmem:s26+$0x0];
	v4 =	vadd.s32 v6, v4  }
0x1fb: {  	v2 =	vshrl.u32 v2, $0x3  }
0x1fc: {  	v2 =	vshll.u32 v2, $0x3  }
0x1fd: {  	s28 =	simm.s32 $0x10;
	v40 =	vld [tilespmem:$0x1FD60];
	v2 =	vbroadcast v2, $0x0;
	[tilespmem:v7+s16+$0x0] =	vst.idx.msk $0xffff, v5  }
.LBB2_9:
0x1fe: {  	p0 =	sne.s32 s28, $0x78  }
0x1ff: {  	[tilespmem:v4+s16+$0x0] =	vst.idx.msk $0xffff, v3;
	s26 =	sadd.s32 $0x100, s26;
	s29 =	smov.u32 s28;
	s28 =	sadd.s32 $0x8, s28  }
0x200: {  	v3 =	vld [tilespmem:s26+$0xFFFFFF10];
	v4 =	vadd.s32 v49, v2  }
0x201: {  	v7 =	vadd.s32 v50, v2;
	v5 =	vld [tilespmem:s26+$0xFFFFFF20];
	_ =	sdelay $0x3  }
0x202: {  	[tilespmem:v4+s16+$0x0] =	vst.idx.msk $0xffff, v3  }
0x203: {  	[tilespmem:v7+s16+$0x0] =	vst.idx.msk $0xffff, v5  }
0x204: {  	v4 =	vadd.s32 v51, v2;
	v3 =	vld [tilespmem:s26+$0xFFFFFF30]  }
0x205: {  	v7 =	vadd.s32 v52, v2;
	v5 =	vld [tilespmem:s26+$0xFFFFFF40];
	_ =	sdelay $0x3  }
0x206: {  	[tilespmem:v4+s16+$0x0] =	vst.idx.msk $0xffff, v3  }
0x207: {  	[tilespmem:v7+s16+$0x0] =	vst.idx.msk $0xffff, v5  }
0x208: {  	v4 =	vadd.s32 v53, v2;
	v3 =	vld [tilespmem:s26+$0xFFFFFF50]  }
0x209: {  	v7 =	vadd.s32 v54, v2;
	v5 =	vld [tilespmem:s26+$0xFFFFFF60];
	_ =	sdelay $0x3  }
0x20a: {  	[tilespmem:v4+s16+$0x0] =	vst.idx.msk $0xffff, v3  }
0x20b: {  	[tilespmem:v7+s16+$0x0] =	vst.idx.msk $0xffff, v5  }
0x20c: {  	v4 =	vadd.s32 v55, v2;
	v3 =	vld [tilespmem:s26+$0xFFFFFF70]  }
0x20d: {  	v7 =	vadd.s32 v56, v2;
	v5 =	vld [tilespmem:s26+$0xFFFFFF80];
	_ =	sdelay $0x3  }
0x20e: {  	[tilespmem:v4+s16+$0x0] =	vst.idx.msk $0xffff, v3  }
0x20f: {  	[tilespmem:v7+s16+$0x0] =	vst.idx.msk $0xffff, v5  }
0x210: {  	v4 =	vadd.s32 v57, v2;
	v3 =	vld [tilespmem:s26+$0xFFFFFF90]  }
0x211: {  	v7 =	vadd.s32 v58, v2;
	v5 =	vld [tilespmem:s26+$0xFFFFFFA0];
	_ =	sdelay $0x3  }
0x212: {  	[tilespmem:v4+s16+$0x0] =	vst.idx.msk $0xffff, v3  }
0x213: {  	[tilespmem:v7+s16+$0x0] =	vst.idx.msk $0xffff, v5  }
0x214: {  	v4 =	vadd.s32 v59, v2;
	v3 =	vld [tilespmem:s26+$0xFFFFFFB0]  }
0x215: {  	v7 =	vadd.s32 v60, v2;
	v5 =	vld [tilespmem:s26+$0xFFFFFFC0];
	_ =	sdelay $0x3  }
0x216: {  	[tilespmem:v4+s16+$0x0] =	vst.idx.msk $0xffff, v3  }
0x217: {  	[tilespmem:v7+s16+$0x0] =	vst.idx.msk $0xffff, v5  }
0x218: {  	v4 =	vadd.s32 v61, v2;
	v3 =	vld [tilespmem:s26+$0xFFFFFFD0]  }
0x219: {  	v7 =	vadd.s32 v62, v2;
	v5 =	vld [tilespmem:s26+$0xFFFFFFE0];
	_ =	sdelay $0x3  }
0x21a: {  	[tilespmem:v4+s16+$0x0] =	vst.idx.msk $0xffff, v3  }
0x21b: {  	[tilespmem:v7+s16+$0x0] =	vst.idx.msk $0xffff, v5  }
0x21c: {  	v7 =	vadd.s32 v63, v2;
	v5 =	vld [tilespmem:s26+$0xFFFFFFF0]  }
.Ltmp5:
0x21d: {  	v4 =	vadd.s32 v6, v2;
	v3 =	vld [tilespmem:s26+$0x0];
	(pc) =	sbr.rel @p0 .LBB2_9-.Ltmp5, $4  }
0x21e: {  	v2 =	vmov s29  }
0x21f: {  	v2 =	vshrl.u32 v2, $0x3  }
0x220: {  	v2 =	vshll.u32 v2, $0x3  }
0x221: {  	v2 =	vbroadcast v2, $0x0;
	[tilespmem:v7+s16+$0x0] =	vst.idx.msk $0xffff, v5  }
0x222: {  	_ =	sdelay $0x3  }
0x223: {  	[tilespmem:v4+s16+$0x0] =	vst.idx.msk $0xffff, v3;
	s26 =	sadd.s32 $0x100, s26  }
0x224: {  	v3 =	vld [tilespmem:s26+$0xFFFFFF10];
	v4 =	vadd.s32 v49, v2  }
0x225: {  	v5 =	vld [tilespmem:s26+$0xFFFFFF20];
	v7 =	vadd.s32 v50, v2;
	_ =	sdelay $0x3  }
0x226: {  	[tilespmem:v4+s16+$0x0] =	vst.idx.msk $0xffff, v3  }
0x227: {  	[tilespmem:v7+s16+$0x0] =	vst.idx.msk $0xffff, v5  }
0x228: {  	v4 =	vadd.s32 v51, v2;
	v3 =	vld [tilespmem:s26+$0xFFFFFF30]  }
0x229: {  	v7 =	vadd.s32 v52, v2;
	v5 =	vld [tilespmem:s26+$0xFFFFFF40];
	_ =	sdelay $0x3  }
0x22a: {  	[tilespmem:v4+s16+$0x0] =	vst.idx.msk $0xffff, v3  }
0x22b: {  	[tilespmem:v7+s16+$0x0] =	vst.idx.msk $0xffff, v5  }
0x22c: {  	v4 =	vadd.s32 v53, v2;
	v3 =	vld [tilespmem:s26+$0xFFFFFF50]  }
0x22d: {  	v7 =	vadd.s32 v54, v2;
	v5 =	vld [tilespmem:s26+$0xFFFFFF60];
	_ =	sdelay $0x3  }
0x22e: {  	[tilespmem:v4+s16+$0x0] =	vst.idx.msk $0xffff, v3  }
0x22f: {  	[tilespmem:v7+s16+$0x0] =	vst.idx.msk $0xffff, v5  }
0x230: {  	v4 =	vadd.s32 v55, v2;
	v3 =	vld [tilespmem:s26+$0xFFFFFF70]  }
0x231: {  	v7 =	vadd.s32 v56, v2;
	v5 =	vld [tilespmem:s26+$0xFFFFFF80];
	_ =	sdelay $0x3  }
0x232: {  	[tilespmem:v4+s16+$0x0] =	vst.idx.msk $0xffff, v3  }
0x233: {  	[tilespmem:v7+s16+$0x0] =	vst.idx.msk $0xffff, v5  }
0x234: {  	v4 =	vadd.s32 v57, v2;
	v3 =	vld [tilespmem:s26+$0xFFFFFF90]  }
0x235: {  	v7 =	vadd.s32 v58, v2;
	v5 =	vld [tilespmem:s26+$0xFFFFFFA0];
	_ =	sdelay $0x3  }
0x236: {  	[tilespmem:v4+s16+$0x0] =	vst.idx.msk $0xffff, v3  }
0x237: {  	[tilespmem:v7+s16+$0x0] =	vst.idx.msk $0xffff, v5  }
0x238: {  	v4 =	vadd.s32 v59, v2;
	v3 =	vld [tilespmem:s26+$0xFFFFFFB0]  }
0x239: {  	v7 =	vadd.s32 v60, v2;
	v5 =	vld [tilespmem:s26+$0xFFFFFFC0];
	_ =	sdelay $0x3  }
0x23a: {  	[tilespmem:v4+s16+$0x0] =	vst.idx.msk $0xffff, v3  }
0x23b: {  	[tilespmem:v7+s16+$0x0] =	vst.idx.msk $0xffff, v5  }
0x23c: {  	v4 =	vadd.s32 v61, v2;
	v3 =	vld [tilespmem:s26+$0xFFFFFFD0]  }
0x23d: {  	v7 =	vadd.s32 v62, v2;
	v5 =	vld [tilespmem:s26+$0xFFFFFFE0];
	_ =	sdelay $0x3  }
0x23e: {  	[tilespmem:v4+s16+$0x0] =	vst.idx.msk $0xffff, v3  }
0x23f: {  	[tilespmem:v7+s16+$0x0] =	vst.idx.msk $0xffff, v5  }
0x240: {  	v4 =	vadd.s32 v63, v2;
	v3 =	vld [tilespmem:s26+$0xFFFFFFF0]  }
0x241: {  	v2 =	vadd.s32 v6, v2;
	v5 =	vld [tilespmem:s26+$0x0]  }
0x242: {  	v7 =	vmov s25  }
0x243: {  	v7 =	vshrl.u32 v7, $0x3  }
0x244: {  	v7 =	vshll.u32 v7, $0x3  }
0x245: {  	v19 =	vbroadcast v7, $0x0;
	[tilespmem:v4+s16+$0x0] =	vst.idx.msk $0xffff, v3  }
0x246: {  	s31 =	simm.s32 $0x0;
	[tilespmem:v2+s16+$0x0] =	vst.idx.msk $0xffff, v5;
	v2 =	vadd.s32 $0x4400, v25  }
0x247: {  	v3 =	vadd.s32 $0x4C80, v25;
	v4 =	vld [tilespmem:s31+$0xA400];
	v5 =	vadd.s32 v2, v19  }
0x248: {  	v8 =	vadd.s32 v3, v19;
	v7 =	vld [tilespmem:s31+$0xA410];
	_ =	sdelay $0x3  }
0x249: {  	[tilespmem:v5+s16+$0x0] =	vst.idx.msk $0xffff, v4  }
0x24a: {  	v4 =	vadd.s32 $0x4401, v25;
	[tilespmem:v8+s16+$0x0] =	vst.idx.msk $0xffff, v7  }
0x24b: {  	v5 =	vadd.s32 $0x4C81, v25;
	v8 =	vadd.s32 v4, v19;
	v7 =	vld [tilespmem:s31+$0xA420]  }
0x24c: {  	v10 =	vadd.s32 v5, v19;
	v9 =	vld [tilespmem:s31+$0xA430];
	_ =	sdelay $0x3  }
0x24d: {  	[tilespmem:v8+s16+$0x0] =	vst.idx.msk $0xffff, v7  }
0x24e: {  	v7 =	vadd.s32 $0x4402, v25;
	[tilespmem:v10+s16+$0x0] =	vst.idx.msk $0xffff, v9  }
0x24f: {  	v8 =	vadd.s32 $0x4C82, v25;
	v10 =	vadd.s32 v7, v19;
	v9 =	vld [tilespmem:s31+$0xA440]  }
0x250: {  	v12 =	vadd.s32 v8, v19;
	v11 =	vld [tilespmem:s31+$0xA450];
	_ =	sdelay $0x3  }
0x251: {  	[tilespmem:v10+s16+$0x0] =	vst.idx.msk $0xffff, v9  }
0x252: {  	v9 =	vadd.s32 $0x4403, v25;
	[tilespmem:v12+s16+$0x0] =	vst.idx.msk $0xffff, v11  }
0x253: {  	v10 =	vadd.s32 $0x4C83, v25;
	v12 =	vadd.s32 v9, v19;
	v11 =	vld [tilespmem:s31+$0xA460]  }
0x254: {  	v14 =	vadd.s32 v10, v19;
	v13 =	vld [tilespmem:s31+$0xA470];
	_ =	sdelay $0x3  }
0x255: {  	[tilespmem:v12+s16+$0x0] =	vst.idx.msk $0xffff, v11  }
0x256: {  	v11 =	vadd.s32 $0x4404, v25;
	[tilespmem:v14+s16+$0x0] =	vst.idx.msk $0xffff, v13  }
0x257: {  	v12 =	vadd.s32 $0x4C84, v25;
	v14 =	vadd.s32 v11, v19;
	v13 =	vld [tilespmem:s31+$0xA480]  }
0x258: {  	v16 =	vadd.s32 v12, v19;
	v15 =	vld [tilespmem:s31+$0xA490];
	_ =	sdelay $0x3  }
0x259: {  	[tilespmem:v14+s16+$0x0] =	vst.idx.msk $0xffff, v13  }
0x25a: {  	v13 =	vadd.s32 $0x4405, v25;
	[tilespmem:v16+s16+$0x0] =	vst.idx.msk $0xffff, v15  }
0x25b: {  	v14 =	vadd.s32 $0x4C85, v25;
	v16 =	vadd.s32 v13, v19;
	v15 =	vld [tilespmem:s31+$0xA4A0]  }
0x25c: {  	v18 =	vadd.s32 v14, v19;
	v17 =	vld [tilespmem:s31+$0xA4B0];
	_ =	sdelay $0x3  }
0x25d: {  	[tilespmem:v16+s16+$0x0] =	vst.idx.msk $0xffff, v15  }
0x25e: {  	v15 =	vadd.s32 $0x4406, v25;
	[tilespmem:v18+s16+$0x0] =	vst.idx.msk $0xffff, v17  }
0x25f: {  	v16 =	vadd.s32 $0x4C86, v25;
	v18 =	vadd.s32 v15, v19;
	v17 =	vld [tilespmem:s31+$0xA4C0]  }
0x260: {  	v21 =	vadd.s32 v16, v19;
	v20 =	vld [tilespmem:s31+$0xA4D0];
	_ =	sdelay $0x3  }
0x261: {  	[tilespmem:v18+s16+$0x0] =	vst.idx.msk $0xffff, v17  }
0x262: {  	v17 =	vadd.s32 $0x4407, v25;
	v18 =	vmov s24;
	[tilespmem:v21+s16+$0x0] =	vst.idx.msk $0xffff, v20  }
0x263: {  	v24 =	vadd.s32 v17, v19;
	v22 =	vshrl.u32 v18, $0x3;
	v18 =	vadd.s32 $0x4C87, v25;
	v23 =	vld [tilespmem:s31+$0xA4E0]  }
0x264: {  	v21 =	vld [tilespmem:s31+$0xA4F0];
	v20 =	vshll.u32 v22, $0x3;
	v22 =	vadd.s32 v18, v19;
	_ =	sdelay $0x3  }
0x265: {  	s25 =	simm.s32 $0x100;
	s26 =	simm.s32 $0x800;
	v19 =	vbroadcast v20, $0x0;
	v20 =	vmov v2;
	[tilespmem:v24+s16+$0x0] =	vst.idx.msk $0xffff, v23  }
.LBB2_11:
0x266: {  	s28 =	sshra.s32 s26, $0x2;
	p0 =	sne.s32 s26, $0x3C00;
	s26 =	sadd.s32 $0x400, s26;
	[tilespmem:v22+s16+$0x0] =	vst.idx.msk $0xffff, v21  }
0x267: {  	v21 =	vld [tilespmem:s25+$0xA400];
	v22 =	vadd.s32 v20, v19;
	v20 =	vmov v2  }
0x268: {  	v24 =	vadd.s32 v3, v19;
	v23 =	vld [tilespmem:s25+$0xA410];
	_ =	sdelay $0x3  }
0x269: {  	[tilespmem:v22+s16+$0x0] =	vst.idx.msk $0xffff, v21  }
0x26a: {  	[tilespmem:v24+s16+$0x0] =	vst.idx.msk $0xffff, v23  }
0x26b: {  	v22 =	vadd.s32 v4, v19;
	v21 =	vld [tilespmem:s25+$0xA420]  }
0x26c: {  	v24 =	vadd.s32 v5, v19;
	v23 =	vld [tilespmem:s25+$0xA430];
	_ =	sdelay $0x3  }
0x26d: {  	[tilespmem:v22+s16+$0x0] =	vst.idx.msk $0xffff, v21  }
0x26e: {  	[tilespmem:v24+s16+$0x0] =	vst.idx.msk $0xffff, v23  }
0x26f: {  	v22 =	vadd.s32 v7, v19;
	v21 =	vld [tilespmem:s25+$0xA440]  }
0x270: {  	v24 =	vadd.s32 v8, v19;
	v23 =	vld [tilespmem:s25+$0xA450];
	_ =	sdelay $0x3  }
0x271: {  	[tilespmem:v22+s16+$0x0] =	vst.idx.msk $0xffff, v21  }
0x272: {  	[tilespmem:v24+s16+$0x0] =	vst.idx.msk $0xffff, v23  }
0x273: {  	v22 =	vadd.s32 v9, v19;
	v21 =	vld [tilespmem:s25+$0xA460]  }
0x274: {  	v24 =	vadd.s32 v10, v19;
	v23 =	vld [tilespmem:s25+$0xA470];
	_ =	sdelay $0x3  }
0x275: {  	[tilespmem:v22+s16+$0x0] =	vst.idx.msk $0xffff, v21  }
0x276: {  	[tilespmem:v24+s16+$0x0] =	vst.idx.msk $0xffff, v23  }
0x277: {  	v22 =	vadd.s32 v11, v19;
	v21 =	vld [tilespmem:s25+$0xA480]  }
0x278: {  	v24 =	vadd.s32 v12, v19;
	v23 =	vld [tilespmem:s25+$0xA490];
	_ =	sdelay $0x3  }
0x279: {  	[tilespmem:v22+s16+$0x0] =	vst.idx.msk $0xffff, v21  }
0x27a: {  	[tilespmem:v24+s16+$0x0] =	vst.idx.msk $0xffff, v23  }
0x27b: {  	v22 =	vadd.s32 v13, v19;
	v21 =	vld [tilespmem:s25+$0xA4A0]  }
0x27c: {  	v24 =	vadd.s32 v14, v19;
	v23 =	vld [tilespmem:s25+$0xA4B0];
	_ =	sdelay $0x3  }
0x27d: {  	[tilespmem:v22+s16+$0x0] =	vst.idx.msk $0xffff, v21  }
0x27e: {  	[tilespmem:v24+s16+$0x0] =	vst.idx.msk $0xffff, v23  }
0x27f: {  	v22 =	vadd.s32 v15, v19;
	v21 =	vld [tilespmem:s25+$0xA4C0]  }
0x280: {  	v24 =	vadd.s32 v16, v19;
	v23 =	vld [tilespmem:s25+$0xA4D0];
	_ =	sdelay $0x3  }
0x281: {  	[tilespmem:v22+s16+$0x0] =	vst.idx.msk $0xffff, v21  }
0x282: {  	[tilespmem:v24+s16+$0x0] =	vst.idx.msk $0xffff, v23  }
0x283: {  	v24 =	vadd.s32 v17, v19;
	v23 =	vld [tilespmem:s25+$0xA4E0]  }
.Ltmp6:
0x284: {  	s24 =	sadd.s32 $0x8, s24;
	v22 =	vadd.s32 v18, v19;
	v21 =	vld [tilespmem:s25+$0xA4F0];
	s25 =	smov.u32 s28;
	(pc) =	sbr.rel @p0 .LBB2_11-.Ltmp6, $4  }
0x285: {  	v19 =	vmov s24  }
0x286: {  	v19 =	vshrl.u32 v19, $0x3  }
0x287: {  	v19 =	vshll.u32 v19, $0x3  }
0x288: {  	v19 =	vbroadcast v19, $0x0;
	[tilespmem:v24+s16+$0x0] =	vst.idx.msk $0xffff, v23  }
0x289: {  	_ =	sdelay $0x3  }
0x28a: {  	[tilespmem:v22+s16+$0x0] =	vst.idx.msk $0xffff, v21  }
0x28b: {  	v21 =	vld [tilespmem:s25+$0xA400];
	v20 =	vadd.s32 v20, v19  }
0x28c: {  	v22 =	vld [tilespmem:s25+$0xA410];
	v23 =	vadd.s32 v3, v19;
	_ =	sdelay $0x3  }
0x28d: {  	[tilespmem:v20+s16+$0x0] =	vst.idx.msk $0xffff, v21  }
0x28e: {  	[tilespmem:v23+s16+$0x0] =	vst.idx.msk $0xffff, v22  }
0x28f: {  	v30 =	vadd.s32 v4, v19;
	v20 =	vld [tilespmem:s25+$0xA420]  }
0x290: {  	v31 =	vadd.s32 v5, v19;
	v22 =	vld [tilespmem:s25+$0xA430];
	_ =	sdelay $0x3  }
0x291: {  	[tilespmem:v30+s16+$0x0] =	vst.idx.msk $0xffff, v20  }
0x292: {  	[tilespmem:v31+s16+$0x0] =	vst.idx.msk $0xffff, v22  }
0x293: {  	v32 =	vadd.s32 v7, v19;
	v20 =	vld [tilespmem:s25+$0xA440]  }
0x294: {  	v33 =	vadd.s32 v8, v19;
	v22 =	vld [tilespmem:s25+$0xA450];
	_ =	sdelay $0x3  }
0x295: {  	[tilespmem:v32+s16+$0x0] =	vst.idx.msk $0xffff, v20  }
0x296: {  	[tilespmem:v33+s16+$0x0] =	vst.idx.msk $0xffff, v22  }
0x297: {  	v35 =	vadd.s32 v9, v19;
	v20 =	vld [tilespmem:s25+$0xA460]  }
0x298: {  	v36 =	vadd.s32 v10, v19;
	v22 =	vld [tilespmem:s25+$0xA470];
	_ =	sdelay $0x3  }
0x299: {  	[tilespmem:v35+s16+$0x0] =	vst.idx.msk $0xffff, v20  }
0x29a: {  	[tilespmem:v36+s16+$0x0] =	vst.idx.msk $0xffff, v22  }
0x29b: {  	v37 =	vadd.s32 v11, v19;
	v20 =	vld [tilespmem:s25+$0xA480]  }
0x29c: {  	v38 =	vadd.s32 v12, v19;
	v22 =	vld [tilespmem:s25+$0xA490];
	_ =	sdelay $0x3  }
0x29d: {  	[tilespmem:v37+s16+$0x0] =	vst.idx.msk $0xffff, v20  }
0x29e: {  	[tilespmem:v38+s16+$0x0] =	vst.idx.msk $0xffff, v22  }
0x29f: {  	v39 =	vadd.s32 v13, v19;
	v20 =	vld [tilespmem:s25+$0xA4A0]  }
0x2a0: {  	v41 =	vadd.s32 v14, v19;
	v22 =	vld [tilespmem:s25+$0xA4B0];
	_ =	sdelay $0x3  }
0x2a1: {  	[tilespmem:v39+s16+$0x0] =	vst.idx.msk $0xffff, v20  }
0x2a2: {  	[tilespmem:v41+s16+$0x0] =	vst.idx.msk $0xffff, v22  }
0x2a3: {  	v42 =	vadd.s32 v15, v19;
	v20 =	vld [tilespmem:s25+$0xA4C0]  }
0x2a4: {  	v43 =	vadd.s32 v16, v19;
	v22 =	vld [tilespmem:s25+$0xA4D0];
	_ =	sdelay $0x3  }
0x2a5: {  	[tilespmem:v42+s16+$0x0] =	vst.idx.msk $0xffff, v20  }
0x2a6: {  	[tilespmem:v43+s16+$0x0] =	vst.idx.msk $0xffff, v22  }
0x2a7: {  	v44 =	vadd.s32 v17, v19;
	v20 =	vld [tilespmem:s25+$0xA4E0]  }
0x2a8: {  	v19 =	vadd.s32 v18, v19;
	v22 =	vld [tilespmem:s25+$0xA4F0]  }
0x2a9: {  	s24 =	smul.u32 $0x140000, s22;
	_ =	sdelay $0x1  }
0x2aa: {  	s24 =	sor.u32 s6, s24  }
0x2ab: {  	s24 =	sshrl.u32 s24, $0x3;
	[tilespmem:v44+s16+$0x0] =	vst.idx.msk $0xffff, v20  }
0x2ac: {  	s31 =	simm.s32 $0x10400;
	s26 =	sadd.s32 s2, s24;
	[tilespmem:v19+s16+$0x0] =	vst.idx.msk $0xffff, v22  }
0x2ad: {  	[hbm4b:s26+s3] =	stream.linear.scatter [tilespmem:s31], [sflag:$0x3], $0x80, $0x38;
	[tilespmem:$0x1AE00] =	vst v63  }
0x2ae: {  	s1 =	simm.s32 $0x10488;
	s28 =	sadd.s32 $0x10, s26  }
0x2af: {  	[hbm4b:s28+s3] =	stream.linear.scatter [tilespmem:s1], [sflag:$0x3], $0x80, $0x38;
	[tilespmem:$0x1AE00] =	vst v63  }
0x2b0: {  	s31 =	simm.s32 $0x10510;
	s28 =	sadd.s32 $0x20, s26  }
0x2b1: {  	[hbm4b:s28+s3] =	stream.linear.scatter [tilespmem:s31], [sflag:$0x3], $0x80, $0x38;
	[tilespmem:$0x1AE00] =	vst v63  }
0x2b2: {  	s1 =	simm.s32 $0x10598;
	s28 =	sadd.s32 $0x30, s26  }
0x2b3: {  	[hbm4b:s28+s3] =	stream.linear.scatter [tilespmem:s1], [sflag:$0x3], $0x80, $0x38;
	[tilespmem:$0x1AE00] =	vst v63  }
0x2b4: {  	s31 =	simm.s32 $0x10620;
	s28 =	sadd.s32 $0x40, s26  }
0x2b5: {  	[hbm4b:s28+s3] =	stream.linear.scatter [tilespmem:s31], [sflag:$0x3], $0x80, $0x38;
	[tilespmem:$0x1AE00] =	vst v63  }
0x2b6: {  	s29 =	simm.s32 $0x107B8;
	s1 =	simm.s32 $0x106A8;
	s28 =	sadd.s32 $0x50, s26  }
0x2b7: {  	[hbm4b:s28+s3] =	stream.linear.scatter [tilespmem:s1], [sflag:$0x3], $0x80, $0x38;
	[tilespmem:$0x1AE00] =	vst v63  }
0x2b8: {  	s30 =	sadd.s32 $0x70, s26;
	s31 =	simm.s32 $0x10730;
	s28 =	sadd.s32 $0x60, s26  }
0x2b9: {  	[hbm4b:s28+s3] =	stream.linear.scatter [tilespmem:s31], [sflag:$0x3], $0x80, $0x38;
	[tilespmem:$0x1AE00] =	vst v63  }
0x2ba: {  	s25 =	simm.s32 $0x1100;
	s26 =	sadd.s32 $0x4000, s26;
	s28 =	simm.s32 $0x8800  }
.LBB2_13:
0x2bb: {  	[hbm4b:s30+s3] =	stream.linear.scatter [tilespmem:s29], [sflag:$0x3], $0x80, $0x38;
	[tilespmem:$0x1AE00] =	vst v63  }
0x2bc: {  	s29 =	smov.u32 s25;
	s25 =	smov.u32 s28  }
0x2bd: {  	s31 =	sadd.s32 $0x4400, s28;
	s25 =	sshra.s32 s25, $0x2;
	s30 =	sadd.s32 $0x10400, s29  }
0x2be: {  	[hbm4b:s26+s3] =	stream.linear.scatter [tilespmem:s30], [sflag:$0x3], $0x80, $0x38;
	[tilespmem:$0x1AE00] =	vst v63  }
0x2bf: {  	p0 =	sne.s32 s28, $0x11000;
	s28 =	sadd.s32 $0x10488, s29;
	s30 =	sadd.s32 $0x10, s26  }
0x2c0: {  	[hbm4b:s30+s3] =	stream.linear.scatter [tilespmem:s28], [sflag:$0x3], $0x80, $0x38;
	[tilespmem:$0x1AE00] =	vst v63  }
0x2c1: {  	s28 =	sadd.s32 $0x10510, s29;
	s30 =	sadd.s32 $0x20, s26  }
0x2c2: {  	[hbm4b:s30+s3] =	stream.linear.scatter [tilespmem:s28], [sflag:$0x3], $0x80, $0x38;
	[tilespmem:$0x1AE00] =	vst v63  }
0x2c3: {  	s28 =	sadd.s32 $0x10598, s29;
	s30 =	sadd.s32 $0x30, s26  }
0x2c4: {  	[hbm4b:s30+s3] =	stream.linear.scatter [tilespmem:s28], [sflag:$0x3], $0x80, $0x38;
	[tilespmem:$0x1AE00] =	vst v63  }
0x2c5: {  	s28 =	sadd.s32 $0x10620, s29;
	s30 =	sadd.s32 $0x40, s26  }
0x2c6: {  	[hbm4b:s30+s3] =	stream.linear.scatter [tilespmem:s28], [sflag:$0x3], $0x80, $0x38;
	[tilespmem:$0x1AE00] =	vst v63  }
.Ltmp7:
0x2c7: {  	s28 =	sadd.s32 $0x106A8, s29;
	s30 =	sadd.s32 $0x50, s26;
	(pc) =	sbr.rel @p0 .LBB2_13-.Ltmp7, $4  }
0x2c8: {  	[hbm4b:s30+s3] =	stream.linear.scatter [tilespmem:s28], [sflag:$0x3], $0x80, $0x38;
	[tilespmem:$0x1AE00] =	vst v63  }
0x2c9: {  	s28 =	sadd.s32 $0x10730, s29;
	s30 =	sadd.s32 $0x60, s26;
	s29 =	sadd.s32 $0x107B8, s29  }
0x2ca: {  	[hbm4b:s30+s3] =	stream.linear.scatter [tilespmem:s28], [sflag:$0x3], $0x80, $0x38;
	[tilespmem:$0x1AE00] =	vst v63  }
0x2cb: {  	s30 =	sadd.s32 $0x70, s26;
	s26 =	sadd.s32 $0x4000, s26;
	s28 =	smov.u32 s31  }
0x2cc: {  	[hbm4b:s30+s3] =	stream.linear.scatter [tilespmem:s29], [sflag:$0x3], $0x80, $0x38;
	[tilespmem:$0x1AE00] =	vst v63  }
0x2cd: {  	s28 =	sadd.s32 $0x10400, s25  }
0x2ce: {  	[hbm4b:s26+s3] =	stream.linear.scatter [tilespmem:s28], [sflag:$0x3], $0x80, $0x38;
	[tilespmem:$0x1AE00] =	vst v63  }
0x2cf: {  	s29 =	sadd.s32 $0x10, s26;
	s28 =	sadd.s32 $0x10488, s25  }
0x2d0: {  	[hbm4b:s29+s3] =	stream.linear.scatter [tilespmem:s28], [sflag:$0x3], $0x80, $0x38;
	[tilespmem:$0x1AE00] =	vst v63  }
0x2d1: {  	s28 =	sadd.s32 $0x10510, s25;
	s29 =	sadd.s32 $0x20, s26  }
0x2d2: {  	[hbm4b:s29+s3] =	stream.linear.scatter [tilespmem:s28], [sflag:$0x3], $0x80, $0x38;
	[tilespmem:$0x1AE00] =	vst v63  }
0x2d3: {  	s28 =	sadd.s32 $0x10598, s25;
	s29 =	sadd.s32 $0x30, s26  }
0x2d4: {  	[hbm4b:s29+s3] =	stream.linear.scatter [tilespmem:s28], [sflag:$0x3], $0x80, $0x38;
	[tilespmem:$0x1AE00] =	vst v63  }
0x2d5: {  	s28 =	sadd.s32 $0x10620, s25;
	s29 =	sadd.s32 $0x40, s26  }
0x2d6: {  	[hbm4b:s29+s3] =	stream.linear.scatter [tilespmem:s28], [sflag:$0x3], $0x80, $0x38;
	[tilespmem:$0x1AE00] =	vst v63  }
0x2d7: {  	s28 =	sadd.s32 $0x106A8, s25;
	s29 =	sadd.s32 $0x50, s26  }
0x2d8: {  	[hbm4b:s29+s3] =	stream.linear.scatter [tilespmem:s28], [sflag:$0x3], $0x80, $0x38;
	[tilespmem:$0x1AE00] =	vst v63  }
0x2d9: {  	s28 =	sadd.s32 $0x10730, s25;
	s29 =	sadd.s32 $0x60, s26  }
0x2da: {  	[hbm4b:s29+s3] =	stream.linear.scatter [tilespmem:s28], [sflag:$0x3], $0x80, $0x38;
	[tilespmem:$0x1AE00] =	vst v63  }
0x2db: {  	s31 =	sadd.s32 $0x107B8, s25;
	s1 =	sadd.s32 $0x70, s26  }
0x2dc: {  	[hbm4b:s1+s3] =	stream.linear.scatter [tilespmem:s31], [sflag:$0x3], $0x80, $0x38;
	[tilespmem:$0x1AE00] =	vst v63  }
0x2dd: {  	s26 =	sadd.s32 s24, s7;
	s31 =	simm.s32 $0x10840  }
0x2de: {  	[hbm4b:s26+s3] =	stream.linear.scatter [tilespmem:s31], [sflag:$0x3], $0x80, $0x38;
	[tilespmem:$0x1AE00] =	vst v63  }
0x2df: {  	s28 =	sadd.s32 $0x10, s26;
	s1 =	simm.s32 $0x108C8  }
0x2e0: {  	[hbm4b:s28+s3] =	stream.linear.scatter [tilespmem:s1], [sflag:$0x3], $0x80, $0x38;
	[tilespmem:$0x1AE00] =	vst v63  }
0x2e1: {  	s31 =	simm.s32 $0x10950;
	s28 =	sadd.s32 $0x20, s26  }
0x2e2: {  	[hbm4b:s28+s3] =	stream.linear.scatter [tilespmem:s31], [sflag:$0x3], $0x80, $0x38;
	[tilespmem:$0x1AE00] =	vst v63  }
0x2e3: {  	s1 =	simm.s32 $0x109D8;
	s28 =	sadd.s32 $0x30, s26  }
0x2e4: {  	[hbm4b:s28+s3] =	stream.linear.scatter [tilespmem:s1], [sflag:$0x3], $0x80, $0x38;
	[tilespmem:$0x1AE00] =	vst v63  }
0x2e5: {  	s31 =	simm.s32 $0x10A60;
	s28 =	sadd.s32 $0x40, s26  }
0x2e6: {  	[hbm4b:s28+s3] =	stream.linear.scatter [tilespmem:s31], [sflag:$0x3], $0x80, $0x38;
	[tilespmem:$0x1AE00] =	vst v63  }
0x2e7: {  	s25 =	simm.s32 $0x1100;
	s1 =	simm.s32 $0x10AE8;
	s28 =	sadd.s32 $0x50, s26  }
0x2e8: {  	v24 =	vld [tilespmem:$0x1FDA0];
	[hbm4b:s28+s3] =	stream.linear.scatter [tilespmem:s1], [sflag:$0x3], $0x80, $0x38  }
0x2e9: {  	v20 =	vld [tilespmem:$0x1FFC0];
	s30 =	sadd.s32 $0x70, s26;
	s31 =	simm.s32 $0x10B70;
	s28 =	sadd.s32 $0x60, s26  }
0x2ea: {  	v21 =	vld [tilespmem:$0x1FFD0];
	[hbm4b:s28+s3] =	stream.linear.scatter [tilespmem:s31], [sflag:$0x3], $0x80, $0x38  }
0x2eb: {  	v23 =	vld [tilespmem:$0x1FFE0];
	s29 =	simm.s32 $0x10BF8;
	s26 =	sadd.s32 $0x4000, s26;
	s28 =	simm.s32 $0x8800  }
.LBB2_15:
0x2ec: {  	[hbm4b:s30+s3] =	stream.linear.scatter [tilespmem:s29], [sflag:$0x3], $0x80, $0x38;
	[tilespmem:$0x1AE00] =	vst v63  }
0x2ed: {  	s29 =	smov.u32 s25;
	s25 =	smov.u32 s28  }
0x2ee: {  	s31 =	sadd.s32 $0x4400, s28;
	s25 =	sshra.s32 s25, $0x2;
	s30 =	sadd.s32 $0x10840, s29  }
0x2ef: {  	[hbm4b:s26+s3] =	stream.linear.scatter [tilespmem:s30], [sflag:$0x3], $0x80, $0x38;
	[tilespmem:$0x1AE00] =	vst v63  }
0x2f0: {  	p0 =	sne.s32 s28, $0x11000;
	s28 =	sadd.s32 $0x108C8, s29;
	s30 =	sadd.s32 $0x10, s26  }
0x2f1: {  	[hbm4b:s30+s3] =	stream.linear.scatter [tilespmem:s28], [sflag:$0x3], $0x80, $0x38;
	[tilespmem:$0x1AE00] =	vst v63  }
0x2f2: {  	s28 =	sadd.s32 $0x10950, s29;
	s30 =	sadd.s32 $0x20, s26  }
0x2f3: {  	[hbm4b:s30+s3] =	stream.linear.scatter [tilespmem:s28], [sflag:$0x3], $0x80, $0x38;
	[tilespmem:$0x1AE00] =	vst v63  }
0x2f4: {  	s28 =	sadd.s32 $0x109D8, s29;
	s30 =	sadd.s32 $0x30, s26  }
0x2f5: {  	[hbm4b:s30+s3] =	stream.linear.scatter [tilespmem:s28], [sflag:$0x3], $0x80, $0x38;
	[tilespmem:$0x1AE00] =	vst v63  }
0x2f6: {  	s28 =	sadd.s32 $0x10A60, s29;
	s30 =	sadd.s32 $0x40, s26  }
0x2f7: {  	[hbm4b:s30+s3] =	stream.linear.scatter [tilespmem:s28], [sflag:$0x3], $0x80, $0x38;
	[tilespmem:$0x1AE00] =	vst v63  }
.Ltmp8:
0x2f8: {  	s28 =	sadd.s32 $0x10AE8, s29;
	s30 =	sadd.s32 $0x50, s26;
	(pc) =	sbr.rel @p0 .LBB2_15-.Ltmp8, $4  }
0x2f9: {  	[hbm4b:s30+s3] =	stream.linear.scatter [tilespmem:s28], [sflag:$0x3], $0x80, $0x38;
	[tilespmem:$0x1AE00] =	vst v63  }
0x2fa: {  	s28 =	sadd.s32 $0x10B70, s29;
	s30 =	sadd.s32 $0x60, s26;
	s29 =	sadd.s32 $0x10BF8, s29  }
0x2fb: {  	[hbm4b:s30+s3] =	stream.linear.scatter [tilespmem:s28], [sflag:$0x3], $0x80, $0x38;
	[tilespmem:$0x1AE00] =	vst v63  }
0x2fc: {  	s30 =	sadd.s32 $0x70, s26;
	s26 =	sadd.s32 $0x4000, s26;
	s28 =	smov.u32 s31  }
0x2fd: {  	[hbm4b:s30+s3] =	stream.linear.scatter [tilespmem:s29], [sflag:$0x3], $0x80, $0x38;
	[tilespmem:$0x1AE00] =	vst v63  }
0x2fe: {  	s28 =	sadd.s32 $0x10840, s25  }
0x2ff: {  	[hbm4b:s26+s3] =	stream.linear.scatter [tilespmem:s28], [sflag:$0x3], $0x80, $0x38;
	[tilespmem:$0x1AE00] =	vst v63  }
0x300: {  	s29 =	sadd.s32 $0x10, s26;
	s28 =	sadd.s32 $0x108C8, s25  }
0x301: {  	[hbm4b:s29+s3] =	stream.linear.scatter [tilespmem:s28], [sflag:$0x3], $0x80, $0x38;
	[tilespmem:$0x1AE00] =	vst v63  }
0x302: {  	s28 =	sadd.s32 $0x10950, s25;
	s29 =	sadd.s32 $0x20, s26  }
0x303: {  	[hbm4b:s29+s3] =	stream.linear.scatter [tilespmem:s28], [sflag:$0x3], $0x80, $0x38;
	[tilespmem:$0x1AE00] =	vst v63  }
0x304: {  	s28 =	sadd.s32 $0x109D8, s25;
	s29 =	sadd.s32 $0x30, s26  }
0x305: {  	[hbm4b:s29+s3] =	stream.linear.scatter [tilespmem:s28], [sflag:$0x3], $0x80, $0x38;
	[tilespmem:$0x1AE00] =	vst v63  }
0x306: {  	s28 =	sadd.s32 $0x10A60, s25;
	s29 =	sadd.s32 $0x40, s26  }
0x307: {  	[hbm4b:s29+s3] =	stream.linear.scatter [tilespmem:s28], [sflag:$0x3], $0x80, $0x38;
	[tilespmem:$0x1AE00] =	vst v63  }
0x308: {  	s28 =	sadd.s32 $0x10AE8, s25;
	s29 =	sadd.s32 $0x50, s26  }
0x309: {  	[hbm4b:s29+s3] =	stream.linear.scatter [tilespmem:s28], [sflag:$0x3], $0x80, $0x38;
	[tilespmem:$0x1AE00] =	vst v63  }
0x30a: {  	s28 =	sadd.s32 $0x10B70, s25;
	s29 =	sadd.s32 $0x60, s26  }
0x30b: {  	[hbm4b:s29+s3] =	stream.linear.scatter [tilespmem:s28], [sflag:$0x3], $0x80, $0x38;
	[tilespmem:$0x1AE00] =	vst v63  }
0x30c: {  	s31 =	sadd.s32 $0x10BF8, s25;
	s1 =	sadd.s32 $0x70, s26  }
0x30d: {  	[hbm4b:s1+s3] =	stream.linear.scatter [tilespmem:s31], [sflag:$0x3], $0x80, $0x38;
	[tilespmem:$0x1AE00] =	vst v63  }
0x30e: {  	s26 =	sadd.s32 s24, s8;
	s31 =	simm.s32 $0x10C80  }
0x30f: {  	[hbm4b:s26+s3] =	stream.linear.scatter [tilespmem:s31], [sflag:$0x3], $0x80, $0x38;
	[tilespmem:$0x1AE00] =	vst v63  }
0x310: {  	s28 =	sadd.s32 $0x10, s26;
	s1 =	simm.s32 $0x10D08  }
0x311: {  	[hbm4b:s28+s3] =	stream.linear.scatter [tilespmem:s1], [sflag:$0x3], $0x80, $0x38;
	[tilespmem:$0x1AE00] =	vst v63  }
0x312: {  	s31 =	simm.s32 $0x10D90;
	s28 =	sadd.s32 $0x20, s26  }
0x313: {  	[hbm4b:s28+s3] =	stream.linear.scatter [tilespmem:s31], [sflag:$0x3], $0x80, $0x38;
	[tilespmem:$0x1AE00] =	vst v63  }
0x314: {  	s1 =	simm.s32 $0x10E18;
	s28 =	sadd.s32 $0x30, s26  }
0x315: {  	[hbm4b:s28+s3] =	stream.linear.scatter [tilespmem:s1], [sflag:$0x3], $0x80, $0x38;
	[tilespmem:$0x1AE00] =	vst v63  }
0x316: {  	s31 =	simm.s32 $0x10EA0;
	s28 =	sadd.s32 $0x40, s26  }
0x317: {  	[hbm4b:s28+s3] =	stream.linear.scatter [tilespmem:s31], [sflag:$0x3], $0x80, $0x38;
	[tilespmem:$0x1AE00] =	vst v63  }
0x318: {  	s25 =	simm.s32 $0x1100;
	s1 =	simm.s32 $0x10F28;
	s28 =	sadd.s32 $0x50, s26  }
0x319: {  	[hbm4b:s28+s3] =	stream.linear.scatter [tilespmem:s1], [sflag:$0x3], $0x80, $0x38;
	[tilespmem:$0x1AE00] =	vst v63  }
0x31a: {  	s30 =	sadd.s32 $0x70, s26;
	s31 =	simm.s32 $0x10FB0;
	s28 =	sadd.s32 $0x60, s26  }
0x31b: {  	[hbm4b:s28+s3] =	stream.linear.scatter [tilespmem:s31], [sflag:$0x3], $0x80, $0x38;
	[tilespmem:$0x1AE00] =	vst v63  }
0x31c: {  	s29 =	simm.s32 $0x11038;
	s26 =	sadd.s32 $0x4000, s26;
	s28 =	simm.s32 $0x8800  }
.LBB2_17:
0x31d: {  	[hbm4b:s30+s3] =	stream.linear.scatter [tilespmem:s29], [sflag:$0x3], $0x80, $0x38;
	[tilespmem:$0x1AE00] =	vst v63  }
0x31e: {  	s29 =	smov.u32 s25;
	s25 =	smov.u32 s28  }
0x31f: {  	s31 =	sadd.s32 $0x4400, s28;
	s25 =	sshra.s32 s25, $0x2;
	s30 =	sadd.s32 $0x10C80, s29  }
0x320: {  	[hbm4b:s26+s3] =	stream.linear.scatter [tilespmem:s30], [sflag:$0x3], $0x80, $0x38;
	[tilespmem:$0x1AE00] =	vst v63  }
0x321: {  	p0 =	sne.s32 s28, $0x11000;
	s28 =	sadd.s32 $0x10D08, s29;
	s30 =	sadd.s32 $0x10, s26  }
0x322: {  	[hbm4b:s30+s3] =	stream.linear.scatter [tilespmem:s28], [sflag:$0x3], $0x80, $0x38;
	[tilespmem:$0x1AE00] =	vst v63  }
0x323: {  	s28 =	sadd.s32 $0x10D90, s29;
	s30 =	sadd.s32 $0x20, s26  }
0x324: {  	[hbm4b:s30+s3] =	stream.linear.scatter [tilespmem:s28], [sflag:$0x3], $0x80, $0x38;
	[tilespmem:$0x1AE00] =	vst v63  }
0x325: {  	s28 =	sadd.s32 $0x10E18, s29;
	s30 =	sadd.s32 $0x30, s26  }
0x326: {  	[hbm4b:s30+s3] =	stream.linear.scatter [tilespmem:s28], [sflag:$0x3], $0x80, $0x38;
	[tilespmem:$0x1AE00] =	vst v63  }
0x327: {  	s28 =	sadd.s32 $0x10EA0, s29;
	s30 =	sadd.s32 $0x40, s26  }
0x328: {  	[hbm4b:s30+s3] =	stream.linear.scatter [tilespmem:s28], [sflag:$0x3], $0x80, $0x38;
	[tilespmem:$0x1AE00] =	vst v63  }
.Ltmp9:
0x329: {  	s28 =	sadd.s32 $0x10F28, s29;
	s30 =	sadd.s32 $0x50, s26;
	(pc) =	sbr.rel @p0 .LBB2_17-.Ltmp9, $4  }
0x32a: {  	[hbm4b:s30+s3] =	stream.linear.scatter [tilespmem:s28], [sflag:$0x3], $0x80, $0x38;
	[tilespmem:$0x1AE00] =	vst v63  }
0x32b: {  	s28 =	sadd.s32 $0x10FB0, s29;
	s30 =	sadd.s32 $0x60, s26;
	s29 =	sadd.s32 $0x11038, s29  }
0x32c: {  	[hbm4b:s30+s3] =	stream.linear.scatter [tilespmem:s28], [sflag:$0x3], $0x80, $0x38;
	[tilespmem:$0x1AE00] =	vst v63  }
0x32d: {  	s30 =	sadd.s32 $0x70, s26;
	s26 =	sadd.s32 $0x4000, s26;
	s28 =	smov.u32 s31  }
0x32e: {  	[hbm4b:s30+s3] =	stream.linear.scatter [tilespmem:s29], [sflag:$0x3], $0x80, $0x38;
	[tilespmem:$0x1AE00] =	vst v63  }
0x32f: {  	s28 =	sadd.s32 $0x10C80, s25  }
0x330: {  	[hbm4b:s26+s3] =	stream.linear.scatter [tilespmem:s28], [sflag:$0x3], $0x80, $0x38;
	[tilespmem:$0x1AE00] =	vst v63  }
0x331: {  	s29 =	sadd.s32 $0x10, s26;
	s28 =	sadd.s32 $0x10D08, s25  }
0x332: {  	[hbm4b:s29+s3] =	stream.linear.scatter [tilespmem:s28], [sflag:$0x3], $0x80, $0x38;
	[tilespmem:$0x1AE00] =	vst v63  }
0x333: {  	s28 =	sadd.s32 $0x10D90, s25;
	s29 =	sadd.s32 $0x20, s26  }
0x334: {  	[hbm4b:s29+s3] =	stream.linear.scatter [tilespmem:s28], [sflag:$0x3], $0x80, $0x38;
	[tilespmem:$0x1AE00] =	vst v63  }
0x335: {  	s28 =	sadd.s32 $0x10E18, s25;
	s29 =	sadd.s32 $0x30, s26  }
0x336: {  	[hbm4b:s29+s3] =	stream.linear.scatter [tilespmem:s28], [sflag:$0x3], $0x80, $0x38;
	[tilespmem:$0x1AE00] =	vst v63  }
0x337: {  	s28 =	sadd.s32 $0x10EA0, s25;
	s29 =	sadd.s32 $0x40, s26  }
0x338: {  	[hbm4b:s29+s3] =	stream.linear.scatter [tilespmem:s28], [sflag:$0x3], $0x80, $0x38;
	[tilespmem:$0x1AE00] =	vst v63  }
0x339: {  	s28 =	sadd.s32 $0x10F28, s25;
	s29 =	sadd.s32 $0x50, s26  }
0x33a: {  	[hbm4b:s29+s3] =	stream.linear.scatter [tilespmem:s28], [sflag:$0x3], $0x80, $0x38;
	[tilespmem:$0x1AE00] =	vst v63  }
0x33b: {  	s28 =	sadd.s32 $0x10FB0, s25;
	s29 =	sadd.s32 $0x60, s26  }
0x33c: {  	[hbm4b:s29+s3] =	stream.linear.scatter [tilespmem:s28], [sflag:$0x3], $0x80, $0x38;
	[tilespmem:$0x1AE00] =	vst v63  }
0x33d: {  	s31 =	sadd.s32 $0x11038, s25;
	s1 =	sadd.s32 $0x70, s26  }
0x33e: {  	[hbm4b:s1+s3] =	stream.linear.scatter [tilespmem:s31], [sflag:$0x3], $0x80, $0x38;
	[tilespmem:$0x1AE00] =	vst v63  }
0x33f: {  	s30 =	simm.s32 $0x110C0;
	s25 =	sadd.s32 s24, s9  }
0x340: {  	[hbm4b:s25+s3] =	stream.linear.scatter [tilespmem:s30], [sflag:$0x3], $0x80, $0x38;
	[tilespmem:$0x1AE00] =	vst v63  }
0x341: {  	s31 =	simm.s32 $0x11148;
	s1 =	sadd.s32 $0x10, s25  }
0x342: {  	[hbm4b:s1+s3] =	stream.linear.scatter [tilespmem:s31], [sflag:$0x3], $0x80, $0x38;
	[tilespmem:$0x1AE00] =	vst v63  }
0x343: {  	s26 =	simm.s32 $0x111D0;
	s24 =	simm.s32 $0x1100;
	s30 =	sadd.s32 $0x20, s25  }
0x344: {  	[hbm4b:s30+s3] =	stream.linear.scatter [tilespmem:s26], [sflag:$0x3], $0x80, $0x38;
	[tilespmem:$0x1AE00] =	vst v63  }
0x345: {  	s28 =	simm.s32 $0x11478;
	s31 =	simm.s32 $0x11258;
	s1 =	sadd.s32 $0x30, s25  }
0x346: {  	[hbm4b:s1+s3] =	stream.linear.scatter [tilespmem:s31], [sflag:$0x3], $0x80, $0x38;
	[tilespmem:$0x1AE00] =	vst v63  }
0x347: {  	s29 =	sadd.s32 $0x70, s25;
	s26 =	simm.s32 $0x112E0;
	s30 =	sadd.s32 $0x40, s25  }
0x348: {  	[hbm4b:s30+s3] =	stream.linear.scatter [tilespmem:s26], [sflag:$0x3], $0x80, $0x38;
	[tilespmem:$0x1AE00] =	vst v63  }
0x349: {  	s31 =	simm.s32 $0x11368;
	s1 =	sadd.s32 $0x50, s25;
	s30 =	simm.s32 $0x113F0  }
0x34a: {  	[hbm4b:s1+s3] =	stream.linear.scatter [tilespmem:s31], [sflag:$0x3], $0x80, $0x38;
	[tilespmem:$0x1AE00] =	vst v63  }
0x34b: {  	s26 =	simm.s32 $0x8800;
	s31 =	sadd.s32 $0x60, s25;
	s25 =	sadd.s32 $0x4000, s25  }
0x34c: {  	[hbm4b:s31+s3] =	stream.linear.scatter [tilespmem:s30], [sflag:$0x3], $0x80, $0x38;
	[tilespmem:$0x1AE00] =	vst v63  }
.LBB2_19:
0x34d: {  	[hbm4b:s29+s3] =	stream.linear.scatter [tilespmem:s28], [sflag:$0x3], $0x80, $0x38;
	[tilespmem:$0x1AE00] =	vst v63  }
0x34e: {  	s28 =	smov.u32 s24;
	s24 =	smov.u32 s26  }
0x34f: {  	s30 =	sadd.s32 $0x4400, s26;
	s24 =	sshra.s32 s24, $0x2;
	s29 =	sadd.s32 $0x110C0, s28  }
0x350: {  	[hbm4b:s25+s3] =	stream.linear.scatter [tilespmem:s29], [sflag:$0x3], $0x80, $0x38;
	[tilespmem:$0x1AE00] =	vst v63  }
0x351: {  	p0 =	sne.s32 s26, $0x11000;
	s26 =	sadd.s32 $0x11148, s28;
	s29 =	sadd.s32 $0x10, s25  }
0x352: {  	[hbm4b:s29+s3] =	stream.linear.scatter [tilespmem:s26], [sflag:$0x3], $0x80, $0x38;
	[tilespmem:$0x1AE00] =	vst v63  }
0x353: {  	s26 =	sadd.s32 $0x111D0, s28;
	s29 =	sadd.s32 $0x20, s25  }
0x354: {  	[hbm4b:s29+s3] =	stream.linear.scatter [tilespmem:s26], [sflag:$0x3], $0x80, $0x38;
	[tilespmem:$0x1AE00] =	vst v63  }
0x355: {  	s26 =	sadd.s32 $0x11258, s28;
	s29 =	sadd.s32 $0x30, s25  }
0x356: {  	[hbm4b:s29+s3] =	stream.linear.scatter [tilespmem:s26], [sflag:$0x3], $0x80, $0x38;
	[tilespmem:$0x1AE00] =	vst v63  }
0x357: {  	s26 =	sadd.s32 $0x112E0, s28;
	s29 =	sadd.s32 $0x40, s25  }
0x358: {  	[hbm4b:s29+s3] =	stream.linear.scatter [tilespmem:s26], [sflag:$0x3], $0x80, $0x38;
	[tilespmem:$0x1AE00] =	vst v63  }
.Ltmp10:
0x359: {  	s26 =	sadd.s32 $0x11368, s28;
	s29 =	sadd.s32 $0x50, s25;
	(pc) =	sbr.rel @p0 .LBB2_19-.Ltmp10, $4  }
0x35a: {  	[hbm4b:s29+s3] =	stream.linear.scatter [tilespmem:s26], [sflag:$0x3], $0x80, $0x38;
	[tilespmem:$0x1AE00] =	vst v63  }
0x35b: {  	s26 =	sadd.s32 $0x113F0, s28;
	s29 =	sadd.s32 $0x60, s25;
	s28 =	sadd.s32 $0x11478, s28  }
0x35c: {  	[hbm4b:s29+s3] =	stream.linear.scatter [tilespmem:s26], [sflag:$0x3], $0x80, $0x38;
	[tilespmem:$0x1AE00] =	vst v63  }
0x35d: {  	s29 =	sadd.s32 $0x70, s25;
	s25 =	sadd.s32 $0x4000, s25;
	s26 =	smov.u32 s30  }
0x35e: {  	[hbm4b:s29+s3] =	stream.linear.scatter [tilespmem:s28], [sflag:$0x3], $0x80, $0x38;
	[tilespmem:$0x1AE00] =	vst v63  }
0x35f: {  	s26 =	sadd.s32 $0x110C0, s24  }
0x360: {  	[hbm4b:s25+s3] =	stream.linear.scatter [tilespmem:s26], [sflag:$0x3], $0x80, $0x38;
	[tilespmem:$0x1AE00] =	vst v63  }
0x361: {  	s31 =	sadd.s32 $0x11148, s24;
	s28 =	sadd.s32 $0x10, s25  }
0x362: {  	[hbm4b:s28+s3] =	stream.linear.scatter [tilespmem:s31], [sflag:$0x3], $0x80, $0x38;
	[tilespmem:$0x1AE00] =	vst v63  }
0x363: {  	s1 =	sadd.s32 $0x111D0, s24;
	s28 =	sadd.s32 $0x20, s25  }
0x364: {  	[hbm4b:s28+s3] =	stream.linear.scatter [tilespmem:s1], [sflag:$0x3], $0x80, $0x38;
	[tilespmem:$0x1AE00] =	vst v63  }
0x365: {  	s31 =	sadd.s32 $0x11258, s24;
	s28 =	sadd.s32 $0x30, s25  }
0x366: {  	[hbm4b:s28+s3] =	stream.linear.scatter [tilespmem:s31], [sflag:$0x3], $0x80, $0x38;
	[tilespmem:$0x1AE00] =	vst v63  }
0x367: {  	s1 =	sadd.s32 $0x112E0, s24;
	s28 =	sadd.s32 $0x40, s25  }
0x368: {  	[hbm4b:s28+s3] =	stream.linear.scatter [tilespmem:s1], [sflag:$0x3], $0x80, $0x38;
	[tilespmem:$0x1AE00] =	vst v63  }
0x369: {  	s31 =	sadd.s32 $0x11368, s24;
	s28 =	sadd.s32 $0x50, s25  }
0x36a: {  	[hbm4b:s28+s3] =	stream.linear.scatter [tilespmem:s31], [sflag:$0x3], $0x80, $0x38;
	[tilespmem:$0x1AE00] =	vst v63  }
0x36b: {  	p0 =	seq.s32 s22, $0x13;
	s1 =	sadd.s32 $0x113F0, s24;
	s28 =	sadd.s32 $0x60, s25  }
0x36c: {  	[hbm4b:s28+s3] =	stream.linear.scatter [tilespmem:s1], [sflag:$0x3], $0x80, $0x38;
	[tilespmem:$0x1AE00] =	vst v63  }
0x36d: {  	s31 =	sadd.s32 $0x11478, s24;
	s24 =	smul.u32 @!p0 $0x1400, s22;
	s1 =	sadd.s32 $0x70, s25  }
0x36e: {  	v33 =	vld [tilespmem:$0x1FD50];
	[hbm4b:s1+s3] =	stream.linear.scatter [tilespmem:s31], [sflag:$0x3], $0x80, $0x38  }
0x36f: {  	v31 =	vld [tilespmem:$0x1FFF0];
	p1 =	seq.s32 @!p0 s22, $0x0;
	_ =	swait.ge [sflag:s17], $0x5000  }
0x370: {  	s26 =	simm.s32 @!p0 $0x6400;
	s24 =	sshra.s32 @!p0 s24, $0x2;
	[sflag:s17] =	ssyncset.done $0x0  }
0x371: {  	s25 =	simm.s32 @!p0 $0x280;
	s24 =	sadd.s32 @!p0 $0x500, s24;
	[sflag:s17] =	ssyncadd.s32 $0xFFFFB000  }
0x372: {  	[tilespmem:s26], [sflag:$0x1] =	stream.indirect.gather @!p0 [hbm4b:s4+s25], $0x20, s24, s25, $0xb8;
	[tilespmem:$0x1AE00] =	vst v63  }
0x373: {  	p0 =	por p0, !p1  }
0x374: {  	_ =	swait.ge @p0 [sflag:s20], $0x1400  }
0x375: {  	[sflag:s20] =	ssyncset.done @p0 $0x0  }
0x376: {  	[sflag:s20] =	ssyncadd.s32 @p0 $0xFFFFEC00  }
0x377: {  	_ =	swait.ge @p0 [sflag:s20], $0x1400  }
0x378: {  	[sflag:s20] =	ssyncset.done @p0 $0x0  }
0x379: {  	[sflag:s20] =	ssyncadd.s32 @p0 $0xFFFFEC00  }
0x37a: {  	s25 =	simm.s32 $0x0;
	_ =	swait.ge @p0 [sflag:s20], $0x1400  }
0x37b: {  	v19 =	vmov s25;
	[sflag:s20] =	ssyncset.done @p0 $0x0  }
0x37c: {  	v19 =	vshrl.u32 v19, $0x3;
	[sflag:s20] =	ssyncadd.s32 @p0 $0xFFFFEC00  }
0x37d: {  	v19 =	vshll.u32 v19, v1;
	_ =	swait.ge @p0 [sflag:s20], $0x1400  }
0x37e: {  	v19 =	vbroadcast v19, $0x0;
	[sflag:s20] =	ssyncset.done @p0 $0x0  }
0x37f: {  	s25 =	simm.s32 $0x0;
	[sflag:s20] =	ssyncadd.s32 @p0 $0xFFFFEC00  }
0x380: {  	v28 =	vmov v21;
	v35 =	vmov v20;
	v21 =	vadd.s32 v25, v19;
	v20 =	vld [tilespmem:s25+$0xB400]  }
0x381: {  	s26 =	simm.s32 $0x1;
	v19 =	vadd.s32 v24, v19;
	v22 =	vld [tilespmem:s25+$0xB410]  }
0x382: {  	v36 =	vmov v23;
	v0 =	vmov v25;
	v23 =	vmov s26;
	v25 =	vld [tilespmem:$0x1FDB0]  }
0x383: {  	v23 =	vshrl.u32 v23, $0x3  }
0x384: {  	v23 =	vshll.u32 v23, v1  }
0x385: {  	[tilespmem:v21+s18+$0x0] =	vst.idx.msk $0xffff, v20;
	v20 =	vbroadcast v23, $0x0  }
0x386: {  	[tilespmem:v19+s18+$0x0] =	vst.idx.msk $0xffff, v22  }
0x387: {  	v37 =	vmov v34;
	v19 =	vld [tilespmem:s25+$0xB420];
	v21 =	vadd.s32 v25, v20  }
0x388: {  	s31 =	simm.s32 $0x2;
	v22 =	vld [tilespmem:s25+$0xB430];
	v20 =	vadd.s32 v37, v20  }
0x389: {  	v27 =	vld [tilespmem:$0x1FDC0];
	v23 =	vmov s31  }
0x38a: {  	v26 =	vld [tilespmem:$0x1FDE0];
	v23 =	vshrl.u32 v23, $0x3  }
0x38b: {  	v23 =	vshll.u32 v23, v1  }
0x38c: {  	[tilespmem:v21+s18+$0x0] =	vst.idx.msk $0xffff, v19;
	v19 =	vbroadcast v23, $0x0  }
0x38d: {  	[tilespmem:v20+s18+$0x0] =	vst.idx.msk $0xffff, v22  }
0x38e: {  	v20 =	vld [tilespmem:s25+$0xB440];
	v21 =	vadd.s32 v27, v19  }
0x38f: {  	s1 =	simm.s32 $0x3;
	v22 =	vld [tilespmem:s25+$0xB450];
	v19 =	vadd.s32 v26, v19  }
0x390: {  	v23 =	vmov s1  }
0x391: {  	v30 =	vld [tilespmem:$0x1FDF0];
	v23 =	vshrl.u32 v23, $0x3  }
0x392: {  	v23 =	vshll.u32 v23, v1  }
0x393: {  	[tilespmem:v21+s18+$0x0] =	vst.idx.msk $0xffff, v20;
	v20 =	vbroadcast v23, $0x0  }
0x394: {  	[tilespmem:v19+s18+$0x0] =	vst.idx.msk $0xffff, v22  }
0x395: {  	v19 =	vld [tilespmem:s25+$0xB460];
	v21 =	vadd.s32 v35, v20  }
0x396: {  	s26 =	simm.s32 $0x4;
	v22 =	vld [tilespmem:s25+$0xB470];
	v20 =	vadd.s32 v30, v20  }
0x397: {  	v23 =	vmov s26  }
0x398: {  	v29 =	vld [tilespmem:$0x1FE00];
	v23 =	vshrl.u32 v23, $0x3  }
0x399: {  	v23 =	vshll.u32 v23, v1  }
0x39a: {  	[tilespmem:v21+s18+$0x0] =	vst.idx.msk $0xffff, v19;
	v19 =	vbroadcast v23, $0x0  }
0x39b: {  	[tilespmem:v20+s18+$0x0] =	vst.idx.msk $0xffff, v22  }
0x39c: {  	v20 =	vld [tilespmem:s25+$0xB480];
	v21 =	vadd.s32 v28, v19  }
0x39d: {  	s31 =	simm.s32 $0x5;
	v22 =	vld [tilespmem:s25+$0xB490];
	v19 =	vadd.s32 v29, v19  }
0x39e: {  	v23 =	vmov s31  }
0x39f: {  	v34 =	vld [tilespmem:$0x1FE10];
	v23 =	vshrl.u32 v23, $0x3  }
0x3a0: {  	v23 =	vshll.u32 v23, v1  }
0x3a1: {  	[tilespmem:v21+s18+$0x0] =	vst.idx.msk $0xffff, v20;
	v20 =	vbroadcast v23, $0x0  }
0x3a2: {  	[tilespmem:v19+s18+$0x0] =	vst.idx.msk $0xffff, v22  }
0x3a3: {  	v19 =	vld [tilespmem:s25+$0xB4A0];
	v21 =	vadd.s32 v36, v20  }
0x3a4: {  	s1 =	simm.s32 $0x6;
	v22 =	vld [tilespmem:s25+$0xB4B0];
	v20 =	vadd.s32 v34, v20  }
0x3a5: {  	v23 =	vmov s1  }
0x3a6: {  	v32 =	vld [tilespmem:$0x1FD40];
	v23 =	vshrl.u32 v23, $0x3  }
0x3a7: {  	v23 =	vshll.u32 v23, v1  }
0x3a8: {  	[tilespmem:v21+s18+$0x0] =	vst.idx.msk $0xffff, v19;
	v19 =	vbroadcast v23, $0x0  }
0x3a9: {  	[tilespmem:v20+s18+$0x0] =	vst.idx.msk $0xffff, v22  }
0x3aa: {  	v20 =	vld [tilespmem:s25+$0xB4C0];
	v21 =	vadd.s32 v31, v19  }
0x3ab: {  	s26 =	simm.s32 $0x7;
	v22 =	vld [tilespmem:s25+$0xB4D0];
	v19 =	vadd.s32 v32, v19  }
0x3ac: {  	v23 =	vmov s26  }
0x3ad: {  	v23 =	vshrl.u32 v23, $0x3  }
0x3ae: {  	v23 =	vshll.u32 v23, v1  }
0x3af: {  	[tilespmem:v21+s18+$0x0] =	vst.idx.msk $0xffff, v20;
	v20 =	vbroadcast v23, $0x0  }
0x3b0: {  	s31 =	simm.s32 $0x8;
	[tilespmem:v19+s18+$0x0] =	vst.idx.msk $0xffff, v22  }
0x3b1: {  	v38 =	vmov v40;
	v19 =	vmov s31;
	v22 =	vld [tilespmem:s25+$0xB4E0];
	v23 =	vadd.s32 v33, v20  }
0x3b2: {  	v21 =	vshrl.u32 v19, $0x3;
	v19 =	vld [tilespmem:s25+$0xB4F0];
	v20 =	vadd.s32 v38, v20;
	_ =	sdelay $0x2  }
0x3b3: {  	s30 =	simm.s32 $0x800;
	s29 =	simm.s32 $0xF;
	v21 =	vshll.u32 v21, v1  }
0x3b4: {  	s28 =	simm.s32 $0x100;
	s24 =	simm.s32 $0x100;
	s26 =	simm.s32 $0x0;
	v21 =	vbroadcast v21, $0x0;
	[tilespmem:v23+s18+$0x0] =	vst.idx.msk $0xffff, v22  }
.LBB2_21:
0x3b5: {  	s31 =	sshra.s32 s30, $0x2;
	p0 =	sne.s32 s30, $0x3C00;
	s30 =	sadd.s32 $0x400, s30;
	[tilespmem:v20+s18+$0x0] =	vst.idx.msk $0xffff, v19  }
0x3b6: {  	v19 =	vld [tilespmem:s28+$0xB400];
	v20 =	vadd.s32 v0, v21  }
0x3b7: {  	s1 =	sadd.s32 $0xFFFFFFFA, s29;
	v21 =	vadd.s32 v24, v21;
	v22 =	vld [tilespmem:s28+$0xB410]  }
0x3b8: {  	v23 =	vmov s1  }
0x3b9: {  	v23 =	vshrl.u32 v23, $0x3  }
0x3ba: {  	v23 =	vshll.u32 v23, v1  }
0x3bb: {  	[tilespmem:v20+s18+$0x0] =	vst.idx.msk $0xffff, v19;
	v19 =	vbroadcast v23, $0x0  }
0x3bc: {  	[tilespmem:v21+s18+$0x0] =	vst.idx.msk $0xffff, v22  }
0x3bd: {  	v20 =	vld [tilespmem:s28+$0xB420];
	v21 =	vadd.s32 v25, v19  }
0x3be: {  	s1 =	sadd.s32 $0xFFFFFFFB, s29;
	v19 =	vadd.s32 v37, v19;
	v22 =	vld [tilespmem:s28+$0xB430]  }
0x3bf: {  	v23 =	vmov s1  }
0x3c0: {  	v23 =	vshrl.u32 v23, $0x3  }
0x3c1: {  	v23 =	vshll.u32 v23, v1  }
0x3c2: {  	[tilespmem:v21+s18+$0x0] =	vst.idx.msk $0xffff, v20;
	v20 =	vbroadcast v23, $0x0  }
0x3c3: {  	[tilespmem:v19+s18+$0x0] =	vst.idx.msk $0xffff, v22  }
0x3c4: {  	v19 =	vld [tilespmem:s28+$0xB440];
	v21 =	vadd.s32 v27, v20  }
0x3c5: {  	s1 =	sadd.s32 $0xFFFFFFFC, s29;
	v20 =	vadd.s32 v26, v20;
	v22 =	vld [tilespmem:s28+$0xB450]  }
0x3c6: {  	v23 =	vmov s1  }
0x3c7: {  	v23 =	vshrl.u32 v23, $0x3  }
0x3c8: {  	v23 =	vshll.u32 v23, v1  }
0x3c9: {  	[tilespmem:v21+s18+$0x0] =	vst.idx.msk $0xffff, v19;
	v19 =	vbroadcast v23, $0x0  }
0x3ca: {  	[tilespmem:v20+s18+$0x0] =	vst.idx.msk $0xffff, v22  }
0x3cb: {  	v20 =	vld [tilespmem:s28+$0xB460];
	v21 =	vadd.s32 v35, v19  }
0x3cc: {  	s1 =	sadd.s32 $0xFFFFFFFD, s29;
	v19 =	vadd.s32 v30, v19;
	v22 =	vld [tilespmem:s28+$0xB470]  }
0x3cd: {  	v23 =	vmov s1  }
0x3ce: {  	v23 =	vshrl.u32 v23, $0x3  }
0x3cf: {  	v23 =	vshll.u32 v23, v1  }
0x3d0: {  	[tilespmem:v21+s18+$0x0] =	vst.idx.msk $0xffff, v20;
	v20 =	vbroadcast v23, $0x0  }
0x3d1: {  	[tilespmem:v19+s18+$0x0] =	vst.idx.msk $0xffff, v22  }
0x3d2: {  	v19 =	vld [tilespmem:s28+$0xB480];
	v21 =	vadd.s32 v28, v20  }
0x3d3: {  	s1 =	sadd.s32 $0xFFFFFFFE, s29;
	v20 =	vadd.s32 v29, v20;
	v22 =	vld [tilespmem:s28+$0xB490]  }
0x3d4: {  	v23 =	vmov s1  }
0x3d5: {  	v23 =	vshrl.u32 v23, $0x3  }
0x3d6: {  	v23 =	vshll.u32 v23, v1  }
0x3d7: {  	[tilespmem:v21+s18+$0x0] =	vst.idx.msk $0xffff, v19;
	v19 =	vbroadcast v23, $0x0  }
0x3d8: {  	[tilespmem:v20+s18+$0x0] =	vst.idx.msk $0xffff, v22  }
0x3d9: {  	v20 =	vld [tilespmem:s28+$0xB4A0];
	v21 =	vadd.s32 v36, v19  }
0x3da: {  	s1 =	sadd.s32 $0xFFFFFFFF, s29;
	v19 =	vadd.s32 v34, v19;
	v22 =	vld [tilespmem:s28+$0xB4B0]  }
0x3db: {  	v23 =	vmov s1  }
0x3dc: {  	v23 =	vshrl.u32 v23, $0x3  }
0x3dd: {  	v23 =	vshll.u32 v23, v1  }
0x3de: {  	[tilespmem:v21+s18+$0x0] =	vst.idx.msk $0xffff, v20;
	v20 =	vbroadcast v23, $0x0  }
0x3df: {  	[tilespmem:v19+s18+$0x0] =	vst.idx.msk $0xffff, v22  }
0x3e0: {  	v19 =	vld [tilespmem:s28+$0xB4C0];
	v21 =	vadd.s32 v31, v20  }
0x3e1: {  	v20 =	vadd.s32 v32, v20;
	v22 =	vld [tilespmem:s28+$0xB4D0]  }
0x3e2: {  	v23 =	vmov s29  }
0x3e3: {  	v23 =	vshrl.u32 v23, $0x3  }
0x3e4: {  	v23 =	vshll.u32 v23, v1  }
0x3e5: {  	[tilespmem:v21+s18+$0x0] =	vst.idx.msk $0xffff, v19;
	v21 =	vbroadcast v23, $0x0  }
0x3e6: {  	[tilespmem:v20+s18+$0x0] =	vst.idx.msk $0xffff, v22  }
0x3e7: {  	s29 =	sadd.s32 $0x8, s29;
	v22 =	vld [tilespmem:s28+$0xB4E0];
	v23 =	vadd.s32 v33, v21  }
.Ltmp11:
0x3e8: {  	s1 =	sadd.s32 $0xFFFFFFF9, s29;
	v20 =	vadd.s32 v38, v21;
	v19 =	vld [tilespmem:s28+$0xB4F0];
	s28 =	smov.u32 s31;
	(pc) =	sbr.rel @p0 .LBB2_21-.Ltmp11, $4  }
0x3e9: {  	v21 =	vmov s1  }
0x3ea: {  	v21 =	vshrl.u32 v21, $0x3  }
0x3eb: {  	v21 =	vshll.u32 v21, v1  }
0x3ec: {  	v21 =	vbroadcast v21, $0x0;
	[tilespmem:v23+s18+$0x0] =	vst.idx.msk $0xffff, v22  }
0x3ed: {  	_ =	sdelay $0x3  }
0x3ee: {  	[tilespmem:v20+s18+$0x0] =	vst.idx.msk $0xffff, v19  }
0x3ef: {  	v19 =	vld [tilespmem:s28+$0xB400];
	v20 =	vadd.s32 v0, v21  }
0x3f0: {  	s1 =	sadd.s32 $0xFFFFFFFA, s29;
	v22 =	vld [tilespmem:s28+$0xB410];
	v21 =	vadd.s32 v24, v21  }
0x3f1: {  	v23 =	vmov s1  }
0x3f2: {  	v23 =	vshrl.u32 v23, $0x3  }
0x3f3: {  	v23 =	vshll.u32 v23, v1  }
0x3f4: {  	[tilespmem:v20+s18+$0x0] =	vst.idx.msk $0xffff, v19;
	v19 =	vbroadcast v23, $0x0  }
0x3f5: {  	[tilespmem:v21+s18+$0x0] =	vst.idx.msk $0xffff, v22  }
0x3f6: {  	v20 =	vld [tilespmem:s28+$0xB420];
	v21 =	vadd.s32 v25, v19  }
0x3f7: {  	s31 =	sadd.s32 $0xFFFFFFFB, s29;
	v22 =	vld [tilespmem:s28+$0xB430];
	v19 =	vadd.s32 v37, v19  }
0x3f8: {  	v23 =	vmov s31  }
0x3f9: {  	v23 =	vshrl.u32 v23, $0x3  }
0x3fa: {  	v23 =	vshll.u32 v23, v1  }
0x3fb: {  	[tilespmem:v21+s18+$0x0] =	vst.idx.msk $0xffff, v20;
	v20 =	vbroadcast v23, $0x0  }
0x3fc: {  	[tilespmem:v19+s18+$0x0] =	vst.idx.msk $0xffff, v22  }
0x3fd: {  	v19 =	vld [tilespmem:s28+$0xB440];
	v21 =	vadd.s32 v27, v20  }
0x3fe: {  	s30 =	sadd.s32 $0xFFFFFFFC, s29;
	v22 =	vld [tilespmem:s28+$0xB450];
	v20 =	vadd.s32 v26, v20  }
0x3ff: {  	v23 =	vmov s30  }
0x400: {  	v23 =	vshrl.u32 v23, $0x3  }
0x401: {  	v23 =	vshll.u32 v23, v1  }
0x402: {  	[tilespmem:v21+s18+$0x0] =	vst.idx.msk $0xffff, v19;
	v19 =	vbroadcast v23, $0x0  }
0x403: {  	[tilespmem:v20+s18+$0x0] =	vst.idx.msk $0xffff, v22  }
0x404: {  	v20 =	vld [tilespmem:s28+$0xB460];
	v21 =	vadd.s32 v35, v19  }
0x405: {  	s31 =	sadd.s32 $0xFFFFFFFD, s29;
	v22 =	vld [tilespmem:s28+$0xB470];
	v19 =	vadd.s32 v30, v19  }
0x406: {  	v23 =	vmov s31  }
0x407: {  	v23 =	vshrl.u32 v23, $0x3  }
0x408: {  	v23 =	vshll.u32 v23, v1  }
0x409: {  	[tilespmem:v21+s18+$0x0] =	vst.idx.msk $0xffff, v20;
	v20 =	vbroadcast v23, $0x0  }
0x40a: {  	[tilespmem:v19+s18+$0x0] =	vst.idx.msk $0xffff, v22  }
0x40b: {  	v19 =	vld [tilespmem:s28+$0xB480];
	v21 =	vadd.s32 v28, v20  }
0x40c: {  	s30 =	sadd.s32 $0xFFFFFFFE, s29;
	v22 =	vld [tilespmem:s28+$0xB490];
	v20 =	vadd.s32 v29, v20  }
0x40d: {  	v23 =	vmov s30  }
0x40e: {  	v23 =	vshrl.u32 v23, $0x3  }
0x40f: {  	v23 =	vshll.u32 v23, v1  }
0x410: {  	[tilespmem:v21+s18+$0x0] =	vst.idx.msk $0xffff, v19;
	v19 =	vbroadcast v23, $0x0  }
0x411: {  	[tilespmem:v20+s18+$0x0] =	vst.idx.msk $0xffff, v22  }
0x412: {  	v20 =	vld [tilespmem:s28+$0xB4A0];
	v21 =	vadd.s32 v36, v19  }
0x413: {  	s31 =	sadd.s32 $0xFFFFFFFF, s29;
	v22 =	vld [tilespmem:s28+$0xB4B0];
	v19 =	vadd.s32 v34, v19  }
0x414: {  	v23 =	vmov s31  }
0x415: {  	v23 =	vshrl.u32 v23, $0x3  }
0x416: {  	v23 =	vshll.u32 v23, v1  }
0x417: {  	[tilespmem:v21+s18+$0x0] =	vst.idx.msk $0xffff, v20;
	v20 =	vbroadcast v23, $0x0  }
0x418: {  	[tilespmem:v19+s18+$0x0] =	vst.idx.msk $0xffff, v22  }
0x419: {  	v19 =	vld [tilespmem:s28+$0xB4C0];
	v21 =	vadd.s32 v31, v20  }
0x41a: {  	v22 =	vld [tilespmem:s28+$0xB4D0];
	v20 =	vadd.s32 v32, v20  }
0x41b: {  	v23 =	vmov s29  }
0x41c: {  	v23 =	vshrl.u32 v23, $0x3  }
0x41d: {  	v23 =	vshll.u32 v23, v1  }
0x41e: {  	[tilespmem:v21+s18+$0x0] =	vst.idx.msk $0xffff, v19;
	v19 =	vbroadcast v23, $0x0  }
0x41f: {  	[tilespmem:v20+s18+$0x0] =	vst.idx.msk $0xffff, v22  }
0x420: {  	v20 =	vld [tilespmem:s28+$0xB4E0];
	v21 =	vadd.s32 v33, v19;
	_ =	sdelay $0x1  }
0x421: {  	v0 =	vld [tilespmem:$0x1FE20];
	v23 =	vmov s26  }
0x422: {  	v23 =	vshrl.u32 v23, $0x3  }
0x423: {  	v23 =	vshll.u32 v23, $0x3  }
0x424: {  	v22 =	vld [tilespmem:s28+$0xB4F0];
	v19 =	vadd.s32 v38, v19;
	[tilespmem:v21+s18+$0x0] =	vst.idx.msk $0xffff, v20;
	v21 =	vbroadcast v23, $0x0;
	_ =	sdelay $0x1  }
0x425: {  	v20 =	vadd.s32 v0, v21;
	v0 =	vld [tilespmem:$0x1FE30];
	_ =	sdelay $0x2  }
0x426: {  	[tilespmem:v19+s18+$0x0] =	vst.idx.msk $0xffff, v22  }
0x427: {  	v19 =	vld [tilespmem:s25+$0xC400]  }
0x428: {  	v23 =	vadd.s32 v0, v21;
	v0 =	vld [tilespmem:$0x1FE40];
	_ =	sdelay $0x2  }
0x429: {  	v22 =	vld [tilespmem:s25+$0xC410];
	_ =	sdelay $0x1  }
0x42a: {  	[tilespmem:v20+s18+$0x0] =	vst.idx.msk $0xffff, v19;
	v20 =	vadd.s32 v0, v21;
	v0 =	vld [tilespmem:$0x1FE50];
	_ =	sdelay $0x2  }
0x42b: {  	[tilespmem:v23+s18+$0x0] =	vst.idx.msk $0xffff, v22  }
0x42c: {  	v19 =	vld [tilespmem:s25+$0xC420]  }
0x42d: {  	v22 =	vld [tilespmem:s25+$0xC430];
	v23 =	vadd.s32 v0, v21  }
0x42e: {  	v24 =	vld [tilespmem:$0x1FE60]  }
0x42f: {  	v0 =	vld [tilespmem:$0x1FE70];
	_ =	sdelay $0x1  }
0x430: {  	[tilespmem:v20+s18+$0x0] =	vst.idx.msk $0xffff, v19  }
0x431: {  	[tilespmem:v23+s18+$0x0] =	vst.idx.msk $0xffff, v22  }
0x432: {  	v20 =	vadd.s32 v24, v21;
	v19 =	vld [tilespmem:s25+$0xC440]  }
0x433: {  	v23 =	vadd.s32 v0, v21;
	v22 =	vld [tilespmem:s25+$0xC450]  }
0x434: {  	v25 =	vld [tilespmem:$0x1FE80]  }
0x435: {  	v41 =	vld [tilespmem:$0x1FD70];
	_ =	sdelay $0x1  }
0x436: {  	[tilespmem:v20+s18+$0x0] =	vst.idx.msk $0xffff, v19  }
0x437: {  	[tilespmem:v23+s18+$0x0] =	vst.idx.msk $0xffff, v22  }
0x438: {  	v20 =	vadd.s32 v25, v21;
	v19 =	vld [tilespmem:s25+$0xC460]  }
0x439: {  	v23 =	vadd.s32 v41, v21;
	v22 =	vld [tilespmem:s25+$0xC470]  }
0x43a: {  	v30 =	vld [tilespmem:$0x1FE90]  }
0x43b: {  	v27 =	vld [tilespmem:$0x1FEA0];
	_ =	sdelay $0x1  }
0x43c: {  	[tilespmem:v20+s18+$0x0] =	vst.idx.msk $0xffff, v19  }
0x43d: {  	[tilespmem:v23+s18+$0x0] =	vst.idx.msk $0xffff, v22  }
0x43e: {  	v20 =	vadd.s32 v30, v21;
	v19 =	vld [tilespmem:s25+$0xC480]  }
0x43f: {  	v23 =	vadd.s32 v27, v21;
	v22 =	vld [tilespmem:s25+$0xC490]  }
0x440: {  	v42 =	vld [tilespmem:$0x1FEB0]  }
0x441: {  	v40 =	vld [tilespmem:$0x1FEC0];
	_ =	sdelay $0x1  }
0x442: {  	[tilespmem:v20+s18+$0x0] =	vst.idx.msk $0xffff, v19  }
0x443: {  	[tilespmem:v23+s18+$0x0] =	vst.idx.msk $0xffff, v22  }
0x444: {  	v20 =	vadd.s32 v42, v21;
	v19 =	vld [tilespmem:s25+$0xC4A0]  }
0x445: {  	v23 =	vadd.s32 v40, v21;
	v22 =	vld [tilespmem:s25+$0xC4B0]  }
0x446: {  	v34 =	vld [tilespmem:$0x1FD80]  }
0x447: {  	v39 =	vld [tilespmem:$0x1FD90];
	_ =	sdelay $0x1  }
0x448: {  	[tilespmem:v20+s18+$0x0] =	vst.idx.msk $0xffff, v19  }
0x449: {  	[tilespmem:v23+s18+$0x0] =	vst.idx.msk $0xffff, v22  }
0x44a: {  	v20 =	vadd.s32 v34, v21;
	v19 =	vld [tilespmem:s25+$0xC4C0]  }
0x44b: {  	v23 =	vadd.s32 v39, v21;
	v22 =	vld [tilespmem:s25+$0xC4D0]  }
0x44c: {  	v43 =	vld [tilespmem:$0x1FED0]  }
0x44d: {  	v44 =	vld [tilespmem:$0x1FEE0];
	_ =	sdelay $0x1  }
0x44e: {  	[tilespmem:v20+s18+$0x0] =	vst.idx.msk $0xffff, v19  }
0x44f: {  	[tilespmem:v23+s18+$0x0] =	vst.idx.msk $0xffff, v22  }
0x450: {  	v23 =	vadd.s32 v43, v21;
	v22 =	vld [tilespmem:s25+$0xC4E0]  }
0x451: {  	s26 =	simm.s32 $0x8;
	v21 =	vadd.s32 v44, v21;
	v20 =	vld [tilespmem:s25+$0xC4F0]  }
0x452: {  	v35 =	vld [tilespmem:$0x1FE20];
	v19 =	vmov s26  }
0x453: {  	v36 =	vld [tilespmem:$0x1FE30];
	v19 =	vshrl.u32 v19, $0x3  }
0x454: {  	v37 =	vld [tilespmem:$0x1FE40];
	v19 =	vshll.u32 v19, $0x3  }
0x455: {  	v38 =	vld [tilespmem:$0x1FE50];
	s25 =	simm.s32 $0x800;
	v19 =	vbroadcast v19, $0x0;
	[tilespmem:v23+s18+$0x0] =	vst.idx.msk $0xffff, v22  }
.LBB2_23:
0x456: {  	s28 =	sshra.s32 s25, $0x2;
	p0 =	sne.s32 s25, $0x3C00;
	s25 =	sadd.s32 $0x400, s25;
	[tilespmem:v21+s18+$0x0] =	vst.idx.msk $0xffff, v20  }
0x457: {  	v20 =	vld [tilespmem:s24+$0xC400];
	v21 =	vadd.s32 v35, v19  }
0x458: {  	v23 =	vadd.s32 v36, v19;
	v22 =	vld [tilespmem:s24+$0xC410];
	_ =	sdelay $0x3  }
0x459: {  	[tilespmem:v21+s18+$0x0] =	vst.idx.msk $0xffff, v20  }
0x45a: {  	[tilespmem:v23+s18+$0x0] =	vst.idx.msk $0xffff, v22  }
0x45b: {  	v21 =	vadd.s32 v37, v19;
	v20 =	vld [tilespmem:s24+$0xC420]  }
0x45c: {  	v23 =	vadd.s32 v38, v19;
	v22 =	vld [tilespmem:s24+$0xC430];
	_ =	sdelay $0x3  }
0x45d: {  	[tilespmem:v21+s18+$0x0] =	vst.idx.msk $0xffff, v20  }
0x45e: {  	[tilespmem:v23+s18+$0x0] =	vst.idx.msk $0xffff, v22  }
0x45f: {  	v21 =	vadd.s32 v24, v19;
	v20 =	vld [tilespmem:s24+$0xC440]  }
0x460: {  	v23 =	vadd.s32 v0, v19;
	v22 =	vld [tilespmem:s24+$0xC450];
	_ =	sdelay $0x3  }
0x461: {  	[tilespmem:v21+s18+$0x0] =	vst.idx.msk $0xffff, v20  }
0x462: {  	[tilespmem:v23+s18+$0x0] =	vst.idx.msk $0xffff, v22  }
0x463: {  	v21 =	vadd.s32 v25, v19;
	v20 =	vld [tilespmem:s24+$0xC460]  }
0x464: {  	v23 =	vadd.s32 v41, v19;
	v22 =	vld [tilespmem:s24+$0xC470];
	_ =	sdelay $0x3  }
0x465: {  	[tilespmem:v21+s18+$0x0] =	vst.idx.msk $0xffff, v20  }
0x466: {  	[tilespmem:v23+s18+$0x0] =	vst.idx.msk $0xffff, v22  }
0x467: {  	v21 =	vadd.s32 v30, v19;
	v20 =	vld [tilespmem:s24+$0xC480]  }
0x468: {  	v23 =	vadd.s32 v27, v19;
	v22 =	vld [tilespmem:s24+$0xC490];
	_ =	sdelay $0x3  }
0x469: {  	[tilespmem:v21+s18+$0x0] =	vst.idx.msk $0xffff, v20  }
0x46a: {  	[tilespmem:v23+s18+$0x0] =	vst.idx.msk $0xffff, v22  }
0x46b: {  	v21 =	vadd.s32 v42, v19;
	v20 =	vld [tilespmem:s24+$0xC4A0]  }
0x46c: {  	v23 =	vadd.s32 v40, v19;
	v22 =	vld [tilespmem:s24+$0xC4B0];
	_ =	sdelay $0x3  }
0x46d: {  	[tilespmem:v21+s18+$0x0] =	vst.idx.msk $0xffff, v20  }
0x46e: {  	[tilespmem:v23+s18+$0x0] =	vst.idx.msk $0xffff, v22  }
0x46f: {  	v21 =	vadd.s32 v34, v19;
	v20 =	vld [tilespmem:s24+$0xC4C0]  }
0x470: {  	v23 =	vadd.s32 v39, v19;
	v22 =	vld [tilespmem:s24+$0xC4D0];
	_ =	sdelay $0x3  }
0x471: {  	[tilespmem:v21+s18+$0x0] =	vst.idx.msk $0xffff, v20  }
0x472: {  	[tilespmem:v23+s18+$0x0] =	vst.idx.msk $0xffff, v22  }
0x473: {  	v23 =	vadd.s32 v43, v19;
	v22 =	vld [tilespmem:s24+$0xC4E0]  }
.Ltmp12:
0x474: {  	s26 =	sadd.s32 $0x8, s26;
	v21 =	vadd.s32 v44, v19;
	v20 =	vld [tilespmem:s24+$0xC4F0];
	s24 =	smov.u32 s28;
	(pc) =	sbr.rel @p0 .LBB2_23-.Ltmp12, $4  }
0x475: {  	v19 =	vmov s26  }
0x476: {  	v19 =	vshrl.u32 v19, $0x3  }
0x477: {  	v19 =	vshll.u32 v19, $0x3  }
0x478: {  	v19 =	vbroadcast v19, $0x0;
	[tilespmem:v23+s18+$0x0] =	vst.idx.msk $0xffff, v22  }
0x479: {  	_ =	sdelay $0x3  }
0x47a: {  	[tilespmem:v21+s18+$0x0] =	vst.idx.msk $0xffff, v20  }
0x47b: {  	v20 =	vld [tilespmem:s24+$0xC400];
	v21 =	vadd.s32 v35, v19  }
0x47c: {  	v22 =	vld [tilespmem:s24+$0xC410];
	v23 =	vadd.s32 v36, v19;
	_ =	sdelay $0x3  }
0x47d: {  	[tilespmem:v21+s18+$0x0] =	vst.idx.msk $0xffff, v20  }
0x47e: {  	[tilespmem:v23+s18+$0x0] =	vst.idx.msk $0xffff, v22  }
0x47f: {  	v21 =	vadd.s32 v37, v19;
	v20 =	vld [tilespmem:s24+$0xC420]  }
0x480: {  	v23 =	vadd.s32 v38, v19;
	v22 =	vld [tilespmem:s24+$0xC430];
	_ =	sdelay $0x3  }
0x481: {  	[tilespmem:v21+s18+$0x0] =	vst.idx.msk $0xffff, v20  }
0x482: {  	[tilespmem:v23+s18+$0x0] =	vst.idx.msk $0xffff, v22  }
0x483: {  	v21 =	vadd.s32 v24, v19;
	v20 =	vld [tilespmem:s24+$0xC440]  }
0x484: {  	v23 =	vadd.s32 v0, v19;
	v22 =	vld [tilespmem:s24+$0xC450];
	_ =	sdelay $0x3  }
0x485: {  	[tilespmem:v21+s18+$0x0] =	vst.idx.msk $0xffff, v20  }
0x486: {  	[tilespmem:v23+s18+$0x0] =	vst.idx.msk $0xffff, v22  }
0x487: {  	v21 =	vadd.s32 v25, v19;
	v20 =	vld [tilespmem:s24+$0xC460]  }
0x488: {  	v23 =	vadd.s32 v41, v19;
	v22 =	vld [tilespmem:s24+$0xC470];
	_ =	sdelay $0x3  }
0x489: {  	[tilespmem:v21+s18+$0x0] =	vst.idx.msk $0xffff, v20  }
0x48a: {  	[tilespmem:v23+s18+$0x0] =	vst.idx.msk $0xffff, v22  }
0x48b: {  	v21 =	vadd.s32 v30, v19;
	v20 =	vld [tilespmem:s24+$0xC480]  }
0x48c: {  	v23 =	vadd.s32 v27, v19;
	v22 =	vld [tilespmem:s24+$0xC490];
	_ =	sdelay $0x3  }
0x48d: {  	[tilespmem:v21+s18+$0x0] =	vst.idx.msk $0xffff, v20  }
0x48e: {  	[tilespmem:v23+s18+$0x0] =	vst.idx.msk $0xffff, v22  }
0x48f: {  	v21 =	vadd.s32 v42, v19;
	v20 =	vld [tilespmem:s24+$0xC4A0]  }
0x490: {  	v23 =	vadd.s32 v40, v19;
	v22 =	vld [tilespmem:s24+$0xC4B0];
	_ =	sdelay $0x3  }
0x491: {  	[tilespmem:v21+s18+$0x0] =	vst.idx.msk $0xffff, v20  }
0x492: {  	[tilespmem:v23+s18+$0x0] =	vst.idx.msk $0xffff, v22  }
0x493: {  	v21 =	vadd.s32 v34, v19;
	v20 =	vld [tilespmem:s24+$0xC4C0]  }
0x494: {  	v23 =	vadd.s32 v39, v19;
	v22 =	vld [tilespmem:s24+$0xC4D0];
	_ =	sdelay $0x3  }
0x495: {  	[tilespmem:v21+s18+$0x0] =	vst.idx.msk $0xffff, v20  }
0x496: {  	[tilespmem:v23+s18+$0x0] =	vst.idx.msk $0xffff, v22  }
0x497: {  	s1 =	simm.s32 $0x0;
	v22 =	vadd.s32 v43, v19;
	v21 =	vld [tilespmem:s24+$0xC4E0]  }
0x498: {  	p1 =	por $0x1, $0x1;
	v20 =	vmov s1;
	v19 =	vadd.s32 v44, v19;
	v23 =	vld [tilespmem:s24+$0xC4F0]  }
.Ltmp13:
0x499: {  	v25 =	vld [tilespmem:$0x1FDD0];
	v20 =	vshrl.u32 v20, $0x3;
	(pc) =	sbr.rel @!p1 .LBB2_27-.Ltmp13, $4  }
0x49a: {  	v41 =	vld [tilespmem:$0x1FEF0];
	v20 =	vshll.u32 v20, $0x3  }
0x49b: {  	v30 =	vmov v42;
	v42 =	vld [tilespmem:$0x1FF00];
	v20 =	vbroadcast v20, $0x0  }
0x49c: {  	p0 =	por $0x0, $0x0;
	v43 =	vld [tilespmem:$0x1FF10];
	[tilespmem:v22+s18+$0x0] =	vst.idx.msk $0xffff, v21  }
0x49d: {  	s25 =	simm.s32 $0x0;
	p2 =	por $0x0, $0x0;
	v44 =	vld [tilespmem:$0x1FF20];
	s24 =	simm.s32 $0x0;
	[tilespmem:v19+s18+$0x0] =	vst.idx.msk $0xffff, v23;
	v19 =	vmov v20  }
0x49e: {  	_ = 	snop  }
0x49f: {  	v19 =	vld [tilespmem:s24+$0xD400];
	v21 =	vadd.s32 v41, v20  }
0x4a0: {  	v22 =	vld [tilespmem:s24+$0xD410];
	v23 =	vadd.s32 v42, v20;
	_ =	sdelay $0x3  }
0x4a1: {  	[tilespmem:v21+s18+$0x0] =	vst.idx.msk $0xffff, v19  }
0x4a2: {  	[tilespmem:v23+s18+$0x0] =	vst.idx.msk $0xffff, v22  }
0x4a3: {  	v21 =	vadd.s32 v43, v20;
	v19 =	vld [tilespmem:s24+$0xD420]  }
0x4a4: {  	v23 =	vadd.s32 v44, v20;
	v22 =	vld [tilespmem:s24+$0xD430]  }
0x4a5: {  	v28 =	vld [tilespmem:$0x1FF30]  }
0x4a6: {  	v26 =	vld [tilespmem:$0x1FF40];
	_ =	sdelay $0x1  }
0x4a7: {  	[tilespmem:v21+s18+$0x0] =	vst.idx.msk $0xffff, v19  }
0x4a8: {  	[tilespmem:v23+s18+$0x0] =	vst.idx.msk $0xffff, v22  }
0x4a9: {  	v21 =	vadd.s32 v28, v20;
	v19 =	vld [tilespmem:s24+$0xD440]  }
0x4aa: {  	v23 =	vadd.s32 v26, v20;
	v22 =	vld [tilespmem:s24+$0xD450]  }
0x4ab: {  	v32 =	vld [tilespmem:$0x1FF50]  }
0x4ac: {  	v31 =	vld [tilespmem:$0x1FF60];
	_ =	sdelay $0x1  }
0x4ad: {  	[tilespmem:v21+s18+$0x0] =	vst.idx.msk $0xffff, v19  }
0x4ae: {  	[tilespmem:v23+s18+$0x0] =	vst.idx.msk $0xffff, v22  }
0x4af: {  	v21 =	vadd.s32 v32, v20;
	v19 =	vld [tilespmem:s24+$0xD460]  }
0x4b0: {  	v23 =	vadd.s32 v31, v20;
	v22 =	vld [tilespmem:s24+$0xD470]  }
0x4b1: {  	v29 =	vld [tilespmem:$0x1FF70]  }
0x4b2: {  	v33 =	vld [tilespmem:$0x1FF80];
	_ =	sdelay $0x1  }
0x4b3: {  	[tilespmem:v21+s18+$0x0] =	vst.idx.msk $0xffff, v19  }
0x4b4: {  	[tilespmem:v23+s18+$0x0] =	vst.idx.msk $0xffff, v22  }
0x4b5: {  	v21 =	vadd.s32 v29, v20;
	v19 =	vld [tilespmem:s24+$0xD480]  }
0x4b6: {  	v23 =	vadd.s32 v33, v20;
	v22 =	vld [tilespmem:s24+$0xD490]  }
0x4b7: {  	v0 =	vld [tilespmem:$0x1FF90]  }
0x4b8: {  	v34 =	vld [tilespmem:$0x1FFA0];
	_ =	sdelay $0x1  }
0x4b9: {  	[tilespmem:v21+s18+$0x0] =	vst.idx.msk $0xffff, v19  }
0x4ba: {  	[tilespmem:v23+s18+$0x0] =	vst.idx.msk $0xffff, v22  }
0x4bb: {  	v21 =	vadd.s32 v0, v20;
	v19 =	vld [tilespmem:s24+$0xD4A0]  }
0x4bc: {  	v23 =	vadd.s32 v34, v20;
	v22 =	vld [tilespmem:s24+$0xD4B0];
	_ =	sdelay $0x3  }
0x4bd: {  	[tilespmem:v21+s18+$0x0] =	vst.idx.msk $0xffff, v19  }
0x4be: {  	[tilespmem:v23+s18+$0x0] =	vst.idx.msk $0xffff, v22  }
0x4bf: {  	v21 =	vadd.s32 v45, v20;
	v19 =	vld [tilespmem:s24+$0xD4C0]  }
0x4c0: {  	v23 =	vadd.s32 v46, v20;
	v22 =	vld [tilespmem:s24+$0xD4D0];
	_ =	sdelay $0x3  }
0x4c1: {  	[tilespmem:v21+s18+$0x0] =	vst.idx.msk $0xffff, v19  }
0x4c2: {  	[tilespmem:v23+s18+$0x0] =	vst.idx.msk $0xffff, v22  }
0x4c3: {  	v24 =	vadd.s32 v47, v20;
	p3 =	por $0x1, $0x1;
	v23 =	vld [tilespmem:s24+$0xD4E0]  }
.Ltmp14:
0x4c4: {  	s26 =	simm.s32 $0x8;
	v22 =	vadd.s32 v48, v20;
	v21 =	vld [tilespmem:s24+$0xD4F0];
	(pc) =	sbr.rel @!p3 .LBB2_27-.Ltmp14, $4  }
0x4c5: {  	v19 =	vmov s26  }
0x4c6: {  	v19 =	vshrl.u32 v19, $0x3  }
0x4c7: {  	v19 =	vshll.u32 v19, $0x3  }
0x4c8: {  	s25 =	simm.s32 $0x100;
	s28 =	simm.s32 $0x800;
	p2 =	por $0x1, $0x1;
	v19 =	vbroadcast v19, $0x0;
	[tilespmem:v24+s18+$0x0] =	vst.idx.msk $0xffff, v23  }
.LBB2_26:
0x4c9: {  	s29 =	sshra.s32 s28, $0x2;
	p3 =	sne.s32 s28, $0x3C00;
	s28 =	sadd.s32 $0x400, s28;
	[tilespmem:v22+s18+$0x0] =	vst.idx.msk $0xffff, v21  }
0x4ca: {  	v21 =	vld [tilespmem:s25+$0xD400];
	v22 =	vadd.s32 v41, v19  }
0x4cb: {  	v24 =	vadd.s32 v42, v19;
	v23 =	vld [tilespmem:s25+$0xD410];
	_ =	sdelay $0x3  }
0x4cc: {  	[tilespmem:v22+s18+$0x0] =	vst.idx.msk $0xffff, v21  }
0x4cd: {  	[tilespmem:v24+s18+$0x0] =	vst.idx.msk $0xffff, v23  }
0x4ce: {  	v22 =	vadd.s32 v43, v19;
	v21 =	vld [tilespmem:s25+$0xD420]  }
0x4cf: {  	v24 =	vadd.s32 v44, v19;
	v23 =	vld [tilespmem:s25+$0xD430];
	_ =	sdelay $0x3  }
0x4d0: {  	[tilespmem:v22+s18+$0x0] =	vst.idx.msk $0xffff, v21  }
0x4d1: {  	[tilespmem:v24+s18+$0x0] =	vst.idx.msk $0xffff, v23  }
0x4d2: {  	v22 =	vadd.s32 v28, v19;
	v21 =	vld [tilespmem:s25+$0xD440]  }
0x4d3: {  	v24 =	vadd.s32 v26, v19;
	v23 =	vld [tilespmem:s25+$0xD450];
	_ =	sdelay $0x3  }
0x4d4: {  	[tilespmem:v22+s18+$0x0] =	vst.idx.msk $0xffff, v21  }
0x4d5: {  	[tilespmem:v24+s18+$0x0] =	vst.idx.msk $0xffff, v23  }
0x4d6: {  	v22 =	vadd.s32 v32, v19;
	v21 =	vld [tilespmem:s25+$0xD460]  }
0x4d7: {  	v24 =	vadd.s32 v31, v19;
	v23 =	vld [tilespmem:s25+$0xD470];
	_ =	sdelay $0x3  }
0x4d8: {  	[tilespmem:v22+s18+$0x0] =	vst.idx.msk $0xffff, v21  }
0x4d9: {  	[tilespmem:v24+s18+$0x0] =	vst.idx.msk $0xffff, v23  }
0x4da: {  	v22 =	vadd.s32 v29, v19;
	v21 =	vld [tilespmem:s25+$0xD480]  }
0x4db: {  	v24 =	vadd.s32 v33, v19;
	v23 =	vld [tilespmem:s25+$0xD490];
	_ =	sdelay $0x3  }
0x4dc: {  	[tilespmem:v22+s18+$0x0] =	vst.idx.msk $0xffff, v21  }
0x4dd: {  	[tilespmem:v24+s18+$0x0] =	vst.idx.msk $0xffff, v23  }
0x4de: {  	v22 =	vadd.s32 v0, v19;
	v21 =	vld [tilespmem:s25+$0xD4A0]  }
0x4df: {  	v24 =	vadd.s32 v34, v19;
	v23 =	vld [tilespmem:s25+$0xD4B0];
	_ =	sdelay $0x3  }
0x4e0: {  	[tilespmem:v22+s18+$0x0] =	vst.idx.msk $0xffff, v21  }
0x4e1: {  	[tilespmem:v24+s18+$0x0] =	vst.idx.msk $0xffff, v23  }
0x4e2: {  	v22 =	vadd.s32 v45, v19;
	v21 =	vld [tilespmem:s25+$0xD4C0]  }
0x4e3: {  	v24 =	vadd.s32 v46, v19;
	v23 =	vld [tilespmem:s25+$0xD4D0];
	_ =	sdelay $0x3  }
0x4e4: {  	[tilespmem:v22+s18+$0x0] =	vst.idx.msk $0xffff, v21  }
0x4e5: {  	[tilespmem:v24+s18+$0x0] =	vst.idx.msk $0xffff, v23  }
0x4e6: {  	v24 =	vadd.s32 v47, v19;
	v23 =	vld [tilespmem:s25+$0xD4E0]  }
.Ltmp15:
0x4e7: {  	s26 =	sadd.s32 $0x8, s26;
	v22 =	vadd.s32 v48, v19;
	v21 =	vld [tilespmem:s25+$0xD4F0];
	s25 =	smov.u32 s29;
	(pc) =	sbr.rel @p3 .LBB2_26-.Ltmp15, $4  }
0x4e8: {  	v19 =	vmov s26  }
0x4e9: {  	v19 =	vshrl.u32 v19, $0x3  }
0x4ea: {  	v19 =	vshll.u32 v19, $0x3  }
0x4eb: {  	v19 =	vbroadcast v19, $0x0;
	[tilespmem:v24+s18+$0x0] =	vst.idx.msk $0xffff, v23  }
.LBB2_27:
0x4ec: {  	_ =	sdelay $0x3  }
0x4ed: {  	[tilespmem:v22+s18+$0x0] =	vst.idx.msk @p2 $0xffff, v21  }
0x4ee: {  	v21 =	vld [tilespmem:s25+$0xD400];
	v22 =	vadd.s32 v41, v19  }
0x4ef: {  	v23 =	vld [tilespmem:s25+$0xD410];
	v24 =	vadd.s32 v42, v19;
	_ =	sdelay $0x3  }
0x4f0: {  	[tilespmem:v22+s18+$0x0] =	vst.idx.msk $0xffff, v21  }
0x4f1: {  	[tilespmem:v24+s18+$0x0] =	vst.idx.msk $0xffff, v23  }
0x4f2: {  	v22 =	vadd.s32 v43, v19;
	v21 =	vld [tilespmem:s25+$0xD420];
	_ =	sdelay $0x3  }
0x4f3: {  	v24 =	vadd.s32 v44, v19;
	v23 =	vld [tilespmem:s25+$0xD430]  }
0x4f4: {  	[tilespmem:v22+s18+$0x0] =	vst.idx.msk $0xffff, v21;
	v22 =	vld [tilespmem:$0x1FF30]  }
0x4f5: {  	v28 =	vld [tilespmem:$0x1FF40];
	_ =	sdelay $0x2  }
0x4f6: {  	[tilespmem:v24+s18+$0x0] =	vst.idx.msk $0xffff, v23  }
0x4f7: {  	v21 =	vld [tilespmem:s25+$0xD440];
	v22 =	vadd.s32 v22, v19  }
0x4f8: {  	v24 =	vadd.s32 v28, v19;
	v23 =	vld [tilespmem:s25+$0xD450]  }
0x4f9: {  	v26 =	vld [tilespmem:$0x1FF50]  }
0x4fa: {  	v32 =	vld [tilespmem:$0x1FF60];
	_ =	sdelay $0x1  }
0x4fb: {  	[tilespmem:v22+s18+$0x0] =	vst.idx.msk $0xffff, v21  }
0x4fc: {  	[tilespmem:v24+s18+$0x0] =	vst.idx.msk $0xffff, v23  }
0x4fd: {  	v22 =	vadd.s32 v26, v19;
	v21 =	vld [tilespmem:s25+$0xD460]  }
0x4fe: {  	v24 =	vadd.s32 v32, v19;
	v23 =	vld [tilespmem:s25+$0xD470]  }
0x4ff: {  	v31 =	vld [tilespmem:$0x1FF70]  }
0x500: {  	v29 =	vld [tilespmem:$0x1FF80];
	_ =	sdelay $0x1  }
0x501: {  	[tilespmem:v22+s18+$0x0] =	vst.idx.msk $0xffff, v21  }
0x502: {  	[tilespmem:v24+s18+$0x0] =	vst.idx.msk $0xffff, v23  }
0x503: {  	v22 =	vadd.s32 v31, v19;
	v21 =	vld [tilespmem:s25+$0xD480]  }
0x504: {  	v24 =	vadd.s32 v29, v19;
	v23 =	vld [tilespmem:s25+$0xD490]  }
0x505: {  	v33 =	vld [tilespmem:$0x1FF90]  }
0x506: {  	v0 =	vld [tilespmem:$0x1FFA0];
	_ =	sdelay $0x1  }
0x507: {  	[tilespmem:v22+s18+$0x0] =	vst.idx.msk $0xffff, v21  }
0x508: {  	[tilespmem:v24+s18+$0x0] =	vst.idx.msk $0xffff, v23  }
0x509: {  	v22 =	vadd.s32 v33, v19;
	v21 =	vld [tilespmem:s25+$0xD4A0]  }
0x50a: {  	v24 =	vadd.s32 v0, v19;
	v23 =	vld [tilespmem:s25+$0xD4B0];
	_ =	sdelay $0x3  }
0x50b: {  	[tilespmem:v22+s18+$0x0] =	vst.idx.msk $0xffff, v21  }
0x50c: {  	[tilespmem:v24+s18+$0x0] =	vst.idx.msk $0xffff, v23  }
0x50d: {  	v22 =	vadd.s32 v45, v19;
	v21 =	vld [tilespmem:s25+$0xD4C0]  }
0x50e: {  	v24 =	vadd.s32 v46, v19;
	v23 =	vld [tilespmem:s25+$0xD4D0];
	_ =	sdelay $0x3  }
0x50f: {  	[tilespmem:v22+s18+$0x0] =	vst.idx.msk $0xffff, v21  }
0x510: {  	[tilespmem:v24+s18+$0x0] =	vst.idx.msk $0xffff, v23  }
0x511: {  	v22 =	vadd.s32 v47, v19;
	v21 =	vld [tilespmem:s25+$0xD4E0]  }
0x512: {  	v19 =	vadd.s32 v48, v19;
	v23 =	vld [tilespmem:s25+$0xD4F0]  }
.Ltmp16:
0x513: {  	_ = 	snop;
	(pc) =	sbr.rel @!p1 .LBB2_28-.Ltmp16, $3  }
0x514: {  	_ =	sdelay $0x1  }
0x515: {  	[tilespmem:v22+s18+$0x0] =	vst.idx.msk $0xffff, v21  }
0x516: {  	[tilespmem:v19+s18+$0x0] =	vst.idx.msk $0xffff, v23  }
0x517: {  	v19 =	vld [tilespmem:s24+$0xE400];
	v21 =	vadd.s32 v49, v20  }
0x518: {  	v22 =	vld [tilespmem:s24+$0xE410];
	v23 =	vadd.s32 v50, v20;
	_ =	sdelay $0x3  }
0x519: {  	[tilespmem:v21+s18+$0x0] =	vst.idx.msk $0xffff, v19  }
0x51a: {  	[tilespmem:v23+s18+$0x0] =	vst.idx.msk $0xffff, v22  }
0x51b: {  	v21 =	vadd.s32 v51, v20;
	v19 =	vld [tilespmem:s24+$0xE420]  }
0x51c: {  	v23 =	vadd.s32 v52, v20;
	v22 =	vld [tilespmem:s24+$0xE430];
	_ =	sdelay $0x3  }
0x51d: {  	[tilespmem:v21+s18+$0x0] =	vst.idx.msk $0xffff, v19  }
0x51e: {  	[tilespmem:v23+s18+$0x0] =	vst.idx.msk $0xffff, v22  }
0x51f: {  	v21 =	vadd.s32 v53, v20;
	v19 =	vld [tilespmem:s24+$0xE440]  }
0x520: {  	v23 =	vadd.s32 v54, v20;
	v22 =	vld [tilespmem:s24+$0xE450];
	_ =	sdelay $0x3  }
0x521: {  	[tilespmem:v21+s18+$0x0] =	vst.idx.msk $0xffff, v19  }
0x522: {  	[tilespmem:v23+s18+$0x0] =	vst.idx.msk $0xffff, v22  }
0x523: {  	v21 =	vadd.s32 v55, v20;
	v19 =	vld [tilespmem:s24+$0xE460]  }
0x524: {  	v23 =	vadd.s32 v56, v20;
	v22 =	vld [tilespmem:s24+$0xE470];
	_ =	sdelay $0x3  }
0x525: {  	[tilespmem:v21+s18+$0x0] =	vst.idx.msk $0xffff, v19  }
0x526: {  	[tilespmem:v23+s18+$0x0] =	vst.idx.msk $0xffff, v22  }
0x527: {  	v21 =	vadd.s32 v57, v20;
	v19 =	vld [tilespmem:s24+$0xE480]  }
0x528: {  	v23 =	vadd.s32 v58, v20;
	v22 =	vld [tilespmem:s24+$0xE490];
	_ =	sdelay $0x3  }
0x529: {  	[tilespmem:v21+s18+$0x0] =	vst.idx.msk $0xffff, v19  }
0x52a: {  	[tilespmem:v23+s18+$0x0] =	vst.idx.msk $0xffff, v22  }
0x52b: {  	v21 =	vadd.s32 v59, v20;
	v19 =	vld [tilespmem:s24+$0xE4A0]  }
0x52c: {  	v23 =	vadd.s32 v60, v20;
	v22 =	vld [tilespmem:s24+$0xE4B0];
	_ =	sdelay $0x3  }
0x52d: {  	[tilespmem:v21+s18+$0x0] =	vst.idx.msk $0xffff, v19  }
0x52e: {  	[tilespmem:v23+s18+$0x0] =	vst.idx.msk $0xffff, v22  }
0x52f: {  	v21 =	vadd.s32 v61, v20;
	v19 =	vld [tilespmem:s24+$0xE4C0]  }
0x530: {  	v23 =	vadd.s32 v62, v20;
	v22 =	vld [tilespmem:s24+$0xE4D0];
	_ =	sdelay $0x3  }
0x531: {  	[tilespmem:v21+s18+$0x0] =	vst.idx.msk $0xffff, v19  }
0x532: {  	s25 =	simm.s32 $0x8;
	[tilespmem:v23+s18+$0x0] =	vst.idx.msk $0xffff, v22  }
0x533: {  	p1 =	por $0x1, $0x1;
	v19 =	vmov s25;
	v23 =	vadd.s32 v63, v20;
	v22 =	vld [tilespmem:s24+$0xE4E0]  }
.Ltmp17:
0x534: {  	v21 =	vadd.s32 v6, v20;
	v24 =	vshrl.u32 v19, $0x3;
	v19 =	vld [tilespmem:s24+$0xE4F0];
	(pc) =	sbr.rel @!p1 .LBB2_30-.Ltmp17, $3  }
0x535: {  	_ =	sdelay $0x1  }
0x536: {  	v20 =	vshll.u32 v24, $0x3  }
0x537: {  	s26 =	simm.s32 $0x100;
	p0 =	por $0x1, $0x1;
	v34 =	vld [tilespmem:$0x1FFB0];
	s24 =	simm.s32 $0x800;
	v20 =	vbroadcast v20, $0x0;
	[tilespmem:v23+s18+$0x0] =	vst.idx.msk $0xffff, v22  }
.LBB2_31:
0x538: {  	s28 =	sshra.s32 s24, $0x2;
	p1 =	sne.s32 s24, $0x3C00;
	s24 =	sadd.s32 $0x400, s24;
	[tilespmem:v21+s18+$0x0] =	vst.idx.msk $0xffff, v19  }
0x539: {  	v19 =	vld [tilespmem:s26+$0xE400];
	v21 =	vadd.s32 v49, v20  }
0x53a: {  	v23 =	vadd.s32 v50, v20;
	v22 =	vld [tilespmem:s26+$0xE410];
	_ =	sdelay $0x3  }
0x53b: {  	[tilespmem:v21+s18+$0x0] =	vst.idx.msk $0xffff, v19  }
0x53c: {  	[tilespmem:v23+s18+$0x0] =	vst.idx.msk $0xffff, v22  }
0x53d: {  	v21 =	vadd.s32 v51, v20;
	v19 =	vld [tilespmem:s26+$0xE420]  }
0x53e: {  	v23 =	vadd.s32 v52, v20;
	v22 =	vld [tilespmem:s26+$0xE430];
	_ =	sdelay $0x3  }
0x53f: {  	[tilespmem:v21+s18+$0x0] =	vst.idx.msk $0xffff, v19  }
0x540: {  	[tilespmem:v23+s18+$0x0] =	vst.idx.msk $0xffff, v22  }
0x541: {  	v21 =	vadd.s32 v53, v20;
	v19 =	vld [tilespmem:s26+$0xE440]  }
0x542: {  	v23 =	vadd.s32 v54, v20;
	v22 =	vld [tilespmem:s26+$0xE450];
	_ =	sdelay $0x3  }
0x543: {  	[tilespmem:v21+s18+$0x0] =	vst.idx.msk $0xffff, v19  }
0x544: {  	[tilespmem:v23+s18+$0x0] =	vst.idx.msk $0xffff, v22  }
0x545: {  	v21 =	vadd.s32 v55, v20;
	v19 =	vld [tilespmem:s26+$0xE460]  }
0x546: {  	v23 =	vadd.s32 v56, v20;
	v22 =	vld [tilespmem:s26+$0xE470];
	_ =	sdelay $0x3  }
0x547: {  	[tilespmem:v21+s18+$0x0] =	vst.idx.msk $0xffff, v19  }
0x548: {  	[tilespmem:v23+s18+$0x0] =	vst.idx.msk $0xffff, v22  }
0x549: {  	v21 =	vadd.s32 v57, v20;
	v19 =	vld [tilespmem:s26+$0xE480]  }
0x54a: {  	v23 =	vadd.s32 v58, v20;
	v22 =	vld [tilespmem:s26+$0xE490];
	_ =	sdelay $0x3  }
0x54b: {  	[tilespmem:v21+s18+$0x0] =	vst.idx.msk $0xffff, v19  }
0x54c: {  	[tilespmem:v23+s18+$0x0] =	vst.idx.msk $0xffff, v22  }
0x54d: {  	v21 =	vadd.s32 v59, v20;
	v19 =	vld [tilespmem:s26+$0xE4A0]  }
0x54e: {  	v23 =	vadd.s32 v60, v20;
	v22 =	vld [tilespmem:s26+$0xE4B0];
	_ =	sdelay $0x3  }
0x54f: {  	[tilespmem:v21+s18+$0x0] =	vst.idx.msk $0xffff, v19  }
0x550: {  	[tilespmem:v23+s18+$0x0] =	vst.idx.msk $0xffff, v22  }
0x551: {  	v21 =	vadd.s32 v61, v20;
	v19 =	vld [tilespmem:s26+$0xE4C0]  }
0x552: {  	v23 =	vadd.s32 v62, v20;
	v22 =	vld [tilespmem:s26+$0xE4D0];
	_ =	sdelay $0x3  }
0x553: {  	[tilespmem:v21+s18+$0x0] =	vst.idx.msk $0xffff, v19  }
0x554: {  	[tilespmem:v23+s18+$0x0] =	vst.idx.msk $0xffff, v22  }
0x555: {  	v23 =	vadd.s32 v63, v20;
	v22 =	vld [tilespmem:s26+$0xE4E0]  }
.Ltmp18:
0x556: {  	s25 =	sadd.s32 $0x8, s25;
	v21 =	vadd.s32 v6, v20;
	v19 =	vld [tilespmem:s26+$0xE4F0];
	s26 =	smov.u32 s28;
	(pc) =	sbr.rel @p1 .LBB2_31-.Ltmp18, $4  }
0x557: {  	v20 =	vmov s25  }
0x558: {  	v20 =	vshrl.u32 v20, $0x3  }
0x559: {  	v20 =	vshll.u32 v20, $0x3  }
0x55a: {  	v20 =	vbroadcast v20, $0x0;
	[tilespmem:v23+s18+$0x0] =	vst.idx.msk $0xffff, v22  }
0x55b: {  	v24 =	vld [tilespmem:$0x1FDA0]  }
0x55c: {  	s24 =	smov.u32 s26  }
.LBB2_33:
0x55d: {  	_ =	sdelay $0x3  }
0x55e: {  	[tilespmem:v21+s18+$0x0] =	vst.idx.msk @p0 $0xffff, v19  }
0x55f: {  	v21 =	vadd.s32 v49, v20;
	v19 =	vld [tilespmem:s24+$0xE400]  }
0x560: {  	v23 =	vadd.s32 v50, v20;
	v22 =	vld [tilespmem:s24+$0xE410];
	_ =	sdelay $0x3  }
0x561: {  	[tilespmem:v21+s18+$0x0] =	vst.idx.msk $0xffff, v19  }
0x562: {  	[tilespmem:v23+s18+$0x0] =	vst.idx.msk $0xffff, v22  }
0x563: {  	v21 =	vadd.s32 v51, v20;
	v19 =	vld [tilespmem:s24+$0xE420]  }
0x564: {  	v23 =	vadd.s32 v52, v20;
	v22 =	vld [tilespmem:s24+$0xE430];
	_ =	sdelay $0x3  }
0x565: {  	[tilespmem:v21+s18+$0x0] =	vst.idx.msk $0xffff, v19  }
0x566: {  	[tilespmem:v23+s18+$0x0] =	vst.idx.msk $0xffff, v22  }
0x567: {  	v21 =	vadd.s32 v53, v20;
	v19 =	vld [tilespmem:s24+$0xE440]  }
0x568: {  	v23 =	vadd.s32 v54, v20;
	v22 =	vld [tilespmem:s24+$0xE450];
	_ =	sdelay $0x3  }
0x569: {  	[tilespmem:v21+s18+$0x0] =	vst.idx.msk $0xffff, v19  }
0x56a: {  	[tilespmem:v23+s18+$0x0] =	vst.idx.msk $0xffff, v22  }
0x56b: {  	v21 =	vadd.s32 v55, v20;
	v19 =	vld [tilespmem:s24+$0xE460]  }
0x56c: {  	v23 =	vadd.s32 v56, v20;
	v22 =	vld [tilespmem:s24+$0xE470];
	_ =	sdelay $0x3  }
0x56d: {  	[tilespmem:v21+s18+$0x0] =	vst.idx.msk $0xffff, v19  }
0x56e: {  	[tilespmem:v23+s18+$0x0] =	vst.idx.msk $0xffff, v22  }
0x56f: {  	v21 =	vadd.s32 v57, v20;
	v19 =	vld [tilespmem:s24+$0xE480]  }
0x570: {  	v23 =	vadd.s32 v58, v20;
	v22 =	vld [tilespmem:s24+$0xE490];
	_ =	sdelay $0x3  }
0x571: {  	[tilespmem:v21+s18+$0x0] =	vst.idx.msk $0xffff, v19  }
0x572: {  	[tilespmem:v23+s18+$0x0] =	vst.idx.msk $0xffff, v22  }
0x573: {  	v21 =	vadd.s32 v59, v20;
	v19 =	vld [tilespmem:s24+$0xE4A0]  }
0x574: {  	v23 =	vadd.s32 v60, v20;
	v22 =	vld [tilespmem:s24+$0xE4B0];
	_ =	sdelay $0x3  }
0x575: {  	[tilespmem:v21+s18+$0x0] =	vst.idx.msk $0xffff, v19  }
0x576: {  	[tilespmem:v23+s18+$0x0] =	vst.idx.msk $0xffff, v22  }
0x577: {  	v21 =	vadd.s32 v61, v20;
	v19 =	vld [tilespmem:s24+$0xE4C0]  }
0x578: {  	v23 =	vadd.s32 v62, v20;
	v22 =	vld [tilespmem:s24+$0xE4D0];
	_ =	sdelay $0x3  }
0x579: {  	[tilespmem:v21+s18+$0x0] =	vst.idx.msk $0xffff, v19  }
0x57a: {  	[tilespmem:v23+s18+$0x0] =	vst.idx.msk $0xffff, v22  }
0x57b: {  	v21 =	vadd.s32 v63, v20;
	v19 =	vld [tilespmem:s24+$0xE4E0]  }
0x57c: {  	v6 =	vadd.s32 v6, v20;
	s1 =	simm.s32 $0x0;
	v22 =	vld [tilespmem:s24+$0xE4F0]  }
0x57d: {  	v20 =	vmov s1  }
0x57e: {  	v20 =	vshrl.u32 v20, $0x3  }
0x57f: {  	v20 =	vshll.u32 v20, $0x3  }
0x580: {  	v20 =	vbroadcast v20, $0x0;
	[tilespmem:v21+s18+$0x0] =	vst.idx.msk $0xffff, v19  }
0x581: {  	s31 =	simm.s32 $0x0;
	[tilespmem:v6+s18+$0x0] =	vst.idx.msk $0xffff, v22  }
0x582: {  	v19 =	vadd.s32 v2, v20;
	v6 =	vld [tilespmem:s31+$0xF400]  }
0x583: {  	v22 =	vadd.s32 v3, v20;
	v21 =	vld [tilespmem:s31+$0xF410];
	_ =	sdelay $0x3  }
0x584: {  	[tilespmem:v19+s18+$0x0] =	vst.idx.msk $0xffff, v6  }
0x585: {  	[tilespmem:v22+s18+$0x0] =	vst.idx.msk $0xffff, v21  }
0x586: {  	v19 =	vadd.s32 v4, v20;
	v6 =	vld [tilespmem:s31+$0xF420]  }
0x587: {  	v22 =	vadd.s32 v5, v20;
	v21 =	vld [tilespmem:s31+$0xF430];
	_ =	sdelay $0x3  }
0x588: {  	[tilespmem:v19+s18+$0x0] =	vst.idx.msk $0xffff, v6  }
0x589: {  	[tilespmem:v22+s18+$0x0] =	vst.idx.msk $0xffff, v21  }
0x58a: {  	v19 =	vadd.s32 v7, v20;
	v6 =	vld [tilespmem:s31+$0xF440]  }
0x58b: {  	v22 =	vadd.s32 v8, v20;
	v21 =	vld [tilespmem:s31+$0xF450];
	_ =	sdelay $0x3  }
0x58c: {  	[tilespmem:v19+s18+$0x0] =	vst.idx.msk $0xffff, v6  }
0x58d: {  	[tilespmem:v22+s18+$0x0] =	vst.idx.msk $0xffff, v21  }
0x58e: {  	v19 =	vadd.s32 v9, v20;
	v6 =	vld [tilespmem:s31+$0xF460]  }
0x58f: {  	v22 =	vadd.s32 v10, v20;
	v21 =	vld [tilespmem:s31+$0xF470];
	_ =	sdelay $0x3  }
0x590: {  	[tilespmem:v19+s18+$0x0] =	vst.idx.msk $0xffff, v6  }
0x591: {  	[tilespmem:v22+s18+$0x0] =	vst.idx.msk $0xffff, v21  }
0x592: {  	v19 =	vadd.s32 v11, v20;
	v6 =	vld [tilespmem:s31+$0xF480]  }
0x593: {  	v22 =	vadd.s32 v12, v20;
	v21 =	vld [tilespmem:s31+$0xF490];
	_ =	sdelay $0x3  }
0x594: {  	[tilespmem:v19+s18+$0x0] =	vst.idx.msk $0xffff, v6  }
0x595: {  	[tilespmem:v22+s18+$0x0] =	vst.idx.msk $0xffff, v21  }
0x596: {  	v19 =	vadd.s32 v13, v20;
	v6 =	vld [tilespmem:s31+$0xF4A0]  }
0x597: {  	v22 =	vadd.s32 v14, v20;
	v21 =	vld [tilespmem:s31+$0xF4B0];
	_ =	sdelay $0x3  }
0x598: {  	[tilespmem:v19+s18+$0x0] =	vst.idx.msk $0xffff, v6  }
0x599: {  	[tilespmem:v22+s18+$0x0] =	vst.idx.msk $0xffff, v21  }
0x59a: {  	v19 =	vadd.s32 v15, v20;
	v6 =	vld [tilespmem:s31+$0xF4C0]  }
0x59b: {  	v22 =	vadd.s32 v16, v20;
	v21 =	vld [tilespmem:s31+$0xF4D0];
	_ =	sdelay $0x3  }
0x59c: {  	[tilespmem:v19+s18+$0x0] =	vst.idx.msk $0xffff, v6  }
0x59d: {  	[tilespmem:v22+s18+$0x0] =	vst.idx.msk $0xffff, v21  }
0x59e: {  	v22 =	vadd.s32 v17, v20;
	v21 =	vld [tilespmem:s31+$0xF4E0]  }
0x59f: {  	s25 =	simm.s32 $0x8;
	v20 =	vadd.s32 v18, v20;
	v19 =	vld [tilespmem:s31+$0xF4F0]  }
0x5a0: {  	v6 =	vmov s25  }
0x5a1: {  	v6 =	vshrl.u32 v6, $0x3  }
0x5a2: {  	v6 =	vshll.u32 v6, $0x3  }
0x5a3: {  	s26 =	simm.s32 $0x800;
	s24 =	simm.s32 $0x100;
	v6 =	vbroadcast v6, $0x0;
	[tilespmem:v22+s18+$0x0] =	vst.idx.msk $0xffff, v21  }
.LBB2_34:
0x5a4: {  	s28 =	sshra.s32 s26, $0x2;
	p0 =	sne.s32 s26, $0x3C00;
	s26 =	sadd.s32 $0x400, s26;
	[tilespmem:v20+s18+$0x0] =	vst.idx.msk $0xffff, v19  }
0x5a5: {  	v19 =	vld [tilespmem:s24+$0xF400];
	v20 =	vadd.s32 v2, v6  }
0x5a6: {  	v22 =	vadd.s32 v3, v6;
	v21 =	vld [tilespmem:s24+$0xF410];
	_ =	sdelay $0x3  }
0x5a7: {  	[tilespmem:v20+s18+$0x0] =	vst.idx.msk $0xffff, v19  }
0x5a8: {  	[tilespmem:v22+s18+$0x0] =	vst.idx.msk $0xffff, v21  }
0x5a9: {  	v20 =	vadd.s32 v4, v6;
	v19 =	vld [tilespmem:s24+$0xF420]  }
0x5aa: {  	v22 =	vadd.s32 v5, v6;
	v21 =	vld [tilespmem:s24+$0xF430];
	_ =	sdelay $0x3  }
0x5ab: {  	[tilespmem:v20+s18+$0x0] =	vst.idx.msk $0xffff, v19  }
0x5ac: {  	[tilespmem:v22+s18+$0x0] =	vst.idx.msk $0xffff, v21  }
0x5ad: {  	v20 =	vadd.s32 v7, v6;
	v19 =	vld [tilespmem:s24+$0xF440]  }
0x5ae: {  	v22 =	vadd.s32 v8, v6;
	v21 =	vld [tilespmem:s24+$0xF450];
	_ =	sdelay $0x3  }
0x5af: {  	[tilespmem:v20+s18+$0x0] =	vst.idx.msk $0xffff, v19  }
0x5b0: {  	[tilespmem:v22+s18+$0x0] =	vst.idx.msk $0xffff, v21  }
0x5b1: {  	v20 =	vadd.s32 v9, v6;
	v19 =	vld [tilespmem:s24+$0xF460]  }
0x5b2: {  	v22 =	vadd.s32 v10, v6;
	v21 =	vld [tilespmem:s24+$0xF470];
	_ =	sdelay $0x3  }
0x5b3: {  	[tilespmem:v20+s18+$0x0] =	vst.idx.msk $0xffff, v19  }
0x5b4: {  	[tilespmem:v22+s18+$0x0] =	vst.idx.msk $0xffff, v21  }
0x5b5: {  	v20 =	vadd.s32 v11, v6;
	v19 =	vld [tilespmem:s24+$0xF480]  }
0x5b6: {  	v22 =	vadd.s32 v12, v6;
	v21 =	vld [tilespmem:s24+$0xF490];
	_ =	sdelay $0x3  }
0x5b7: {  	[tilespmem:v20+s18+$0x0] =	vst.idx.msk $0xffff, v19  }
0x5b8: {  	[tilespmem:v22+s18+$0x0] =	vst.idx.msk $0xffff, v21  }
0x5b9: {  	v20 =	vadd.s32 v13, v6;
	v19 =	vld [tilespmem:s24+$0xF4A0]  }
0x5ba: {  	v22 =	vadd.s32 v14, v6;
	v21 =	vld [tilespmem:s24+$0xF4B0];
	_ =	sdelay $0x3  }
0x5bb: {  	[tilespmem:v20+s18+$0x0] =	vst.idx.msk $0xffff, v19  }
0x5bc: {  	[tilespmem:v22+s18+$0x0] =	vst.idx.msk $0xffff, v21  }
0x5bd: {  	v20 =	vadd.s32 v15, v6;
	v19 =	vld [tilespmem:s24+$0xF4C0]  }
0x5be: {  	v22 =	vadd.s32 v16, v6;
	v21 =	vld [tilespmem:s24+$0xF4D0];
	_ =	sdelay $0x3  }
0x5bf: {  	[tilespmem:v20+s18+$0x0] =	vst.idx.msk $0xffff, v19  }
0x5c0: {  	[tilespmem:v22+s18+$0x0] =	vst.idx.msk $0xffff, v21  }
0x5c1: {  	v22 =	vadd.s32 v17, v6;
	v21 =	vld [tilespmem:s24+$0xF4E0]  }
.Ltmp19:
0x5c2: {  	s25 =	sadd.s32 $0x8, s25;
	v20 =	vadd.s32 v18, v6;
	v19 =	vld [tilespmem:s24+$0xF4F0];
	s24 =	smov.u32 s28;
	(pc) =	sbr.rel @p0 .LBB2_34-.Ltmp19, $4  }
0x5c3: {  	v6 =	vmov s25  }
0x5c4: {  	v6 =	vshrl.u32 v6, $0x3  }
0x5c5: {  	v6 =	vshll.u32 v6, $0x3  }
0x5c6: {  	v6 =	vbroadcast v6, $0x0;
	[tilespmem:v22+s18+$0x0] =	vst.idx.msk $0xffff, v21  }
0x5c7: {  	_ =	sdelay $0x3  }
0x5c8: {  	[tilespmem:v20+s18+$0x0] =	vst.idx.msk $0xffff, v19  }
0x5c9: {  	v19 =	vld [tilespmem:s24+$0xF400];
	v2 =	vadd.s32 v2, v6  }
0x5ca: {  	v20 =	vld [tilespmem:s24+$0xF410];
	v3 =	vadd.s32 v3, v6;
	_ =	sdelay $0x3  }
0x5cb: {  	[tilespmem:v2+s18+$0x0] =	vst.idx.msk $0xffff, v19  }
0x5cc: {  	[tilespmem:v3+s18+$0x0] =	vst.idx.msk $0xffff, v20  }
0x5cd: {  	v3 =	vadd.s32 v4, v6;
	v2 =	vld [tilespmem:s24+$0xF420]  }
0x5ce: {  	v5 =	vadd.s32 v5, v6;
	v40 =	vld [tilespmem:s24+$0xF430];
	_ =	sdelay $0x3  }
0x5cf: {  	[tilespmem:v3+s18+$0x0] =	vst.idx.msk $0xffff, v2  }
0x5d0: {  	[tilespmem:v5+s18+$0x0] =	vst.idx.msk $0xffff, v40  }
0x5d1: {  	v3 =	vadd.s32 v7, v6;
	v2 =	vld [tilespmem:s24+$0xF440]  }
0x5d2: {  	v8 =	vadd.s32 v8, v6;
	v4 =	vld [tilespmem:s24+$0xF450];
	_ =	sdelay $0x3  }
0x5d3: {  	[tilespmem:v3+s18+$0x0] =	vst.idx.msk $0xffff, v2  }
0x5d4: {  	[tilespmem:v8+s18+$0x0] =	vst.idx.msk $0xffff, v4  }
0x5d5: {  	v3 =	vadd.s32 v9, v6;
	v2 =	vld [tilespmem:s24+$0xF460]  }
0x5d6: {  	v10 =	vadd.s32 v10, v6;
	v4 =	vld [tilespmem:s24+$0xF470];
	_ =	sdelay $0x3  }
0x5d7: {  	[tilespmem:v3+s18+$0x0] =	vst.idx.msk $0xffff, v2  }
0x5d8: {  	[tilespmem:v10+s18+$0x0] =	vst.idx.msk $0xffff, v4  }
0x5d9: {  	v3 =	vadd.s32 v11, v6;
	v2 =	vld [tilespmem:s24+$0xF480]  }
0x5da: {  	v12 =	vadd.s32 v12, v6;
	v4 =	vld [tilespmem:s24+$0xF490];
	_ =	sdelay $0x3  }
0x5db: {  	[tilespmem:v3+s18+$0x0] =	vst.idx.msk $0xffff, v2  }
0x5dc: {  	[tilespmem:v12+s18+$0x0] =	vst.idx.msk $0xffff, v4  }
0x5dd: {  	v3 =	vadd.s32 v13, v6;
	v2 =	vld [tilespmem:s24+$0xF4A0]  }
0x5de: {  	v19 =	vadd.s32 v14, v6;
	v4 =	vld [tilespmem:s24+$0xF4B0];
	_ =	sdelay $0x3  }
0x5df: {  	[tilespmem:v3+s18+$0x0] =	vst.idx.msk $0xffff, v2  }
0x5e0: {  	[tilespmem:v19+s18+$0x0] =	vst.idx.msk $0xffff, v4  }
0x5e1: {  	v3 =	vadd.s32 v15, v6;
	v2 =	vld [tilespmem:s24+$0xF4C0]  }
0x5e2: {  	v39 =	vadd.s32 v16, v6;
	v4 =	vld [tilespmem:s24+$0xF4D0];
	_ =	sdelay $0x3  }
0x5e3: {  	[tilespmem:v3+s18+$0x0] =	vst.idx.msk $0xffff, v2  }
0x5e4: {  	[tilespmem:v39+s18+$0x0] =	vst.idx.msk $0xffff, v4  }
0x5e5: {  	v3 =	vadd.s32 v17, v6;
	v2 =	vld [tilespmem:s24+$0xF4E0]  }
0x5e6: {  	v40 =	vadd.s32 v18, v6;
	v4 =	vld [tilespmem:s24+$0xF4F0]  }
0x5e7: {  	s1 =	smul.u32 $0xA0000, s23;
	_ =	sdelay $0x1  }
0x5e8: {  	s1 =	sor.u32 s6, s1  }
0x5e9: {  	s23 =	sshrl.u32 s1, $0x3;
	[tilespmem:v3+s18+$0x0] =	vst.idx.msk $0xffff, v2  }
0x5ea: {  	s25 =	simm.s32 $0x15900;
	s1 =	sadd.s32 s2, s23;
	[tilespmem:v40+s18+$0x0] =	vst.idx.msk $0xffff, v4  }
0x5eb: {  	[hbm4b:s1+s3] =	stream.linear.scatter [tilespmem:s25], [sflag:$0x4], $0x80, $0x38;
	[tilespmem:$0x1AE00] =	vst v63  }
0x5ec: {  	s26 =	simm.s32 $0x15988;
	s25 =	sadd.s32 $0x10, s1  }
0x5ed: {  	[hbm4b:s25+s3] =	stream.linear.scatter [tilespmem:s26], [sflag:$0x4], $0x80, $0x38;
	[tilespmem:$0x1AE00] =	vst v63  }
0x5ee: {  	s30 =	simm.s32 $0x15A10;
	s28 =	simm.s32 $0x15CB8;
	s31 =	sadd.s32 $0x20, s1  }
0x5ef: {  	[hbm4b:s31+s3] =	stream.linear.scatter [tilespmem:s30], [sflag:$0x4], $0x80, $0x38;
	[tilespmem:$0x1AE00] =	vst v63  }
0x5f0: {  	s29 =	sadd.s32 $0x70, s1;
	s25 =	simm.s32 $0x15A98;
	s26 =	sadd.s32 $0x30, s1  }
0x5f1: {  	[hbm4b:s26+s3] =	stream.linear.scatter [tilespmem:s25], [sflag:$0x4], $0x80, $0x38;
	[tilespmem:$0x1AE00] =	vst v63  }
0x5f2: {  	s24 =	simm.s32 $0x1100;
	s30 =	simm.s32 $0x15B20;
	s31 =	sadd.s32 $0x40, s1  }
0x5f3: {  	[hbm4b:s31+s3] =	stream.linear.scatter [tilespmem:s30], [sflag:$0x4], $0x80, $0x38;
	[tilespmem:$0x1AE00] =	vst v63  }
0x5f4: {  	s25 =	simm.s32 $0x15BA8;
	s26 =	sadd.s32 $0x50, s1;
	s30 =	simm.s32 $0x15C30  }
0x5f5: {  	[hbm4b:s26+s3] =	stream.linear.scatter [tilespmem:s25], [sflag:$0x4], $0x80, $0x38;
	[tilespmem:$0x1AE00] =	vst v63  }
0x5f6: {  	s31 =	sadd.s32 $0x60, s1;
	s26 =	simm.s32 $0x8800;
	s25 =	sadd.s32 $0x4000, s1  }
0x5f7: {  	v23 =	vld [tilespmem:$0x1FFE0];
	[hbm4b:s31+s3] =	stream.linear.scatter [tilespmem:s30], [sflag:$0x4], $0x80, $0x38  }
.LBB2_36:
0x5f8: {  	[hbm4b:s29+s3] =	stream.linear.scatter [tilespmem:s28], [sflag:$0x4], $0x80, $0x38;
	[tilespmem:$0x1AE00] =	vst v63  }
0x5f9: {  	s1 =	smov.u32 s24;
	s24 =	smov.u32 s26  }
0x5fa: {  	s30 =	sadd.s32 $0x4400, s26;
	s24 =	sshra.s32 s24, $0x2;
	s28 =	sadd.s32 $0x15900, s1  }
0x5fb: {  	[hbm4b:s25+s3] =	stream.linear.scatter [tilespmem:s28], [sflag:$0x4], $0x80, $0x38;
	[tilespmem:$0x1AE00] =	vst v63  }
0x5fc: {  	p0 =	sne.s32 s26, $0x11000;
	s26 =	sadd.s32 $0x15988, s1;
	s28 =	sadd.s32 $0x10, s25  }
0x5fd: {  	[hbm4b:s28+s3] =	stream.linear.scatter [tilespmem:s26], [sflag:$0x4], $0x80, $0x38;
	[tilespmem:$0x1AE00] =	vst v63  }
0x5fe: {  	s26 =	sadd.s32 $0x15A10, s1;
	s28 =	sadd.s32 $0x20, s25  }
0x5ff: {  	[hbm4b:s28+s3] =	stream.linear.scatter [tilespmem:s26], [sflag:$0x4], $0x80, $0x38;
	[tilespmem:$0x1AE00] =	vst v63  }
0x600: {  	s26 =	sadd.s32 $0x15A98, s1;
	s28 =	sadd.s32 $0x30, s25  }
0x601: {  	[hbm4b:s28+s3] =	stream.linear.scatter [tilespmem:s26], [sflag:$0x4], $0x80, $0x38;
	[tilespmem:$0x1AE00] =	vst v63  }
0x602: {  	s26 =	sadd.s32 $0x15B20, s1;
	s28 =	sadd.s32 $0x40, s25  }
0x603: {  	[hbm4b:s28+s3] =	stream.linear.scatter [tilespmem:s26], [sflag:$0x4], $0x80, $0x38;
	[tilespmem:$0x1AE00] =	vst v63  }
.Ltmp20:
0x604: {  	s26 =	sadd.s32 $0x15BA8, s1;
	s28 =	sadd.s32 $0x50, s25;
	(pc) =	sbr.rel @p0 .LBB2_36-.Ltmp20, $4  }
0x605: {  	[hbm4b:s28+s3] =	stream.linear.scatter [tilespmem:s26], [sflag:$0x4], $0x80, $0x38;
	[tilespmem:$0x1AE00] =	vst v63  }
0x606: {  	s29 =	sadd.s32 $0x70, s25;
	s26 =	sadd.s32 $0x15C30, s1;
	s28 =	sadd.s32 $0x60, s25  }
0x607: {  	[hbm4b:s28+s3] =	stream.linear.scatter [tilespmem:s26], [sflag:$0x4], $0x80, $0x38;
	[tilespmem:$0x1AE00] =	vst v63  }
0x608: {  	s25 =	sadd.s32 $0x4000, s25;
	s28 =	sadd.s32 $0x15CB8, s1;
	s26 =	smov.u32 s30  }
0x609: {  	[hbm4b:s29+s3] =	stream.linear.scatter [tilespmem:s28], [sflag:$0x4], $0x80, $0x38;
	[tilespmem:$0x1AE00] =	vst v63  }
0x60a: {  	s1 =	sadd.s32 $0x15900, s24  }
0x60b: {  	[hbm4b:s25+s3] =	stream.linear.scatter [tilespmem:s1], [sflag:$0x4], $0x80, $0x38;
	[tilespmem:$0x1AE00] =	vst v63  }
0x60c: {  	s31 =	sadd.s32 $0x15988, s24;
	s26 =	sadd.s32 $0x10, s25  }
0x60d: {  	[hbm4b:s26+s3] =	stream.linear.scatter [tilespmem:s31], [sflag:$0x4], $0x80, $0x38;
	[tilespmem:$0x1AE00] =	vst v63  }
0x60e: {  	s30 =	sadd.s32 $0x15A10, s24;
	s31 =	sadd.s32 $0x20, s25  }
0x60f: {  	[hbm4b:s31+s3] =	stream.linear.scatter [tilespmem:s30], [sflag:$0x4], $0x80, $0x38;
	[tilespmem:$0x1AE00] =	vst v63  }
0x610: {  	s30 =	sadd.s32 $0x15A98, s24;
	s31 =	sadd.s32 $0x30, s25  }
0x611: {  	[hbm4b:s31+s3] =	stream.linear.scatter [tilespmem:s30], [sflag:$0x4], $0x80, $0x38;
	[tilespmem:$0x1AE00] =	vst v63  }
0x612: {  	s30 =	sadd.s32 $0x15B20, s24;
	s31 =	sadd.s32 $0x40, s25  }
0x613: {  	[hbm4b:s31+s3] =	stream.linear.scatter [tilespmem:s30], [sflag:$0x4], $0x80, $0x38;
	[tilespmem:$0x1AE00] =	vst v63  }
0x614: {  	s30 =	sadd.s32 $0x15BA8, s24;
	s31 =	sadd.s32 $0x50, s25  }
0x615: {  	[hbm4b:s31+s3] =	stream.linear.scatter [tilespmem:s30], [sflag:$0x4], $0x80, $0x38;
	[tilespmem:$0x1AE00] =	vst v63  }
0x616: {  	s30 =	sadd.s32 $0x15C30, s24;
	s31 =	sadd.s32 $0x60, s25  }
0x617: {  	[hbm4b:s31+s3] =	stream.linear.scatter [tilespmem:s30], [sflag:$0x4], $0x80, $0x38;
	[tilespmem:$0x1AE00] =	vst v63  }
0x618: {  	v8 =	vld [tilespmem:$0x1FDB0];
	s26 =	sadd.s32 $0x15CB8, s24;
	s30 =	sadd.s32 $0x70, s25  }
0x619: {  	v9 =	vld [tilespmem:$0x1FDC0];
	[hbm4b:s30+s3] =	stream.linear.scatter [tilespmem:s26], [sflag:$0x4], $0x80, $0x38  }
0x61a: {  	v10 =	vld [tilespmem:$0x1FDF0];
	s1 =	sadd.s32 s23, s7;
	s31 =	simm.s32 $0x15D40  }
0x61b: {  	v11 =	vld [tilespmem:$0x1FE10];
	[hbm4b:s1+s3] =	stream.linear.scatter [tilespmem:s31], [sflag:$0x4], $0x80, $0x38  }
0x61c: {  	v12 =	vld [tilespmem:$0x1FE60];
	s25 =	simm.s32 $0x15DC8;
	s26 =	sadd.s32 $0x10, s1  }
0x61d: {  	v13 =	vld [tilespmem:$0x1FE70];
	[hbm4b:s26+s3] =	stream.linear.scatter [tilespmem:s25], [sflag:$0x4], $0x80, $0x38  }
0x61e: {  	s28 =	simm.s32 $0x160F8;
	v14 =	vld [tilespmem:$0x1FE80];
	s30 =	simm.s32 $0x15E50;
	s31 =	sadd.s32 $0x20, s1  }
0x61f: {  	v15 =	vld [tilespmem:$0x1FE90];
	[hbm4b:s31+s3] =	stream.linear.scatter [tilespmem:s30], [sflag:$0x4], $0x80, $0x38  }
0x620: {  	v16 =	vld [tilespmem:$0x1FEC0];
	s29 =	sadd.s32 $0x70, s1;
	s25 =	simm.s32 $0x15ED8;
	s26 =	sadd.s32 $0x30, s1  }
0x621: {  	v17 =	vld [tilespmem:$0x1FEE0];
	[hbm4b:s26+s3] =	stream.linear.scatter [tilespmem:s25], [sflag:$0x4], $0x80, $0x38  }
0x622: {  	v18 =	vld [tilespmem:$0x1FF30];
	s24 =	simm.s32 $0x1100;
	s30 =	simm.s32 $0x15F60;
	s31 =	sadd.s32 $0x40, s1  }
0x623: {  	v19 =	vld [tilespmem:$0x1FDE0];
	[hbm4b:s31+s3] =	stream.linear.scatter [tilespmem:s30], [sflag:$0x4], $0x80, $0x38  }
0x624: {  	v20 =	vld [tilespmem:$0x1FFC0];
	s25 =	simm.s32 $0x15FE8;
	s26 =	sadd.s32 $0x50, s1;
	s30 =	simm.s32 $0x16070  }
0x625: {  	v21 =	vld [tilespmem:$0x1FFD0];
	[hbm4b:s26+s3] =	stream.linear.scatter [tilespmem:s25], [sflag:$0x4], $0x80, $0x38  }
0x626: {  	v22 =	vld [tilespmem:$0x1FE00];
	s31 =	sadd.s32 $0x60, s1;
	s26 =	simm.s32 $0x8800;
	s25 =	sadd.s32 $0x4000, s1  }
0x627: {  	v7 =	vld [tilespmem:$0x1FFF0];
	[hbm4b:s31+s3] =	stream.linear.scatter [tilespmem:s30], [sflag:$0x4], $0x80, $0x38  }
.LBB2_38:
0x628: {  	[hbm4b:s29+s3] =	stream.linear.scatter [tilespmem:s28], [sflag:$0x4], $0x80, $0x38;
	[tilespmem:$0x1AE00] =	vst v63  }
0x629: {  	s1 =	smov.u32 s24;
	s24 =	smov.u32 s26  }
0x62a: {  	s30 =	sadd.s32 $0x4400, s26;
	s24 =	sshra.s32 s24, $0x2;
	s28 =	sadd.s32 $0x15D40, s1  }
0x62b: {  	[hbm4b:s25+s3] =	stream.linear.scatter [tilespmem:s28], [sflag:$0x4], $0x80, $0x38;
	[tilespmem:$0x1AE00] =	vst v63  }
0x62c: {  	p0 =	sne.s32 s26, $0x11000;
	s26 =	sadd.s32 $0x15DC8, s1;
	s28 =	sadd.s32 $0x10, s25  }
0x62d: {  	[hbm4b:s28+s3] =	stream.linear.scatter [tilespmem:s26], [sflag:$0x4], $0x80, $0x38;
	[tilespmem:$0x1AE00] =	vst v63  }
0x62e: {  	s26 =	sadd.s32 $0x15E50, s1;
	s28 =	sadd.s32 $0x20, s25  }
0x62f: {  	[hbm4b:s28+s3] =	stream.linear.scatter [tilespmem:s26], [sflag:$0x4], $0x80, $0x38;
	[tilespmem:$0x1AE00] =	vst v63  }
0x630: {  	s26 =	sadd.s32 $0x15ED8, s1;
	s28 =	sadd.s32 $0x30, s25  }
0x631: {  	[hbm4b:s28+s3] =	stream.linear.scatter [tilespmem:s26], [sflag:$0x4], $0x80, $0x38;
	[tilespmem:$0x1AE00] =	vst v63  }
0x632: {  	s26 =	sadd.s32 $0x15F60, s1;
	s28 =	sadd.s32 $0x40, s25  }
0x633: {  	[hbm4b:s28+s3] =	stream.linear.scatter [tilespmem:s26], [sflag:$0x4], $0x80, $0x38;
	[tilespmem:$0x1AE00] =	vst v63  }
.Ltmp21:
0x634: {  	s26 =	sadd.s32 $0x15FE8, s1;
	s28 =	sadd.s32 $0x50, s25;
	(pc) =	sbr.rel @p0 .LBB2_38-.Ltmp21, $4  }
0x635: {  	[hbm4b:s28+s3] =	stream.linear.scatter [tilespmem:s26], [sflag:$0x4], $0x80, $0x38;
	[tilespmem:$0x1AE00] =	vst v63  }
0x636: {  	s29 =	sadd.s32 $0x70, s25;
	s26 =	sadd.s32 $0x16070, s1;
	s28 =	sadd.s32 $0x60, s25  }
0x637: {  	[hbm4b:s28+s3] =	stream.linear.scatter [tilespmem:s26], [sflag:$0x4], $0x80, $0x38;
	[tilespmem:$0x1AE00] =	vst v63  }
0x638: {  	s25 =	sadd.s32 $0x4000, s25;
	s28 =	sadd.s32 $0x160F8, s1;
	s26 =	smov.u32 s30  }
0x639: {  	[hbm4b:s29+s3] =	stream.linear.scatter [tilespmem:s28], [sflag:$0x4], $0x80, $0x38;
	[tilespmem:$0x1AE00] =	vst v63  }
0x63a: {  	s1 =	sadd.s32 $0x15D40, s24  }
0x63b: {  	[hbm4b:s25+s3] =	stream.linear.scatter [tilespmem:s1], [sflag:$0x4], $0x80, $0x38;
	[tilespmem:$0x1AE00] =	vst v63  }
0x63c: {  	s31 =	sadd.s32 $0x15DC8, s24;
	s26 =	sadd.s32 $0x10, s25  }
0x63d: {  	[hbm4b:s26+s3] =	stream.linear.scatter [tilespmem:s31], [sflag:$0x4], $0x80, $0x38;
	[tilespmem:$0x1AE00] =	vst v63  }
0x63e: {  	s30 =	sadd.s32 $0x15E50, s24;
	s31 =	sadd.s32 $0x20, s25  }
0x63f: {  	[hbm4b:s31+s3] =	stream.linear.scatter [tilespmem:s30], [sflag:$0x4], $0x80, $0x38;
	[tilespmem:$0x1AE00] =	vst v63  }
0x640: {  	s30 =	sadd.s32 $0x15ED8, s24;
	s31 =	sadd.s32 $0x30, s25  }
0x641: {  	[hbm4b:s31+s3] =	stream.linear.scatter [tilespmem:s30], [sflag:$0x4], $0x80, $0x38;
	[tilespmem:$0x1AE00] =	vst v63  }
0x642: {  	s30 =	sadd.s32 $0x15F60, s24;
	s31 =	sadd.s32 $0x40, s25  }
0x643: {  	[hbm4b:s31+s3] =	stream.linear.scatter [tilespmem:s30], [sflag:$0x4], $0x80, $0x38;
	[tilespmem:$0x1AE00] =	vst v63  }
0x644: {  	s30 =	sadd.s32 $0x15FE8, s24;
	s31 =	sadd.s32 $0x50, s25  }
0x645: {  	[hbm4b:s31+s3] =	stream.linear.scatter [tilespmem:s30], [sflag:$0x4], $0x80, $0x38;
	[tilespmem:$0x1AE00] =	vst v63  }
0x646: {  	s30 =	sadd.s32 $0x16070, s24;
	s31 =	sadd.s32 $0x60, s25  }
0x647: {  	[hbm4b:s31+s3] =	stream.linear.scatter [tilespmem:s30], [sflag:$0x4], $0x80, $0x38;
	[tilespmem:$0x1AE00] =	vst v63  }
0x648: {  	s26 =	sadd.s32 $0x160F8, s24;
	s30 =	sadd.s32 $0x70, s25  }
0x649: {  	[hbm4b:s30+s3] =	stream.linear.scatter [tilespmem:s26], [sflag:$0x4], $0x80, $0x38;
	[tilespmem:$0x1AE00] =	vst v63  }
0x64a: {  	s1 =	sadd.s32 s23, s8;
	s31 =	simm.s32 $0x16180  }
0x64b: {  	[hbm4b:s1+s3] =	stream.linear.scatter [tilespmem:s31], [sflag:$0x4], $0x80, $0x38;
	[tilespmem:$0x1AE00] =	vst v63  }
0x64c: {  	s25 =	simm.s32 $0x16208;
	s26 =	sadd.s32 $0x10, s1  }
0x64d: {  	[hbm4b:s26+s3] =	stream.linear.scatter [tilespmem:s25], [sflag:$0x4], $0x80, $0x38;
	[tilespmem:$0x1AE00] =	vst v63  }
0x64e: {  	s28 =	simm.s32 $0x16538;
	s30 =	simm.s32 $0x16290;
	s31 =	sadd.s32 $0x20, s1  }
0x64f: {  	[hbm4b:s31+s3] =	stream.linear.scatter [tilespmem:s30], [sflag:$0x4], $0x80, $0x38;
	[tilespmem:$0x1AE00] =	vst v63  }
0x650: {  	s29 =	sadd.s32 $0x70, s1;
	s25 =	simm.s32 $0x16318;
	s26 =	sadd.s32 $0x30, s1  }
0x651: {  	[hbm4b:s26+s3] =	stream.linear.scatter [tilespmem:s25], [sflag:$0x4], $0x80, $0x38;
	[tilespmem:$0x1AE00] =	vst v63  }
0x652: {  	s24 =	simm.s32 $0x1100;
	s30 =	simm.s32 $0x163A0;
	s31 =	sadd.s32 $0x40, s1  }
0x653: {  	[hbm4b:s31+s3] =	stream.linear.scatter [tilespmem:s30], [sflag:$0x4], $0x80, $0x38;
	[tilespmem:$0x1AE00] =	vst v63  }
0x654: {  	s25 =	simm.s32 $0x16428;
	s26 =	sadd.s32 $0x50, s1;
	s30 =	simm.s32 $0x164B0  }
0x655: {  	[hbm4b:s26+s3] =	stream.linear.scatter [tilespmem:s25], [sflag:$0x4], $0x80, $0x38;
	[tilespmem:$0x1AE00] =	vst v63  }
0x656: {  	s31 =	sadd.s32 $0x60, s1;
	s26 =	simm.s32 $0x8800;
	s25 =	sadd.s32 $0x4000, s1  }
0x657: {  	[hbm4b:s31+s3] =	stream.linear.scatter [tilespmem:s30], [sflag:$0x4], $0x80, $0x38;
	[tilespmem:$0x1AE00] =	vst v63  }
.LBB2_40:
0x658: {  	[hbm4b:s29+s3] =	stream.linear.scatter [tilespmem:s28], [sflag:$0x4], $0x80, $0x38;
	[tilespmem:$0x1AE00] =	vst v63  }
0x659: {  	s1 =	smov.u32 s24;
	s24 =	smov.u32 s26  }
0x65a: {  	s30 =	sadd.s32 $0x4400, s26;
	s24 =	sshra.s32 s24, $0x2;
	s28 =	sadd.s32 $0x16180, s1  }
0x65b: {  	[hbm4b:s25+s3] =	stream.linear.scatter [tilespmem:s28], [sflag:$0x4], $0x80, $0x38;
	[tilespmem:$0x1AE00] =	vst v63  }
0x65c: {  	p0 =	sne.s32 s26, $0x11000;
	s26 =	sadd.s32 $0x16208, s1;
	s28 =	sadd.s32 $0x10, s25  }
0x65d: {  	[hbm4b:s28+s3] =	stream.linear.scatter [tilespmem:s26], [sflag:$0x4], $0x80, $0x38;
	[tilespmem:$0x1AE00] =	vst v63  }
0x65e: {  	s26 =	sadd.s32 $0x16290, s1;
	s28 =	sadd.s32 $0x20, s25  }
0x65f: {  	[hbm4b:s28+s3] =	stream.linear.scatter [tilespmem:s26], [sflag:$0x4], $0x80, $0x38;
	[tilespmem:$0x1AE00] =	vst v63  }
0x660: {  	s26 =	sadd.s32 $0x16318, s1;
	s28 =	sadd.s32 $0x30, s25  }
0x661: {  	[hbm4b:s28+s3] =	stream.linear.scatter [tilespmem:s26], [sflag:$0x4], $0x80, $0x38;
	[tilespmem:$0x1AE00] =	vst v63  }
0x662: {  	s26 =	sadd.s32 $0x163A0, s1;
	s28 =	sadd.s32 $0x40, s25  }
0x663: {  	[hbm4b:s28+s3] =	stream.linear.scatter [tilespmem:s26], [sflag:$0x4], $0x80, $0x38;
	[tilespmem:$0x1AE00] =	vst v63  }
.Ltmp22:
0x664: {  	s26 =	sadd.s32 $0x16428, s1;
	s28 =	sadd.s32 $0x50, s25;
	(pc) =	sbr.rel @p0 .LBB2_40-.Ltmp22, $4  }
0x665: {  	[hbm4b:s28+s3] =	stream.linear.scatter [tilespmem:s26], [sflag:$0x4], $0x80, $0x38;
	[tilespmem:$0x1AE00] =	vst v63  }
0x666: {  	s29 =	sadd.s32 $0x70, s25;
	s26 =	sadd.s32 $0x164B0, s1;
	s28 =	sadd.s32 $0x60, s25  }
0x667: {  	[hbm4b:s28+s3] =	stream.linear.scatter [tilespmem:s26], [sflag:$0x4], $0x80, $0x38;
	[tilespmem:$0x1AE00] =	vst v63  }
0x668: {  	s25 =	sadd.s32 $0x4000, s25;
	s28 =	sadd.s32 $0x16538, s1;
	s26 =	smov.u32 s30  }
0x669: {  	[hbm4b:s29+s3] =	stream.linear.scatter [tilespmem:s28], [sflag:$0x4], $0x80, $0x38;
	[tilespmem:$0x1AE00] =	vst v63  }
0x66a: {  	s1 =	sadd.s32 $0x16180, s24  }
0x66b: {  	[hbm4b:s25+s3] =	stream.linear.scatter [tilespmem:s1], [sflag:$0x4], $0x80, $0x38;
	[tilespmem:$0x1AE00] =	vst v63  }
0x66c: {  	s29 =	sadd.s32 $0x16208, s24;
	s26 =	sadd.s32 $0x10, s25  }
0x66d: {  	[hbm4b:s26+s3] =	stream.linear.scatter [tilespmem:s29], [sflag:$0x4], $0x80, $0x38;
	[tilespmem:$0x1AE00] =	vst v63  }
0x66e: {  	s30 =	sadd.s32 $0x16290, s24;
	s31 =	sadd.s32 $0x20, s25  }
0x66f: {  	[hbm4b:s31+s3] =	stream.linear.scatter [tilespmem:s30], [sflag:$0x4], $0x80, $0x38;
	[tilespmem:$0x1AE00] =	vst v63  }
0x670: {  	s26 =	sadd.s32 $0x16318, s24;
	s29 =	sadd.s32 $0x30, s25  }
0x671: {  	[hbm4b:s29+s3] =	stream.linear.scatter [tilespmem:s26], [sflag:$0x4], $0x80, $0x38;
	[tilespmem:$0x1AE00] =	vst v63  }
0x672: {  	s30 =	sadd.s32 $0x163A0, s24;
	s31 =	sadd.s32 $0x40, s25  }
0x673: {  	[hbm4b:s31+s3] =	stream.linear.scatter [tilespmem:s30], [sflag:$0x4], $0x80, $0x38;
	[tilespmem:$0x1AE00] =	vst v63  }
0x674: {  	s26 =	sadd.s32 $0x16428, s24;
	s29 =	sadd.s32 $0x50, s25  }
0x675: {  	[hbm4b:s29+s3] =	stream.linear.scatter [tilespmem:s26], [sflag:$0x4], $0x80, $0x38;
	[tilespmem:$0x1AE00] =	vst v63  }
0x676: {  	s30 =	sadd.s32 $0x164B0, s24;
	s31 =	sadd.s32 $0x60, s25  }
0x677: {  	[hbm4b:s31+s3] =	stream.linear.scatter [tilespmem:s30], [sflag:$0x4], $0x80, $0x38;
	[tilespmem:$0x1AE00] =	vst v63  }
0x678: {  	s29 =	sadd.s32 $0x16538, s24;
	s30 =	sadd.s32 $0x70, s25  }
0x679: {  	[hbm4b:s30+s3] =	stream.linear.scatter [tilespmem:s29], [sflag:$0x4], $0x80, $0x38;
	[tilespmem:$0x1AE00] =	vst v63  }
0x67a: {  	s1 =	sadd.s32 s23, s9;
	s31 =	simm.s32 $0x165C0  }
0x67b: {  	[hbm4b:s1+s3] =	stream.linear.scatter [tilespmem:s31], [sflag:$0x4], $0x80, $0x38;
	[tilespmem:$0x1AE00] =	vst v63  }
0x67c: {  	s24 =	simm.s32 $0x16648;
	s25 =	sadd.s32 $0x10, s1  }
0x67d: {  	[hbm4b:s25+s3] =	stream.linear.scatter [tilespmem:s24], [sflag:$0x4], $0x80, $0x38;
	[tilespmem:$0x1AE00] =	vst v63  }
0x67e: {  	s23 =	simm.s32 $0x1100;
	s26 =	simm.s32 $0x166D0;
	s29 =	sadd.s32 $0x20, s1  }
0x67f: {  	[hbm4b:s29+s3] =	stream.linear.scatter [tilespmem:s26], [sflag:$0x4], $0x80, $0x38;
	[tilespmem:$0x1AE00] =	vst v63  }
0x680: {  	s28 =	sadd.s32 $0x70, s1;
	s30 =	simm.s32 $0x16758;
	s31 =	sadd.s32 $0x30, s1  }
0x681: {  	[hbm4b:s31+s3] =	stream.linear.scatter [tilespmem:s30], [sflag:$0x4], $0x80, $0x38;
	[tilespmem:$0x1AE00] =	vst v63  }
0x682: {  	s24 =	simm.s32 $0x167E0;
	s25 =	sadd.s32 $0x40, s1;
	s26 =	simm.s32 $0x16868  }
0x683: {  	[hbm4b:s25+s3] =	stream.linear.scatter [tilespmem:s24], [sflag:$0x4], $0x80, $0x38;
	[tilespmem:$0x1AE00] =	vst v63  }
0x684: {  	s29 =	sadd.s32 $0x50, s1;
	s30 =	simm.s32 $0x168F0;
	s31 =	sadd.s32 $0x60, s1  }
0x685: {  	[hbm4b:s29+s3] =	stream.linear.scatter [tilespmem:s26], [sflag:$0x4], $0x80, $0x38;
	[tilespmem:$0x1AE00] =	vst v63  }
0x686: {  	s25 =	simm.s32 $0x8800;
	s24 =	sadd.s32 $0x4000, s1;
	s26 =	simm.s32 $0x16978  }
0x687: {  	[hbm4b:s31+s3] =	stream.linear.scatter [tilespmem:s30], [sflag:$0x4], $0x80, $0x38;
	[tilespmem:$0x1AE00] =	vst v63  }
.LBB2_42:
0x688: {  	[hbm4b:s28+s3] =	stream.linear.scatter [tilespmem:s26], [sflag:$0x4], $0x80, $0x38;
	[tilespmem:$0x1AE00] =	vst v63  }
0x689: {  	s1 =	smov.u32 s23;
	s23 =	smov.u32 s25  }
0x68a: {  	s29 =	sadd.s32 $0x4400, s25;
	s23 =	sshra.s32 s23, $0x2;
	s26 =	sadd.s32 $0x165C0, s1  }
0x68b: {  	[hbm4b:s24+s3] =	stream.linear.scatter [tilespmem:s26], [sflag:$0x4], $0x80, $0x38;
	[tilespmem:$0x1AE00] =	vst v63  }
0x68c: {  	p0 =	sne.s32 s25, $0x11000;
	s25 =	sadd.s32 $0x16648, s1;
	s26 =	sadd.s32 $0x10, s24  }
0x68d: {  	[hbm4b:s26+s3] =	stream.linear.scatter [tilespmem:s25], [sflag:$0x4], $0x80, $0x38;
	[tilespmem:$0x1AE00] =	vst v63  }
0x68e: {  	s25 =	sadd.s32 $0x166D0, s1;
	s26 =	sadd.s32 $0x20, s24  }
0x68f: {  	[hbm4b:s26+s3] =	stream.linear.scatter [tilespmem:s25], [sflag:$0x4], $0x80, $0x38;
	[tilespmem:$0x1AE00] =	vst v63  }
0x690: {  	s25 =	sadd.s32 $0x16758, s1;
	s26 =	sadd.s32 $0x30, s24  }
0x691: {  	[hbm4b:s26+s3] =	stream.linear.scatter [tilespmem:s25], [sflag:$0x4], $0x80, $0x38;
	[tilespmem:$0x1AE00] =	vst v63  }
0x692: {  	s25 =	sadd.s32 $0x167E0, s1;
	s26 =	sadd.s32 $0x40, s24  }
0x693: {  	[hbm4b:s26+s3] =	stream.linear.scatter [tilespmem:s25], [sflag:$0x4], $0x80, $0x38;
	[tilespmem:$0x1AE00] =	vst v63  }
.Ltmp23:
0x694: {  	s25 =	sadd.s32 $0x16868, s1;
	s26 =	sadd.s32 $0x50, s24;
	(pc) =	sbr.rel @p0 .LBB2_42-.Ltmp23, $4  }
0x695: {  	[hbm4b:s26+s3] =	stream.linear.scatter [tilespmem:s25], [sflag:$0x4], $0x80, $0x38;
	[tilespmem:$0x1AE00] =	vst v63  }
0x696: {  	s28 =	sadd.s32 $0x70, s24;
	s25 =	sadd.s32 $0x168F0, s1;
	s26 =	sadd.s32 $0x60, s24  }
0x697: {  	[hbm4b:s26+s3] =	stream.linear.scatter [tilespmem:s25], [sflag:$0x4], $0x80, $0x38;
	[tilespmem:$0x1AE00] =	vst v63  }
0x698: {  	s24 =	sadd.s32 $0x4000, s24;
	s26 =	sadd.s32 $0x16978, s1;
	s25 =	smov.u32 s29  }
0x699: {  	[hbm4b:s28+s3] =	stream.linear.scatter [tilespmem:s26], [sflag:$0x4], $0x80, $0x38;
	[tilespmem:$0x1AE00] =	vst v63  }
0x69a: {  	s1 =	sadd.s32 $0x165C0, s23  }
0x69b: {  	[hbm4b:s24+s3] =	stream.linear.scatter [tilespmem:s1], [sflag:$0x4], $0x80, $0x38;
	[tilespmem:$0x1AE00] =	vst v63  }
0x69c: {  	s31 =	sadd.s32 $0x16648, s23;
	s25 =	sadd.s32 $0x10, s24  }
0x69d: {  	[hbm4b:s25+s3] =	stream.linear.scatter [tilespmem:s31], [sflag:$0x4], $0x80, $0x38;
	[tilespmem:$0x1AE00] =	vst v63  }
0x69e: {  	s26 =	sadd.s32 $0x20, s24;
	s25 =	sadd.s32 $0x166D0, s23  }
0x69f: {  	[hbm4b:s26+s3] =	stream.linear.scatter [tilespmem:s25], [sflag:$0x4], $0x80, $0x38;
	[tilespmem:$0x1AE00] =	vst v63  }
0x6a0: {  	s28 =	sadd.s32 $0x16758, s23;
	s29 =	sadd.s32 $0x30, s24  }
0x6a1: {  	[hbm4b:s29+s3] =	stream.linear.scatter [tilespmem:s28], [sflag:$0x4], $0x80, $0x38;
	[tilespmem:$0x1AE00] =	vst v63  }
0x6a2: {  	s30 =	sadd.s32 $0x167E0, s23;
	s22 =	sadd.s32 $0x1, s22;
	s31 =	sadd.s32 $0x40, s24  }
0x6a3: {  	[hbm4b:s31+s3] =	stream.linear.scatter [tilespmem:s30], [sflag:$0x4], $0x80, $0x38;
	[tilespmem:$0x1AE00] =	vst v63  }
0x6a4: {  	p0 =	sne.s32 s22, $0x14;
	s25 =	sadd.s32 $0x16868, s23;
	s26 =	sadd.s32 $0x50, s24  }
0x6a5: {  	[hbm4b:s26+s3] =	stream.linear.scatter [tilespmem:s25], [sflag:$0x4], $0x80, $0x38;
	[tilespmem:$0x1AE00] =	vst v63  }
.Ltmp24:
0x6a6: {  	_ = 	snop;
	(pc) =	sbr.rel @p0 .LBB2_2-.Ltmp24, $4  }
.Ltmp25:
0x6a7: {  	s28 =	sadd.s32 $0x168F0, s23;
	s29 =	sadd.s32 $0x60, s24;
	(pc) =	sbr.rel @!p0 .LBB2_44-.Ltmp25, $4  }
0x6a8: {  	[hbm4b:s29+s3] =	stream.linear.scatter [tilespmem:s28], [sflag:$0x4], $0x80, $0x38;
	[tilespmem:$0x1AE00] =	vst v63  }
0x6a9: {  	s30 =	sadd.s32 $0x16978, s23;
	s31 =	sadd.s32 $0x70, s24  }
0x6aa: {  	[hbm4b:s31+s3] =	stream.linear.scatter [tilespmem:s30], [sflag:$0x4], $0x80, $0x38;
	[tilespmem:$0x1AE00] =	vst v63  }
0x6ab: {  	_ = 	snop  }
.LBB2_28:
.Ltmp26:
0x6ac: {  	(pc) =	sbr.rel .LBB2_33-.Ltmp26, $3  }
0x6ad: {  	_ =	sdelay $0x1  }
0x6ae: {  	v24 =	vld [tilespmem:$0x1FDA0]  }
0x6af: {  	v34 =	vld [tilespmem:$0x1FFB0]  }
.LBB2_30:
.Ltmp27:
0x6b0: {  	(pc) =	sbr.rel .LBB2_33-.Ltmp27, $3  }
0x6b1: {  	_ =	sdelay $0x1  }
0x6b2: {  	v24 =	vld [tilespmem:$0x1FDA0]  }
0x6b3: {  	s24 =	simm.s32 $0x100  }
.LBB2_45:
0x6b4: {  	_ =	sfence.sel $0x180000  }
0x6b5: {  	[bflag:$0x0] =	sbarrier.arrive $0xFFFF  }
0x6b6: {  	_ =	strace $0x90000047  }
0x6b7: {  	[bflag:$0x2] =	sbarrier.arrive $0xFFFF  }
0x6b8: {  	p0 =	sne.s32 s0, $0x0;
	s0 =	rddreg [dreg:$0x2]  }
0x6b9: {  	s0 =	sadd.s32 @!p0 $0x100000, s0  }
0x6ba: {  	[sflag:s0] =	ssyncadd.tile.s32 @!p0 $0x1;
	_ =	shalt  }
.Lfunc_end2:
_tile_overlayer_lowered:
.L_overlay_start_2:
0x6bb: {  	(tag) =	ssettag $0x2  }
0x6bc: {  	s0 =	rddreg [dreg:$0x0];
	s2 =	stileid.u32  }
0x6bd: {  	s1 =	rddreg [dreg:$0x1];
	p0 =	sne.s32 s2, $0x0  }
0x6be: {  	s3 =	rddreg [dreg:$0x2];
	[bflag:$0x3] =	sbarrier.arrive $0xFFFF;
	s2 =	simm.s32 @!p0 $0x1C05  }
0x6bf: {  	[timem:s3], [sflag:s2] =	dma.local @!p0 [hbm:s0], s1  }
0x6c0: {  	s0 =	simm.s32 @!p0 $0x5  }
0x6c1: {  	_ =	swait.ge @!p0 [sflag:s0], s1  }
0x6c2: {  	s1 =	ssub.s32 @!p0 $0x0, s1;
	[sflag:s0] =	ssyncset.done @!p0 $0x0  }
0x6c3: {  	[sflag:s0] =	ssyncadd.s32 @!p0 s1  }
0x6c4: {  	[bflag:$0x3] =	sbarrier.arrive $0xFFFF  }
0x6c5: {  	_ =	shalt  }

</sc_bundles>
